<compile_context>
chip_gen: v7x
topology: tpu7x:2x2x1
jax: 0.10.2.dev20260603
libtpu: 0.0.44.dev20260713+nightly
codegen_flags: <defaults>
</compile_context>

<pallas_src>
import functools

import jax
import jax.numpy as jnp
from jax import lax
from jax.experimental import pallas as pl
from jax.experimental.pallas import tpu as pltpu
from jax.experimental.pallas import tpu_sc as plsc

K = 2048
NC, NS, L = 2, 16, 16
NW = NC * NS
BW = 65536
CHUNK = 16384


def _bucket(p):
    return jax.lax.shift_right_logical(
        jax.lax.bitcast_convert_type(p + 1.0, jnp.int32), 12
    ) & (K - 1)


def _tc_bucketize(NPTS, C, nblk_off=0):

    NS_OUT = (C + 1) // 2

    def kern(pt_ref, lbl_ref, *out_refs):
        pt = pt_ref[...]
        rows = lax.broadcasted_iota(jnp.int32, (C, BW), 0)
        idx = _bucket(pt) + rows * K
        for s in range(NS_OUT - 1):
            w = idx[2 * s : 2 * s + 1, :] | jax.lax.shift_left(
                idx[2 * s + 1 : 2 * s + 2, :], 16
            )
            out_refs[s][...] = w.reshape(BW)
        lbl = lbl_ref[...]
        pfg = jnp.sum(jnp.where(rows == lbl, pt, 0.0), axis=0, keepdims=True)
        fg_raw = lbl * K + _bucket(pfg)
        w = idx[C - 1 : C, :] | jax.lax.shift_left(fg_raw, 16)
        out_refs[NS_OUT - 1][...] = w.reshape(BW)

    return pl.pallas_call(
        kern,
        grid=(NPTS // BW,),
        in_specs=[
            pl.BlockSpec((C, BW), lambda i, o=nblk_off: (0, i + o)),
            pl.BlockSpec((1, BW), lambda i, o=nblk_off: (0, i + o)),
        ],
        out_specs=[pl.BlockSpec((BW,), lambda i: (i,)) for _ in range(NS_OUT)],
        out_shape=[
            jax.ShapeDtypeStruct((NPTS,), jnp.int32) for _ in range(NS_OUT)
        ],
    )


def _sc_scatter(P, C):
    H = 2 * C * K
    PW = P // NW
    NCH = PW // CHUNK
    NS_IN = (C + 1) // 2
    mesh = plsc.VectorSubcoreMesh(core_axis_name="c", subcore_axis_name="s")

    @functools.partial(
        pl.kernel,
        out_type=jax.ShapeDtypeStruct((NW, H), jnp.int32),
        mesh=mesh,
        scratch_types=[
            pltpu.VMEM((CHUNK,), jnp.int32),
            pltpu.VMEM((CHUNK,), jnp.int32),
            pltpu.VMEM((H,), jnp.int32),
            pltpu.SemaphoreType.DMA,
            pltpu.SemaphoreType.DMA,
        ],
        compiler_params=pltpu.CompilerParams(
            needs_layout_passes=False, use_tc_tiling_on_sc=False
        ),
    )
    def kern(*refs):
        srcs = refs[:NS_IN]
        hist_hbm = refs[NS_IN]
        buf0, buf1, hist, s0, s1 = refs[NS_IN + 1 :]
        bufs = (buf0, buf1)
        sems = (s0, s1)
        wid = lax.axis_index("s") * NC + lax.axis_index("c")
        zeros16 = jnp.zeros((L,), jnp.int32)

        def zbody(j, _):
            hist[pl.ds(j * L, L)] = zeros16
            return 0

        lax.fori_loop(0, H // L, zbody, 0)

        ones16 = jnp.ones((L,), jnp.int32)
        lomask = jnp.full((L,), 0xFFFF, jnp.int32)
        tasks = [(s, j) for s in range(NS_IN) for j in range(NCH)]

        def start(t, b):
            s, j = tasks[t]
            pltpu.async_copy(
                srcs[s].at[pl.ds(wid * PW + j * CHUNK, CHUNK)], bufs[b], sems[b]
            )

        def wait(b):
            pltpu.make_async_copy(
                srcs[0].at[pl.ds(0, CHUNK)], bufs[b], sems[b]
            ).wait()

        def process(t, b):
            buf = bufs[b]
            hi_off = C * K if tasks[t][0] == NS_IN - 1 else 0

            @plsc.parallel_loop(0, CHUNK // L, unroll=16)
            def ubody(u):
                w = buf[pl.ds(u * L, L)]
                lo = w & lomask
                hi = jax.lax.shift_right_logical(w, 16)
                if hi_off:
                    hi = hi + hi_off
                plsc.addupdate_scatter(hist, [lo], ones16)
                plsc.addupdate_scatter(hist, [hi], ones16)

        start(0, 0)
        for t in range(len(tasks)):
            if t + 1 < len(tasks):
                start(t + 1, (t + 1) % 2)
            wait(t % 2)
            process(t, t % 2)
        pltpu.sync_copy(hist, hist_hbm.at[wid])

    return kern


def _tc_phase2(C):
    TK = 256

    def kern(h_ref, out_ref):
        h = jnp.sum(h_ref[...].astype(jnp.float32), axis=0)
        h2 = h.reshape(1, 2 * C * K)
        hall = jnp.concatenate(
            [h2[:, c * K : (c + 1) * K] for c in range(C)], axis=0
        )
        hfg = jnp.concatenate(
            [h2[:, (C + c) * K : (C + c + 1) * K] for c in range(C)], axis=0
        )
        hbg = hall - hfg
        gts = jnp.sum(hfg, axis=1, keepdims=True)
        jrow = lax.broadcasted_iota(jnp.int32, (K, TK), 0)
        kcol = lax.broadcasted_iota(jnp.int32, (K, TK), 1)
        total = jnp.float32(0.0)
        f0sum = jnp.float32(0.0)
        for tile in range(K // TK):
            k0 = tile * TK
            m1 = jnp.where(jrow + kcol + k0 < K, 1.0, 0.0)
            m2 = jnp.where(jrow >= kcol + k0, 1.0, 0.0)
            a = jnp.dot(hfg, m1, preferred_element_type=jnp.float32)
            b = jnp.dot(hbg, m2, preferred_element_type=jnp.float32)
            denom = gts + b
            F = jnp.where(
                denom > 0.0,
                1.0 - (gts - a) / jnp.where(denom > 0.0, denom, 1.0),
                0.0,
            )
            total = total + jnp.sum(F)
            if tile == 0:
                f0sum = jnp.sum(F[:, 0:1])
        out_ref[0, 0] = (total - 0.5 * f0sum) / jnp.float32(C * K)

    return kern


def kernel(probas, labels):
    P, C = probas.shape
    probasT = probas.T
    streams = _tc_bucketize(P, C)(probasT, labels)
    hist = _sc_scatter(P, C)(*streams)
    out = pl.pallas_call(
        _tc_phase2(C),
        out_shape=jax.ShapeDtypeStruct((1, 1), jnp.float32),
        out_specs=pl.BlockSpec(memory_space=pltpu.SMEM),
    )(hist)
    return out[0, 0]

# --- scband reference (transcript-rebuilt; emitter-appended) ---
"""Pipeline reference for scband-lovasz-softmax-13030930776459 (READ-ONLY COPY).

The authoritative reference and input builder live on the scoring server;
editing this copy changes nothing except your own understanding.
"""

import jax, jax.numpy as jnp
import numpy as np

P, C = 1048576, 19

def lovasz_grad(gt_sorted):
    gts = jnp.sum(gt_sorted)
    intersection = gts - jnp.cumsum(gt_sorted)
    union = gts + jnp.cumsum(1.0 - gt_sorted)
    jaccard = 1.0 - intersection / union
    jaccard = jnp.concatenate([jaccard[:1], jaccard[1:] - jaccard[:-1]])
    return jaccard

def setup_inputs(seed: int = 0) -> dict:
    key = jax.random.key(seed)
    k1, k2 = jax.random.split(key)
    probas = jax.random.uniform(k1, (P, C), dtype=jnp.float32)
    labels = jax.random.randint(k2, (1, P), 0, C, dtype=jnp.int32)
    return {"probas": probas, "labels": labels}

def reference(probas, labels):
    # Lovasz_softmax.forward with classes='all': lovasz_softmax_flat(probas, labels[0], 'all')
    labels0 = labels[0]
    num_classes = probas.shape[1]
    losses = []
    for c in range(num_classes):
        fg = (labels0 == c).astype(jnp.float32)
        class_pred = probas[:, c]
        errors = jnp.abs(fg - class_pred)
        perm = jnp.argsort(-errors)  # descending sort permutation (perm is detached in torch)
        errors_sorted = errors[perm]
        fg_sorted = fg[perm]
        g = jax.lax.stop_gradient(lovasz_grad(fg_sorted))
        losses.append(jnp.dot(errors_sorted, g))
    acc = losses[0]
    for v in losses[1:]:
        acc = acc + v
    return acc / len(losses)

if __name__ == "__main__":
    import jax
    _d = setup_inputs()
    print(jax.jit(kernel)(*tuple(_d.values())))

</pallas_src>

<mosaic_0001>
#map = affine_map<(d0, d1) -> (0)>
#map1 = affine_map<(d0, d1) -> (0, 0)>
module attributes {stable_mosaic.version = 14 : i64} {
  func.func @kern(%arg0: i32, %arg1: i32, %arg2: memref<1048576xi32, #tpu.memory_space<hbm>>, %arg3: memref<1048576xi32, #tpu.memory_space<hbm>>, %arg4: memref<1048576xi32, #tpu.memory_space<hbm>>, %arg5: memref<1048576xi32, #tpu.memory_space<hbm>>, %arg6: memref<1048576xi32, #tpu.memory_space<hbm>>, %arg7: memref<1048576xi32, #tpu.memory_space<hbm>>, %arg8: memref<1048576xi32, #tpu.memory_space<hbm>>, %arg9: memref<1048576xi32, #tpu.memory_space<hbm>>, %arg10: memref<1048576xi32, #tpu.memory_space<hbm>>, %arg11: memref<1048576xi32, #tpu.memory_space<hbm>>, %arg12: memref<32x77824xi32, #tpu.memory_space<hbm>>, %arg13: memref<16384xi32, #tpu.memory_space<vmem>>, %arg14: memref<16384xi32, #tpu.memory_space<vmem>>, %arg15: memref<77824xi32, #tpu.memory_space<vmem>>, %arg16: memref<!tpu.dma_semaphore, #tpu.memory_space<semaphore_mem>>, %arg17: memref<!tpu.dma_semaphore, #tpu.memory_space<semaphore_mem>>) attributes {dimension_semantics = [#tpu.dimension_semantics<core_parallel>, #tpu.dimension_semantics<subcore_parallel>], iteration_bounds = array<i64: 2, 16>, scalar_prefetch = 0 : i64, scratch_operands = 5 : i64, tpu.core_type = #tpu.core_type<sc_vector_subcore>, window_params = [{transform_indices = #map}, {transform_indices = #map}, {transform_indices = #map}, {transform_indices = #map}, {transform_indices = #map}, {transform_indices = #map}, {transform_indices = #map}, {transform_indices = #map}, {transform_indices = #map}, {transform_indices = #map}, {transform_indices = #map1}]} {
    %mul3A = arith.constant 2 : i32
    %mul3A_0 = arith.muli %arg1, %mul3A : i32
    %add3A = arith.addi %mul3A_0, %arg0 : i32
    %broadcast_in_dim3A = arith.constant 0 : i32
    %broadcast_in_dim3A_1 = vector.broadcast %broadcast_in_dim3A : i32 to vector<16xi32>
    %scan3A = arith.constant 0 : i32
    %scan3A_2 = arith.constant 0 : i32
    %scan3A_3 = arith.constant 4864 : i32
    %scan3A_4 = arith.addi %scan3A_2, %scan3A_3 : i32
    %scan3A_5 = arith.constant 1 : i32
    %scan3A_6 = scf.for %scan3A_269 = %scan3A_2 to %scan3A_4 step %scan3A_5 iter_args(%scan3A_270 = %scan3A) -> (i32)  : i32 {
      %mul3A_271 = arith.constant 16 : i32
      %mul3A_272 = arith.muli %scan3A_269, %mul3A_271 : i32
      %swap3A = arith.index_cast %mul3A_272 : i32 to index
      %swap3A_273 = tpu.vector_load %arg15[%swap3A] {strides = array<i32>} : memref<77824xi32, #tpu.memory_space<vmem>>, vector<16xi32>,
      tpu.vector_store %arg15[%swap3A], %broadcast_in_dim3A_1 {strides = array<i32>} : memref<77824xi32, #tpu.memory_space<vmem>>, vector<16xi32>,
      %scan3A_274 = arith.constant 0 : i32
      scf.yield %scan3A_274 : i32
    }
    %scan3A_7 = arith.constant 4864 : i32
    %broadcast_in_dim3A_8 = arith.constant 1 : i32
    %broadcast_in_dim3A_9 = vector.broadcast %broadcast_in_dim3A_8 : i32 to vector<16xi32>
    %broadcast_in_dim3A_10 = arith.constant 65535 : i32
    %broadcast_in_dim3A_11 = vector.broadcast %broadcast_in_dim3A_10 : i32 to vector<16xi32>
    %mul3A_12 = arith.constant 32768 : i32
    %mul3A_13 = arith.muli %add3A, %mul3A_12 : i32
    %add3A_14 = arith.constant 0 : i32
    %add3A_15 = arith.addi %mul3A_13, %add3A_14 : i32
    %dma_start3A = tpu.memref_slice %arg2[%add3A_15] : memref<1048576xi32, #tpu.memory_space<hbm>> -> memref<16384xi32, #tpu.memory_space<hbm>>
    %dma_start3A_16 = tpu.memref_slice %arg2[%add3A_15] : memref<1048576xi32, #tpu.memory_space<hbm>> -> memref<16384xi32, #tpu.memory_space<hbm>>
    tpu.enqueue_dma source(%dma_start3A_16 : memref<16384xi32, #tpu.memory_space<hbm>>) target(%arg13 : memref<16384xi32, #tpu.memory_space<vmem>>) target_semaphore(%arg16 : memref<!tpu.dma_semaphore, #tpu.memory_space<semaphore_mem>>)
    %mul3A_17 = arith.constant 32768 : i32
    %mul3A_18 = arith.muli %add3A, %mul3A_17 : i32
    %add3A_19 = arith.constant 16384 : i32
    %add3A_20 = arith.addi %mul3A_18, %add3A_19 : i32
    %dma_start3A_21 = tpu.memref_slice %arg2[%add3A_20] : memref<1048576xi32, #tpu.memory_space<hbm>> -> memref<16384xi32, #tpu.memory_space<hbm>>
    %dma_start3A_22 = tpu.memref_slice %arg2[%add3A_20] : memref<1048576xi32, #tpu.memory_space<hbm>> -> memref<16384xi32, #tpu.memory_space<hbm>>
    tpu.enqueue_dma source(%dma_start3A_22 : memref<16384xi32, #tpu.memory_space<hbm>>) target(%arg14 : memref<16384xi32, #tpu.memory_space<vmem>>) target_semaphore(%arg17 : memref<!tpu.dma_semaphore, #tpu.memory_space<semaphore_mem>>)
    %dma_wait3A = arith.constant 0 : i32
    %dma_wait3A_23 = tpu.memref_slice %arg2[%dma_wait3A] : memref<1048576xi32, #tpu.memory_space<hbm>> -> memref<16384xi32, #tpu.memory_space<hbm>>
    %dma_wait3A_24 = arith.constant 0 : i32
    %dma_wait3A_25 = tpu.memref_slice %arg2[%dma_wait3A_24] : memref<1048576xi32, #tpu.memory_space<hbm>> -> memref<16384xi32, #tpu.memory_space<hbm>>
    tpu.wait_dma2 semaphore(%arg16 : memref<!tpu.dma_semaphore, #tpu.memory_space<semaphore_mem>>) src(%dma_wait3A_25 : memref<16384xi32, #tpu.memory_space<hbm>>) dst(%arg13 : memref<16384xi32, #tpu.memory_space<vmem>>)
    %parallel_loop3A = arith.constant 0 : i32
    %parallel_loop3A_26 = arith.constant 1024 : i32
    %parallel_loop3A_27 = arith.constant 1 : i32
    scf.for %parallel_loop3A_269 = %parallel_loop3A to %parallel_loop3A_26 step %parallel_loop3A_27  : i32 {
      %parallel_loop3A_270 = arith.constant 16 : i32
      %parallel_loop3A_271 = arith.muli %parallel_loop3A_269, %parallel_loop3A_270 : i32
      %parallel_loop3A_272 = arith.index_cast %parallel_loop3A_271 : i32 to index
      %parallel_loop3A_273 = tpu.vector_load %arg13[%parallel_loop3A_272] {strides = array<i32>} : memref<16384xi32, #tpu.memory_space<vmem>>, vector<16xi32>,
      %parallel_loop3A_274 = arith.andi %parallel_loop3A_273, %broadcast_in_dim3A_11 : vector<16xi32>
      %parallel_loop3A_275 = arith.constant 16 : i32
      %parallel_loop3A_276 = vector.broadcast %parallel_loop3A_275 : i32 to vector<16xi32>
      %parallel_loop3A_277 = arith.shrui %parallel_loop3A_273, %parallel_loop3A_276 : vector<16xi32>
      tpu.vector_store_idx %arg15[%parallel_loop3A_274], %broadcast_in_dim3A_9 {add = true} : memref<77824xi32, #tpu.memory_space<vmem>>[vector<16xi32>], vector<16xi32>,
      tpu.vector_store_idx %arg15[%parallel_loop3A_277], %broadcast_in_dim3A_9 {add = true} : memref<77824xi32, #tpu.memory_space<vmem>>[vector<16xi32>], vector<16xi32>,
    } {sc.loop_unroll_factor = 16 : i64, sc.parallel_access}
    %mul3A_28 = arith.constant 32768 : i32
    %mul3A_29 = arith.muli %add3A, %mul3A_28 : i32
    %add3A_30 = arith.constant 0 : i32
    %add3A_31 = arith.addi %mul3A_29, %add3A_30 : i32
    %dma_start3A_32 = tpu.memref_slice %arg3[%add3A_31] : memref<1048576xi32, #tpu.memory_space<hbm>> -> memref<16384xi32, #tpu.memory_space<hbm>>
    %dma_start3A_33 = tpu.memref_slice %arg3[%add3A_31] : memref<1048576xi32, #tpu.memory_space<hbm>> -> memref<16384xi32, #tpu.memory_space<hbm>>
    tpu.enqueue_dma source(%dma_start3A_33 : memref<16384xi32, #tpu.memory_space<hbm>>) target(%arg13 : memref<16384xi32, #tpu.memory_space<vmem>>) target_semaphore(%arg16 : memref<!tpu.dma_semaphore, #tpu.memory_space<semaphore_mem>>)
    %dma_wait3A_34 = arith.constant 0 : i32
    %dma_wait3A_35 = tpu.memref_slice %arg2[%dma_wait3A_34] : memref<1048576xi32, #tpu.memory_space<hbm>> -> memref<16384xi32, #tpu.memory_space<hbm>>
    %dma_wait3A_36 = arith.constant 0 : i32
    %dma_wait3A_37 = tpu.memref_slice %arg2[%dma_wait3A_36] : memref<1048576xi32, #tpu.memory_space<hbm>> -> memref<16384xi32, #tpu.memory_space<hbm>>
    tpu.wait_dma2 semaphore(%arg17 : memref<!tpu.dma_semaphore, #tpu.memory_space<semaphore_mem>>) src(%dma_wait3A_37 : memref<16384xi32, #tpu.memory_space<hbm>>) dst(%arg14 : memref<16384xi32, #tpu.memory_space<vmem>>)
    %parallel_loop3A_38 = arith.constant 0 : i32
    %parallel_loop3A_39 = arith.constant 1024 : i32
    %parallel_loop3A_40 = arith.constant 1 : i32
    scf.for %parallel_loop3A_269 = %parallel_loop3A_38 to %parallel_loop3A_39 step %parallel_loop3A_40  : i32 {
      %parallel_loop3A_270 = arith.constant 16 : i32
      %parallel_loop3A_271 = arith.muli %parallel_loop3A_269, %parallel_loop3A_270 : i32
      %parallel_loop3A_272 = arith.index_cast %parallel_loop3A_271 : i32 to index
      %parallel_loop3A_273 = tpu.vector_load %arg14[%parallel_loop3A_272] {strides = array<i32>} : memref<16384xi32, #tpu.memory_space<vmem>>, vector<16xi32>,
      %parallel_loop3A_274 = arith.andi %parallel_loop3A_273, %broadcast_in_dim3A_11 : vector<16xi32>
      %parallel_loop3A_275 = arith.constant 16 : i32
      %parallel_loop3A_276 = vector.broadcast %parallel_loop3A_275 : i32 to vector<16xi32>
      %parallel_loop3A_277 = arith.shrui %parallel_loop3A_273, %parallel_loop3A_276 : vector<16xi32>
      tpu.vector_store_idx %arg15[%parallel_loop3A_274], %broadcast_in_dim3A_9 {add = true} : memref<77824xi32, #tpu.memory_space<vmem>>[vector<16xi32>], vector<16xi32>,
      tpu.vector_store_idx %arg15[%parallel_loop3A_277], %broadcast_in_dim3A_9 {add = true} : memref<77824xi32, #tpu.memory_space<vmem>>[vector<16xi32>], vector<16xi32>,
    } {sc.loop_unroll_factor = 16 : i64, sc.parallel_access}
    %mul3A_41 = arith.constant 32768 : i32
    %mul3A_42 = arith.muli %add3A, %mul3A_41 : i32
    %add3A_43 = arith.constant 16384 : i32
    %add3A_44 = arith.addi %mul3A_42, %add3A_43 : i32
    %dma_start3A_45 = tpu.memref_slice %arg3[%add3A_44] : memref<1048576xi32, #tpu.memory_space<hbm>> -> memref<16384xi32, #tpu.memory_space<hbm>>
    %dma_start3A_46 = tpu.memref_slice %arg3[%add3A_44] : memref<1048576xi32, #tpu.memory_space<hbm>> -> memref<16384xi32, #tpu.memory_space<hbm>>
    tpu.enqueue_dma source(%dma_start3A_46 : memref<16384xi32, #tpu.memory_space<hbm>>) target(%arg14 : memref<16384xi32, #tpu.memory_space<vmem>>) target_semaphore(%arg17 : memref<!tpu.dma_semaphore, #tpu.memory_space<semaphore_mem>>)
    %dma_wait3A_47 = arith.constant 0 : i32
    %dma_wait3A_48 = tpu.memref_slice %arg2[%dma_wait3A_47] : memref<1048576xi32, #tpu.memory_space<hbm>> -> memref<16384xi32, #tpu.memory_space<hbm>>
    %dma_wait3A_49 = arith.constant 0 : i32
    %dma_wait3A_50 = tpu.memref_slice %arg2[%dma_wait3A_49] : memref<1048576xi32, #tpu.memory_space<hbm>> -> memref<16384xi32, #tpu.memory_space<hbm>>
    tpu.wait_dma2 semaphore(%arg16 : memref<!tpu.dma_semaphore, #tpu.memory_space<semaphore_mem>>) src(%dma_wait3A_50 : memref<16384xi32, #tpu.memory_space<hbm>>) dst(%arg13 : memref<16384xi32, #tpu.memory_space<vmem>>)
    %parallel_loop3A_51 = arith.constant 0 : i32
    %parallel_loop3A_52 = arith.constant 1024 : i32
    %parallel_loop3A_53 = arith.constant 1 : i32
    scf.for %parallel_loop3A_269 = %parallel_loop3A_51 to %parallel_loop3A_52 step %parallel_loop3A_53  : i32 {
      %parallel_loop3A_270 = arith.constant 16 : i32
      %parallel_loop3A_271 = arith.muli %parallel_loop3A_269, %parallel_loop3A_270 : i32
      %parallel_loop3A_272 = arith.index_cast %parallel_loop3A_271 : i32 to index
      %parallel_loop3A_273 = tpu.vector_load %arg13[%parallel_loop3A_272] {strides = array<i32>} : memref<16384xi32, #tpu.memory_space<vmem>>, vector<16xi32>,
      %parallel_loop3A_274 = arith.andi %parallel_loop3A_273, %broadcast_in_dim3A_11 : vector<16xi32>
      %parallel_loop3A_275 = arith.constant 16 : i32
      %parallel_loop3A_276 = vector.broadcast %parallel_loop3A_275 : i32 to vector<16xi32>
      %parallel_loop3A_277 = arith.shrui %parallel_loop3A_273, %parallel_loop3A_276 : vector<16xi32>
      tpu.vector_store_idx %arg15[%parallel_loop3A_274], %broadcast_in_dim3A_9 {add = true} : memref<77824xi32, #tpu.memory_space<vmem>>[vector<16xi32>], vector<16xi32>,
      tpu.vector_store_idx %arg15[%parallel_loop3A_277], %broadcast_in_dim3A_9 {add = true} : memref<77824xi32, #tpu.memory_space<vmem>>[vector<16xi32>], vector<16xi32>,
    } {sc.loop_unroll_factor = 16 : i64, sc.parallel_access}
    %mul3A_54 = arith.constant 32768 : i32
    %mul3A_55 = arith.muli %add3A, %mul3A_54 : i32
    %add3A_56 = arith.constant 0 : i32
    %add3A_57 = arith.addi %mul3A_55, %add3A_56 : i32
    %dma_start3A_58 = tpu.memref_slice %arg4[%add3A_57] : memref<1048576xi32, #tpu.memory_space<hbm>> -> memref<16384xi32, #tpu.memory_space<hbm>>
    %dma_start3A_59 = tpu.memref_slice %arg4[%add3A_57] : memref<1048576xi32, #tpu.memory_space<hbm>> -> memref<16384xi32, #tpu.memory_space<hbm>>
    tpu.enqueue_dma source(%dma_start3A_59 : memref<16384xi32, #tpu.memory_space<hbm>>) target(%arg13 : memref<16384xi32, #tpu.memory_space<vmem>>) target_semaphore(%arg16 : memref<!tpu.dma_semaphore, #tpu.memory_space<semaphore_mem>>)
    %dma_wait3A_60 = arith.constant 0 : i32
    %dma_wait3A_61 = tpu.memref_slice %arg2[%dma_wait3A_60] : memref<1048576xi32, #tpu.memory_space<hbm>> -> memref<16384xi32, #tpu.memory_space<hbm>>
    %dma_wait3A_62 = arith.constant 0 : i32
    %dma_wait3A_63 = tpu.memref_slice %arg2[%dma_wait3A_62] : memref<1048576xi32, #tpu.memory_space<hbm>> -> memref<16384xi32, #tpu.memory_space<hbm>>
    tpu.wait_dma2 semaphore(%arg17 : memref<!tpu.dma_semaphore, #tpu.memory_space<semaphore_mem>>) src(%dma_wait3A_63 : memref<16384xi32, #tpu.memory_space<hbm>>) dst(%arg14 : memref<16384xi32, #tpu.memory_space<vmem>>)
    %parallel_loop3A_64 = arith.constant 0 : i32
    %parallel_loop3A_65 = arith.constant 1024 : i32
    %parallel_loop3A_66 = arith.constant 1 : i32
    scf.for %parallel_loop3A_269 = %parallel_loop3A_64 to %parallel_loop3A_65 step %parallel_loop3A_66  : i32 {
      %parallel_loop3A_270 = arith.constant 16 : i32
      %parallel_loop3A_271 = arith.muli %parallel_loop3A_269, %parallel_loop3A_270 : i32
      %parallel_loop3A_272 = arith.index_cast %parallel_loop3A_271 : i32 to index
      %parallel_loop3A_273 = tpu.vector_load %arg14[%parallel_loop3A_272] {strides = array<i32>} : memref<16384xi32, #tpu.memory_space<vmem>>, vector<16xi32>,
      %parallel_loop3A_274 = arith.andi %parallel_loop3A_273, %broadcast_in_dim3A_11 : vector<16xi32>
      %parallel_loop3A_275 = arith.constant 16 : i32
      %parallel_loop3A_276 = vector.broadcast %parallel_loop3A_275 : i32 to vector<16xi32>
      %parallel_loop3A_277 = arith.shrui %parallel_loop3A_273, %parallel_loop3A_276 : vector<16xi32>
      tpu.vector_store_idx %arg15[%parallel_loop3A_274], %broadcast_in_dim3A_9 {add = true} : memref<77824xi32, #tpu.memory_space<vmem>>[vector<16xi32>], vector<16xi32>,
      tpu.vector_store_idx %arg15[%parallel_loop3A_277], %broadcast_in_dim3A_9 {add = true} : memref<77824xi32, #tpu.memory_space<vmem>>[vector<16xi32>], vector<16xi32>,
    } {sc.loop_unroll_factor = 16 : i64, sc.parallel_access}
    %mul3A_67 = arith.constant 32768 : i32
    %mul3A_68 = arith.muli %add3A, %mul3A_67 : i32
    %add3A_69 = arith.constant 16384 : i32
    %add3A_70 = arith.addi %mul3A_68, %add3A_69 : i32
    %dma_start3A_71 = tpu.memref_slice %arg4[%add3A_70] : memref<1048576xi32, #tpu.memory_space<hbm>> -> memref<16384xi32, #tpu.memory_space<hbm>>
    %dma_start3A_72 = tpu.memref_slice %arg4[%add3A_70] : memref<1048576xi32, #tpu.memory_space<hbm>> -> memref<16384xi32, #tpu.memory_space<hbm>>
    tpu.enqueue_dma source(%dma_start3A_72 : memref<16384xi32, #tpu.memory_space<hbm>>) target(%arg14 : memref<16384xi32, #tpu.memory_space<vmem>>) target_semaphore(%arg17 : memref<!tpu.dma_semaphore, #tpu.memory_space<semaphore_mem>>)
    %dma_wait3A_73 = arith.constant 0 : i32
    %dma_wait3A_74 = tpu.memref_slice %arg2[%dma_wait3A_73] : memref<1048576xi32, #tpu.memory_space<hbm>> -> memref<16384xi32, #tpu.memory_space<hbm>>
    %dma_wait3A_75 = arith.constant 0 : i32
    %dma_wait3A_76 = tpu.memref_slice %arg2[%dma_wait3A_75] : memref<1048576xi32, #tpu.memory_space<hbm>> -> memref<16384xi32, #tpu.memory_space<hbm>>
    tpu.wait_dma2 semaphore(%arg16 : memref<!tpu.dma_semaphore, #tpu.memory_space<semaphore_mem>>) src(%dma_wait3A_76 : memref<16384xi32, #tpu.memory_space<hbm>>) dst(%arg13 : memref<16384xi32, #tpu.memory_space<vmem>>)
    %parallel_loop3A_77 = arith.constant 0 : i32
    %parallel_loop3A_78 = arith.constant 1024 : i32
    %parallel_loop3A_79 = arith.constant 1 : i32
    scf.for %parallel_loop3A_269 = %parallel_loop3A_77 to %parallel_loop3A_78 step %parallel_loop3A_79  : i32 {
      %parallel_loop3A_270 = arith.constant 16 : i32
      %parallel_loop3A_271 = arith.muli %parallel_loop3A_269, %parallel_loop3A_270 : i32
      %parallel_loop3A_272 = arith.index_cast %parallel_loop3A_271 : i32 to index
      %parallel_loop3A_273 = tpu.vector_load %arg13[%parallel_loop3A_272] {strides = array<i32>} : memref<16384xi32, #tpu.memory_space<vmem>>, vector<16xi32>,
      %parallel_loop3A_274 = arith.andi %parallel_loop3A_273, %broadcast_in_dim3A_11 : vector<16xi32>
      %parallel_loop3A_275 = arith.constant 16 : i32
      %parallel_loop3A_276 = vector.broadcast %parallel_loop3A_275 : i32 to vector<16xi32>
      %parallel_loop3A_277 = arith.shrui %parallel_loop3A_273, %parallel_loop3A_276 : vector<16xi32>
      tpu.vector_store_idx %arg15[%parallel_loop3A_274], %broadcast_in_dim3A_9 {add = true} : memref<77824xi32, #tpu.memory_space<vmem>>[vector<16xi32>], vector<16xi32>,
      tpu.vector_store_idx %arg15[%parallel_loop3A_277], %broadcast_in_dim3A_9 {add = true} : memref<77824xi32, #tpu.memory_space<vmem>>[vector<16xi32>], vector<16xi32>,
    } {sc.loop_unroll_factor = 16 : i64, sc.parallel_access}
    %mul3A_80 = arith.constant 32768 : i32
    %mul3A_81 = arith.muli %add3A, %mul3A_80 : i32
    %add3A_82 = arith.constant 0 : i32
    %add3A_83 = arith.addi %mul3A_81, %add3A_82 : i32
    %dma_start3A_84 = tpu.memref_slice %arg5[%add3A_83] : memref<1048576xi32, #tpu.memory_space<hbm>> -> memref<16384xi32, #tpu.memory_space<hbm>>
    %dma_start3A_85 = tpu.memref_slice %arg5[%add3A_83] : memref<1048576xi32, #tpu.memory_space<hbm>> -> memref<16384xi32, #tpu.memory_space<hbm>>
    tpu.enqueue_dma source(%dma_start3A_85 : memref<16384xi32, #tpu.memory_space<hbm>>) target(%arg13 : memref<16384xi32, #tpu.memory_space<vmem>>) target_semaphore(%arg16 : memref<!tpu.dma_semaphore, #tpu.memory_space<semaphore_mem>>)
    %dma_wait3A_86 = arith.constant 0 : i32
    %dma_wait3A_87 = tpu.memref_slice %arg2[%dma_wait3A_86] : memref<1048576xi32, #tpu.memory_space<hbm>> -> memref<16384xi32, #tpu.memory_space<hbm>>
    %dma_wait3A_88 = arith.constant 0 : i32
    %dma_wait3A_89 = tpu.memref_slice %arg2[%dma_wait3A_88] : memref<1048576xi32, #tpu.memory_space<hbm>> -> memref<16384xi32, #tpu.memory_space<hbm>>
    tpu.wait_dma2 semaphore(%arg17 : memref<!tpu.dma_semaphore, #tpu.memory_space<semaphore_mem>>) src(%dma_wait3A_89 : memref<16384xi32, #tpu.memory_space<hbm>>) dst(%arg14 : memref<16384xi32, #tpu.memory_space<vmem>>)
    %parallel_loop3A_90 = arith.constant 0 : i32
    %parallel_loop3A_91 = arith.constant 1024 : i32
    %parallel_loop3A_92 = arith.constant 1 : i32
    scf.for %parallel_loop3A_269 = %parallel_loop3A_90 to %parallel_loop3A_91 step %parallel_loop3A_92  : i32 {
      %parallel_loop3A_270 = arith.constant 16 : i32
      %parallel_loop3A_271 = arith.muli %parallel_loop3A_269, %parallel_loop3A_270 : i32
      %parallel_loop3A_272 = arith.index_cast %parallel_loop3A_271 : i32 to index
      %parallel_loop3A_273 = tpu.vector_load %arg14[%parallel_loop3A_272] {strides = array<i32>} : memref<16384xi32, #tpu.memory_space<vmem>>, vector<16xi32>,
      %parallel_loop3A_274 = arith.andi %parallel_loop3A_273, %broadcast_in_dim3A_11 : vector<16xi32>
      %parallel_loop3A_275 = arith.constant 16 : i32
      %parallel_loop3A_276 = vector.broadcast %parallel_loop3A_275 : i32 to vector<16xi32>
      %parallel_loop3A_277 = arith.shrui %parallel_loop3A_273, %parallel_loop3A_276 : vector<16xi32>
      tpu.vector_store_idx %arg15[%parallel_loop3A_274], %broadcast_in_dim3A_9 {add = true} : memref<77824xi32, #tpu.memory_space<vmem>>[vector<16xi32>], vector<16xi32>,
      tpu.vector_store_idx %arg15[%parallel_loop3A_277], %broadcast_in_dim3A_9 {add = true} : memref<77824xi32, #tpu.memory_space<vmem>>[vector<16xi32>], vector<16xi32>,
    } {sc.loop_unroll_factor = 16 : i64, sc.parallel_access}
    %mul3A_93 = arith.constant 32768 : i32
    %mul3A_94 = arith.muli %add3A, %mul3A_93 : i32
    %add3A_95 = arith.constant 16384 : i32
    %add3A_96 = arith.addi %mul3A_94, %add3A_95 : i32
    %dma_start3A_97 = tpu.memref_slice %arg5[%add3A_96] : memref<1048576xi32, #tpu.memory_space<hbm>> -> memref<16384xi32, #tpu.memory_space<hbm>>
    %dma_start3A_98 = tpu.memref_slice %arg5[%add3A_96] : memref<1048576xi32, #tpu.memory_space<hbm>> -> memref<16384xi32, #tpu.memory_space<hbm>>
    tpu.enqueue_dma source(%dma_start3A_98 : memref<16384xi32, #tpu.memory_space<hbm>>) target(%arg14 : memref<16384xi32, #tpu.memory_space<vmem>>) target_semaphore(%arg17 : memref<!tpu.dma_semaphore, #tpu.memory_space<semaphore_mem>>)
    %dma_wait3A_99 = arith.constant 0 : i32
    %dma_wait3A_100 = tpu.memref_slice %arg2[%dma_wait3A_99] : memref<1048576xi32, #tpu.memory_space<hbm>> -> memref<16384xi32, #tpu.memory_space<hbm>>
    %dma_wait3A_101 = arith.constant 0 : i32
    %dma_wait3A_102 = tpu.memref_slice %arg2[%dma_wait3A_101] : memref<1048576xi32, #tpu.memory_space<hbm>> -> memref<16384xi32, #tpu.memory_space<hbm>>
    tpu.wait_dma2 semaphore(%arg16 : memref<!tpu.dma_semaphore, #tpu.memory_space<semaphore_mem>>) src(%dma_wait3A_102 : memref<16384xi32, #tpu.memory_space<hbm>>) dst(%arg13 : memref<16384xi32, #tpu.memory_space<vmem>>)
    %parallel_loop3A_103 = arith.constant 0 : i32
    %parallel_loop3A_104 = arith.constant 1024 : i32
    %parallel_loop3A_105 = arith.constant 1 : i32
    scf.for %parallel_loop3A_269 = %parallel_loop3A_103 to %parallel_loop3A_104 step %parallel_loop3A_105  : i32 {
      %parallel_loop3A_270 = arith.constant 16 : i32
      %parallel_loop3A_271 = arith.muli %parallel_loop3A_269, %parallel_loop3A_270 : i32
      %parallel_loop3A_272 = arith.index_cast %parallel_loop3A_271 : i32 to index
      %parallel_loop3A_273 = tpu.vector_load %arg13[%parallel_loop3A_272] {strides = array<i32>} : memref<16384xi32, #tpu.memory_space<vmem>>, vector<16xi32>,
      %parallel_loop3A_274 = arith.andi %parallel_loop3A_273, %broadcast_in_dim3A_11 : vector<16xi32>
      %parallel_loop3A_275 = arith.constant 16 : i32
      %parallel_loop3A_276 = vector.broadcast %parallel_loop3A_275 : i32 to vector<16xi32>
      %parallel_loop3A_277 = arith.shrui %parallel_loop3A_273, %parallel_loop3A_276 : vector<16xi32>
      tpu.vector_store_idx %arg15[%parallel_loop3A_274], %broadcast_in_dim3A_9 {add = true} : memref<77824xi32, #tpu.memory_space<vmem>>[vector<16xi32>], vector<16xi32>,
      tpu.vector_store_idx %arg15[%parallel_loop3A_277], %broadcast_in_dim3A_9 {add = true} : memref<77824xi32, #tpu.memory_space<vmem>>[vector<16xi32>], vector<16xi32>,
    } {sc.loop_unroll_factor = 16 : i64, sc.parallel_access}
    %mul3A_106 = arith.constant 32768 : i32
    %mul3A_107 = arith.muli %add3A, %mul3A_106 : i32
    %add3A_108 = arith.constant 0 : i32
    %add3A_109 = arith.addi %mul3A_107, %add3A_108 : i32
    %dma_start3A_110 = tpu.memref_slice %arg6[%add3A_109] : memref<1048576xi32, #tpu.memory_space<hbm>> -> memref<16384xi32, #tpu.memory_space<hbm>>
    %dma_start3A_111 = tpu.memref_slice %arg6[%add3A_109] : memref<1048576xi32, #tpu.memory_space<hbm>> -> memref<16384xi32, #tpu.memory_space<hbm>>
    tpu.enqueue_dma source(%dma_start3A_111 : memref<16384xi32, #tpu.memory_space<hbm>>) target(%arg13 : memref<16384xi32, #tpu.memory_space<vmem>>) target_semaphore(%arg16 : memref<!tpu.dma_semaphore, #tpu.memory_space<semaphore_mem>>)
    %dma_wait3A_112 = arith.constant 0 : i32
    %dma_wait3A_113 = tpu.memref_slice %arg2[%dma_wait3A_112] : memref<1048576xi32, #tpu.memory_space<hbm>> -> memref<16384xi32, #tpu.memory_space<hbm>>
    %dma_wait3A_114 = arith.constant 0 : i32
    %dma_wait3A_115 = tpu.memref_slice %arg2[%dma_wait3A_114] : memref<1048576xi32, #tpu.memory_space<hbm>> -> memref<16384xi32, #tpu.memory_space<hbm>>
    tpu.wait_dma2 semaphore(%arg17 : memref<!tpu.dma_semaphore, #tpu.memory_space<semaphore_mem>>) src(%dma_wait3A_115 : memref<16384xi32, #tpu.memory_space<hbm>>) dst(%arg14 : memref<16384xi32, #tpu.memory_space<vmem>>)
    %parallel_loop3A_116 = arith.constant 0 : i32
    %parallel_loop3A_117 = arith.constant 1024 : i32
    %parallel_loop3A_118 = arith.constant 1 : i32
    scf.for %parallel_loop3A_269 = %parallel_loop3A_116 to %parallel_loop3A_117 step %parallel_loop3A_118  : i32 {
      %parallel_loop3A_270 = arith.constant 16 : i32
      %parallel_loop3A_271 = arith.muli %parallel_loop3A_269, %parallel_loop3A_270 : i32
      %parallel_loop3A_272 = arith.index_cast %parallel_loop3A_271 : i32 to index
      %parallel_loop3A_273 = tpu.vector_load %arg14[%parallel_loop3A_272] {strides = array<i32>} : memref<16384xi32, #tpu.memory_space<vmem>>, vector<16xi32>,
      %parallel_loop3A_274 = arith.andi %parallel_loop3A_273, %broadcast_in_dim3A_11 : vector<16xi32>
      %parallel_loop3A_275 = arith.constant 16 : i32
      %parallel_loop3A_276 = vector.broadcast %parallel_loop3A_275 : i32 to vector<16xi32>
      %parallel_loop3A_277 = arith.shrui %parallel_loop3A_273, %parallel_loop3A_276 : vector<16xi32>
      tpu.vector_store_idx %arg15[%parallel_loop3A_274], %broadcast_in_dim3A_9 {add = true} : memref<77824xi32, #tpu.memory_space<vmem>>[vector<16xi32>], vector<16xi32>,
      tpu.vector_store_idx %arg15[%parallel_loop3A_277], %broadcast_in_dim3A_9 {add = true} : memref<77824xi32, #tpu.memory_space<vmem>>[vector<16xi32>], vector<16xi32>,
    } {sc.loop_unroll_factor = 16 : i64, sc.parallel_access}
    %mul3A_119 = arith.constant 32768 : i32
    %mul3A_120 = arith.muli %add3A, %mul3A_119 : i32
    %add3A_121 = arith.constant 16384 : i32
    %add3A_122 = arith.addi %mul3A_120, %add3A_121 : i32
    %dma_start3A_123 = tpu.memref_slice %arg6[%add3A_122] : memref<1048576xi32, #tpu.memory_space<hbm>> -> memref<16384xi32, #tpu.memory_space<hbm>>
    %dma_start3A_124 = tpu.memref_slice %arg6[%add3A_122] : memref<1048576xi32, #tpu.memory_space<hbm>> -> memref<16384xi32, #tpu.memory_space<hbm>>
    tpu.enqueue_dma source(%dma_start3A_124 : memref<16384xi32, #tpu.memory_space<hbm>>) target(%arg14 : memref<16384xi32, #tpu.memory_space<vmem>>) target_semaphore(%arg17 : memref<!tpu.dma_semaphore, #tpu.memory_space<semaphore_mem>>)
    %dma_wait3A_125 = arith.constant 0 : i32
    %dma_wait3A_126 = tpu.memref_slice %arg2[%dma_wait3A_125] : memref<1048576xi32, #tpu.memory_space<hbm>> -> memref<16384xi32, #tpu.memory_space<hbm>>
    %dma_wait3A_127 = arith.constant 0 : i32
    %dma_wait3A_128 = tpu.memref_slice %arg2[%dma_wait3A_127] : memref<1048576xi32, #tpu.memory_space<hbm>> -> memref<16384xi32, #tpu.memory_space<hbm>>
    tpu.wait_dma2 semaphore(%arg16 : memref<!tpu.dma_semaphore, #tpu.memory_space<semaphore_mem>>) src(%dma_wait3A_128 : memref<16384xi32, #tpu.memory_space<hbm>>) dst(%arg13 : memref<16384xi32, #tpu.memory_space<vmem>>)
    %parallel_loop3A_129 = arith.constant 0 : i32
    %parallel_loop3A_130 = arith.constant 1024 : i32
    %parallel_loop3A_131 = arith.constant 1 : i32
    scf.for %parallel_loop3A_269 = %parallel_loop3A_129 to %parallel_loop3A_130 step %parallel_loop3A_131  : i32 {
      %parallel_loop3A_270 = arith.constant 16 : i32
      %parallel_loop3A_271 = arith.muli %parallel_loop3A_269, %parallel_loop3A_270 : i32
      %parallel_loop3A_272 = arith.index_cast %parallel_loop3A_271 : i32 to index
      %parallel_loop3A_273 = tpu.vector_load %arg13[%parallel_loop3A_272] {strides = array<i32>} : memref<16384xi32, #tpu.memory_space<vmem>>, vector<16xi32>,
      %parallel_loop3A_274 = arith.andi %parallel_loop3A_273, %broadcast_in_dim3A_11 : vector<16xi32>
      %parallel_loop3A_275 = arith.constant 16 : i32
      %parallel_loop3A_276 = vector.broadcast %parallel_loop3A_275 : i32 to vector<16xi32>
      %parallel_loop3A_277 = arith.shrui %parallel_loop3A_273, %parallel_loop3A_276 : vector<16xi32>
      tpu.vector_store_idx %arg15[%parallel_loop3A_274], %broadcast_in_dim3A_9 {add = true} : memref<77824xi32, #tpu.memory_space<vmem>>[vector<16xi32>], vector<16xi32>,
      tpu.vector_store_idx %arg15[%parallel_loop3A_277], %broadcast_in_dim3A_9 {add = true} : memref<77824xi32, #tpu.memory_space<vmem>>[vector<16xi32>], vector<16xi32>,
    } {sc.loop_unroll_factor = 16 : i64, sc.parallel_access}
    %mul3A_132 = arith.constant 32768 : i32
    %mul3A_133 = arith.muli %add3A, %mul3A_132 : i32
    %add3A_134 = arith.constant 0 : i32
    %add3A_135 = arith.addi %mul3A_133, %add3A_134 : i32
    %dma_start3A_136 = tpu.memref_slice %arg7[%add3A_135] : memref<1048576xi32, #tpu.memory_space<hbm>> -> memref<16384xi32, #tpu.memory_space<hbm>>
    %dma_start3A_137 = tpu.memref_slice %arg7[%add3A_135] : memref<1048576xi32, #tpu.memory_space<hbm>> -> memref<16384xi32, #tpu.memory_space<hbm>>
    tpu.enqueue_dma source(%dma_start3A_137 : memref<16384xi32, #tpu.memory_space<hbm>>) target(%arg13 : memref<16384xi32, #tpu.memory_space<vmem>>) target_semaphore(%arg16 : memref<!tpu.dma_semaphore, #tpu.memory_space<semaphore_mem>>)
    %dma_wait3A_138 = arith.constant 0 : i32
    %dma_wait3A_139 = tpu.memref_slice %arg2[%dma_wait3A_138] : memref<1048576xi32, #tpu.memory_space<hbm>> -> memref<16384xi32, #tpu.memory_space<hbm>>
    %dma_wait3A_140 = arith.constant 0 : i32
    %dma_wait3A_141 = tpu.memref_slice %arg2[%dma_wait3A_140] : memref<1048576xi32, #tpu.memory_space<hbm>> -> memref<16384xi32, #tpu.memory_space<hbm>>
    tpu.wait_dma2 semaphore(%arg17 : memref<!tpu.dma_semaphore, #tpu.memory_space<semaphore_mem>>) src(%dma_wait3A_141 : memref<16384xi32, #tpu.memory_space<hbm>>) dst(%arg14 : memref<16384xi32, #tpu.memory_space<vmem>>)
    %parallel_loop3A_142 = arith.constant 0 : i32
    %parallel_loop3A_143 = arith.constant 1024 : i32
    %parallel_loop3A_144 = arith.constant 1 : i32
    scf.for %parallel_loop3A_269 = %parallel_loop3A_142 to %parallel_loop3A_143 step %parallel_loop3A_144  : i32 {
      %parallel_loop3A_270 = arith.constant 16 : i32
      %parallel_loop3A_271 = arith.muli %parallel_loop3A_269, %parallel_loop3A_270 : i32
      %parallel_loop3A_272 = arith.index_cast %parallel_loop3A_271 : i32 to index
      %parallel_loop3A_273 = tpu.vector_load %arg14[%parallel_loop3A_272] {strides = array<i32>} : memref<16384xi32, #tpu.memory_space<vmem>>, vector<16xi32>,
      %parallel_loop3A_274 = arith.andi %parallel_loop3A_273, %broadcast_in_dim3A_11 : vector<16xi32>
      %parallel_loop3A_275 = arith.constant 16 : i32
      %parallel_loop3A_276 = vector.broadcast %parallel_loop3A_275 : i32 to vector<16xi32>
      %parallel_loop3A_277 = arith.shrui %parallel_loop3A_273, %parallel_loop3A_276 : vector<16xi32>
      tpu.vector_store_idx %arg15[%parallel_loop3A_274], %broadcast_in_dim3A_9 {add = true} : memref<77824xi32, #tpu.memory_space<vmem>>[vector<16xi32>], vector<16xi32>,
      tpu.vector_store_idx %arg15[%parallel_loop3A_277], %broadcast_in_dim3A_9 {add = true} : memref<77824xi32, #tpu.memory_space<vmem>>[vector<16xi32>], vector<16xi32>,
    } {sc.loop_unroll_factor = 16 : i64, sc.parallel_access}
    %mul3A_145 = arith.constant 32768 : i32
    %mul3A_146 = arith.muli %add3A, %mul3A_145 : i32
    %add3A_147 = arith.constant 16384 : i32
    %add3A_148 = arith.addi %mul3A_146, %add3A_147 : i32
    %dma_start3A_149 = tpu.memref_slice %arg7[%add3A_148] : memref<1048576xi32, #tpu.memory_space<hbm>> -> memref<16384xi32, #tpu.memory_space<hbm>>
    %dma_start3A_150 = tpu.memref_slice %arg7[%add3A_148] : memref<1048576xi32, #tpu.memory_space<hbm>> -> memref<16384xi32, #tpu.memory_space<hbm>>
    tpu.enqueue_dma source(%dma_start3A_150 : memref<16384xi32, #tpu.memory_space<hbm>>) target(%arg14 : memref<16384xi32, #tpu.memory_space<vmem>>) target_semaphore(%arg17 : memref<!tpu.dma_semaphore, #tpu.memory_space<semaphore_mem>>)
    %dma_wait3A_151 = arith.constant 0 : i32
    %dma_wait3A_152 = tpu.memref_slice %arg2[%dma_wait3A_151] : memref<1048576xi32, #tpu.memory_space<hbm>> -> memref<16384xi32, #tpu.memory_space<hbm>>
    %dma_wait3A_153 = arith.constant 0 : i32
    %dma_wait3A_154 = tpu.memref_slice %arg2[%dma_wait3A_153] : memref<1048576xi32, #tpu.memory_space<hbm>> -> memref<16384xi32, #tpu.memory_space<hbm>>
    tpu.wait_dma2 semaphore(%arg16 : memref<!tpu.dma_semaphore, #tpu.memory_space<semaphore_mem>>) src(%dma_wait3A_154 : memref<16384xi32, #tpu.memory_space<hbm>>) dst(%arg13 : memref<16384xi32, #tpu.memory_space<vmem>>)
    %parallel_loop3A_155 = arith.constant 0 : i32
    %parallel_loop3A_156 = arith.constant 1024 : i32
    %parallel_loop3A_157 = arith.constant 1 : i32
    scf.for %parallel_loop3A_269 = %parallel_loop3A_155 to %parallel_loop3A_156 step %parallel_loop3A_157  : i32 {
      %parallel_loop3A_270 = arith.constant 16 : i32
      %parallel_loop3A_271 = arith.muli %parallel_loop3A_269, %parallel_loop3A_270 : i32
      %parallel_loop3A_272 = arith.index_cast %parallel_loop3A_271 : i32 to index
      %parallel_loop3A_273 = tpu.vector_load %arg13[%parallel_loop3A_272] {strides = array<i32>} : memref<16384xi32, #tpu.memory_space<vmem>>, vector<16xi32>,
      %parallel_loop3A_274 = arith.andi %parallel_loop3A_273, %broadcast_in_dim3A_11 : vector<16xi32>
      %parallel_loop3A_275 = arith.constant 16 : i32
      %parallel_loop3A_276 = vector.broadcast %parallel_loop3A_275 : i32 to vector<16xi32>
      %parallel_loop3A_277 = arith.shrui %parallel_loop3A_273, %parallel_loop3A_276 : vector<16xi32>
      tpu.vector_store_idx %arg15[%parallel_loop3A_274], %broadcast_in_dim3A_9 {add = true} : memref<77824xi32, #tpu.memory_space<vmem>>[vector<16xi32>], vector<16xi32>,
      tpu.vector_store_idx %arg15[%parallel_loop3A_277], %broadcast_in_dim3A_9 {add = true} : memref<77824xi32, #tpu.memory_space<vmem>>[vector<16xi32>], vector<16xi32>,
    } {sc.loop_unroll_factor = 16 : i64, sc.parallel_access}
    %mul3A_158 = arith.constant 32768 : i32
    %mul3A_159 = arith.muli %add3A, %mul3A_158 : i32
    %add3A_160 = arith.constant 0 : i32
    %add3A_161 = arith.addi %mul3A_159, %add3A_160 : i32
    %dma_start3A_162 = tpu.memref_slice %arg8[%add3A_161] : memref<1048576xi32, #tpu.memory_space<hbm>> -> memref<16384xi32, #tpu.memory_space<hbm>>
    %dma_start3A_163 = tpu.memref_slice %arg8[%add3A_161] : memref<1048576xi32, #tpu.memory_space<hbm>> -> memref<16384xi32, #tpu.memory_space<hbm>>
    tpu.enqueue_dma source(%dma_start3A_163 : memref<16384xi32, #tpu.memory_space<hbm>>) target(%arg13 : memref<16384xi32, #tpu.memory_space<vmem>>) target_semaphore(%arg16 : memref<!tpu.dma_semaphore, #tpu.memory_space<semaphore_mem>>)
    %dma_wait3A_164 = arith.constant 0 : i32
    %dma_wait3A_165 = tpu.memref_slice %arg2[%dma_wait3A_164] : memref<1048576xi32, #tpu.memory_space<hbm>> -> memref<16384xi32, #tpu.memory_space<hbm>>
    %dma_wait3A_166 = arith.constant 0 : i32
    %dma_wait3A_167 = tpu.memref_slice %arg2[%dma_wait3A_166] : memref<1048576xi32, #tpu.memory_space<hbm>> -> memref<16384xi32, #tpu.memory_space<hbm>>
    tpu.wait_dma2 semaphore(%arg17 : memref<!tpu.dma_semaphore, #tpu.memory_space<semaphore_mem>>) src(%dma_wait3A_167 : memref<16384xi32, #tpu.memory_space<hbm>>) dst(%arg14 : memref<16384xi32, #tpu.memory_space<vmem>>)
    %parallel_loop3A_168 = arith.constant 0 : i32
    %parallel_loop3A_169 = arith.constant 1024 : i32
    %parallel_loop3A_170 = arith.constant 1 : i32
    scf.for %parallel_loop3A_269 = %parallel_loop3A_168 to %parallel_loop3A_169 step %parallel_loop3A_170  : i32 {
      %parallel_loop3A_270 = arith.constant 16 : i32
      %parallel_loop3A_271 = arith.muli %parallel_loop3A_269, %parallel_loop3A_270 : i32
      %parallel_loop3A_272 = arith.index_cast %parallel_loop3A_271 : i32 to index
      %parallel_loop3A_273 = tpu.vector_load %arg14[%parallel_loop3A_272] {strides = array<i32>} : memref<16384xi32, #tpu.memory_space<vmem>>, vector<16xi32>,
      %parallel_loop3A_274 = arith.andi %parallel_loop3A_273, %broadcast_in_dim3A_11 : vector<16xi32>
      %parallel_loop3A_275 = arith.constant 16 : i32
      %parallel_loop3A_276 = vector.broadcast %parallel_loop3A_275 : i32 to vector<16xi32>
      %parallel_loop3A_277 = arith.shrui %parallel_loop3A_273, %parallel_loop3A_276 : vector<16xi32>
      tpu.vector_store_idx %arg15[%parallel_loop3A_274], %broadcast_in_dim3A_9 {add = true} : memref<77824xi32, #tpu.memory_space<vmem>>[vector<16xi32>], vector<16xi32>,
      tpu.vector_store_idx %arg15[%parallel_loop3A_277], %broadcast_in_dim3A_9 {add = true} : memref<77824xi32, #tpu.memory_space<vmem>>[vector<16xi32>], vector<16xi32>,
    } {sc.loop_unroll_factor = 16 : i64, sc.parallel_access}
    %mul3A_171 = arith.constant 32768 : i32
    %mul3A_172 = arith.muli %add3A, %mul3A_171 : i32
    %add3A_173 = arith.constant 16384 : i32
    %add3A_174 = arith.addi %mul3A_172, %add3A_173 : i32
    %dma_start3A_175 = tpu.memref_slice %arg8[%add3A_174] : memref<1048576xi32, #tpu.memory_space<hbm>> -> memref<16384xi32, #tpu.memory_space<hbm>>
    %dma_start3A_176 = tpu.memref_slice %arg8[%add3A_174] : memref<1048576xi32, #tpu.memory_space<hbm>> -> memref<16384xi32, #tpu.memory_space<hbm>>
    tpu.enqueue_dma source(%dma_start3A_176 : memref<16384xi32, #tpu.memory_space<hbm>>) target(%arg14 : memref<16384xi32, #tpu.memory_space<vmem>>) target_semaphore(%arg17 : memref<!tpu.dma_semaphore, #tpu.memory_space<semaphore_mem>>)
    %dma_wait3A_177 = arith.constant 0 : i32
    %dma_wait3A_178 = tpu.memref_slice %arg2[%dma_wait3A_177] : memref<1048576xi32, #tpu.memory_space<hbm>> -> memref<16384xi32, #tpu.memory_space<hbm>>
    %dma_wait3A_179 = arith.constant 0 : i32
    %dma_wait3A_180 = tpu.memref_slice %arg2[%dma_wait3A_179] : memref<1048576xi32, #tpu.memory_space<hbm>> -> memref<16384xi32, #tpu.memory_space<hbm>>
    tpu.wait_dma2 semaphore(%arg16 : memref<!tpu.dma_semaphore, #tpu.memory_space<semaphore_mem>>) src(%dma_wait3A_180 : memref<16384xi32, #tpu.memory_space<hbm>>) dst(%arg13 : memref<16384xi32, #tpu.memory_space<vmem>>)
    %parallel_loop3A_181 = arith.constant 0 : i32
    %parallel_loop3A_182 = arith.constant 1024 : i32
    %parallel_loop3A_183 = arith.constant 1 : i32
    scf.for %parallel_loop3A_269 = %parallel_loop3A_181 to %parallel_loop3A_182 step %parallel_loop3A_183  : i32 {
      %parallel_loop3A_270 = arith.constant 16 : i32
      %parallel_loop3A_271 = arith.muli %parallel_loop3A_269, %parallel_loop3A_270 : i32
      %parallel_loop3A_272 = arith.index_cast %parallel_loop3A_271 : i32 to index
      %parallel_loop3A_273 = tpu.vector_load %arg13[%parallel_loop3A_272] {strides = array<i32>} : memref<16384xi32, #tpu.memory_space<vmem>>, vector<16xi32>,
      %parallel_loop3A_274 = arith.andi %parallel_loop3A_273, %broadcast_in_dim3A_11 : vector<16xi32>
      %parallel_loop3A_275 = arith.constant 16 : i32
      %parallel_loop3A_276 = vector.broadcast %parallel_loop3A_275 : i32 to vector<16xi32>
      %parallel_loop3A_277 = arith.shrui %parallel_loop3A_273, %parallel_loop3A_276 : vector<16xi32>
      tpu.vector_store_idx %arg15[%parallel_loop3A_274], %broadcast_in_dim3A_9 {add = true} : memref<77824xi32, #tpu.memory_space<vmem>>[vector<16xi32>], vector<16xi32>,
      tpu.vector_store_idx %arg15[%parallel_loop3A_277], %broadcast_in_dim3A_9 {add = true} : memref<77824xi32, #tpu.memory_space<vmem>>[vector<16xi32>], vector<16xi32>,
    } {sc.loop_unroll_factor = 16 : i64, sc.parallel_access}
    %mul3A_184 = arith.constant 32768 : i32
    %mul3A_185 = arith.muli %add3A, %mul3A_184 : i32
    %add3A_186 = arith.constant 0 : i32
    %add3A_187 = arith.addi %mul3A_185, %add3A_186 : i32
    %dma_start3A_188 = tpu.memref_slice %arg9[%add3A_187] : memref<1048576xi32, #tpu.memory_space<hbm>> -> memref<16384xi32, #tpu.memory_space<hbm>>
    %dma_start3A_189 = tpu.memref_slice %arg9[%add3A_187] : memref<1048576xi32, #tpu.memory_space<hbm>> -> memref<16384xi32, #tpu.memory_space<hbm>>
    tpu.enqueue_dma source(%dma_start3A_189 : memref<16384xi32, #tpu.memory_space<hbm>>) target(%arg13 : memref<16384xi32, #tpu.memory_space<vmem>>) target_semaphore(%arg16 : memref<!tpu.dma_semaphore, #tpu.memory_space<semaphore_mem>>)
    %dma_wait3A_190 = arith.constant 0 : i32
    %dma_wait3A_191 = tpu.memref_slice %arg2[%dma_wait3A_190] : memref<1048576xi32, #tpu.memory_space<hbm>> -> memref<16384xi32, #tpu.memory_space<hbm>>
    %dma_wait3A_192 = arith.constant 0 : i32
    %dma_wait3A_193 = tpu.memref_slice %arg2[%dma_wait3A_192] : memref<1048576xi32, #tpu.memory_space<hbm>> -> memref<16384xi32, #tpu.memory_space<hbm>>
    tpu.wait_dma2 semaphore(%arg17 : memref<!tpu.dma_semaphore, #tpu.memory_space<semaphore_mem>>) src(%dma_wait3A_193 : memref<16384xi32, #tpu.memory_space<hbm>>) dst(%arg14 : memref<16384xi32, #tpu.memory_space<vmem>>)
    %parallel_loop3A_194 = arith.constant 0 : i32
    %parallel_loop3A_195 = arith.constant 1024 : i32
    %parallel_loop3A_196 = arith.constant 1 : i32
    scf.for %parallel_loop3A_269 = %parallel_loop3A_194 to %parallel_loop3A_195 step %parallel_loop3A_196  : i32 {
      %parallel_loop3A_270 = arith.constant 16 : i32
      %parallel_loop3A_271 = arith.muli %parallel_loop3A_269, %parallel_loop3A_270 : i32
      %parallel_loop3A_272 = arith.index_cast %parallel_loop3A_271 : i32 to index
      %parallel_loop3A_273 = tpu.vector_load %arg14[%parallel_loop3A_272] {strides = array<i32>} : memref<16384xi32, #tpu.memory_space<vmem>>, vector<16xi32>,
      %parallel_loop3A_274 = arith.andi %parallel_loop3A_273, %broadcast_in_dim3A_11 : vector<16xi32>
      %parallel_loop3A_275 = arith.constant 16 : i32
      %parallel_loop3A_276 = vector.broadcast %parallel_loop3A_275 : i32 to vector<16xi32>
      %parallel_loop3A_277 = arith.shrui %parallel_loop3A_273, %parallel_loop3A_276 : vector<16xi32>
      tpu.vector_store_idx %arg15[%parallel_loop3A_274], %broadcast_in_dim3A_9 {add = true} : memref<77824xi32, #tpu.memory_space<vmem>>[vector<16xi32>], vector<16xi32>,
      tpu.vector_store_idx %arg15[%parallel_loop3A_277], %broadcast_in_dim3A_9 {add = true} : memref<77824xi32, #tpu.memory_space<vmem>>[vector<16xi32>], vector<16xi32>,
    } {sc.loop_unroll_factor = 16 : i64, sc.parallel_access}
    %mul3A_197 = arith.constant 32768 : i32
    %mul3A_198 = arith.muli %add3A, %mul3A_197 : i32
    %add3A_199 = arith.constant 16384 : i32
    %add3A_200 = arith.addi %mul3A_198, %add3A_199 : i32
    %dma_start3A_201 = tpu.memref_slice %arg9[%add3A_200] : memref<1048576xi32, #tpu.memory_space<hbm>> -> memref<16384xi32, #tpu.memory_space<hbm>>
    %dma_start3A_202 = tpu.memref_slice %arg9[%add3A_200] : memref<1048576xi32, #tpu.memory_space<hbm>> -> memref<16384xi32, #tpu.memory_space<hbm>>
    tpu.enqueue_dma source(%dma_start3A_202 : memref<16384xi32, #tpu.memory_space<hbm>>) target(%arg14 : memref<16384xi32, #tpu.memory_space<vmem>>) target_semaphore(%arg17 : memref<!tpu.dma_semaphore, #tpu.memory_space<semaphore_mem>>)
    %dma_wait3A_203 = arith.constant 0 : i32
    %dma_wait3A_204 = tpu.memref_slice %arg2[%dma_wait3A_203] : memref<1048576xi32, #tpu.memory_space<hbm>> -> memref<16384xi32, #tpu.memory_space<hbm>>
    %dma_wait3A_205 = arith.constant 0 : i32
    %dma_wait3A_206 = tpu.memref_slice %arg2[%dma_wait3A_205] : memref<1048576xi32, #tpu.memory_space<hbm>> -> memref<16384xi32, #tpu.memory_space<hbm>>
    tpu.wait_dma2 semaphore(%arg16 : memref<!tpu.dma_semaphore, #tpu.memory_space<semaphore_mem>>) src(%dma_wait3A_206 : memref<16384xi32, #tpu.memory_space<hbm>>) dst(%arg13 : memref<16384xi32, #tpu.memory_space<vmem>>)
    %parallel_loop3A_207 = arith.constant 0 : i32
    %parallel_loop3A_208 = arith.constant 1024 : i32
    %parallel_loop3A_209 = arith.constant 1 : i32
    scf.for %parallel_loop3A_269 = %parallel_loop3A_207 to %parallel_loop3A_208 step %parallel_loop3A_209  : i32 {
      %parallel_loop3A_270 = arith.constant 16 : i32
      %parallel_loop3A_271 = arith.muli %parallel_loop3A_269, %parallel_loop3A_270 : i32
      %parallel_loop3A_272 = arith.index_cast %parallel_loop3A_271 : i32 to index
      %parallel_loop3A_273 = tpu.vector_load %arg13[%parallel_loop3A_272] {strides = array<i32>} : memref<16384xi32, #tpu.memory_space<vmem>>, vector<16xi32>,
      %parallel_loop3A_274 = arith.andi %parallel_loop3A_273, %broadcast_in_dim3A_11 : vector<16xi32>
      %parallel_loop3A_275 = arith.constant 16 : i32
      %parallel_loop3A_276 = vector.broadcast %parallel_loop3A_275 : i32 to vector<16xi32>
      %parallel_loop3A_277 = arith.shrui %parallel_loop3A_273, %parallel_loop3A_276 : vector<16xi32>
      tpu.vector_store_idx %arg15[%parallel_loop3A_274], %broadcast_in_dim3A_9 {add = true} : memref<77824xi32, #tpu.memory_space<vmem>>[vector<16xi32>], vector<16xi32>,
      tpu.vector_store_idx %arg15[%parallel_loop3A_277], %broadcast_in_dim3A_9 {add = true} : memref<77824xi32, #tpu.memory_space<vmem>>[vector<16xi32>], vector<16xi32>,
    } {sc.loop_unroll_factor = 16 : i64, sc.parallel_access}
    %mul3A_210 = arith.constant 32768 : i32
    %mul3A_211 = arith.muli %add3A, %mul3A_210 : i32
    %add3A_212 = arith.constant 0 : i32
    %add3A_213 = arith.addi %mul3A_211, %add3A_212 : i32
    %dma_start3A_214 = tpu.memref_slice %arg10[%add3A_213] : memref<1048576xi32, #tpu.memory_space<hbm>> -> memref<16384xi32, #tpu.memory_space<hbm>>
    %dma_start3A_215 = tpu.memref_slice %arg10[%add3A_213] : memref<1048576xi32, #tpu.memory_space<hbm>> -> memref<16384xi32, #tpu.memory_space<hbm>>
    tpu.enqueue_dma source(%dma_start3A_215 : memref<16384xi32, #tpu.memory_space<hbm>>) target(%arg13 : memref<16384xi32, #tpu.memory_space<vmem>>) target_semaphore(%arg16 : memref<!tpu.dma_semaphore, #tpu.memory_space<semaphore_mem>>)
    %dma_wait3A_216 = arith.constant 0 : i32
    %dma_wait3A_217 = tpu.memref_slice %arg2[%dma_wait3A_216] : memref<1048576xi32, #tpu.memory_space<hbm>> -> memref<16384xi32, #tpu.memory_space<hbm>>
    %dma_wait3A_218 = arith.constant 0 : i32
    %dma_wait3A_219 = tpu.memref_slice %arg2[%dma_wait3A_218] : memref<1048576xi32, #tpu.memory_space<hbm>> -> memref<16384xi32, #tpu.memory_space<hbm>>
    tpu.wait_dma2 semaphore(%arg17 : memref<!tpu.dma_semaphore, #tpu.memory_space<semaphore_mem>>) src(%dma_wait3A_219 : memref<16384xi32, #tpu.memory_space<hbm>>) dst(%arg14 : memref<16384xi32, #tpu.memory_space<vmem>>)
    %parallel_loop3A_220 = arith.constant 0 : i32
    %parallel_loop3A_221 = arith.constant 1024 : i32
    %parallel_loop3A_222 = arith.constant 1 : i32
    scf.for %parallel_loop3A_269 = %parallel_loop3A_220 to %parallel_loop3A_221 step %parallel_loop3A_222  : i32 {
      %parallel_loop3A_270 = arith.constant 16 : i32
      %parallel_loop3A_271 = arith.muli %parallel_loop3A_269, %parallel_loop3A_270 : i32
      %parallel_loop3A_272 = arith.index_cast %parallel_loop3A_271 : i32 to index
      %parallel_loop3A_273 = tpu.vector_load %arg14[%parallel_loop3A_272] {strides = array<i32>} : memref<16384xi32, #tpu.memory_space<vmem>>, vector<16xi32>,
      %parallel_loop3A_274 = arith.andi %parallel_loop3A_273, %broadcast_in_dim3A_11 : vector<16xi32>
      %parallel_loop3A_275 = arith.constant 16 : i32
      %parallel_loop3A_276 = vector.broadcast %parallel_loop3A_275 : i32 to vector<16xi32>
      %parallel_loop3A_277 = arith.shrui %parallel_loop3A_273, %parallel_loop3A_276 : vector<16xi32>
      tpu.vector_store_idx %arg15[%parallel_loop3A_274], %broadcast_in_dim3A_9 {add = true} : memref<77824xi32, #tpu.memory_space<vmem>>[vector<16xi32>], vector<16xi32>,
      tpu.vector_store_idx %arg15[%parallel_loop3A_277], %broadcast_in_dim3A_9 {add = true} : memref<77824xi32, #tpu.memory_space<vmem>>[vector<16xi32>], vector<16xi32>,
    } {sc.loop_unroll_factor = 16 : i64, sc.parallel_access}
    %mul3A_223 = arith.constant 32768 : i32
    %mul3A_224 = arith.muli %add3A, %mul3A_223 : i32
    %add3A_225 = arith.constant 16384 : i32
    %add3A_226 = arith.addi %mul3A_224, %add3A_225 : i32
    %dma_start3A_227 = tpu.memref_slice %arg10[%add3A_226] : memref<1048576xi32, #tpu.memory_space<hbm>> -> memref<16384xi32, #tpu.memory_space<hbm>>
    %dma_start3A_228 = tpu.memref_slice %arg10[%add3A_226] : memref<1048576xi32, #tpu.memory_space<hbm>> -> memref<16384xi32, #tpu.memory_space<hbm>>
    tpu.enqueue_dma source(%dma_start3A_228 : memref<16384xi32, #tpu.memory_space<hbm>>) target(%arg14 : memref<16384xi32, #tpu.memory_space<vmem>>) target_semaphore(%arg17 : memref<!tpu.dma_semaphore, #tpu.memory_space<semaphore_mem>>)
    %dma_wait3A_229 = arith.constant 0 : i32
    %dma_wait3A_230 = tpu.memref_slice %arg2[%dma_wait3A_229] : memref<1048576xi32, #tpu.memory_space<hbm>> -> memref<16384xi32, #tpu.memory_space<hbm>>
    %dma_wait3A_231 = arith.constant 0 : i32
    %dma_wait3A_232 = tpu.memref_slice %arg2[%dma_wait3A_231] : memref<1048576xi32, #tpu.memory_space<hbm>> -> memref<16384xi32, #tpu.memory_space<hbm>>
    tpu.wait_dma2 semaphore(%arg16 : memref<!tpu.dma_semaphore, #tpu.memory_space<semaphore_mem>>) src(%dma_wait3A_232 : memref<16384xi32, #tpu.memory_space<hbm>>) dst(%arg13 : memref<16384xi32, #tpu.memory_space<vmem>>)
    %parallel_loop3A_233 = arith.constant 0 : i32
    %parallel_loop3A_234 = arith.constant 1024 : i32
    %parallel_loop3A_235 = arith.constant 1 : i32
    scf.for %parallel_loop3A_269 = %parallel_loop3A_233 to %parallel_loop3A_234 step %parallel_loop3A_235  : i32 {
      %parallel_loop3A_270 = arith.constant 16 : i32
      %parallel_loop3A_271 = arith.muli %parallel_loop3A_269, %parallel_loop3A_270 : i32
      %parallel_loop3A_272 = arith.index_cast %parallel_loop3A_271 : i32 to index
      %parallel_loop3A_273 = tpu.vector_load %arg13[%parallel_loop3A_272] {strides = array<i32>} : memref<16384xi32, #tpu.memory_space<vmem>>, vector<16xi32>,
      %parallel_loop3A_274 = arith.andi %parallel_loop3A_273, %broadcast_in_dim3A_11 : vector<16xi32>
      %parallel_loop3A_275 = arith.constant 16 : i32
      %parallel_loop3A_276 = vector.broadcast %parallel_loop3A_275 : i32 to vector<16xi32>
      %parallel_loop3A_277 = arith.shrui %parallel_loop3A_273, %parallel_loop3A_276 : vector<16xi32>
      tpu.vector_store_idx %arg15[%parallel_loop3A_274], %broadcast_in_dim3A_9 {add = true} : memref<77824xi32, #tpu.memory_space<vmem>>[vector<16xi32>], vector<16xi32>,
      tpu.vector_store_idx %arg15[%parallel_loop3A_277], %broadcast_in_dim3A_9 {add = true} : memref<77824xi32, #tpu.memory_space<vmem>>[vector<16xi32>], vector<16xi32>,
    } {sc.loop_unroll_factor = 16 : i64, sc.parallel_access}
    %mul3A_236 = arith.constant 32768 : i32
    %mul3A_237 = arith.muli %add3A, %mul3A_236 : i32
    %add3A_238 = arith.constant 0 : i32
    %add3A_239 = arith.addi %mul3A_237, %add3A_238 : i32
    %dma_start3A_240 = tpu.memref_slice %arg11[%add3A_239] : memref<1048576xi32, #tpu.memory_space<hbm>> -> memref<16384xi32, #tpu.memory_space<hbm>>
    %dma_start3A_241 = tpu.memref_slice %arg11[%add3A_239] : memref<1048576xi32, #tpu.memory_space<hbm>> -> memref<16384xi32, #tpu.memory_space<hbm>>
    tpu.enqueue_dma source(%dma_start3A_241 : memref<16384xi32, #tpu.memory_space<hbm>>) target(%arg13 : memref<16384xi32, #tpu.memory_space<vmem>>) target_semaphore(%arg16 : memref<!tpu.dma_semaphore, #tpu.memory_space<semaphore_mem>>)
    %dma_wait3A_242 = arith.constant 0 : i32
    %dma_wait3A_243 = tpu.memref_slice %arg2[%dma_wait3A_242] : memref<1048576xi32, #tpu.memory_space<hbm>> -> memref<16384xi32, #tpu.memory_space<hbm>>
    %dma_wait3A_244 = arith.constant 0 : i32
    %dma_wait3A_245 = tpu.memref_slice %arg2[%dma_wait3A_244] : memref<1048576xi32, #tpu.memory_space<hbm>> -> memref<16384xi32, #tpu.memory_space<hbm>>
    tpu.wait_dma2 semaphore(%arg17 : memref<!tpu.dma_semaphore, #tpu.memory_space<semaphore_mem>>) src(%dma_wait3A_245 : memref<16384xi32, #tpu.memory_space<hbm>>) dst(%arg14 : memref<16384xi32, #tpu.memory_space<vmem>>)
    %parallel_loop3A_246 = arith.constant 0 : i32
    %parallel_loop3A_247 = arith.constant 1024 : i32
    %parallel_loop3A_248 = arith.constant 1 : i32
    scf.for %parallel_loop3A_269 = %parallel_loop3A_246 to %parallel_loop3A_247 step %parallel_loop3A_248  : i32 {
      %parallel_loop3A_270 = arith.constant 16 : i32
      %parallel_loop3A_271 = arith.muli %parallel_loop3A_269, %parallel_loop3A_270 : i32
      %parallel_loop3A_272 = arith.index_cast %parallel_loop3A_271 : i32 to index
      %parallel_loop3A_273 = tpu.vector_load %arg14[%parallel_loop3A_272] {strides = array<i32>} : memref<16384xi32, #tpu.memory_space<vmem>>, vector<16xi32>,
      %parallel_loop3A_274 = arith.andi %parallel_loop3A_273, %broadcast_in_dim3A_11 : vector<16xi32>
      %parallel_loop3A_275 = arith.constant 16 : i32
      %parallel_loop3A_276 = vector.broadcast %parallel_loop3A_275 : i32 to vector<16xi32>
      %parallel_loop3A_277 = arith.shrui %parallel_loop3A_273, %parallel_loop3A_276 : vector<16xi32>
      tpu.vector_store_idx %arg15[%parallel_loop3A_274], %broadcast_in_dim3A_9 {add = true} : memref<77824xi32, #tpu.memory_space<vmem>>[vector<16xi32>], vector<16xi32>,
      tpu.vector_store_idx %arg15[%parallel_loop3A_277], %broadcast_in_dim3A_9 {add = true} : memref<77824xi32, #tpu.memory_space<vmem>>[vector<16xi32>], vector<16xi32>,
    } {sc.loop_unroll_factor = 16 : i64, sc.parallel_access}
    %mul3A_249 = arith.constant 32768 : i32
    %mul3A_250 = arith.muli %add3A, %mul3A_249 : i32
    %add3A_251 = arith.constant 16384 : i32
    %add3A_252 = arith.addi %mul3A_250, %add3A_251 : i32
    %dma_start3A_253 = tpu.memref_slice %arg11[%add3A_252] : memref<1048576xi32, #tpu.memory_space<hbm>> -> memref<16384xi32, #tpu.memory_space<hbm>>
    %dma_start3A_254 = tpu.memref_slice %arg11[%add3A_252] : memref<1048576xi32, #tpu.memory_space<hbm>> -> memref<16384xi32, #tpu.memory_space<hbm>>
    tpu.enqueue_dma source(%dma_start3A_254 : memref<16384xi32, #tpu.memory_space<hbm>>) target(%arg14 : memref<16384xi32, #tpu.memory_space<vmem>>) target_semaphore(%arg17 : memref<!tpu.dma_semaphore, #tpu.memory_space<semaphore_mem>>)
    %dma_wait3A_255 = arith.constant 0 : i32
    %dma_wait3A_256 = tpu.memref_slice %arg2[%dma_wait3A_255] : memref<1048576xi32, #tpu.memory_space<hbm>> -> memref<16384xi32, #tpu.memory_space<hbm>>
    %dma_wait3A_257 = arith.constant 0 : i32
    %dma_wait3A_258 = tpu.memref_slice %arg2[%dma_wait3A_257] : memref<1048576xi32, #tpu.memory_space<hbm>> -> memref<16384xi32, #tpu.memory_space<hbm>>
    tpu.wait_dma2 semaphore(%arg16 : memref<!tpu.dma_semaphore, #tpu.memory_space<semaphore_mem>>) src(%dma_wait3A_258 : memref<16384xi32, #tpu.memory_space<hbm>>) dst(%arg13 : memref<16384xi32, #tpu.memory_space<vmem>>)
    %parallel_loop3A_259 = arith.constant 0 : i32
    %parallel_loop3A_260 = arith.constant 1024 : i32
    %parallel_loop3A_261 = arith.constant 1 : i32
    scf.for %parallel_loop3A_269 = %parallel_loop3A_259 to %parallel_loop3A_260 step %parallel_loop3A_261  : i32 {
      %parallel_loop3A_270 = arith.constant 16 : i32
      %parallel_loop3A_271 = arith.muli %parallel_loop3A_269, %parallel_loop3A_270 : i32
      %parallel_loop3A_272 = arith.index_cast %parallel_loop3A_271 : i32 to index
      %parallel_loop3A_273 = tpu.vector_load %arg13[%parallel_loop3A_272] {strides = array<i32>} : memref<16384xi32, #tpu.memory_space<vmem>>, vector<16xi32>,
      %parallel_loop3A_274 = arith.andi %parallel_loop3A_273, %broadcast_in_dim3A_11 : vector<16xi32>
      %parallel_loop3A_275 = arith.constant 16 : i32
      %parallel_loop3A_276 = vector.broadcast %parallel_loop3A_275 : i32 to vector<16xi32>
      %parallel_loop3A_277 = arith.shrui %parallel_loop3A_273, %parallel_loop3A_276 : vector<16xi32>
      %parallel_loop3A_278 = arith.constant 38912 : i32
      %parallel_loop3A_279 = vector.broadcast %parallel_loop3A_278 : i32 to vector<16xi32>
      %parallel_loop3A_280 = arith.addi %parallel_loop3A_277, %parallel_loop3A_279 : vector<16xi32>
      tpu.vector_store_idx %arg15[%parallel_loop3A_274], %broadcast_in_dim3A_9 {add = true} : memref<77824xi32, #tpu.memory_space<vmem>>[vector<16xi32>], vector<16xi32>,
      tpu.vector_store_idx %arg15[%parallel_loop3A_280], %broadcast_in_dim3A_9 {add = true} : memref<77824xi32, #tpu.memory_space<vmem>>[vector<16xi32>], vector<16xi32>,
    } {sc.loop_unroll_factor = 16 : i64, sc.parallel_access}
    %dma_wait3A_262 = arith.constant 0 : i32
    %dma_wait3A_263 = tpu.memref_slice %arg2[%dma_wait3A_262] : memref<1048576xi32, #tpu.memory_space<hbm>> -> memref<16384xi32, #tpu.memory_space<hbm>>
    %dma_wait3A_264 = arith.constant 0 : i32
    %dma_wait3A_265 = tpu.memref_slice %arg2[%dma_wait3A_264] : memref<1048576xi32, #tpu.memory_space<hbm>> -> memref<16384xi32, #tpu.memory_space<hbm>>
    tpu.wait_dma2 semaphore(%arg17 : memref<!tpu.dma_semaphore, #tpu.memory_space<semaphore_mem>>) src(%dma_wait3A_265 : memref<16384xi32, #tpu.memory_space<hbm>>) dst(%arg14 : memref<16384xi32, #tpu.memory_space<vmem>>)
    %parallel_loop3A_266 = arith.constant 0 : i32
    %parallel_loop3A_267 = arith.constant 1024 : i32
    %parallel_loop3A_268 = arith.constant 1 : i32
    scf.for %parallel_loop3A_269 = %parallel_loop3A_266 to %parallel_loop3A_267 step %parallel_loop3A_268  : i32 {
      %parallel_loop3A_270 = arith.constant 16 : i32
      %parallel_loop3A_271 = arith.muli %parallel_loop3A_269, %parallel_loop3A_270 : i32
      %parallel_loop3A_272 = arith.index_cast %parallel_loop3A_271 : i32 to index
      %parallel_loop3A_273 = tpu.vector_load %arg14[%parallel_loop3A_272] {strides = array<i32>} : memref<16384xi32, #tpu.memory_space<vmem>>, vector<16xi32>,
      %parallel_loop3A_274 = arith.andi %parallel_loop3A_273, %broadcast_in_dim3A_11 : vector<16xi32>
      %parallel_loop3A_275 = arith.constant 16 : i32
      %parallel_loop3A_276 = vector.broadcast %parallel_loop3A_275 : i32 to vector<16xi32>
      %parallel_loop3A_277 = arith.shrui %parallel_loop3A_273, %parallel_loop3A_276 : vector<16xi32>
      %parallel_loop3A_278 = arith.constant 38912 : i32
      %parallel_loop3A_279 = vector.broadcast %parallel_loop3A_278 : i32 to vector<16xi32>
      %parallel_loop3A_280 = arith.addi %parallel_loop3A_277, %parallel_loop3A_279 : vector<16xi32>
      tpu.vector_store_idx %arg15[%parallel_loop3A_274], %broadcast_in_dim3A_9 {add = true} : memref<77824xi32, #tpu.memory_space<vmem>>[vector<16xi32>], vector<16xi32>,
      tpu.vector_store_idx %arg15[%parallel_loop3A_280], %broadcast_in_dim3A_9 {add = true} : memref<77824xi32, #tpu.memory_space<vmem>>[vector<16xi32>], vector<16xi32>,
    } {sc.loop_unroll_factor = 16 : i64, sc.parallel_access}
    "tpu.region"() ({
      %run_scoped3A = tpu.sem_alloc : memref<!tpu.dma_semaphore, #tpu.memory_space<semaphore_mem>>
      %dma_start3A_269 = arith.constant 0 : i32
      %dma_start3A_270 = tpu.memref_slice %arg12[%add3A, %dma_start3A_269] : memref<32x77824xi32, #tpu.memory_space<hbm>> -> memref<1x77824xi32, #tpu.memory_space<hbm>>
      %dma_start3A_271 = tpu.memref_squeeze %dma_start3A_270 : memref<1x77824xi32, #tpu.memory_space<hbm>> -> memref<77824xi32, #tpu.memory_space<hbm>>
      %dma_start3A_272 = arith.constant 0 : i32
      %dma_start3A_273 = tpu.memref_slice %arg12[%add3A, %dma_start3A_272] : memref<32x77824xi32, #tpu.memory_space<hbm>> -> memref<1x77824xi32, #tpu.memory_space<hbm>>
      %dma_start3A_274 = tpu.memref_squeeze %dma_start3A_273 : memref<1x77824xi32, #tpu.memory_space<hbm>> -> memref<77824xi32, #tpu.memory_space<hbm>>
      tpu.enqueue_dma source(%arg15 : memref<77824xi32, #tpu.memory_space<vmem>>) target(%dma_start3A_274 : memref<77824xi32, #tpu.memory_space<hbm>>) target_semaphore(%run_scoped3A : memref<!tpu.dma_semaphore, #tpu.memory_space<semaphore_mem>>)
      %dma_wait3A_275 = arith.constant 0 : i32
      %dma_wait3A_276 = tpu.memref_slice %arg12[%add3A, %dma_wait3A_275] : memref<32x77824xi32, #tpu.memory_space<hbm>> -> memref<1x77824xi32, #tpu.memory_space<hbm>>
      %dma_wait3A_277 = tpu.memref_squeeze %dma_wait3A_276 : memref<1x77824xi32, #tpu.memory_space<hbm>> -> memref<77824xi32, #tpu.memory_space<hbm>>
      %dma_wait3A_278 = arith.constant 0 : i32
      %dma_wait3A_279 = tpu.memref_slice %arg12[%add3A, %dma_wait3A_278] : memref<32x77824xi32, #tpu.memory_space<hbm>> -> memref<1x77824xi32, #tpu.memory_space<hbm>>
      %dma_wait3A_280 = tpu.memref_squeeze %dma_wait3A_279 : memref<1x77824xi32, #tpu.memory_space<hbm>> -> memref<77824xi32, #tpu.memory_space<hbm>>
      tpu.wait_dma2 semaphore(%run_scoped3A : memref<!tpu.dma_semaphore, #tpu.memory_space<semaphore_mem>>) src(%arg15 : memref<77824xi32, #tpu.memory_space<vmem>>) dst(%dma_wait3A_280 : memref<77824xi32, #tpu.memory_space<hbm>>)
      tpu.yield
    }) : () -> ()
    return
  }
}

module attributes {stable_mosaic.version = 14 : i64} {
  func.func @kern(%arg0: memref<32x77824xi32, #tpu.memory_space<vmem>>, %arg1: memref<1x1xf32, #tpu.memory_space<smem>>) attributes {dimension_semantics = [], scalar_prefetch = 0 : i64, scratch_operands = 0 : i64, tpu.core_type = #tpu.core_type<tc>} {
    %get3A = arith.constant 0 : index
    %get3A_0 = arith.constant 0 : index
    %get3A_1 = vector.load %arg0[%get3A, %get3A_0] : memref<32x77824xi32, #tpu.memory_space<vmem>>, vector<32x77824xi32>
    %convert_element_type3A = arith.sitofp %get3A_1 : vector<32x77824xi32> to vector<32x77824xf32>
    %reduce_sum3A = arith.constant dense<0.000000e+00> : vector<77824xf32>
    %reduce_sum3A_2 = vector.multi_reduction <add>, %convert_element_type3A, %reduce_sum3A [0] : vector<32x77824xf32> to vector<77824xf32>
    %reshape3A = vector.shape_cast %reduce_sum3A_2 : vector<77824xf32> to vector<1x77824xf32>
    %slice3A = vector.extract_strided_slice %reshape3A {offsets = [0, 0], sizes = [1, 2048], strides = [1, 1]} : vector<1x77824xf32> to vector<1x2048xf32>
    %slice3A_3 = vector.extract_strided_slice %reshape3A {offsets = [0, 2048], sizes = [1, 2048], strides = [1, 1]} : vector<1x77824xf32> to vector<1x2048xf32>
    %slice3A_4 = vector.extract_strided_slice %reshape3A {offsets = [0, 4096], sizes = [1, 2048], strides = [1, 1]} : vector<1x77824xf32> to vector<1x2048xf32>
    %slice3A_5 = vector.extract_strided_slice %reshape3A {offsets = [0, 6144], sizes = [1, 2048], strides = [1, 1]} : vector<1x77824xf32> to vector<1x2048xf32>
    %slice3A_6 = vector.extract_strided_slice %reshape3A {offsets = [0, 8192], sizes = [1, 2048], strides = [1, 1]} : vector<1x77824xf32> to vector<1x2048xf32>
    %slice3A_7 = vector.extract_strided_slice %reshape3A {offsets = [0, 10240], sizes = [1, 2048], strides = [1, 1]} : vector<1x77824xf32> to vector<1x2048xf32>
    %slice3A_8 = vector.extract_strided_slice %reshape3A {offsets = [0, 12288], sizes = [1, 2048], strides = [1, 1]} : vector<1x77824xf32> to vector<1x2048xf32>
    %slice3A_9 = vector.extract_strided_slice %reshape3A {offsets = [0, 14336], sizes = [1, 2048], strides = [1, 1]} : vector<1x77824xf32> to vector<1x2048xf32>
    %slice3A_10 = vector.extract_strided_slice %reshape3A {offsets = [0, 16384], sizes = [1, 2048], strides = [1, 1]} : vector<1x77824xf32> to vector<1x2048xf32>
    %slice3A_11 = vector.extract_strided_slice %reshape3A {offsets = [0, 18432], sizes = [1, 2048], strides = [1, 1]} : vector<1x77824xf32> to vector<1x2048xf32>
    %slice3A_12 = vector.extract_strided_slice %reshape3A {offsets = [0, 20480], sizes = [1, 2048], strides = [1, 1]} : vector<1x77824xf32> to vector<1x2048xf32>
    %slice3A_13 = vector.extract_strided_slice %reshape3A {offsets = [0, 22528], sizes = [1, 2048], strides = [1, 1]} : vector<1x77824xf32> to vector<1x2048xf32>
    %slice3A_14 = vector.extract_strided_slice %reshape3A {offsets = [0, 24576], sizes = [1, 2048], strides = [1, 1]} : vector<1x77824xf32> to vector<1x2048xf32>
    %slice3A_15 = vector.extract_strided_slice %reshape3A {offsets = [0, 26624], sizes = [1, 2048], strides = [1, 1]} : vector<1x77824xf32> to vector<1x2048xf32>
    %slice3A_16 = vector.extract_strided_slice %reshape3A {offsets = [0, 28672], sizes = [1, 2048], strides = [1, 1]} : vector<1x77824xf32> to vector<1x2048xf32>
    %slice3A_17 = vector.extract_strided_slice %reshape3A {offsets = [0, 30720], sizes = [1, 2048], strides = [1, 1]} : vector<1x77824xf32> to vector<1x2048xf32>
    %slice3A_18 = vector.extract_strided_slice %reshape3A {offsets = [0, 32768], sizes = [1, 2048], strides = [1, 1]} : vector<1x77824xf32> to vector<1x2048xf32>
    %slice3A_19 = vector.extract_strided_slice %reshape3A {offsets = [0, 34816], sizes = [1, 2048], strides = [1, 1]} : vector<1x77824xf32> to vector<1x2048xf32>
    %slice3A_20 = vector.extract_strided_slice %reshape3A {offsets = [0, 36864], sizes = [1, 2048], strides = [1, 1]} : vector<1x77824xf32> to vector<1x2048xf32>
    %concatenate3A = tpu.concatenate %slice3A, %slice3A_3, %slice3A_4, %slice3A_5, %slice3A_6, %slice3A_7, %slice3A_8, %slice3A_9, %slice3A_10, %slice3A_11, %slice3A_12, %slice3A_13, %slice3A_14, %slice3A_15, %slice3A_16, %slice3A_17, %slice3A_18, %slice3A_19, %slice3A_20 in 0 : vector<1x2048xf32>, vector<1x2048xf32>, vector<1x2048xf32>, vector<1x2048xf32>, vector<1x2048xf32>, vector<1x2048xf32>, vector<1x2048xf32>, vector<1x2048xf32>, vector<1x2048xf32>, vector<1x2048xf32>, vector<1x2048xf32>, vector<1x2048xf32>, vector<1x2048xf32>, vector<1x2048xf32>, vector<1x2048xf32>, vector<1x2048xf32>, vector<1x2048xf32>, vector<1x2048xf32>, vector<1x2048xf32> -> vector<19x2048xf32>
    %slice3A_21 = vector.extract_strided_slice %reshape3A {offsets = [0, 38912], sizes = [1, 2048], strides = [1, 1]} : vector<1x77824xf32> to vector<1x2048xf32>
    %slice3A_22 = vector.extract_strided_slice %reshape3A {offsets = [0, 40960], sizes = [1, 2048], strides = [1, 1]} : vector<1x77824xf32> to vector<1x2048xf32>
    %slice3A_23 = vector.extract_strided_slice %reshape3A {offsets = [0, 43008], sizes = [1, 2048], strides = [1, 1]} : vector<1x77824xf32> to vector<1x2048xf32>
    %slice3A_24 = vector.extract_strided_slice %reshape3A {offsets = [0, 45056], sizes = [1, 2048], strides = [1, 1]} : vector<1x77824xf32> to vector<1x2048xf32>
    %slice3A_25 = vector.extract_strided_slice %reshape3A {offsets = [0, 47104], sizes = [1, 2048], strides = [1, 1]} : vector<1x77824xf32> to vector<1x2048xf32>
    %slice3A_26 = vector.extract_strided_slice %reshape3A {offsets = [0, 49152], sizes = [1, 2048], strides = [1, 1]} : vector<1x77824xf32> to vector<1x2048xf32>
    %slice3A_27 = vector.extract_strided_slice %reshape3A {offsets = [0, 51200], sizes = [1, 2048], strides = [1, 1]} : vector<1x77824xf32> to vector<1x2048xf32>
    %slice3A_28 = vector.extract_strided_slice %reshape3A {offsets = [0, 53248], sizes = [1, 2048], strides = [1, 1]} : vector<1x77824xf32> to vector<1x2048xf32>
    %slice3A_29 = vector.extract_strided_slice %reshape3A {offsets = [0, 55296], sizes = [1, 2048], strides = [1, 1]} : vector<1x77824xf32> to vector<1x2048xf32>
    %slice3A_30 = vector.extract_strided_slice %reshape3A {offsets = [0, 57344], sizes = [1, 2048], strides = [1, 1]} : vector<1x77824xf32> to vector<1x2048xf32>
    %slice3A_31 = vector.extract_strided_slice %reshape3A {offsets = [0, 59392], sizes = [1, 2048], strides = [1, 1]} : vector<1x77824xf32> to vector<1x2048xf32>
    %slice3A_32 = vector.extract_strided_slice %reshape3A {offsets = [0, 61440], sizes = [1, 2048], strides = [1, 1]} : vector<1x77824xf32> to vector<1x2048xf32>
    %slice3A_33 = vector.extract_strided_slice %reshape3A {offsets = [0, 63488], sizes = [1, 2048], strides = [1, 1]} : vector<1x77824xf32> to vector<1x2048xf32>
    %slice3A_34 = vector.extract_strided_slice %reshape3A {offsets = [0, 65536], sizes = [1, 2048], strides = [1, 1]} : vector<1x77824xf32> to vector<1x2048xf32>
    %slice3A_35 = vector.extract_strided_slice %reshape3A {offsets = [0, 67584], sizes = [1, 2048], strides = [1, 1]} : vector<1x77824xf32> to vector<1x2048xf32>
    %slice3A_36 = vector.extract_strided_slice %reshape3A {offsets = [0, 69632], sizes = [1, 2048], strides = [1, 1]} : vector<1x77824xf32> to vector<1x2048xf32>
    %slice3A_37 = vector.extract_strided_slice %reshape3A {offsets = [0, 71680], sizes = [1, 2048], strides = [1, 1]} : vector<1x77824xf32> to vector<1x2048xf32>
    %slice3A_38 = vector.extract_strided_slice %reshape3A {offsets = [0, 73728], sizes = [1, 2048], strides = [1, 1]} : vector<1x77824xf32> to vector<1x2048xf32>
    %slice3A_39 = vector.extract_strided_slice %reshape3A {offsets = [0, 75776], sizes = [1, 2048], strides = [1, 1]} : vector<1x77824xf32> to vector<1x2048xf32>
    %concatenate3A_40 = tpu.concatenate %slice3A_21, %slice3A_22, %slice3A_23, %slice3A_24, %slice3A_25, %slice3A_26, %slice3A_27, %slice3A_28, %slice3A_29, %slice3A_30, %slice3A_31, %slice3A_32, %slice3A_33, %slice3A_34, %slice3A_35, %slice3A_36, %slice3A_37, %slice3A_38, %slice3A_39 in 0 : vector<1x2048xf32>, vector<1x2048xf32>, vector<1x2048xf32>, vector<1x2048xf32>, vector<1x2048xf32>, vector<1x2048xf32>, vector<1x2048xf32>, vector<1x2048xf32>, vector<1x2048xf32>, vector<1x2048xf32>, vector<1x2048xf32>, vector<1x2048xf32>, vector<1x2048xf32>, vector<1x2048xf32>, vector<1x2048xf32>, vector<1x2048xf32>, vector<1x2048xf32>, vector<1x2048xf32>, vector<1x2048xf32> -> vector<19x2048xf32>
    %sub3A = arith.subf %concatenate3A, %concatenate3A_40 : vector<19x2048xf32>
    %reduce_sum3A_41 = arith.constant dense<0.000000e+00> : vector<19xf32>
    %reduce_sum3A_42 = vector.multi_reduction <add>, %concatenate3A_40, %reduce_sum3A_41 [1] : vector<19x2048xf32> to vector<19xf32>
    %broadcast_in_dim3A = vector.shape_cast %reduce_sum3A_42 : vector<19xf32> to vector<19x1xf32>
    %iota3A = tpu.iota {dimensions = array<i32: 0>} : vector<2048x256xi32>
    %iota3A_43 = tpu.iota {dimensions = array<i32: 1>} : vector<2048x256xi32>
    %add3A = arith.addi %iota3A, %iota3A_43 : vector<2048x256xi32>
    %add3A_44 = arith.constant 0 : i32
    %add3A_45 = vector.broadcast %add3A_44 : i32 to vector<2048x256xi32>
    %add3A_46 = arith.addi %add3A, %add3A_45 : vector<2048x256xi32>
    %lt3A = arith.constant 2048 : i32
    %lt3A_47 = vector.broadcast %lt3A : i32 to vector<2048x256xi32>
    %lt3A_48 = arith.cmpi slt, %add3A_46, %lt3A_47 : vector<2048x256xi32>
    %jit3A = arith.constant 1.000000e+00 : f32
    %jit3A_49 = arith.constant 0.000000e+00 : f32
    %broadcast_in_dim3A_50 = vector.broadcast %jit3A : f32 to vector<2048x256xf32>
    %broadcast_in_dim3A_51 = vector.broadcast %jit3A_49 : f32 to vector<2048x256xf32>
    %select_n3A = arith.select %lt3A_48, %broadcast_in_dim3A_50, %broadcast_in_dim3A_51 : vector<2048x256xi1>, vector<2048x256xf32>
    %add3A_52 = arith.constant 0 : i32
    %add3A_53 = vector.broadcast %add3A_52 : i32 to vector<2048x256xi32>
    %add3A_54 = arith.addi %iota3A_43, %add3A_53 : vector<2048x256xi32>
    %ge3A = arith.cmpi sge, %iota3A, %add3A_54 : vector<2048x256xi32>
    %jit3A_55 = arith.constant 1.000000e+00 : f32
    %jit3A_56 = arith.constant 0.000000e+00 : f32
    %broadcast_in_dim3A_57 = vector.broadcast %jit3A_55 : f32 to vector<2048x256xf32>
    %broadcast_in_dim3A_58 = vector.broadcast %jit3A_56 : f32 to vector<2048x256xf32>
    %select_n3A_59 = arith.select %ge3A, %broadcast_in_dim3A_57, %broadcast_in_dim3A_58 : vector<2048x256xi1>, vector<2048x256xf32>
    %dot_general3A = arith.constant dense<0.000000e+00> : vector<19x256xf32>
    %dot_general3A_60 = tpu.matmul %concatenate3A_40, %select_n3A, %dot_general3A {dimension_numbers = #tpu.dot_dimension_numbers<[1], [0], [0], [1], [0, 0, 1, 1], [], []>, transpose_lhs_hint = false} : vector<19x2048xf32>, vector<2048x256xf32>, vector<19x256xf32> -> vector<19x256xf32>
    %dot_general3A_61 = arith.constant dense<0.000000e+00> : vector<19x256xf32>
    %dot_general3A_62 = tpu.matmul %sub3A, %select_n3A_59, %dot_general3A_61 {dimension_numbers = #tpu.dot_dimension_numbers<[1], [0], [0], [1], [0, 0, 1, 1], [], []>, transpose_lhs_hint = false} : vector<19x2048xf32>, vector<2048x256xf32>, vector<19x256xf32> -> vector<19x256xf32>
    %add3A_63 = vector.broadcast %broadcast_in_dim3A : vector<19x1xf32> to vector<19x256xf32>
    %add3A_64 = arith.addf %add3A_63, %dot_general3A_62 : vector<19x256xf32>
    %gt3A = arith.constant 0.000000e+00 : f32
    %gt3A_65 = vector.broadcast %gt3A : f32 to vector<19x256xf32>
    %gt3A_66 = arith.cmpf ogt, %add3A_64, %gt3A_65 : vector<19x256xf32>
    %sub3A_67 = vector.broadcast %broadcast_in_dim3A : vector<19x1xf32> to vector<19x256xf32>
    %sub3A_68 = arith.subf %sub3A_67, %dot_general3A_60 : vector<19x256xf32>
    %gt3A_69 = arith.constant 0.000000e+00 : f32
    %gt3A_70 = vector.broadcast %gt3A_69 : f32 to vector<19x256xf32>
    %gt3A_71 = arith.cmpf ogt, %add3A_64, %gt3A_70 : vector<19x256xf32>
    %jit3A_72 = arith.constant 1.000000e+00 : f32
    %broadcast_in_dim3A_73 = vector.broadcast %jit3A_72 : f32 to vector<19x256xf32>
    %select_n3A_74 = arith.select %gt3A_71, %add3A_64, %broadcast_in_dim3A_73 : vector<19x256xi1>, vector<19x256xf32>
    %div3A = arith.divf %sub3A_68, %select_n3A_74 : vector<19x256xf32>
    %sub3A_75 = arith.constant 1.000000e+00 : f32
    %sub3A_76 = vector.broadcast %sub3A_75 : f32 to vector<19x256xf32>
    %sub3A_77 = arith.subf %sub3A_76, %div3A : vector<19x256xf32>
    %jit3A_78 = arith.constant 0.000000e+00 : f32
    %broadcast_in_dim3A_79 = vector.broadcast %jit3A_78 : f32 to vector<19x256xf32>
    %select_n3A_80 = arith.select %gt3A_66, %sub3A_77, %broadcast_in_dim3A_79 : vector<19x256xi1>, vector<19x256xf32>
    %reduce_sum3A_81 = vector.shape_cast %select_n3A_80 : vector<19x256xf32> to vector<1x19x256xf32>
    %reduce_sum3A_82 = arith.constant dense<0.000000e+00> : vector<1xf32>
    %reduce_sum3A_83 = vector.multi_reduction <add>, %reduce_sum3A_81, %reduce_sum3A_82 [1, 2] : vector<1x19x256xf32> to vector<1xf32>
    %reduce_sum3A_84 = vector.shape_cast %reduce_sum3A_83 : vector<1xf32> to vector<1x1x1xf32>
    %reduce_sum3A_85 = vector.extract %reduce_sum3A_84[0, 0, 0] : f32 from vector<1x1x1xf32>
    %add3A_86 = arith.constant 0.000000e+00 : f32
    %add3A_87 = arith.addf %add3A_86, %reduce_sum3A_85 : f32
    %slice3A_88 = vector.extract_strided_slice %select_n3A_80 {offsets = [0, 0], sizes = [19, 1], strides = [1, 1]} : vector<19x256xf32> to vector<19x1xf32>
    %reduce_sum3A_89 = vector.shape_cast %slice3A_88 : vector<19x1xf32> to vector<1x19x1xf32>
    %reduce_sum3A_90 = arith.constant dense<0.000000e+00> : vector<1xf32>
    %reduce_sum3A_91 = vector.multi_reduction <add>, %reduce_sum3A_89, %reduce_sum3A_90 [1, 2] : vector<1x19x1xf32> to vector<1xf32>
    %reduce_sum3A_92 = vector.shape_cast %reduce_sum3A_91 : vector<1xf32> to vector<1x1x1xf32>
    %reduce_sum3A_93 = vector.extract %reduce_sum3A_92[0, 0, 0] : f32 from vector<1x1x1xf32>
    %add3A_94 = arith.addi %iota3A, %iota3A_43 : vector<2048x256xi32>
    %add3A_95 = arith.constant 256 : i32
    %add3A_96 = vector.broadcast %add3A_95 : i32 to vector<2048x256xi32>
    %add3A_97 = arith.addi %add3A_94, %add3A_96 : vector<2048x256xi32>
    %lt3A_98 = arith.constant 2048 : i32
    %lt3A_99 = vector.broadcast %lt3A_98 : i32 to vector<2048x256xi32>
    %lt3A_100 = arith.cmpi slt, %add3A_97, %lt3A_99 : vector<2048x256xi32>
    %jit3A_101 = arith.constant 1.000000e+00 : f32
    %jit3A_102 = arith.constant 0.000000e+00 : f32
    %broadcast_in_dim3A_103 = vector.broadcast %jit3A_101 : f32 to vector<2048x256xf32>
    %broadcast_in_dim3A_104 = vector.broadcast %jit3A_102 : f32 to vector<2048x256xf32>
    %select_n3A_105 = arith.select %lt3A_100, %broadcast_in_dim3A_103, %broadcast_in_dim3A_104 : vector<2048x256xi1>, vector<2048x256xf32>
    %add3A_106 = arith.constant 256 : i32
    %add3A_107 = vector.broadcast %add3A_106 : i32 to vector<2048x256xi32>
    %add3A_108 = arith.addi %iota3A_43, %add3A_107 : vector<2048x256xi32>
    %ge3A_109 = arith.cmpi sge, %iota3A, %add3A_108 : vector<2048x256xi32>
    %jit3A_110 = arith.constant 1.000000e+00 : f32
    %jit3A_111 = arith.constant 0.000000e+00 : f32
    %broadcast_in_dim3A_112 = vector.broadcast %jit3A_110 : f32 to vector<2048x256xf32>
    %broadcast_in_dim3A_113 = vector.broadcast %jit3A_111 : f32 to vector<2048x256xf32>
    %select_n3A_114 = arith.select %ge3A_109, %broadcast_in_dim3A_112, %broadcast_in_dim3A_113 : vector<2048x256xi1>, vector<2048x256xf32>
    %dot_general3A_115 = arith.constant dense<0.000000e+00> : vector<19x256xf32>
    %dot_general3A_116 = tpu.matmul %concatenate3A_40, %select_n3A_105, %dot_general3A_115 {dimension_numbers = #tpu.dot_dimension_numbers<[1], [0], [0], [1], [0, 0, 1, 1], [], []>, transpose_lhs_hint = false} : vector<19x2048xf32>, vector<2048x256xf32>, vector<19x256xf32> -> vector<19x256xf32>
    %dot_general3A_117 = arith.constant dense<0.000000e+00> : vector<19x256xf32>
    %dot_general3A_118 = tpu.matmul %sub3A, %select_n3A_114, %dot_general3A_117 {dimension_numbers = #tpu.dot_dimension_numbers<[1], [0], [0], [1], [0, 0, 1, 1], [], []>, transpose_lhs_hint = false} : vector<19x2048xf32>, vector<2048x256xf32>, vector<19x256xf32> -> vector<19x256xf32>
    %add3A_119 = vector.broadcast %broadcast_in_dim3A : vector<19x1xf32> to vector<19x256xf32>
    %add3A_120 = arith.addf %add3A_119, %dot_general3A_118 : vector<19x256xf32>
    %gt3A_121 = arith.constant 0.000000e+00 : f32
    %gt3A_122 = vector.broadcast %gt3A_121 : f32 to vector<19x256xf32>
    %gt3A_123 = arith.cmpf ogt, %add3A_120, %gt3A_122 : vector<19x256xf32>
    %sub3A_124 = vector.broadcast %broadcast_in_dim3A : vector<19x1xf32> to vector<19x256xf32>
    %sub3A_125 = arith.subf %sub3A_124, %dot_general3A_116 : vector<19x256xf32>
    %gt3A_126 = arith.constant 0.000000e+00 : f32
    %gt3A_127 = vector.broadcast %gt3A_126 : f32 to vector<19x256xf32>
    %gt3A_128 = arith.cmpf ogt, %add3A_120, %gt3A_127 : vector<19x256xf32>
    %jit3A_129 = arith.constant 1.000000e+00 : f32
    %broadcast_in_dim3A_130 = vector.broadcast %jit3A_129 : f32 to vector<19x256xf32>
    %select_n3A_131 = arith.select %gt3A_128, %add3A_120, %broadcast_in_dim3A_130 : vector<19x256xi1>, vector<19x256xf32>
    %div3A_132 = arith.divf %sub3A_125, %select_n3A_131 : vector<19x256xf32>
    %sub3A_133 = arith.constant 1.000000e+00 : f32
    %sub3A_134 = vector.broadcast %sub3A_133 : f32 to vector<19x256xf32>
    %sub3A_135 = arith.subf %sub3A_134, %div3A_132 : vector<19x256xf32>
    %jit3A_136 = arith.constant 0.000000e+00 : f32
    %broadcast_in_dim3A_137 = vector.broadcast %jit3A_136 : f32 to vector<19x256xf32>
    %select_n3A_138 = arith.select %gt3A_123, %sub3A_135, %broadcast_in_dim3A_137 : vector<19x256xi1>, vector<19x256xf32>
    %reduce_sum3A_139 = vector.shape_cast %select_n3A_138 : vector<19x256xf32> to vector<1x19x256xf32>
    %reduce_sum3A_140 = arith.constant dense<0.000000e+00> : vector<1xf32>
    %reduce_sum3A_141 = vector.multi_reduction <add>, %reduce_sum3A_139, %reduce_sum3A_140 [1, 2] : vector<1x19x256xf32> to vector<1xf32>
    %reduce_sum3A_142 = vector.shape_cast %reduce_sum3A_141 : vector<1xf32> to vector<1x1x1xf32>
    %reduce_sum3A_143 = vector.extract %reduce_sum3A_142[0, 0, 0] : f32 from vector<1x1x1xf32>
    %add3A_144 = arith.addf %add3A_87, %reduce_sum3A_143 : f32
    %add3A_145 = arith.addi %iota3A, %iota3A_43 : vector<2048x256xi32>
    %add3A_146 = arith.constant 512 : i32
    %add3A_147 = vector.broadcast %add3A_146 : i32 to vector<2048x256xi32>
    %add3A_148 = arith.addi %add3A_145, %add3A_147 : vector<2048x256xi32>
    %lt3A_149 = arith.constant 2048 : i32
    %lt3A_150 = vector.broadcast %lt3A_149 : i32 to vector<2048x256xi32>
    %lt3A_151 = arith.cmpi slt, %add3A_148, %lt3A_150 : vector<2048x256xi32>
    %jit3A_152 = arith.constant 1.000000e+00 : f32
    %jit3A_153 = arith.constant 0.000000e+00 : f32
    %broadcast_in_dim3A_154 = vector.broadcast %jit3A_152 : f32 to vector<2048x256xf32>
    %broadcast_in_dim3A_155 = vector.broadcast %jit3A_153 : f32 to vector<2048x256xf32>
    %select_n3A_156 = arith.select %lt3A_151, %broadcast_in_dim3A_154, %broadcast_in_dim3A_155 : vector<2048x256xi1>, vector<2048x256xf32>
    %add3A_157 = arith.constant 512 : i32
    %add3A_158 = vector.broadcast %add3A_157 : i32 to vector<2048x256xi32>
    %add3A_159 = arith.addi %iota3A_43, %add3A_158 : vector<2048x256xi32>
    %ge3A_160 = arith.cmpi sge, %iota3A, %add3A_159 : vector<2048x256xi32>
    %jit3A_161 = arith.constant 1.000000e+00 : f32
    %jit3A_162 = arith.constant 0.000000e+00 : f32
    %broadcast_in_dim3A_163 = vector.broadcast %jit3A_161 : f32 to vector<2048x256xf32>
    %broadcast_in_dim3A_164 = vector.broadcast %jit3A_162 : f32 to vector<2048x256xf32>
    %select_n3A_165 = arith.select %ge3A_160, %broadcast_in_dim3A_163, %broadcast_in_dim3A_164 : vector<2048x256xi1>, vector<2048x256xf32>
    %dot_general3A_166 = arith.constant dense<0.000000e+00> : vector<19x256xf32>
    %dot_general3A_167 = tpu.matmul %concatenate3A_40, %select_n3A_156, %dot_general3A_166 {dimension_numbers = #tpu.dot_dimension_numbers<[1], [0], [0], [1], [0, 0, 1, 1], [], []>, transpose_lhs_hint = false} : vector<19x2048xf32>, vector<2048x256xf32>, vector<19x256xf32> -> vector<19x256xf32>
    %dot_general3A_168 = arith.constant dense<0.000000e+00> : vector<19x256xf32>
    %dot_general3A_169 = tpu.matmul %sub3A, %select_n3A_165, %dot_general3A_168 {dimension_numbers = #tpu.dot_dimension_numbers<[1], [0], [0], [1], [0, 0, 1, 1], [], []>, transpose_lhs_hint = false} : vector<19x2048xf32>, vector<2048x256xf32>, vector<19x256xf32> -> vector<19x256xf32>
    %add3A_170 = vector.broadcast %broadcast_in_dim3A : vector<19x1xf32> to vector<19x256xf32>
    %add3A_171 = arith.addf %add3A_170, %dot_general3A_169 : vector<19x256xf32>
    %gt3A_172 = arith.constant 0.000000e+00 : f32
    %gt3A_173 = vector.broadcast %gt3A_172 : f32 to vector<19x256xf32>
    %gt3A_174 = arith.cmpf ogt, %add3A_171, %gt3A_173 : vector<19x256xf32>
    %sub3A_175 = vector.broadcast %broadcast_in_dim3A : vector<19x1xf32> to vector<19x256xf32>
    %sub3A_176 = arith.subf %sub3A_175, %dot_general3A_167 : vector<19x256xf32>
    %gt3A_177 = arith.constant 0.000000e+00 : f32
    %gt3A_178 = vector.broadcast %gt3A_177 : f32 to vector<19x256xf32>
    %gt3A_179 = arith.cmpf ogt, %add3A_171, %gt3A_178 : vector<19x256xf32>
    %jit3A_180 = arith.constant 1.000000e+00 : f32
    %broadcast_in_dim3A_181 = vector.broadcast %jit3A_180 : f32 to vector<19x256xf32>
    %select_n3A_182 = arith.select %gt3A_179, %add3A_171, %broadcast_in_dim3A_181 : vector<19x256xi1>, vector<19x256xf32>
    %div3A_183 = arith.divf %sub3A_176, %select_n3A_182 : vector<19x256xf32>
    %sub3A_184 = arith.constant 1.000000e+00 : f32
    %sub3A_185 = vector.broadcast %sub3A_184 : f32 to vector<19x256xf32>
    %sub3A_186 = arith.subf %sub3A_185, %div3A_183 : vector<19x256xf32>
    %jit3A_187 = arith.constant 0.000000e+00 : f32
    %broadcast_in_dim3A_188 = vector.broadcast %jit3A_187 : f32 to vector<19x256xf32>
    %select_n3A_189 = arith.select %gt3A_174, %sub3A_186, %broadcast_in_dim3A_188 : vector<19x256xi1>, vector<19x256xf32>
    %reduce_sum3A_190 = vector.shape_cast %select_n3A_189 : vector<19x256xf32> to vector<1x19x256xf32>
    %reduce_sum3A_191 = arith.constant dense<0.000000e+00> : vector<1xf32>
    %reduce_sum3A_192 = vector.multi_reduction <add>, %reduce_sum3A_190, %reduce_sum3A_191 [1, 2] : vector<1x19x256xf32> to vector<1xf32>
    %reduce_sum3A_193 = vector.shape_cast %reduce_sum3A_192 : vector<1xf32> to vector<1x1x1xf32>
    %reduce_sum3A_194 = vector.extract %reduce_sum3A_193[0, 0, 0] : f32 from vector<1x1x1xf32>
    %add3A_195 = arith.addf %add3A_144, %reduce_sum3A_194 : f32
    %add3A_196 = arith.addi %iota3A, %iota3A_43 : vector<2048x256xi32>
    %add3A_197 = arith.constant 768 : i32
    %add3A_198 = vector.broadcast %add3A_197 : i32 to vector<2048x256xi32>
    %add3A_199 = arith.addi %add3A_196, %add3A_198 : vector<2048x256xi32>
    %lt3A_200 = arith.constant 2048 : i32
    %lt3A_201 = vector.broadcast %lt3A_200 : i32 to vector<2048x256xi32>
    %lt3A_202 = arith.cmpi slt, %add3A_199, %lt3A_201 : vector<2048x256xi32>
    %jit3A_203 = arith.constant 1.000000e+00 : f32
    %jit3A_204 = arith.constant 0.000000e+00 : f32
    %broadcast_in_dim3A_205 = vector.broadcast %jit3A_203 : f32 to vector<2048x256xf32>
    %broadcast_in_dim3A_206 = vector.broadcast %jit3A_204 : f32 to vector<2048x256xf32>
    %select_n3A_207 = arith.select %lt3A_202, %broadcast_in_dim3A_205, %broadcast_in_dim3A_206 : vector<2048x256xi1>, vector<2048x256xf32>
    %add3A_208 = arith.constant 768 : i32
    %add3A_209 = vector.broadcast %add3A_208 : i32 to vector<2048x256xi32>
    %add3A_210 = arith.addi %iota3A_43, %add3A_209 : vector<2048x256xi32>
    %ge3A_211 = arith.cmpi sge, %iota3A, %add3A_210 : vector<2048x256xi32>
    %jit3A_212 = arith.constant 1.000000e+00 : f32
    %jit3A_213 = arith.constant 0.000000e+00 : f32
    %broadcast_in_dim3A_214 = vector.broadcast %jit3A_212 : f32 to vector<2048x256xf32>
    %broadcast_in_dim3A_215 = vector.broadcast %jit3A_213 : f32 to vector<2048x256xf32>
    %select_n3A_216 = arith.select %ge3A_211, %broadcast_in_dim3A_214, %broadcast_in_dim3A_215 : vector<2048x256xi1>, vector<2048x256xf32>
    %dot_general3A_217 = arith.constant dense<0.000000e+00> : vector<19x256xf32>
    %dot_general3A_218 = tpu.matmul %concatenate3A_40, %select_n3A_207, %dot_general3A_217 {dimension_numbers = #tpu.dot_dimension_numbers<[1], [0], [0], [1], [0, 0, 1, 1], [], []>, transpose_lhs_hint = false} : vector<19x2048xf32>, vector<2048x256xf32>, vector<19x256xf32> -> vector<19x256xf32>
    %dot_general3A_219 = arith.constant dense<0.000000e+00> : vector<19x256xf32>
    %dot_general3A_220 = tpu.matmul %sub3A, %select_n3A_216, %dot_general3A_219 {dimension_numbers = #tpu.dot_dimension_numbers<[1], [0], [0], [1], [0, 0, 1, 1], [], []>, transpose_lhs_hint = false} : vector<19x2048xf32>, vector<2048x256xf32>, vector<19x256xf32> -> vector<19x256xf32>
    %add3A_221 = vector.broadcast %broadcast_in_dim3A : vector<19x1xf32> to vector<19x256xf32>
    %add3A_222 = arith.addf %add3A_221, %dot_general3A_220 : vector<19x256xf32>
    %gt3A_223 = arith.constant 0.000000e+00 : f32
    %gt3A_224 = vector.broadcast %gt3A_223 : f32 to vector<19x256xf32>
    %gt3A_225 = arith.cmpf ogt, %add3A_222, %gt3A_224 : vector<19x256xf32>
    %sub3A_226 = vector.broadcast %broadcast_in_dim3A : vector<19x1xf32> to vector<19x256xf32>
    %sub3A_227 = arith.subf %sub3A_226, %dot_general3A_218 : vector<19x256xf32>
    %gt3A_228 = arith.constant 0.000000e+00 : f32
    %gt3A_229 = vector.broadcast %gt3A_228 : f32 to vector<19x256xf32>
    %gt3A_230 = arith.cmpf ogt, %add3A_222, %gt3A_229 : vector<19x256xf32>
    %jit3A_231 = arith.constant 1.000000e+00 : f32
    %broadcast_in_dim3A_232 = vector.broadcast %jit3A_231 : f32 to vector<19x256xf32>
    %select_n3A_233 = arith.select %gt3A_230, %add3A_222, %broadcast_in_dim3A_232 : vector<19x256xi1>, vector<19x256xf32>
    %div3A_234 = arith.divf %sub3A_227, %select_n3A_233 : vector<19x256xf32>
    %sub3A_235 = arith.constant 1.000000e+00 : f32
    %sub3A_236 = vector.broadcast %sub3A_235 : f32 to vector<19x256xf32>
    %sub3A_237 = arith.subf %sub3A_236, %div3A_234 : vector<19x256xf32>
    %jit3A_238 = arith.constant 0.000000e+00 : f32
    %broadcast_in_dim3A_239 = vector.broadcast %jit3A_238 : f32 to vector<19x256xf32>
    %select_n3A_240 = arith.select %gt3A_225, %sub3A_237, %broadcast_in_dim3A_239 : vector<19x256xi1>, vector<19x256xf32>
    %reduce_sum3A_241 = vector.shape_cast %select_n3A_240 : vector<19x256xf32> to vector<1x19x256xf32>
    %reduce_sum3A_242 = arith.constant dense<0.000000e+00> : vector<1xf32>
    %reduce_sum3A_243 = vector.multi_reduction <add>, %reduce_sum3A_241, %reduce_sum3A_242 [1, 2] : vector<1x19x256xf32> to vector<1xf32>
    %reduce_sum3A_244 = vector.shape_cast %reduce_sum3A_243 : vector<1xf32> to vector<1x1x1xf32>
    %reduce_sum3A_245 = vector.extract %reduce_sum3A_244[0, 0, 0] : f32 from vector<1x1x1xf32>
    %add3A_246 = arith.addf %add3A_195, %reduce_sum3A_245 : f32
    %add3A_247 = arith.addi %iota3A, %iota3A_43 : vector<2048x256xi32>
    %add3A_248 = arith.constant 1024 : i32
    %add3A_249 = vector.broadcast %add3A_248 : i32 to vector<2048x256xi32>
    %add3A_250 = arith.addi %add3A_247, %add3A_249 : vector<2048x256xi32>
    %lt3A_251 = arith.constant 2048 : i32
    %lt3A_252 = vector.broadcast %lt3A_251 : i32 to vector<2048x256xi32>
    %lt3A_253 = arith.cmpi slt, %add3A_250, %lt3A_252 : vector<2048x256xi32>
    %jit3A_254 = arith.constant 1.000000e+00 : f32
    %jit3A_255 = arith.constant 0.000000e+00 : f32
    %broadcast_in_dim3A_256 = vector.broadcast %jit3A_254 : f32 to vector<2048x256xf32>
    %broadcast_in_dim3A_257 = vector.broadcast %jit3A_255 : f32 to vector<2048x256xf32>
    %select_n3A_258 = arith.select %lt3A_253, %broadcast_in_dim3A_256, %broadcast_in_dim3A_257 : vector<2048x256xi1>, vector<2048x256xf32>
    %add3A_259 = arith.constant 1024 : i32
    %add3A_260 = vector.broadcast %add3A_259 : i32 to vector<2048x256xi32>
    %add3A_261 = arith.addi %iota3A_43, %add3A_260 : vector<2048x256xi32>
    %ge3A_262 = arith.cmpi sge, %iota3A, %add3A_261 : vector<2048x256xi32>
    %jit3A_263 = arith.constant 1.000000e+00 : f32
    %jit3A_264 = arith.constant 0.000000e+00 : f32
    %broadcast_in_dim3A_265 = vector.broadcast %jit3A_263 : f32 to vector<2048x256xf32>
    %broadcast_in_dim3A_266 = vector.broadcast %jit3A_264 : f32 to vector<2048x256xf32>
    %select_n3A_267 = arith.select %ge3A_262, %broadcast_in_dim3A_265, %broadcast_in_dim3A_266 : vector<2048x256xi1>, vector<2048x256xf32>
    %dot_general3A_268 = arith.constant dense<0.000000e+00> : vector<19x256xf32>
    %dot_general3A_269 = tpu.matmul %concatenate3A_40, %select_n3A_258, %dot_general3A_268 {dimension_numbers = #tpu.dot_dimension_numbers<[1], [0], [0], [1], [0, 0, 1, 1], [], []>, transpose_lhs_hint = false} : vector<19x2048xf32>, vector<2048x256xf32>, vector<19x256xf32> -> vector<19x256xf32>
    %dot_general3A_270 = arith.constant dense<0.000000e+00> : vector<19x256xf32>
    %dot_general3A_271 = tpu.matmul %sub3A, %select_n3A_267, %dot_general3A_270 {dimension_numbers = #tpu.dot_dimension_numbers<[1], [0], [0], [1], [0, 0, 1, 1], [], []>, transpose_lhs_hint = false} : vector<19x2048xf32>, vector<2048x256xf32>, vector<19x256xf32> -> vector<19x256xf32>
    %add3A_272 = vector.broadcast %broadcast_in_dim3A : vector<19x1xf32> to vector<19x256xf32>
    %add3A_273 = arith.addf %add3A_272, %dot_general3A_271 : vector<19x256xf32>
    %gt3A_274 = arith.constant 0.000000e+00 : f32
    %gt3A_275 = vector.broadcast %gt3A_274 : f32 to vector<19x256xf32>
    %gt3A_276 = arith.cmpf ogt, %add3A_273, %gt3A_275 : vector<19x256xf32>
    %sub3A_277 = vector.broadcast %broadcast_in_dim3A : vector<19x1xf32> to vector<19x256xf32>
    %sub3A_278 = arith.subf %sub3A_277, %dot_general3A_269 : vector<19x256xf32>
    %gt3A_279 = arith.constant 0.000000e+00 : f32
    %gt3A_280 = vector.broadcast %gt3A_279 : f32 to vector<19x256xf32>
    %gt3A_281 = arith.cmpf ogt, %add3A_273, %gt3A_280 : vector<19x256xf32>
    %jit3A_282 = arith.constant 1.000000e+00 : f32
    %broadcast_in_dim3A_283 = vector.broadcast %jit3A_282 : f32 to vector<19x256xf32>
    %select_n3A_284 = arith.select %gt3A_281, %add3A_273, %broadcast_in_dim3A_283 : vector<19x256xi1>, vector<19x256xf32>
    %div3A_285 = arith.divf %sub3A_278, %select_n3A_284 : vector<19x256xf32>
    %sub3A_286 = arith.constant 1.000000e+00 : f32
    %sub3A_287 = vector.broadcast %sub3A_286 : f32 to vector<19x256xf32>
    %sub3A_288 = arith.subf %sub3A_287, %div3A_285 : vector<19x256xf32>
    %jit3A_289 = arith.constant 0.000000e+00 : f32
    %broadcast_in_dim3A_290 = vector.broadcast %jit3A_289 : f32 to vector<19x256xf32>
    %select_n3A_291 = arith.select %gt3A_276, %sub3A_288, %broadcast_in_dim3A_290 : vector<19x256xi1>, vector<19x256xf32>
    %reduce_sum3A_292 = vector.shape_cast %select_n3A_291 : vector<19x256xf32> to vector<1x19x256xf32>
    %reduce_sum3A_293 = arith.constant dense<0.000000e+00> : vector<1xf32>
    %reduce_sum3A_294 = vector.multi_reduction <add>, %reduce_sum3A_292, %reduce_sum3A_293 [1, 2] : vector<1x19x256xf32> to vector<1xf32>
    %reduce_sum3A_295 = vector.shape_cast %reduce_sum3A_294 : vector<1xf32> to vector<1x1x1xf32>
    %reduce_sum3A_296 = vector.extract %reduce_sum3A_295[0, 0, 0] : f32 from vector<1x1x1xf32>
    %add3A_297 = arith.addf %add3A_246, %reduce_sum3A_296 : f32
    %add3A_298 = arith.addi %iota3A, %iota3A_43 : vector<2048x256xi32>
    %add3A_299 = arith.constant 1280 : i32
    %add3A_300 = vector.broadcast %add3A_299 : i32 to vector<2048x256xi32>
    %add3A_301 = arith.addi %add3A_298, %add3A_300 : vector<2048x256xi32>
    %lt3A_302 = arith.constant 2048 : i32
    %lt3A_303 = vector.broadcast %lt3A_302 : i32 to vector<2048x256xi32>
    %lt3A_304 = arith.cmpi slt, %add3A_301, %lt3A_303 : vector<2048x256xi32>
    %jit3A_305 = arith.constant 1.000000e+00 : f32
    %jit3A_306 = arith.constant 0.000000e+00 : f32
    %broadcast_in_dim3A_307 = vector.broadcast %jit3A_305 : f32 to vector<2048x256xf32>
    %broadcast_in_dim3A_308 = vector.broadcast %jit3A_306 : f32 to vector<2048x256xf32>
    %select_n3A_309 = arith.select %lt3A_304, %broadcast_in_dim3A_307, %broadcast_in_dim3A_308 : vector<2048x256xi1>, vector<2048x256xf32>
    %add3A_310 = arith.constant 1280 : i32
    %add3A_311 = vector.broadcast %add3A_310 : i32 to vector<2048x256xi32>
    %add3A_312 = arith.addi %iota3A_43, %add3A_311 : vector<2048x256xi32>
    %ge3A_313 = arith.cmpi sge, %iota3A, %add3A_312 : vector<2048x256xi32>
    %jit3A_314 = arith.constant 1.000000e+00 : f32
    %jit3A_315 = arith.constant 0.000000e+00 : f32
    %broadcast_in_dim3A_316 = vector.broadcast %jit3A_314 : f32 to vector<2048x256xf32>
    %broadcast_in_dim3A_317 = vector.broadcast %jit3A_315 : f32 to vector<2048x256xf32>
    %select_n3A_318 = arith.select %ge3A_313, %broadcast_in_dim3A_316, %broadcast_in_dim3A_317 : vector<2048x256xi1>, vector<2048x256xf32>
    %dot_general3A_319 = arith.constant dense<0.000000e+00> : vector<19x256xf32>
    %dot_general3A_320 = tpu.matmul %concatenate3A_40, %select_n3A_309, %dot_general3A_319 {dimension_numbers = #tpu.dot_dimension_numbers<[1], [0], [0], [1], [0, 0, 1, 1], [], []>, transpose_lhs_hint = false} : vector<19x2048xf32>, vector<2048x256xf32>, vector<19x256xf32> -> vector<19x256xf32>
    %dot_general3A_321 = arith.constant dense<0.000000e+00> : vector<19x256xf32>
    %dot_general3A_322 = tpu.matmul %sub3A, %select_n3A_318, %dot_general3A_321 {dimension_numbers = #tpu.dot_dimension_numbers<[1], [0], [0], [1], [0, 0, 1, 1], [], []>, transpose_lhs_hint = false} : vector<19x2048xf32>, vector<2048x256xf32>, vector<19x256xf32> -> vector<19x256xf32>
    %add3A_323 = vector.broadcast %broadcast_in_dim3A : vector<19x1xf32> to vector<19x256xf32>
    %add3A_324 = arith.addf %add3A_323, %dot_general3A_322 : vector<19x256xf32>
    %gt3A_325 = arith.constant 0.000000e+00 : f32
    %gt3A_326 = vector.broadcast %gt3A_325 : f32 to vector<19x256xf32>
    %gt3A_327 = arith.cmpf ogt, %add3A_324, %gt3A_326 : vector<19x256xf32>
    %sub3A_328 = vector.broadcast %broadcast_in_dim3A : vector<19x1xf32> to vector<19x256xf32>
    %sub3A_329 = arith.subf %sub3A_328, %dot_general3A_320 : vector<19x256xf32>
    %gt3A_330 = arith.constant 0.000000e+00 : f32
    %gt3A_331 = vector.broadcast %gt3A_330 : f32 to vector<19x256xf32>
    %gt3A_332 = arith.cmpf ogt, %add3A_324, %gt3A_331 : vector<19x256xf32>
    %jit3A_333 = arith.constant 1.000000e+00 : f32
    %broadcast_in_dim3A_334 = vector.broadcast %jit3A_333 : f32 to vector<19x256xf32>
    %select_n3A_335 = arith.select %gt3A_332, %add3A_324, %broadcast_in_dim3A_334 : vector<19x256xi1>, vector<19x256xf32>
    %div3A_336 = arith.divf %sub3A_329, %select_n3A_335 : vector<19x256xf32>
    %sub3A_337 = arith.constant 1.000000e+00 : f32
    %sub3A_338 = vector.broadcast %sub3A_337 : f32 to vector<19x256xf32>
    %sub3A_339 = arith.subf %sub3A_338, %div3A_336 : vector<19x256xf32>
    %jit3A_340 = arith.constant 0.000000e+00 : f32
    %broadcast_in_dim3A_341 = vector.broadcast %jit3A_340 : f32 to vector<19x256xf32>
    %select_n3A_342 = arith.select %gt3A_327, %sub3A_339, %broadcast_in_dim3A_341 : vector<19x256xi1>, vector<19x256xf32>
    %reduce_sum3A_343 = vector.shape_cast %select_n3A_342 : vector<19x256xf32> to vector<1x19x256xf32>
    %reduce_sum3A_344 = arith.constant dense<0.000000e+00> : vector<1xf32>
    %reduce_sum3A_345 = vector.multi_reduction <add>, %reduce_sum3A_343, %reduce_sum3A_344 [1, 2] : vector<1x19x256xf32> to vector<1xf32>
    %reduce_sum3A_346 = vector.shape_cast %reduce_sum3A_345 : vector<1xf32> to vector<1x1x1xf32>
    %reduce_sum3A_347 = vector.extract %reduce_sum3A_346[0, 0, 0] : f32 from vector<1x1x1xf32>
    %add3A_348 = arith.addf %add3A_297, %reduce_sum3A_347 : f32
    %add3A_349 = arith.addi %iota3A, %iota3A_43 : vector<2048x256xi32>
    %add3A_350 = arith.constant 1536 : i32
    %add3A_351 = vector.broadcast %add3A_350 : i32 to vector<2048x256xi32>
    %add3A_352 = arith.addi %add3A_349, %add3A_351 : vector<2048x256xi32>
    %lt3A_353 = arith.constant 2048 : i32
    %lt3A_354 = vector.broadcast %lt3A_353 : i32 to vector<2048x256xi32>
    %lt3A_355 = arith.cmpi slt, %add3A_352, %lt3A_354 : vector<2048x256xi32>
    %jit3A_356 = arith.constant 1.000000e+00 : f32
    %jit3A_357 = arith.constant 0.000000e+00 : f32
    %broadcast_in_dim3A_358 = vector.broadcast %jit3A_356 : f32 to vector<2048x256xf32>
    %broadcast_in_dim3A_359 = vector.broadcast %jit3A_357 : f32 to vector<2048x256xf32>
    %select_n3A_360 = arith.select %lt3A_355, %broadcast_in_dim3A_358, %broadcast_in_dim3A_359 : vector<2048x256xi1>, vector<2048x256xf32>
    %add3A_361 = arith.constant 1536 : i32
    %add3A_362 = vector.broadcast %add3A_361 : i32 to vector<2048x256xi32>
    %add3A_363 = arith.addi %iota3A_43, %add3A_362 : vector<2048x256xi32>
    %ge3A_364 = arith.cmpi sge, %iota3A, %add3A_363 : vector<2048x256xi32>
    %jit3A_365 = arith.constant 1.000000e+00 : f32
    %jit3A_366 = arith.constant 0.000000e+00 : f32
    %broadcast_in_dim3A_367 = vector.broadcast %jit3A_365 : f32 to vector<2048x256xf32>
    %broadcast_in_dim3A_368 = vector.broadcast %jit3A_366 : f32 to vector<2048x256xf32>
    %select_n3A_369 = arith.select %ge3A_364, %broadcast_in_dim3A_367, %broadcast_in_dim3A_368 : vector<2048x256xi1>, vector<2048x256xf32>
    %dot_general3A_370 = arith.constant dense<0.000000e+00> : vector<19x256xf32>
    %dot_general3A_371 = tpu.matmul %concatenate3A_40, %select_n3A_360, %dot_general3A_370 {dimension_numbers = #tpu.dot_dimension_numbers<[1], [0], [0], [1], [0, 0, 1, 1], [], []>, transpose_lhs_hint = false} : vector<19x2048xf32>, vector<2048x256xf32>, vector<19x256xf32> -> vector<19x256xf32>
    %dot_general3A_372 = arith.constant dense<0.000000e+00> : vector<19x256xf32>
    %dot_general3A_373 = tpu.matmul %sub3A, %select_n3A_369, %dot_general3A_372 {dimension_numbers = #tpu.dot_dimension_numbers<[1], [0], [0], [1], [0, 0, 1, 1], [], []>, transpose_lhs_hint = false} : vector<19x2048xf32>, vector<2048x256xf32>, vector<19x256xf32> -> vector<19x256xf32>
    %add3A_374 = vector.broadcast %broadcast_in_dim3A : vector<19x1xf32> to vector<19x256xf32>
    %add3A_375 = arith.addf %add3A_374, %dot_general3A_373 : vector<19x256xf32>
    %gt3A_376 = arith.constant 0.000000e+00 : f32
    %gt3A_377 = vector.broadcast %gt3A_376 : f32 to vector<19x256xf32>
    %gt3A_378 = arith.cmpf ogt, %add3A_375, %gt3A_377 : vector<19x256xf32>
    %sub3A_379 = vector.broadcast %broadcast_in_dim3A : vector<19x1xf32> to vector<19x256xf32>
    %sub3A_380 = arith.subf %sub3A_379, %dot_general3A_371 : vector<19x256xf32>
    %gt3A_381 = arith.constant 0.000000e+00 : f32
    %gt3A_382 = vector.broadcast %gt3A_381 : f32 to vector<19x256xf32>
    %gt3A_383 = arith.cmpf ogt, %add3A_375, %gt3A_382 : vector<19x256xf32>
    %jit3A_384 = arith.constant 1.000000e+00 : f32
    %broadcast_in_dim3A_385 = vector.broadcast %jit3A_384 : f32 to vector<19x256xf32>
    %select_n3A_386 = arith.select %gt3A_383, %add3A_375, %broadcast_in_dim3A_385 : vector<19x256xi1>, vector<19x256xf32>
    %div3A_387 = arith.divf %sub3A_380, %select_n3A_386 : vector<19x256xf32>
    %sub3A_388 = arith.constant 1.000000e+00 : f32
    %sub3A_389 = vector.broadcast %sub3A_388 : f32 to vector<19x256xf32>
    %sub3A_390 = arith.subf %sub3A_389, %div3A_387 : vector<19x256xf32>
    %jit3A_391 = arith.constant 0.000000e+00 : f32
    %broadcast_in_dim3A_392 = vector.broadcast %jit3A_391 : f32 to vector<19x256xf32>
    %select_n3A_393 = arith.select %gt3A_378, %sub3A_390, %broadcast_in_dim3A_392 : vector<19x256xi1>, vector<19x256xf32>
    %reduce_sum3A_394 = vector.shape_cast %select_n3A_393 : vector<19x256xf32> to vector<1x19x256xf32>
    %reduce_sum3A_395 = arith.constant dense<0.000000e+00> : vector<1xf32>
    %reduce_sum3A_396 = vector.multi_reduction <add>, %reduce_sum3A_394, %reduce_sum3A_395 [1, 2] : vector<1x19x256xf32> to vector<1xf32>
    %reduce_sum3A_397 = vector.shape_cast %reduce_sum3A_396 : vector<1xf32> to vector<1x1x1xf32>
    %reduce_sum3A_398 = vector.extract %reduce_sum3A_397[0, 0, 0] : f32 from vector<1x1x1xf32>
    %add3A_399 = arith.addf %add3A_348, %reduce_sum3A_398 : f32
    %add3A_400 = arith.addi %iota3A, %iota3A_43 : vector<2048x256xi32>
    %add3A_401 = arith.constant 1792 : i32
    %add3A_402 = vector.broadcast %add3A_401 : i32 to vector<2048x256xi32>
    %add3A_403 = arith.addi %add3A_400, %add3A_402 : vector<2048x256xi32>
    %lt3A_404 = arith.constant 2048 : i32
    %lt3A_405 = vector.broadcast %lt3A_404 : i32 to vector<2048x256xi32>
    %lt3A_406 = arith.cmpi slt, %add3A_403, %lt3A_405 : vector<2048x256xi32>
    %jit3A_407 = arith.constant 1.000000e+00 : f32
    %jit3A_408 = arith.constant 0.000000e+00 : f32
    %broadcast_in_dim3A_409 = vector.broadcast %jit3A_407 : f32 to vector<2048x256xf32>
    %broadcast_in_dim3A_410 = vector.broadcast %jit3A_408 : f32 to vector<2048x256xf32>
    %select_n3A_411 = arith.select %lt3A_406, %broadcast_in_dim3A_409, %broadcast_in_dim3A_410 : vector<2048x256xi1>, vector<2048x256xf32>
    %add3A_412 = arith.constant 1792 : i32
    %add3A_413 = vector.broadcast %add3A_412 : i32 to vector<2048x256xi32>
    %add3A_414 = arith.addi %iota3A_43, %add3A_413 : vector<2048x256xi32>
    %ge3A_415 = arith.cmpi sge, %iota3A, %add3A_414 : vector<2048x256xi32>
    %jit3A_416 = arith.constant 1.000000e+00 : f32
    %jit3A_417 = arith.constant 0.000000e+00 : f32
    %broadcast_in_dim3A_418 = vector.broadcast %jit3A_416 : f32 to vector<2048x256xf32>
    %broadcast_in_dim3A_419 = vector.broadcast %jit3A_417 : f32 to vector<2048x256xf32>
    %select_n3A_420 = arith.select %ge3A_415, %broadcast_in_dim3A_418, %broadcast_in_dim3A_419 : vector<2048x256xi1>, vector<2048x256xf32>
    %dot_general3A_421 = arith.constant dense<0.000000e+00> : vector<19x256xf32>
    %dot_general3A_422 = tpu.matmul %concatenate3A_40, %select_n3A_411, %dot_general3A_421 {dimension_numbers = #tpu.dot_dimension_numbers<[1], [0], [0], [1], [0, 0, 1, 1], [], []>, transpose_lhs_hint = false} : vector<19x2048xf32>, vector<2048x256xf32>, vector<19x256xf32> -> vector<19x256xf32>
    %dot_general3A_423 = arith.constant dense<0.000000e+00> : vector<19x256xf32>
    %dot_general3A_424 = tpu.matmul %sub3A, %select_n3A_420, %dot_general3A_423 {dimension_numbers = #tpu.dot_dimension_numbers<[1], [0], [0], [1], [0, 0, 1, 1], [], []>, transpose_lhs_hint = false} : vector<19x2048xf32>, vector<2048x256xf32>, vector<19x256xf32> -> vector<19x256xf32>
    %add3A_425 = vector.broadcast %broadcast_in_dim3A : vector<19x1xf32> to vector<19x256xf32>
    %add3A_426 = arith.addf %add3A_425, %dot_general3A_424 : vector<19x256xf32>
    %gt3A_427 = arith.constant 0.000000e+00 : f32
    %gt3A_428 = vector.broadcast %gt3A_427 : f32 to vector<19x256xf32>
    %gt3A_429 = arith.cmpf ogt, %add3A_426, %gt3A_428 : vector<19x256xf32>
    %sub3A_430 = vector.broadcast %broadcast_in_dim3A : vector<19x1xf32> to vector<19x256xf32>
    %sub3A_431 = arith.subf %sub3A_430, %dot_general3A_422 : vector<19x256xf32>
    %gt3A_432 = arith.constant 0.000000e+00 : f32
    %gt3A_433 = vector.broadcast %gt3A_432 : f32 to vector<19x256xf32>
    %gt3A_434 = arith.cmpf ogt, %add3A_426, %gt3A_433 : vector<19x256xf32>
    %jit3A_435 = arith.constant 1.000000e+00 : f32
    %broadcast_in_dim3A_436 = vector.broadcast %jit3A_435 : f32 to vector<19x256xf32>
    %select_n3A_437 = arith.select %gt3A_434, %add3A_426, %broadcast_in_dim3A_436 : vector<19x256xi1>, vector<19x256xf32>
    %div3A_438 = arith.divf %sub3A_431, %select_n3A_437 : vector<19x256xf32>
    %sub3A_439 = arith.constant 1.000000e+00 : f32
    %sub3A_440 = vector.broadcast %sub3A_439 : f32 to vector<19x256xf32>
    %sub3A_441 = arith.subf %sub3A_440, %div3A_438 : vector<19x256xf32>
    %jit3A_442 = arith.constant 0.000000e+00 : f32
    %broadcast_in_dim3A_443 = vector.broadcast %jit3A_442 : f32 to vector<19x256xf32>
    %select_n3A_444 = arith.select %gt3A_429, %sub3A_441, %broadcast_in_dim3A_443 : vector<19x256xi1>, vector<19x256xf32>
    %reduce_sum3A_445 = vector.shape_cast %select_n3A_444 : vector<19x256xf32> to vector<1x19x256xf32>
    %reduce_sum3A_446 = arith.constant dense<0.000000e+00> : vector<1xf32>
    %reduce_sum3A_447 = vector.multi_reduction <add>, %reduce_sum3A_445, %reduce_sum3A_446 [1, 2] : vector<1x19x256xf32> to vector<1xf32>
    %reduce_sum3A_448 = vector.shape_cast %reduce_sum3A_447 : vector<1xf32> to vector<1x1x1xf32>
    %reduce_sum3A_449 = vector.extract %reduce_sum3A_448[0, 0, 0] : f32 from vector<1x1x1xf32>
    %add3A_450 = arith.addf %add3A_399, %reduce_sum3A_449 : f32
    %mul3A = arith.constant 5.000000e-01 : f32
    %mul3A_451 = arith.mulf %mul3A, %reduce_sum3A_93 : f32
    %sub3A_452 = arith.subf %add3A_450, %mul3A_451 : f32
    %div3A_453 = arith.constant 3.891200e+04 : f32
    %div3A_454 = arith.divf %sub3A_452, %div3A_453 : f32
    %swap3A = arith.constant 0 : index
    %swap3A_455 = arith.constant 0 : index
    %swap3A_456 = memref.load %arg1[%swap3A, %swap3A_455] : memref<1x1xf32, #tpu.memory_space<smem>>
    memref.store %div3A_454, %arg1[%swap3A, %swap3A_455] : memref<1x1xf32, #tpu.memory_space<smem>>
    return
  }
}

module attributes {stable_mosaic.version = 14 : i64} {
  func.func @kern(%arg0: i32, %arg1: memref<19x65536xf32, #tpu.memory_space<vmem>>, %arg2: memref<1x65536xi32, #tpu.memory_space<vmem>>, %arg3: memref<65536xi32, #tpu.memory_space<vmem>>, %arg4: memref<65536xi32, #tpu.memory_space<vmem>>, %arg5: memref<65536xi32, #tpu.memory_space<vmem>>, %arg6: memref<65536xi32, #tpu.memory_space<vmem>>, %arg7: memref<65536xi32, #tpu.memory_space<vmem>>, %arg8: memref<65536xi32, #tpu.memory_space<vmem>>, %arg9: memref<65536xi32, #tpu.memory_space<vmem>>, %arg10: memref<65536xi32, #tpu.memory_space<vmem>>, %arg11: memref<65536xi32, #tpu.memory_space<vmem>>, %arg12: memref<65536xi32, #tpu.memory_space<vmem>>) attributes {dimension_semantics = [#tpu.dimension_semantics<arbitrary>], iteration_bounds = array<i64: 16>, scalar_prefetch = 0 : i64, scratch_operands = 0 : i64, tpu.core_type = #tpu.core_type<tc>, window_params = [{transform_indices = @transform_0, window_bounds = array<i64: 19, 65536>}, {transform_indices = @transform_1, window_bounds = array<i64: 1, 65536>}, {transform_indices = @transform_2, window_bounds = array<i64: 65536>}, {transform_indices = @transform_3, window_bounds = array<i64: 65536>}, {transform_indices = @transform_4, window_bounds = array<i64: 65536>}, {transform_indices = @transform_5, window_bounds = array<i64: 65536>}, {transform_indices = @transform_6, window_bounds = array<i64: 65536>}, {transform_indices = @transform_7, window_bounds = array<i64: 65536>}, {transform_indices = @transform_8, window_bounds = array<i64: 65536>}, {transform_indices = @transform_9, window_bounds = array<i64: 65536>}, {transform_indices = @transform_10, window_bounds = array<i64: 65536>}, {transform_indices = @transform_11, window_bounds = array<i64: 65536>}]} {
    %get3A = arith.constant 0 : index
    %get3A_0 = arith.constant 0 : index
    %get3A_1 = vector.load %arg1[%get3A, %get3A_0] : memref<19x65536xf32, #tpu.memory_space<vmem>>, vector<19x65536xf32>
    %iota3A = tpu.iota {dimensions = array<i32: 0>} : vector<19x65536xi32>
    %add3A = arith.constant 1.000000e+00 : f32
    %add3A_2 = vector.broadcast %add3A : f32 to vector<19x65536xf32>
    %add3A_3 = arith.addf %get3A_1, %add3A_2 : vector<19x65536xf32>
    %bitcast_convert_type3A = tpu.bitcast %add3A_3 : vector<19x65536xf32> -> vector<19x65536xi32>
    %shift_right_logical3A = arith.constant 12 : i32
    %shift_right_logical3A_4 = vector.broadcast %shift_right_logical3A : i32 to vector<19x65536xi32>
    %shift_right_logical3A_5 = arith.shrui %bitcast_convert_type3A, %shift_right_logical3A_4 : vector<19x65536xi32>
    %and3A = arith.constant 2047 : i32
    %and3A_6 = vector.broadcast %and3A : i32 to vector<19x65536xi32>
    %and3A_7 = arith.andi %shift_right_logical3A_5, %and3A_6 : vector<19x65536xi32>
    %mul3A = arith.constant 2048 : i32
    %mul3A_8 = vector.broadcast %mul3A : i32 to vector<19x65536xi32>
    %mul3A_9 = arith.muli %iota3A, %mul3A_8 : vector<19x65536xi32>
    %add3A_10 = arith.addi %and3A_7, %mul3A_9 : vector<19x65536xi32>
    %slice3A = vector.extract_strided_slice %add3A_10 {offsets = [0, 0], sizes = [1, 65536], strides = [1, 1]} : vector<19x65536xi32> to vector<1x65536xi32>
    %slice3A_11 = vector.extract_strided_slice %add3A_10 {offsets = [1, 0], sizes = [1, 65536], strides = [1, 1]} : vector<19x65536xi32> to vector<1x65536xi32>
    %shift_left3A = arith.constant 16 : i32
    %shift_left3A_12 = vector.broadcast %shift_left3A : i32 to vector<1x65536xi32>
    %shift_left3A_13 = arith.shli %slice3A_11, %shift_left3A_12 : vector<1x65536xi32>
    %or3A = arith.ori %slice3A, %shift_left3A_13 : vector<1x65536xi32>
    %reshape3A = vector.shape_cast %or3A : vector<1x65536xi32> to vector<65536xi32>
    %swap3A = arith.constant 0 : index
    %swap3A_14 = vector.load %arg3[%swap3A] : memref<65536xi32, #tpu.memory_space<vmem>>, vector<65536xi32>
    tpu.vector_store %arg3[%swap3A], %reshape3A {strides = array<i32>} : memref<65536xi32, #tpu.memory_space<vmem>>, vector<65536xi32>,
    %slice3A_15 = vector.extract_strided_slice %add3A_10 {offsets = [2, 0], sizes = [1, 65536], strides = [1, 1]} : vector<19x65536xi32> to vector<1x65536xi32>
    %slice3A_16 = vector.extract_strided_slice %add3A_10 {offsets = [3, 0], sizes = [1, 65536], strides = [1, 1]} : vector<19x65536xi32> to vector<1x65536xi32>
    %shift_left3A_17 = arith.constant 16 : i32
    %shift_left3A_18 = vector.broadcast %shift_left3A_17 : i32 to vector<1x65536xi32>
    %shift_left3A_19 = arith.shli %slice3A_16, %shift_left3A_18 : vector<1x65536xi32>
    %or3A_20 = arith.ori %slice3A_15, %shift_left3A_19 : vector<1x65536xi32>
    %reshape3A_21 = vector.shape_cast %or3A_20 : vector<1x65536xi32> to vector<65536xi32>
    %swap3A_22 = arith.constant 0 : index
    %swap3A_23 = vector.load %arg4[%swap3A_22] : memref<65536xi32, #tpu.memory_space<vmem>>, vector<65536xi32>
    tpu.vector_store %arg4[%swap3A_22], %reshape3A_21 {strides = array<i32>} : memref<65536xi32, #tpu.memory_space<vmem>>, vector<65536xi32>,
    %slice3A_24 = vector.extract_strided_slice %add3A_10 {offsets = [4, 0], sizes = [1, 65536], strides = [1, 1]} : vector<19x65536xi32> to vector<1x65536xi32>
    %slice3A_25 = vector.extract_strided_slice %add3A_10 {offsets = [5, 0], sizes = [1, 65536], strides = [1, 1]} : vector<19x65536xi32> to vector<1x65536xi32>
    %shift_left3A_26 = arith.constant 16 : i32
    %shift_left3A_27 = vector.broadcast %shift_left3A_26 : i32 to vector<1x65536xi32>
    %shift_left3A_28 = arith.shli %slice3A_25, %shift_left3A_27 : vector<1x65536xi32>
    %or3A_29 = arith.ori %slice3A_24, %shift_left3A_28 : vector<1x65536xi32>
    %reshape3A_30 = vector.shape_cast %or3A_29 : vector<1x65536xi32> to vector<65536xi32>
    %swap3A_31 = arith.constant 0 : index
    %swap3A_32 = vector.load %arg5[%swap3A_31] : memref<65536xi32, #tpu.memory_space<vmem>>, vector<65536xi32>
    tpu.vector_store %arg5[%swap3A_31], %reshape3A_30 {strides = array<i32>} : memref<65536xi32, #tpu.memory_space<vmem>>, vector<65536xi32>,
    %slice3A_33 = vector.extract_strided_slice %add3A_10 {offsets = [6, 0], sizes = [1, 65536], strides = [1, 1]} : vector<19x65536xi32> to vector<1x65536xi32>
    %slice3A_34 = vector.extract_strided_slice %add3A_10 {offsets = [7, 0], sizes = [1, 65536], strides = [1, 1]} : vector<19x65536xi32> to vector<1x65536xi32>
    %shift_left3A_35 = arith.constant 16 : i32
    %shift_left3A_36 = vector.broadcast %shift_left3A_35 : i32 to vector<1x65536xi32>
    %shift_left3A_37 = arith.shli %slice3A_34, %shift_left3A_36 : vector<1x65536xi32>
    %or3A_38 = arith.ori %slice3A_33, %shift_left3A_37 : vector<1x65536xi32>
    %reshape3A_39 = vector.shape_cast %or3A_38 : vector<1x65536xi32> to vector<65536xi32>
    %swap3A_40 = arith.constant 0 : index
    %swap3A_41 = vector.load %arg6[%swap3A_40] : memref<65536xi32, #tpu.memory_space<vmem>>, vector<65536xi32>
    tpu.vector_store %arg6[%swap3A_40], %reshape3A_39 {strides = array<i32>} : memref<65536xi32, #tpu.memory_space<vmem>>, vector<65536xi32>,
    %slice3A_42 = vector.extract_strided_slice %add3A_10 {offsets = [8, 0], sizes = [1, 65536], strides = [1, 1]} : vector<19x65536xi32> to vector<1x65536xi32>
    %slice3A_43 = vector.extract_strided_slice %add3A_10 {offsets = [9, 0], sizes = [1, 65536], strides = [1, 1]} : vector<19x65536xi32> to vector<1x65536xi32>
    %shift_left3A_44 = arith.constant 16 : i32
    %shift_left3A_45 = vector.broadcast %shift_left3A_44 : i32 to vector<1x65536xi32>
    %shift_left3A_46 = arith.shli %slice3A_43, %shift_left3A_45 : vector<1x65536xi32>
    %or3A_47 = arith.ori %slice3A_42, %shift_left3A_46 : vector<1x65536xi32>
    %reshape3A_48 = vector.shape_cast %or3A_47 : vector<1x65536xi32> to vector<65536xi32>
    %swap3A_49 = arith.constant 0 : index
    %swap3A_50 = vector.load %arg7[%swap3A_49] : memref<65536xi32, #tpu.memory_space<vmem>>, vector<65536xi32>
    tpu.vector_store %arg7[%swap3A_49], %reshape3A_48 {strides = array<i32>} : memref<65536xi32, #tpu.memory_space<vmem>>, vector<65536xi32>,
    %slice3A_51 = vector.extract_strided_slice %add3A_10 {offsets = [10, 0], sizes = [1, 65536], strides = [1, 1]} : vector<19x65536xi32> to vector<1x65536xi32>
    %slice3A_52 = vector.extract_strided_slice %add3A_10 {offsets = [11, 0], sizes = [1, 65536], strides = [1, 1]} : vector<19x65536xi32> to vector<1x65536xi32>
    %shift_left3A_53 = arith.constant 16 : i32
    %shift_left3A_54 = vector.broadcast %shift_left3A_53 : i32 to vector<1x65536xi32>
    %shift_left3A_55 = arith.shli %slice3A_52, %shift_left3A_54 : vector<1x65536xi32>
    %or3A_56 = arith.ori %slice3A_51, %shift_left3A_55 : vector<1x65536xi32>
    %reshape3A_57 = vector.shape_cast %or3A_56 : vector<1x65536xi32> to vector<65536xi32>
    %swap3A_58 = arith.constant 0 : index
    %swap3A_59 = vector.load %arg8[%swap3A_58] : memref<65536xi32, #tpu.memory_space<vmem>>, vector<65536xi32>
    tpu.vector_store %arg8[%swap3A_58], %reshape3A_57 {strides = array<i32>} : memref<65536xi32, #tpu.memory_space<vmem>>, vector<65536xi32>,
    %slice3A_60 = vector.extract_strided_slice %add3A_10 {offsets = [12, 0], sizes = [1, 65536], strides = [1, 1]} : vector<19x65536xi32> to vector<1x65536xi32>
    %slice3A_61 = vector.extract_strided_slice %add3A_10 {offsets = [13, 0], sizes = [1, 65536], strides = [1, 1]} : vector<19x65536xi32> to vector<1x65536xi32>
    %shift_left3A_62 = arith.constant 16 : i32
    %shift_left3A_63 = vector.broadcast %shift_left3A_62 : i32 to vector<1x65536xi32>
    %shift_left3A_64 = arith.shli %slice3A_61, %shift_left3A_63 : vector<1x65536xi32>
    %or3A_65 = arith.ori %slice3A_60, %shift_left3A_64 : vector<1x65536xi32>
    %reshape3A_66 = vector.shape_cast %or3A_65 : vector<1x65536xi32> to vector<65536xi32>
    %swap3A_67 = arith.constant 0 : index
    %swap3A_68 = vector.load %arg9[%swap3A_67] : memref<65536xi32, #tpu.memory_space<vmem>>, vector<65536xi32>
    tpu.vector_store %arg9[%swap3A_67], %reshape3A_66 {strides = array<i32>} : memref<65536xi32, #tpu.memory_space<vmem>>, vector<65536xi32>,
    %slice3A_69 = vector.extract_strided_slice %add3A_10 {offsets = [14, 0], sizes = [1, 65536], strides = [1, 1]} : vector<19x65536xi32> to vector<1x65536xi32>
    %slice3A_70 = vector.extract_strided_slice %add3A_10 {offsets = [15, 0], sizes = [1, 65536], strides = [1, 1]} : vector<19x65536xi32> to vector<1x65536xi32>
    %shift_left3A_71 = arith.constant 16 : i32
    %shift_left3A_72 = vector.broadcast %shift_left3A_71 : i32 to vector<1x65536xi32>
    %shift_left3A_73 = arith.shli %slice3A_70, %shift_left3A_72 : vector<1x65536xi32>
    %or3A_74 = arith.ori %slice3A_69, %shift_left3A_73 : vector<1x65536xi32>
    %reshape3A_75 = vector.shape_cast %or3A_74 : vector<1x65536xi32> to vector<65536xi32>
    %swap3A_76 = arith.constant 0 : index
    %swap3A_77 = vector.load %arg10[%swap3A_76] : memref<65536xi32, #tpu.memory_space<vmem>>, vector<65536xi32>
    tpu.vector_store %arg10[%swap3A_76], %reshape3A_75 {strides = array<i32>} : memref<65536xi32, #tpu.memory_space<vmem>>, vector<65536xi32>,
    %slice3A_78 = vector.extract_strided_slice %add3A_10 {offsets = [16, 0], sizes = [1, 65536], strides = [1, 1]} : vector<19x65536xi32> to vector<1x65536xi32>
    %slice3A_79 = vector.extract_strided_slice %add3A_10 {offsets = [17, 0], sizes = [1, 65536], strides = [1, 1]} : vector<19x65536xi32> to vector<1x65536xi32>
    %shift_left3A_80 = arith.constant 16 : i32
    %shift_left3A_81 = vector.broadcast %shift_left3A_80 : i32 to vector<1x65536xi32>
    %shift_left3A_82 = arith.shli %slice3A_79, %shift_left3A_81 : vector<1x65536xi32>
    %or3A_83 = arith.ori %slice3A_78, %shift_left3A_82 : vector<1x65536xi32>
    %reshape3A_84 = vector.shape_cast %or3A_83 : vector<1x65536xi32> to vector<65536xi32>
    %swap3A_85 = arith.constant 0 : index
    %swap3A_86 = vector.load %arg11[%swap3A_85] : memref<65536xi32, #tpu.memory_space<vmem>>, vector<65536xi32>
    tpu.vector_store %arg11[%swap3A_85], %reshape3A_84 {strides = array<i32>} : memref<65536xi32, #tpu.memory_space<vmem>>, vector<65536xi32>,
    %get3A_87 = arith.constant 0 : index
    %get3A_88 = arith.constant 0 : index
    %get3A_89 = vector.load %arg2[%get3A_87, %get3A_88] : memref<1x65536xi32, #tpu.memory_space<vmem>>, vector<1x65536xi32>
    %eq3A = vector.broadcast %get3A_89 : vector<1x65536xi32> to vector<19x65536xi32>
    %eq3A_90 = arith.cmpi eq, %iota3A, %eq3A : vector<19x65536xi32>
    %jit3A = arith.constant 0.000000e+00 : f32
    %broadcast_in_dim3A = vector.broadcast %jit3A : f32 to vector<19x65536xf32>
    %select_n3A = arith.select %eq3A_90, %get3A_1, %broadcast_in_dim3A : vector<19x65536xi1>, vector<19x65536xf32>
    %reduce_sum3A = arith.constant dense<0.000000e+00> : vector<65536xf32>
    %reduce_sum3A_91 = vector.multi_reduction <add>, %select_n3A, %reduce_sum3A [0] : vector<19x65536xf32> to vector<65536xf32>
    %broadcast_in_dim3A_92 = vector.shape_cast %reduce_sum3A_91 : vector<65536xf32> to vector<1x65536xf32>
    %mul3A_93 = arith.constant 2048 : i32
    %mul3A_94 = vector.broadcast %mul3A_93 : i32 to vector<1x65536xi32>
    %mul3A_95 = arith.muli %get3A_89, %mul3A_94 : vector<1x65536xi32>
    %add3A_96 = arith.constant 1.000000e+00 : f32
    %add3A_97 = vector.broadcast %add3A_96 : f32 to vector<1x65536xf32>
    %add3A_98 = arith.addf %broadcast_in_dim3A_92, %add3A_97 : vector<1x65536xf32>
    %bitcast_convert_type3A_99 = tpu.bitcast %add3A_98 : vector<1x65536xf32> -> vector<1x65536xi32>
    %shift_right_logical3A_100 = arith.constant 12 : i32
    %shift_right_logical3A_101 = vector.broadcast %shift_right_logical3A_100 : i32 to vector<1x65536xi32>
    %shift_right_logical3A_102 = arith.shrui %bitcast_convert_type3A_99, %shift_right_logical3A_101 : vector<1x65536xi32>
    %and3A_103 = arith.constant 2047 : i32
    %and3A_104 = vector.broadcast %and3A_103 : i32 to vector<1x65536xi32>
    %and3A_105 = arith.andi %shift_right_logical3A_102, %and3A_104 : vector<1x65536xi32>
    %add3A_106 = arith.addi %mul3A_95, %and3A_105 : vector<1x65536xi32>
    %slice3A_107 = vector.extract_strided_slice %add3A_10 {offsets = [18, 0], sizes = [1, 65536], strides = [1, 1]} : vector<19x65536xi32> to vector<1x65536xi32>
    %shift_left3A_108 = arith.constant 16 : i32
    %shift_left3A_109 = vector.broadcast %shift_left3A_108 : i32 to vector<1x65536xi32>
    %shift_left3A_110 = arith.shli %add3A_106, %shift_left3A_109 : vector<1x65536xi32>
    %or3A_111 = arith.ori %slice3A_107, %shift_left3A_110 : vector<1x65536xi32>
    %reshape3A_112 = vector.shape_cast %or3A_111 : vector<1x65536xi32> to vector<65536xi32>
    %swap3A_113 = arith.constant 0 : index
    %swap3A_114 = vector.load %arg12[%swap3A_113] : memref<65536xi32, #tpu.memory_space<vmem>>, vector<65536xi32>
    tpu.vector_store %arg12[%swap3A_113], %reshape3A_112 {strides = array<i32>} : memref<65536xi32, #tpu.memory_space<vmem>>, vector<65536xi32>,
    return
  }
  func.func @transform_0(%arg0: i32) -> (i32, i32) {
    %add3A = arith.constant 0 : i32
    %add3A_0 = arith.addi %arg0, %add3A : i32
    %c0_i32 = arith.constant 0 : i32
    %c0_i32_1 = arith.constant 0 : i32
    return %c0_i32, %add3A_0 : i32, i32
  }
  func.func @transform_1(%arg0: i32) -> (i32, i32) {
    %add3A = arith.constant 0 : i32
    %add3A_0 = arith.addi %arg0, %add3A : i32
    %c0_i32 = arith.constant 0 : i32
    %c0_i32_1 = arith.constant 0 : i32
    return %c0_i32, %add3A_0 : i32, i32
  }
  func.func @transform_2(%arg0: i32) -> i32 {
    %c0_i32 = arith.constant 0 : i32
    return %arg0 : i32
  }
  func.func @transform_3(%arg0: i32) -> i32 {
    %c0_i32 = arith.constant 0 : i32
    return %arg0 : i32
  }
  func.func @transform_4(%arg0: i32) -> i32 {
    %c0_i32 = arith.constant 0 : i32
    return %arg0 : i32
  }
  func.func @transform_5(%arg0: i32) -> i32 {
    %c0_i32 = arith.constant 0 : i32
    return %arg0 : i32
  }
  func.func @transform_6(%arg0: i32) -> i32 {
    %c0_i32 = arith.constant 0 : i32
    return %arg0 : i32
  }
  func.func @transform_7(%arg0: i32) -> i32 {
    %c0_i32 = arith.constant 0 : i32
    return %arg0 : i32
  }
  func.func @transform_8(%arg0: i32) -> i32 {
    %c0_i32 = arith.constant 0 : i32
    return %arg0 : i32
  }
  func.func @transform_9(%arg0: i32) -> i32 {
    %c0_i32 = arith.constant 0 : i32
    return %arg0 : i32
  }
  func.func @transform_10(%arg0: i32) -> i32 {
    %c0_i32 = arith.constant 0 : i32
    return %arg0 : i32
  }
  func.func @transform_11(%arg0: i32) -> i32 {
    %c0_i32 = arith.constant 0 : i32
    return %arg0 : i32
  }
}

</mosaic_0001>

<sc_bundles>
// kernel: kernel.5.cloned.1.call-start
scs
__scs_entry_jumppad:
0x0: {  	(pc) =	sbr.rel $0x88, $3  }
0x1: {  	(tag) =	ssettag $0x0;
	lr =	simm.s32 $0x1  }
0x2: {  	[smem:$0x3F9F] =	sst lr;
	_ =	strace $0xD0000000  }
0x3: {  	_ = 	snop  }
0x4: {  	_ = 	snop  }
0x5: {  	_ = 	snop  }
0x6: {  	_ = 	snop  }
0x7: {  	_ = 	snop  }
__scs_overlays_trampoline_lowered:
0x8: {  	[smem:$0x3FAE] =	sst s0  }
0x9: {  	[smem:$0x3FAF] =	sst s1  }
0xa: {  	[smem:$0x3FB0] =	sst s2  }
0xb: {  	[smem:$0x3FB1] =	sst s3  }
0xc: {  	[smem:$0x3FB2] =	sst s4  }
0xd: {  	[smem:$0x3FB3] =	sst s5  }
0xe: {  	[smem:$0x3FB4] =	sst s6  }
0xf: {  	[smem:$0x3FB5] =	sst s7  }
0x10: {  	[smem:$0x3FB6] =	sst s8  }
0x11: {  	[smem:$0x3FB7] =	sst s9;
	s0 =	simm.s32 @!p0 $0x0  }
0x12: {  	s1 =	sld [smem:$0x3F9D];
	s0 =	simm.s32 @p0 $0x1  }
0x13: {  	[smem:$0x3FB8] =	sst s0;
	s0 =	simm.s32 @!p1 $0x0  }
0x14: {  	s2 =	sld [smem:$0x3F9C];
	s0 =	simm.s32 @p1 $0x1  }
0x15: {  	[smem:$0x3FB9] =	sst s0;
	s0 =	simm.s32 @!p2 $0x0  }
0x16: {  	s3 =	sld [smem:$0x3FDB];
	s0 =	simm.s32 @p2 $0x1  }
0x17: {  	s4 =	simm.s32 $0x1BF5;
	[smem:$0x3FBB] =	sst s0  }
0x18: {  	s0 =	sld [smem:$0x3F9E];
	_ =	swait.ge [sflag:s4], $0x0  }
0x19: {  	s7 =	sld [smem:$0x3F9F]  }
0x1a: {  	s8 =	sadd.s32 $0xFFFFE003, lr  }
0x1b: {  	s9 =	sadd.s32 $0xFFFFFEF7, lr;
	s5 =	simm.s32 $0xFFFFFFFF;
	p2 =	slt.u32 s8, $0xFFFFF086  }
0x1c: {  	p1 =	slt.u32 s9, $0xF7A;
	s5 =	simm.s32 @!p2 $0x0  }
0x1d: {  	s5 =	simm.s32 @p1 $0x1;
	p0 =	seq.s32 s7, s2  }
0x1e: {  	s7 =	smul.u32 @!p0 $0xF7A, s2;
	p2 =	seq.s32 @!p0 s5, $0x0  }
0x1f: {  	s9 =	smul.u32 $0xF7A, s1;
	s8 =	simm.s32 @!p0 $0x1BF5;
	p2 =	por !p2, p0  }
0x20: {  	[sflag:s8] =	ssyncset.s32 @!p0 $0xFFFFF086;
	s6 =	sadd.s32 @!p0 s3, s7;
	s7 =	simm.s32 @!p0 $0x108  }
0x21: {  	s3 =	sadd.s32 s3, s9;
	s6 =	sadd.s32 @!p0 $0x88, s6;
	s7 =	simm.s32 @p2 $0x1082  }
0x22: {  	[simem:s7], [sflag:s8] =	dma.local @!p0 [hbm:s6], $0xF7A  }
0x23: {  	s9 =	sor.u32 $0xD0000000, s2;
	s6 =	simm.s32 $0x108;
	_ =	swait.ge @!p0 [sflag:s8], $0x0  }
0x24: {  	s3 =	sadd.s32 $0x88, s3;
	s6 =	simm.s32 @!p1 $0x1082;
	[sflag:s4] =	ssyncset.s32 $0xFFFFF086  }
0x25: {  	[simem:s6], [sflag:s4] =	dma.local [hbm:s3], $0xF7A  }
0x26: {  	[smem:$0x3F9F] =	sst s1;
	(tag) =	ssettag s2;
	_ =	strace s9  }
0x27: {  	s1 =	sld [smem:$0x3FAF]  }
0x28: {  	s2 =	sld [smem:$0x3FB0]  }
0x29: {  	s4 =	sld [smem:$0x3FB2]  }
0x2a: {  	p0 =	seq.s32 s5, $0x0;
	s5 =	sld [smem:$0x3FB3]  }
0x2b: {  	s6 =	sld [smem:$0x3FB4]  }
0x2c: {  	s7 =	sld [smem:$0x3FB5]  }
0x2d: {  	s3 =	simm.s32 $0x108;
	s8 =	sld [smem:$0x3FB6]  }
0x2e: {  	s3 =	simm.s32 @!p0 $0x1082;
	s9 =	sld [smem:$0x3FB7]  }
0x2f: {  	lr =	sadd.s32 s0, s3;
	s0 =	sld [smem:$0x3FAE]  }
0x30: {  	s3 =	sld [smem:$0x3FB1]  }
0x31: {  	[smem:$0x3FBA] =	sst s10  }
0x32: {  	s10 =	sld [smem:$0x3FB8];
	_ =	sdelay $0x3  }
0x33: {  	p0 =	seq.s32 s10, $0x1;
	s10 =	sld [smem:$0x3FBA];
	_ =	sdelay $0x3  }
0x34: {  	[smem:$0x3FBA] =	sst s10  }
0x35: {  	s10 =	sld [smem:$0x3FB9];
	_ =	sdelay $0x3  }
0x36: {  	p1 =	seq.s32 s10, $0x1;
	s10 =	sld [smem:$0x3FBA];
	_ =	sdelay $0x3  }
0x37: {  	[smem:$0x3FBA] =	sst s10  }
0x38: {  	s10 =	sld [smem:$0x3FBB]  }
0x39: {  	_ = 	snop;
	(pc) =	sbr.ind lr, $3  }
0x3a: {  	_ = 	snop  }
0x3b: {  	_ = 	snop  }
0x3c: {  	p2 =	seq.s32 s10, $0x1;
	s10 =	sld [smem:$0x3FBA]  }
0x3d: {  	_ =	shalt  }
0x3e: {  	_ =	shalt  }
0x3f: {  	_ =	shalt  }
0x40: {  	_ =	shalt  }
0x41: {  	_ =	shalt  }
0x42: {  	_ =	shalt  }
0x43: {  	_ =	shalt  }
0x44: {  	_ =	shalt  }
0x45: {  	_ =	shalt  }
0x46: {  	_ =	shalt  }
0x47: {  	_ =	shalt  }
0x48: {  	_ =	shalt  }
0x49: {  	_ =	shalt  }
0x4a: {  	_ =	shalt  }
0x4b: {  	_ =	shalt  }
0x4c: {  	_ =	shalt  }
0x4d: {  	_ =	shalt  }
0x4e: {  	_ =	shalt  }
0x4f: {  	_ =	shalt  }
0x50: {  	_ =	shalt  }
0x51: {  	_ =	shalt  }
0x52: {  	_ =	shalt  }
0x53: {  	_ =	shalt  }
0x54: {  	_ =	shalt  }
0x55: {  	_ =	shalt  }
0x56: {  	_ =	shalt  }
0x57: {  	_ =	shalt  }
0x58: {  	_ =	shalt  }
0x59: {  	_ =	shalt  }
0x5a: {  	_ =	shalt  }
0x5b: {  	_ =	shalt  }
0x5c: {  	_ =	shalt  }
0x5d: {  	_ =	shalt  }
0x5e: {  	_ =	shalt  }
0x5f: {  	_ =	shalt  }
0x60: {  	_ =	shalt  }
0x61: {  	_ =	shalt  }
0x62: {  	_ =	shalt  }
0x63: {  	_ =	shalt  }
0x64: {  	_ =	shalt  }
0x65: {  	_ =	shalt  }
0x66: {  	_ =	shalt  }
0x67: {  	_ =	shalt  }
0x68: {  	_ =	shalt  }
0x69: {  	_ =	shalt  }
0x6a: {  	_ =	shalt  }
0x6b: {  	_ =	shalt  }
0x6c: {  	_ =	shalt  }
0x6d: {  	_ =	shalt  }
0x6e: {  	_ =	shalt  }
0x6f: {  	_ =	shalt  }
0x70: {  	_ =	shalt  }
0x71: {  	_ =	shalt  }
0x72: {  	_ =	shalt  }
0x73: {  	_ =	shalt  }
0x74: {  	_ =	shalt  }
0x75: {  	_ =	shalt  }
0x76: {  	_ =	shalt  }
0x77: {  	_ =	shalt  }
0x78: {  	_ =	shalt  }
0x79: {  	_ =	shalt  }
0x7a: {  	_ =	shalt  }
0x7b: {  	_ =	shalt  }
0x7c: {  	_ =	shalt  }
0x7d: {  	_ =	shalt  }
0x7e: {  	_ =	shalt  }
0x7f: {  	_ =	shalt  }
0x80: {  	_ =	shalt  }
0x81: {  	_ =	shalt  }
0x82: {  	_ =	shalt  }
0x83: {  	_ =	shalt  }
0x84: {  	_ =	shalt  }
0x85: {  	_ =	shalt  }
0x86: {  	_ =	shalt  }
0x87: {  	_ =	shalt  }
.Lfunc_end0:
.L_simem_size_0:
called_computation_lowered:
.L_overlay_start_0:
0x88: {  	s2 =	sld [smem:$0x3FD9]  }
0x89: {  	s3 =	sld [smem:$0x3FFE];
	_ =	sdelay $0x1  }
0x8a: {  	s1 =	srdreg.scid  }
0x8b: {  	s0 =	sand.u32 $0x1, s1  }
0x8c: {  	s16 =	sshll.u32 s0, $0xA;
	s2 =	sadd.s32 s3, s2  }
0x8d: {  	s2 =	sadd.s32 s2, s16  }
0x8e: {  	[smem:$0x3FC6] =	sst s2  }
0x8f: {  	_ = 	snop  }
0x90: {  	(tm) =	ssettm $0x1  }
0x91: {  	s17 =	sld [smem:$0x3FFB];
	_ =	sdelay $0x3  }
0x92: {  	_ =	strace s17  }
0x93: {  	s2 =	sld [smem:$0x3FFC];
	_ =	sdelay $0x3  }
0x94: {  	_ =	strace s2  }
0x95: {  	s2 =	sld [smem:$0x3FFD];
	_ =	sdelay $0x3  }
0x96: {  	_ =	strace s2  }
0x97: {  	_ =	strace $0x8FFFFFFF  }
0x98: {  	s18 =	sld [smem:$0x3FDB];
	_ =	sdelay $0x1  }
0x99: {  	s19 =	simm.s32 $_scs_section_size  }
0x9a: {  	s4 =	simm.s32 $_size__tile_overlayer_lowered;
	s5 =	simm.s32 $_tile_overlayer_lowered  }
0x9b: {  	s22 =	simm.s32 $0x1BFF;
	s21 =	sshll.u32 s5, $0x1;
	s2 =	sadd.s32 s19, s18  }
0x9c: {  	s6 =	simm.s32 $0x0;
	s20 =	sshll.u32 s4, $0x1;
	s4 =	sadd.s32 s21, s2  }
0x9d: {  	[timem:s6], [sflag:s22] =	dma.local [hbm:s4], s20  }
0x9e: {  	_ =	swait.ge [sflag:s22], s20  }
0x9f: {  	s3 =	ssub.s32 $0x0, s20;
	[sflag:s22] =	ssyncset.done $0x0  }
0xa0: {  	[sflag:s22] =	ssyncadd.s32 s3;
	_ =	sdelay $0x1  }
0xa1: {  	s23 =	simm.s32 $0x1B8B  }
0xa2: {  	_ =	swait.ge [sflag:s23], $0x1  }
0xa3: {  	[sflag:s23] =	ssyncset.done $0x0  }
0xa4: {  	s25 =	simm.s32 $0x1B8E;
	s24 =	sld [smem:$0x3FFE];
	[sflag:s23] =	ssyncadd.s32 $0xFFFFFFFF  }
0xa5: {  	s26 =	simm.s32 $execute0_lowered;
	[smem:$0x3FD2] =	sst s25  }
0xa6: {  	s4 =	sshll.u32 s26, $0x1;
	_ =	strace $0x80000046;
	[dreg:$0x1] =	wrdreg $0xFFFFFFFF  }
0xa7: {  	s28 =	simm.s32 $_size_execute0_lowered;
	s2 =	sadd.s32 s2, s4;
	[dreg:$0x0] =	wrdreg $0x0  }
0xa8: {  	s4 =	sshll.u32 s28, $0x1;
	[dreg:$0x2] =	wrdreg s2  }
0xa9: {  	[dreg:$0x3] =	wrdreg s4  }
0xaa: {  	[dreg:$0x4] =	wrdreg $0xC0  }
0xab: {  	_ =	task [dreg:s6], $0x5FFFF  }
0xac: {  	[dreg:$0x1] =	wrdreg $0xFFFFFFFF  }
0xad: {  	[dreg:$0x0] =	wrdreg $0x60  }
0xae: {  	[dreg:$0x2] =	wrdreg s24  }
0xaf: {  	[dreg:$0x3] =	wrdreg $0x9  }
0xb0: {  	_ =	task.clear_ibuf [dreg:s6], $0x4FFFF;
	_ =	strace $0x90000046  }
0xb1: {  	s29 =	simm.s32 $0x9;
	_ =	strace $0x80000048  }
0xb2: {  	_ =	swait.ge [sflag:s29], $0x1  }
0xb3: {  	[sflag:s29] =	ssyncadd.s32 $0xFFFFFFFF  }
0xb4: {  	_ =	strace $0x90000048  }
0xb5: {  	_ =	sfence  }
0xb6: {  	s30 =	sld [smem:$0x0];
	_ =	sdelay $0x2  }
0xb7: {  	s31 =	sshll.u32 s1, $0xD;
	s1 =	sshrl.u32 s1, $0x2  }
0xb8: {  	s3 =	sand.u32 $0x4000, s31;
	s1 =	sadd.s32 s1, s30  }
0xb9: {  	s0 =	sor.u32 s3, s0;
	s1 =	sshll.u32 s1, $0x11  }
0xba: {  	s0 =	sor.u32 s1, s0  }
0xbb: {  	s0 =	sadd.s32 $0x8F2B, s0  }
0xbc: {  	[sflag:s0] =	ssyncadd.remote.s32 $0x1  }
0xbd: {  	_ =	sfence.sel $0xFFFF  }
0xbe: {  	[dreg:$0x0] =	wrdreg $0xFFFFFFFF;
	(pc) =	sbr.abs _section_cstart, $3  }
0xbf: {  	[dreg:$0x1] =	wrdreg $0xFFFFFFFF  }
0xc0: {  	_ =	task.clear_ibuf [dreg:s6], $0x2FFFF;
	_ =	strace $0x9FFFFFFF  }
0xc1: {  	(tm) =	ssettm $0x7FFFFFFF  }
tec
execute0_lowered:
.L_overlay_start_1:
0x0: {  	(tag) =	ssettag $0x1  }
0x1: {  	s0 =	rddreg [dreg:$0x0];
	s1 =	simm.s32 $0x0;
	s3 =	srdreg.scid  }
0x2: {  	s4 =	stileid.u32;
	s25 =	simm.s32 $0x4000;
	s28 =	simm.s32 $0x8000  }
0x3: {  	s29 =	simm.s32 $0x2;
	s30 =	simm.s32 $0x3;
	s31 =	simm.s32 $0x0  }
0x4: {  	[smem:$0x7FF] =	sst s1;
	s2 =	sadd.s32 $0xA1000, s0;
	s6 =	sadd.s32 $0xC1000, s0  }
0x5: {  	s8 =	sadd.s32 $0xE1000, s0;
	s10 =	sadd.s32 $0x101000, s0;
	s3 =	sand.u32 $0x1, s3  }
0x6: {  	s4 =	sshll.u32 s4, $0x1;
	s12 =	sadd.s32 $0x121000, s0;
	s14 =	sadd.s32 $0x1000, s0  }
0x7: {  	s16 =	sadd.s32 $0x21000, s0;
	s18 =	sadd.s32 $0x41000, s0;
	s20 =	sadd.s32 $0x61000, s0  }
0x8: {  	s22 =	sadd.s32 $0x81000, s0;
	s4 =	sor.u32 s3, s4;
	s3 =	ssub.s32 $0x2, s3  }
0x9: {  	_ =	strace $0x80000047;
	s26 =	sshrl.u32 s3, $0x1;
	s21 =	sshll.u32 s4, $0xC  }
0xa: {  	s5 =	smul.u32 $0x2600, s4;
	s24 =	ssub.s32 s3, s26;
	s3 =	sadd.s32 s2, s21  }
0xb: {  	s23 =	sor.u32 $0x800, s21;
	s7 =	sadd.s32 s8, s21;
	s9 =	sadd.s32 s10, s21  }
0xc: {  	s11 =	sadd.s32 s12, s21;
	s13 =	sadd.s32 s14, s21;
	s15 =	sadd.s32 s16, s21  }
0xd: {  	s17 =	sadd.s32 s18, s21;
	s19 =	sadd.s32 s20, s21;
	s26 =	simm.s32 $0x1  }
0xe: {  	s0 =	sadd.s32 s5, s0;
	s4 =	sadd.s32 s2, s23;
	s5 =	sadd.s32 s6, s21  }
0xf: {  	s6 =	sadd.s32 s6, s23;
	s8 =	sadd.s32 s8, s23;
	s10 =	sadd.s32 s10, s23  }
0x10: {  	s12 =	sadd.s32 s12, s23;
	s14 =	sadd.s32 s14, s23;
	s16 =	sadd.s32 s16, s23  }
0x11: {  	s18 =	sadd.s32 s18, s23;
	s20 =	sadd.s32 s20, s23;
	s21 =	sadd.s32 s22, s21  }
0x12: {  	v0 =	vimm.s32 $0x0;
	v1 =	vimm.s32 $0x1;
	s22 =	sadd.s32 s22, s23;
	s24 =	smax.u32 s24, $0x1;
	s23 =	sadd.s32 $0x141000, s0  }
.LBB2_1:
0x13: {  	s0 =	simm.s32 $0x40;
	s2 =	simm.s32 $0x0  }
.LBB2_2:
0x14: {  	p0 =	sne.s32 s0, $0x4BFC0;
	[tilespmem:s2+$0x8000] =	vst v0;
	s2 =	smov.u32 s0;
	s0 =	sadd.s32 $0x40, s0  }
.Ltmp0:
0x15: {  	(pc) =	sbr.rel @p0 .LBB2_2-.Ltmp0, $2  }
0x16: {  	_ =	sdelay $0x2  }
0x17: {  	s2 =	sshra.s32 s2, $0x2  }
0x18: {  	[tilespmem:s2+$0x8000] =	vst v0  }
0x19: {  	[tilespmem:s1], [sflag:$0x1] =	stream.linear.gather [hbm4b:s3+s1], $0x4000, $0x38;
	[tilespmem:$0x1B000] =	vst v63  }
0x1a: {  	_ = 	snop  }
0x1b: {  	[tilespmem:s25], [sflag:$0x2] =	stream.linear.gather [hbm4b:s4+s1], $0x4000, $0x38;
	[tilespmem:$0x1B000] =	vst v63  }
0x1c: {  	_ =	swait.ge [sflag:s26], $0x4000  }
0x1d: {  	[sflag:s26] =	ssyncset.done $0x0  }
0x1e: {  	s0 =	simm.s32 $0x80;
	[sflag:s26] =	ssyncadd.s32 $0xFFFFC000  }
0x1f: {  	v2 =	vld [tilespmem:s0+$0x10]  }
0x20: {  	v3 =	vld [tilespmem:s0+$0x30]  }
0x21: {  	v4 =	vld [tilespmem:s0+$0x20]  }
0x22: {  	v5 =	vld [tilespmem:s0+$0x40]  }
0x23: {  	v6 =	vld [tilespmem:s0+$0xFFFFFF80]  }
0x24: {  	v7 =	vld [tilespmem:s0+$0x70]  }
0x25: {  	v8 =	vld [tilespmem:s0+$0xFFFFFFB0]  }
0x26: {  	v11 =	vld [tilespmem:s0+$0xFFFFFFC0]  }
0x27: {  	v10 =	vld [tilespmem:s0+$0xFFFFFFD0]  }
0x28: {  	v12 =	vld [tilespmem:s0+$0xFFFFFFE0];
	v9 =	vand.u32 $0xFFFF, v6  }
0x29: {  	v13 =	vld [tilespmem:s0+$0x60];
	v14 =	vand.u32 $0xFFFF, v7  }
0x2a: {  	v15 =	vld [tilespmem:s0+$0x50];
	v6 =	vshrl.u32 v6, $0x10  }
0x2b: {  	v16 =	vld [tilespmem:s0+$0xFFFFFF90]  }
0x2c: {  	v17 =	vld [tilespmem:s0+$0xFFFFFFA0];
	v18 =	vand.u32 $0xFFFF, v5  }
0x2d: {  	v7 =	vshrl.u32 v7, $0x10;
	[tilespmem:v9+s28+$0x0] =	vst.idx.add.s32.msk $0xffff, v1  }
0x2e: {  	[tilespmem:v14+s28+$0x0] =	vst.idx.add.s32.msk $0xffff, v1  }
0x2f: {  	[tilespmem:v6+s28+$0x0] =	vst.idx.add.s32.msk $0xffff, v1;
	v6 =	vand.u32 $0xFFFF, v13  }
0x30: {  	v9 =	vshrl.u32 v13, $0x10;
	v14 =	vld [tilespmem:s0+$0x0];
	v13 =	vand.u32 $0xFFFF, v15  }
0x31: {  	[tilespmem:v18+s28+$0x0] =	vst.idx.add.s32.msk $0xffff, v1  }
0x32: {  	[tilespmem:v7+s28+$0x0] =	vst.idx.add.s32.msk $0xffff, v1;
	v7 =	vshrl.u32 v15, $0x10  }
0x33: {  	v5 =	vshrl.u32 v5, $0x10;
	v15 =	vld [tilespmem:s0+$0xFFFFFFF0]  }
0x34: {  	[tilespmem:v6+s28+$0x0] =	vst.idx.add.s32.msk $0xffff, v1;
	v6 =	vand.u32 $0xFFFF, v4  }
0x35: {  	v4 =	vshrl.u32 v4, $0x10;
	[tilespmem:v13+s28+$0x0] =	vst.idx.add.s32.msk $0xffff, v1  }
0x36: {  	[tilespmem:v9+s28+$0x0] =	vst.idx.add.s32.msk $0xffff, v1;
	v9 =	vand.u32 $0xFFFF, v2  }
0x37: {  	[tilespmem:v7+s28+$0x0] =	vst.idx.add.s32.msk $0xffff, v1;
	v7 =	vand.u32 $0xFFFF, v14  }
0x38: {  	[tilespmem:v5+s28+$0x0] =	vst.idx.add.s32.msk $0xffff, v1;
	v5 =	vshrl.u32 v14, $0x10;
	v14 =	vand.u32 $0xFFFF, v15  }
0x39: {  	v2 =	vshrl.u32 v2, $0x10;
	[tilespmem:v6+s28+$0x0] =	vst.idx.add.s32.msk $0xffff, v1  }
0x3a: {  	[tilespmem:v4+s28+$0x0] =	vst.idx.add.s32.msk $0xffff, v1  }
0x3b: {  	v15 =	vshrl.u32 v15, $0x10;
	[tilespmem:v9+s28+$0x0] =	vst.idx.add.s32.msk $0xffff, v1  }
0x3c: {  	v6 =	vand.u32 $0xFFFF, v3;
	[tilespmem:v7+s28+$0x0] =	vst.idx.add.s32.msk $0xffff, v1  }
0x3d: {  	v13 =	vshrl.u32 v3, $0x10;
	[tilespmem:v14+s28+$0x0] =	vst.idx.add.s32.msk $0xffff, v1  }
0x3e: {  	v9 =	vand.u32 $0xFFFF, v12;
	[tilespmem:v2+s28+$0x0] =	vst.idx.add.s32.msk $0xffff, v1  }
0x3f: {  	v3 =	vshrl.u32 v8, $0x10;
	[tilespmem:v5+s28+$0x0] =	vst.idx.add.s32.msk $0xffff, v1;
	v2 =	vshrl.u32 v12, $0x10  }
0x40: {  	v4 =	vshrl.u32 v10, $0x10;
	v10 =	vand.u32 $0xFFFF, v10;
	v7 =	vand.u32 $0xFFFF, v17;
	[tilespmem:v15+s28+$0x0] =	vst.idx.add.s32.msk $0xffff, v1  }
0x41: {  	v5 =	vand.u32 $0xFFFF, v11;
	v12 =	vshrl.u32 v11, $0x10;
	v11 =	vshrl.u32 v16, $0x10;
	[tilespmem:v6+s28+$0x0] =	vst.idx.add.s32.msk $0xffff, v1  }
0x42: {  	s2 =	simm.s32 $0x0;
	v6 =	vand.u32 $0xFFFF, v8;
	v8 =	vand.u32 $0xFFFF, v16;
	[tilespmem:v13+s28+$0x0] =	vst.idx.add.s32.msk $0xffff, v1;
	v13 =	vshrl.u32 v17, $0x10  }
.LBB2_4:
0x43: {  	s2 =	sadd.s32 $0x10, s2;
	[tilespmem:v9+s28+$0x0] =	vst.idx.add.s32.msk $0xffff, v1;
	s0 =	sadd.s32 $0x100, s0  }
0x44: {  	p0 =	slt.u32 s2, $0x3F0;
	[tilespmem:v2+s28+$0x0] =	vst.idx.add.s32.msk $0xffff, v1  }
0x45: {  	[tilespmem:v10+s28+$0x0] =	vst.idx.add.s32.msk $0xffff, v1  }
0x46: {  	[tilespmem:v4+s28+$0x0] =	vst.idx.add.s32.msk $0xffff, v1  }
0x47: {  	[tilespmem:v5+s28+$0x0] =	vst.idx.add.s32.msk $0xffff, v1  }
0x48: {  	[tilespmem:v12+s28+$0x0] =	vst.idx.add.s32.msk $0xffff, v1  }
0x49: {  	[tilespmem:v6+s28+$0x0] =	vst.idx.add.s32.msk $0xffff, v1  }
0x4a: {  	[tilespmem:v3+s28+$0x0] =	vst.idx.add.s32.msk $0xffff, v1  }
0x4b: {  	[tilespmem:v7+s28+$0x0] =	vst.idx.add.s32.msk $0xffff, v1  }
0x4c: {  	[tilespmem:v13+s28+$0x0] =	vst.idx.add.s32.msk $0xffff, v1  }
0x4d: {  	[tilespmem:v8+s28+$0x0] =	vst.idx.add.s32.msk $0xffff, v1  }
0x4e: {  	[tilespmem:v11+s28+$0x0] =	vst.idx.add.s32.msk $0xffff, v1  }
0x4f: {  	v2 =	vld [tilespmem:s0+$0x10]  }
0x50: {  	v3 =	vld [tilespmem:s0+$0x30]  }
0x51: {  	v4 =	vld [tilespmem:s0+$0x20]  }
0x52: {  	v5 =	vld [tilespmem:s0+$0x40]  }
0x53: {  	v6 =	vld [tilespmem:s0+$0xFFFFFF80]  }
0x54: {  	v7 =	vld [tilespmem:s0+$0x70]  }
0x55: {  	v8 =	vld [tilespmem:s0+$0xFFFFFFB0]  }
0x56: {  	v11 =	vld [tilespmem:s0+$0xFFFFFFC0]  }
0x57: {  	v10 =	vld [tilespmem:s0+$0xFFFFFFD0]  }
0x58: {  	v9 =	vand.u32 $0xFFFF, v6;
	v12 =	vld [tilespmem:s0+$0xFFFFFFE0]  }
0x59: {  	v6 =	vshrl.u32 v6, $0x10;
	v13 =	vld [tilespmem:s0+$0x60];
	v14 =	vand.u32 $0xFFFF, v7  }
0x5a: {  	v15 =	vld [tilespmem:s0+$0x50]  }
0x5b: {  	v7 =	vshrl.u32 v7, $0x10;
	v16 =	vld [tilespmem:s0+$0xFFFFFF90]  }
0x5c: {  	v17 =	vld [tilespmem:s0+$0xFFFFFFA0]  }
0x5d: {  	[tilespmem:v9+s28+$0x0] =	vst.idx.add.s32.msk $0xffff, v1  }
0x5e: {  	[tilespmem:v6+s28+$0x0] =	vst.idx.add.s32.msk $0xffff, v1;
	v6 =	vand.u32 $0xFFFF, v13  }
0x5f: {  	v13 =	vshrl.u32 v13, $0x10;
	v9 =	vand.u32 $0xFFFF, v15;
	[tilespmem:v14+s28+$0x0] =	vst.idx.add.s32.msk $0xffff, v1  }
0x60: {  	v14 =	vshrl.u32 v15, $0x10;
	[tilespmem:v7+s28+$0x0] =	vst.idx.add.s32.msk $0xffff, v1  }
0x61: {  	v7 =	vld [tilespmem:s0+$0x0]  }
0x62: {  	v18 =	vand.u32 $0xFFFF, v5;
	v15 =	vld [tilespmem:s0+$0xFFFFFFF0]  }
0x63: {  	v5 =	vshrl.u32 v5, $0x10;
	[tilespmem:v6+s28+$0x0] =	vst.idx.add.s32.msk $0xffff, v1  }
0x64: {  	v6 =	vand.u32 $0xFFFF, v4;
	[tilespmem:v13+s28+$0x0] =	vst.idx.add.s32.msk $0xffff, v1  }
0x65: {  	v19 =	vshrl.u32 v4, $0x10;
	v13 =	vand.u32 $0xFFFF, v2;
	[tilespmem:v9+s28+$0x0] =	vst.idx.add.s32.msk $0xffff, v1  }
0x66: {  	v22 =	vshrl.u32 v2, $0x10;
	v20 =	vshrl.u32 v7, $0x10;
	v21 =	vand.u32 $0xFFFF, v7;
	[tilespmem:v14+s28+$0x0] =	vst.idx.add.s32.msk $0xffff, v1  }
0x67: {  	v23 =	vand.u32 $0xFFFF, v3;
	v14 =	vshrl.u32 v15, $0x10;
	v15 =	vand.u32 $0xFFFF, v15;
	[tilespmem:v18+s28+$0x0] =	vst.idx.add.s32.msk $0xffff, v1  }
0x68: {  	v2 =	vshrl.u32 v12, $0x10;
	v9 =	vand.u32 $0xFFFF, v12;
	v18 =	vshrl.u32 v3, $0x10;
	[tilespmem:v5+s28+$0x0] =	vst.idx.add.s32.msk $0xffff, v1  }
0x69: {  	v4 =	vshrl.u32 v10, $0x10;
	v10 =	vand.u32 $0xFFFF, v10;
	[tilespmem:v6+s28+$0x0] =	vst.idx.add.s32.msk $0xffff, v1  }
0x6a: {  	v5 =	vand.u32 $0xFFFF, v11;
	[tilespmem:v19+s28+$0x0] =	vst.idx.add.s32.msk $0xffff, v1  }
0x6b: {  	v12 =	vshrl.u32 v11, $0x10;
	v3 =	vshrl.u32 v8, $0x10;
	v6 =	vand.u32 $0xFFFF, v8;
	[tilespmem:v13+s28+$0x0] =	vst.idx.add.s32.msk $0xffff, v1  }
0x6c: {  	v7 =	vand.u32 $0xFFFF, v17;
	[tilespmem:v21+s28+$0x0] =	vst.idx.add.s32.msk $0xffff, v1  }
0x6d: {  	v8 =	vand.u32 $0xFFFF, v16;
	v13 =	vshrl.u32 v17, $0x10;
	[tilespmem:v22+s28+$0x0] =	vst.idx.add.s32.msk $0xffff, v1  }
.Ltmp1:
0x6e: {  	v11 =	vshrl.u32 v16, $0x10;
	[tilespmem:v20+s28+$0x0] =	vst.idx.add.s32.msk $0xffff, v1;
	(pc) =	sbr.rel @p0 .LBB2_4-.Ltmp1, $4  }
0x6f: {  	[tilespmem:v23+s28+$0x0] =	vst.idx.add.s32.msk $0xffff, v1  }
0x70: {  	[tilespmem:v18+s28+$0x0] =	vst.idx.add.s32.msk $0xffff, v1  }
0x71: {  	[tilespmem:v15+s28+$0x0] =	vst.idx.add.s32.msk $0xffff, v1  }
0x72: {  	[tilespmem:v14+s28+$0x0] =	vst.idx.add.s32.msk $0xffff, v1  }
0x73: {  	_ =	sdelay $0x3  }
0x74: {  	[tilespmem:v9+s28+$0x0] =	vst.idx.add.s32.msk $0xffff, v1  }
0x75: {  	[tilespmem:v10+s28+$0x0] =	vst.idx.add.s32.msk $0xffff, v1  }
0x76: {  	[tilespmem:v5+s28+$0x0] =	vst.idx.add.s32.msk $0xffff, v1  }
0x77: {  	[tilespmem:v6+s28+$0x0] =	vst.idx.add.s32.msk $0xffff, v1  }
0x78: {  	[tilespmem:v7+s28+$0x0] =	vst.idx.add.s32.msk $0xffff, v1  }
0x79: {  	[tilespmem:v8+s28+$0x0] =	vst.idx.add.s32.msk $0xffff, v1  }
0x7a: {  	[tilespmem:v2+s28+$0x0] =	vst.idx.add.s32.msk $0xffff, v1  }
0x7b: {  	[tilespmem:v4+s28+$0x0] =	vst.idx.add.s32.msk $0xffff, v1  }
0x7c: {  	[tilespmem:v12+s28+$0x0] =	vst.idx.add.s32.msk $0xffff, v1  }
0x7d: {  	[tilespmem:v3+s28+$0x0] =	vst.idx.add.s32.msk $0xffff, v1  }
0x7e: {  	[tilespmem:v13+s28+$0x0] =	vst.idx.add.s32.msk $0xffff, v1  }
0x7f: {  	[tilespmem:v11+s28+$0x0] =	vst.idx.add.s32.msk $0xffff, v1  }
0x80: {  	[tilespmem:s1], [sflag:$0x1] =	stream.linear.gather [hbm4b:s5+s1], $0x4000, $0x38;
	[tilespmem:$0x1B000] =	vst v63  }
0x81: {  	_ =	swait.ge [sflag:s29], $0x4000  }
0x82: {  	[sflag:s29] =	ssyncset.done $0x0  }
0x83: {  	s0 =	simm.s32 $0x4080;
	[sflag:s29] =	ssyncadd.s32 $0xFFFFC000  }
0x84: {  	v2 =	vld [tilespmem:s0+$0x10]  }
0x85: {  	v3 =	vld [tilespmem:s0+$0x30]  }
0x86: {  	v4 =	vld [tilespmem:s0+$0x20]  }
0x87: {  	v5 =	vld [tilespmem:s0+$0x40]  }
0x88: {  	v6 =	vld [tilespmem:s0+$0xFFFFFF80]  }
0x89: {  	v7 =	vld [tilespmem:s0+$0x70]  }
0x8a: {  	v8 =	vld [tilespmem:s0+$0xFFFFFFB0]  }
0x8b: {  	v11 =	vld [tilespmem:s0+$0xFFFFFFC0]  }
0x8c: {  	v10 =	vld [tilespmem:s0+$0xFFFFFFD0]  }
0x8d: {  	v12 =	vld [tilespmem:s0+$0xFFFFFFE0];
	v9 =	vand.u32 $0xFFFF, v6  }
0x8e: {  	v13 =	vld [tilespmem:s0+$0x60];
	v14 =	vand.u32 $0xFFFF, v7  }
0x8f: {  	v15 =	vld [tilespmem:s0+$0x50];
	v6 =	vshrl.u32 v6, $0x10  }
0x90: {  	v16 =	vld [tilespmem:s0+$0xFFFFFF90]  }
0x91: {  	v17 =	vld [tilespmem:s0+$0xFFFFFFA0];
	v18 =	vand.u32 $0xFFFF, v5  }
0x92: {  	v7 =	vshrl.u32 v7, $0x10;
	[tilespmem:v9+s28+$0x0] =	vst.idx.add.s32.msk $0xffff, v1  }
0x93: {  	[tilespmem:v14+s28+$0x0] =	vst.idx.add.s32.msk $0xffff, v1  }
0x94: {  	[tilespmem:v6+s28+$0x0] =	vst.idx.add.s32.msk $0xffff, v1;
	v6 =	vand.u32 $0xFFFF, v13  }
0x95: {  	v9 =	vshrl.u32 v13, $0x10;
	v14 =	vld [tilespmem:s0+$0x0];
	v13 =	vand.u32 $0xFFFF, v15  }
0x96: {  	[tilespmem:v18+s28+$0x0] =	vst.idx.add.s32.msk $0xffff, v1  }
0x97: {  	[tilespmem:v7+s28+$0x0] =	vst.idx.add.s32.msk $0xffff, v1;
	v7 =	vshrl.u32 v15, $0x10  }
0x98: {  	v5 =	vshrl.u32 v5, $0x10;
	v15 =	vld [tilespmem:s0+$0xFFFFFFF0]  }
0x99: {  	[tilespmem:v6+s28+$0x0] =	vst.idx.add.s32.msk $0xffff, v1;
	v6 =	vand.u32 $0xFFFF, v4  }
0x9a: {  	v4 =	vshrl.u32 v4, $0x10;
	[tilespmem:v13+s28+$0x0] =	vst.idx.add.s32.msk $0xffff, v1  }
0x9b: {  	[tilespmem:v9+s28+$0x0] =	vst.idx.add.s32.msk $0xffff, v1;
	v9 =	vand.u32 $0xFFFF, v2  }
0x9c: {  	[tilespmem:v7+s28+$0x0] =	vst.idx.add.s32.msk $0xffff, v1;
	v7 =	vand.u32 $0xFFFF, v14  }
0x9d: {  	[tilespmem:v5+s28+$0x0] =	vst.idx.add.s32.msk $0xffff, v1;
	v5 =	vshrl.u32 v14, $0x10;
	v14 =	vand.u32 $0xFFFF, v15  }
0x9e: {  	v2 =	vshrl.u32 v2, $0x10;
	[tilespmem:v6+s28+$0x0] =	vst.idx.add.s32.msk $0xffff, v1  }
0x9f: {  	[tilespmem:v4+s28+$0x0] =	vst.idx.add.s32.msk $0xffff, v1  }
0xa0: {  	v15 =	vshrl.u32 v15, $0x10;
	[tilespmem:v9+s28+$0x0] =	vst.idx.add.s32.msk $0xffff, v1  }
0xa1: {  	v6 =	vand.u32 $0xFFFF, v3;
	[tilespmem:v7+s28+$0x0] =	vst.idx.add.s32.msk $0xffff, v1  }
0xa2: {  	v13 =	vshrl.u32 v3, $0x10;
	[tilespmem:v14+s28+$0x0] =	vst.idx.add.s32.msk $0xffff, v1  }
0xa3: {  	v9 =	vand.u32 $0xFFFF, v12;
	[tilespmem:v2+s28+$0x0] =	vst.idx.add.s32.msk $0xffff, v1  }
0xa4: {  	v3 =	vshrl.u32 v8, $0x10;
	[tilespmem:v5+s28+$0x0] =	vst.idx.add.s32.msk $0xffff, v1;
	v2 =	vshrl.u32 v12, $0x10  }
0xa5: {  	v4 =	vshrl.u32 v10, $0x10;
	v10 =	vand.u32 $0xFFFF, v10;
	v7 =	vand.u32 $0xFFFF, v17;
	[tilespmem:v15+s28+$0x0] =	vst.idx.add.s32.msk $0xffff, v1  }
0xa6: {  	v5 =	vand.u32 $0xFFFF, v11;
	v12 =	vshrl.u32 v11, $0x10;
	v11 =	vshrl.u32 v16, $0x10;
	[tilespmem:v6+s28+$0x0] =	vst.idx.add.s32.msk $0xffff, v1  }
0xa7: {  	s2 =	simm.s32 $0x0;
	v6 =	vand.u32 $0xFFFF, v8;
	v8 =	vand.u32 $0xFFFF, v16;
	[tilespmem:v13+s28+$0x0] =	vst.idx.add.s32.msk $0xffff, v1;
	v13 =	vshrl.u32 v17, $0x10  }
.LBB2_6:
0xa8: {  	s2 =	sadd.s32 $0x10, s2;
	[tilespmem:v9+s28+$0x0] =	vst.idx.add.s32.msk $0xffff, v1;
	s0 =	sadd.s32 $0x100, s0  }
0xa9: {  	p0 =	slt.u32 s2, $0x3F0;
	[tilespmem:v2+s28+$0x0] =	vst.idx.add.s32.msk $0xffff, v1  }
0xaa: {  	[tilespmem:v10+s28+$0x0] =	vst.idx.add.s32.msk $0xffff, v1  }
0xab: {  	[tilespmem:v4+s28+$0x0] =	vst.idx.add.s32.msk $0xffff, v1  }
0xac: {  	[tilespmem:v5+s28+$0x0] =	vst.idx.add.s32.msk $0xffff, v1  }
0xad: {  	[tilespmem:v12+s28+$0x0] =	vst.idx.add.s32.msk $0xffff, v1  }
0xae: {  	[tilespmem:v6+s28+$0x0] =	vst.idx.add.s32.msk $0xffff, v1  }
0xaf: {  	[tilespmem:v3+s28+$0x0] =	vst.idx.add.s32.msk $0xffff, v1  }
0xb0: {  	[tilespmem:v7+s28+$0x0] =	vst.idx.add.s32.msk $0xffff, v1  }
0xb1: {  	[tilespmem:v13+s28+$0x0] =	vst.idx.add.s32.msk $0xffff, v1  }
0xb2: {  	[tilespmem:v8+s28+$0x0] =	vst.idx.add.s32.msk $0xffff, v1  }
0xb3: {  	[tilespmem:v11+s28+$0x0] =	vst.idx.add.s32.msk $0xffff, v1  }
0xb4: {  	v2 =	vld [tilespmem:s0+$0x10]  }
0xb5: {  	v3 =	vld [tilespmem:s0+$0x30]  }
0xb6: {  	v4 =	vld [tilespmem:s0+$0x20]  }
0xb7: {  	v5 =	vld [tilespmem:s0+$0x40]  }
0xb8: {  	v6 =	vld [tilespmem:s0+$0xFFFFFF80]  }
0xb9: {  	v7 =	vld [tilespmem:s0+$0x70]  }
0xba: {  	v8 =	vld [tilespmem:s0+$0xFFFFFFB0]  }
0xbb: {  	v11 =	vld [tilespmem:s0+$0xFFFFFFC0]  }
0xbc: {  	v10 =	vld [tilespmem:s0+$0xFFFFFFD0]  }
0xbd: {  	v9 =	vand.u32 $0xFFFF, v6;
	v12 =	vld [tilespmem:s0+$0xFFFFFFE0]  }
0xbe: {  	v6 =	vshrl.u32 v6, $0x10;
	v13 =	vld [tilespmem:s0+$0x60];
	v14 =	vand.u32 $0xFFFF, v7  }
0xbf: {  	v15 =	vld [tilespmem:s0+$0x50]  }
0xc0: {  	v7 =	vshrl.u32 v7, $0x10;
	v16 =	vld [tilespmem:s0+$0xFFFFFF90]  }
0xc1: {  	v17 =	vld [tilespmem:s0+$0xFFFFFFA0]  }
0xc2: {  	[tilespmem:v9+s28+$0x0] =	vst.idx.add.s32.msk $0xffff, v1  }
0xc3: {  	[tilespmem:v6+s28+$0x0] =	vst.idx.add.s32.msk $0xffff, v1;
	v6 =	vand.u32 $0xFFFF, v13  }
0xc4: {  	v13 =	vshrl.u32 v13, $0x10;
	v9 =	vand.u32 $0xFFFF, v15;
	[tilespmem:v14+s28+$0x0] =	vst.idx.add.s32.msk $0xffff, v1  }
0xc5: {  	v14 =	vshrl.u32 v15, $0x10;
	[tilespmem:v7+s28+$0x0] =	vst.idx.add.s32.msk $0xffff, v1  }
0xc6: {  	v7 =	vld [tilespmem:s0+$0x0]  }
0xc7: {  	v18 =	vand.u32 $0xFFFF, v5;
	v15 =	vld [tilespmem:s0+$0xFFFFFFF0]  }
0xc8: {  	v5 =	vshrl.u32 v5, $0x10;
	[tilespmem:v6+s28+$0x0] =	vst.idx.add.s32.msk $0xffff, v1  }
0xc9: {  	v6 =	vand.u32 $0xFFFF, v4;
	[tilespmem:v13+s28+$0x0] =	vst.idx.add.s32.msk $0xffff, v1  }
0xca: {  	v19 =	vshrl.u32 v4, $0x10;
	v13 =	vand.u32 $0xFFFF, v2;
	[tilespmem:v9+s28+$0x0] =	vst.idx.add.s32.msk $0xffff, v1  }
0xcb: {  	v22 =	vshrl.u32 v2, $0x10;
	v20 =	vshrl.u32 v7, $0x10;
	v21 =	vand.u32 $0xFFFF, v7;
	[tilespmem:v14+s28+$0x0] =	vst.idx.add.s32.msk $0xffff, v1  }
0xcc: {  	v23 =	vand.u32 $0xFFFF, v3;
	v14 =	vshrl.u32 v15, $0x10;
	v15 =	vand.u32 $0xFFFF, v15;
	[tilespmem:v18+s28+$0x0] =	vst.idx.add.s32.msk $0xffff, v1  }
0xcd: {  	v2 =	vshrl.u32 v12, $0x10;
	v9 =	vand.u32 $0xFFFF, v12;
	v18 =	vshrl.u32 v3, $0x10;
	[tilespmem:v5+s28+$0x0] =	vst.idx.add.s32.msk $0xffff, v1  }
0xce: {  	v4 =	vshrl.u32 v10, $0x10;
	v10 =	vand.u32 $0xFFFF, v10;
	[tilespmem:v6+s28+$0x0] =	vst.idx.add.s32.msk $0xffff, v1  }
0xcf: {  	v5 =	vand.u32 $0xFFFF, v11;
	[tilespmem:v19+s28+$0x0] =	vst.idx.add.s32.msk $0xffff, v1  }
0xd0: {  	v12 =	vshrl.u32 v11, $0x10;
	v3 =	vshrl.u32 v8, $0x10;
	v6 =	vand.u32 $0xFFFF, v8;
	[tilespmem:v13+s28+$0x0] =	vst.idx.add.s32.msk $0xffff, v1  }
0xd1: {  	v7 =	vand.u32 $0xFFFF, v17;
	[tilespmem:v21+s28+$0x0] =	vst.idx.add.s32.msk $0xffff, v1  }
0xd2: {  	v8 =	vand.u32 $0xFFFF, v16;
	v13 =	vshrl.u32 v17, $0x10;
	[tilespmem:v22+s28+$0x0] =	vst.idx.add.s32.msk $0xffff, v1  }
.Ltmp2:
0xd3: {  	v11 =	vshrl.u32 v16, $0x10;
	[tilespmem:v20+s28+$0x0] =	vst.idx.add.s32.msk $0xffff, v1;
	(pc) =	sbr.rel @p0 .LBB2_6-.Ltmp2, $4  }
0xd4: {  	[tilespmem:v23+s28+$0x0] =	vst.idx.add.s32.msk $0xffff, v1  }
0xd5: {  	[tilespmem:v18+s28+$0x0] =	vst.idx.add.s32.msk $0xffff, v1  }
0xd6: {  	[tilespmem:v15+s28+$0x0] =	vst.idx.add.s32.msk $0xffff, v1  }
0xd7: {  	[tilespmem:v14+s28+$0x0] =	vst.idx.add.s32.msk $0xffff, v1  }
0xd8: {  	_ =	sdelay $0x3  }
0xd9: {  	[tilespmem:v9+s28+$0x0] =	vst.idx.add.s32.msk $0xffff, v1  }
0xda: {  	[tilespmem:v10+s28+$0x0] =	vst.idx.add.s32.msk $0xffff, v1  }
0xdb: {  	[tilespmem:v5+s28+$0x0] =	vst.idx.add.s32.msk $0xffff, v1  }
0xdc: {  	[tilespmem:v6+s28+$0x0] =	vst.idx.add.s32.msk $0xffff, v1  }
0xdd: {  	[tilespmem:v7+s28+$0x0] =	vst.idx.add.s32.msk $0xffff, v1  }
0xde: {  	[tilespmem:v8+s28+$0x0] =	vst.idx.add.s32.msk $0xffff, v1  }
0xdf: {  	[tilespmem:v2+s28+$0x0] =	vst.idx.add.s32.msk $0xffff, v1  }
0xe0: {  	[tilespmem:v4+s28+$0x0] =	vst.idx.add.s32.msk $0xffff, v1  }
0xe1: {  	[tilespmem:v12+s28+$0x0] =	vst.idx.add.s32.msk $0xffff, v1  }
0xe2: {  	[tilespmem:v3+s28+$0x0] =	vst.idx.add.s32.msk $0xffff, v1  }
0xe3: {  	[tilespmem:v13+s28+$0x0] =	vst.idx.add.s32.msk $0xffff, v1  }
0xe4: {  	[tilespmem:v11+s28+$0x0] =	vst.idx.add.s32.msk $0xffff, v1  }
0xe5: {  	[tilespmem:s25], [sflag:$0x2] =	stream.linear.gather [hbm4b:s6+s1], $0x4000, $0x38;
	[tilespmem:$0x1B000] =	vst v63  }
0xe6: {  	_ =	swait.ge [sflag:s26], $0x4000  }
0xe7: {  	[sflag:s26] =	ssyncset.done $0x0  }
0xe8: {  	s0 =	simm.s32 $0x80;
	[sflag:s26] =	ssyncadd.s32 $0xFFFFC000  }
0xe9: {  	v2 =	vld [tilespmem:s0+$0x10]  }
0xea: {  	v3 =	vld [tilespmem:s0+$0x30]  }
0xeb: {  	v4 =	vld [tilespmem:s0+$0x20]  }
0xec: {  	v5 =	vld [tilespmem:s0+$0x40]  }
0xed: {  	v6 =	vld [tilespmem:s0+$0xFFFFFF80]  }
0xee: {  	v7 =	vld [tilespmem:s0+$0x70]  }
0xef: {  	v8 =	vld [tilespmem:s0+$0xFFFFFFB0]  }
0xf0: {  	v11 =	vld [tilespmem:s0+$0xFFFFFFC0]  }
0xf1: {  	v10 =	vld [tilespmem:s0+$0xFFFFFFD0]  }
0xf2: {  	v12 =	vld [tilespmem:s0+$0xFFFFFFE0];
	v9 =	vand.u32 $0xFFFF, v6  }
0xf3: {  	v13 =	vld [tilespmem:s0+$0x60];
	v14 =	vand.u32 $0xFFFF, v7  }
0xf4: {  	v15 =	vld [tilespmem:s0+$0x50];
	v6 =	vshrl.u32 v6, $0x10  }
0xf5: {  	v16 =	vld [tilespmem:s0+$0xFFFFFF90]  }
0xf6: {  	v17 =	vld [tilespmem:s0+$0xFFFFFFA0];
	v18 =	vand.u32 $0xFFFF, v5  }
0xf7: {  	v7 =	vshrl.u32 v7, $0x10;
	[tilespmem:v9+s28+$0x0] =	vst.idx.add.s32.msk $0xffff, v1  }
0xf8: {  	[tilespmem:v14+s28+$0x0] =	vst.idx.add.s32.msk $0xffff, v1  }
0xf9: {  	[tilespmem:v6+s28+$0x0] =	vst.idx.add.s32.msk $0xffff, v1;
	v6 =	vand.u32 $0xFFFF, v13  }
0xfa: {  	v9 =	vshrl.u32 v13, $0x10;
	v14 =	vld [tilespmem:s0+$0x0];
	v13 =	vand.u32 $0xFFFF, v15  }
0xfb: {  	[tilespmem:v18+s28+$0x0] =	vst.idx.add.s32.msk $0xffff, v1  }
0xfc: {  	[tilespmem:v7+s28+$0x0] =	vst.idx.add.s32.msk $0xffff, v1;
	v7 =	vshrl.u32 v15, $0x10  }
0xfd: {  	v5 =	vshrl.u32 v5, $0x10;
	v15 =	vld [tilespmem:s0+$0xFFFFFFF0]  }
0xfe: {  	[tilespmem:v6+s28+$0x0] =	vst.idx.add.s32.msk $0xffff, v1;
	v6 =	vand.u32 $0xFFFF, v4  }
0xff: {  	v4 =	vshrl.u32 v4, $0x10;
	[tilespmem:v13+s28+$0x0] =	vst.idx.add.s32.msk $0xffff, v1  }
0x100: {  	[tilespmem:v9+s28+$0x0] =	vst.idx.add.s32.msk $0xffff, v1;
	v9 =	vand.u32 $0xFFFF, v2  }
0x101: {  	[tilespmem:v7+s28+$0x0] =	vst.idx.add.s32.msk $0xffff, v1;
	v7 =	vand.u32 $0xFFFF, v14  }
0x102: {  	[tilespmem:v5+s28+$0x0] =	vst.idx.add.s32.msk $0xffff, v1;
	v5 =	vshrl.u32 v14, $0x10;
	v14 =	vand.u32 $0xFFFF, v15  }
0x103: {  	v2 =	vshrl.u32 v2, $0x10;
	[tilespmem:v6+s28+$0x0] =	vst.idx.add.s32.msk $0xffff, v1  }
0x104: {  	[tilespmem:v4+s28+$0x0] =	vst.idx.add.s32.msk $0xffff, v1  }
0x105: {  	v15 =	vshrl.u32 v15, $0x10;
	[tilespmem:v9+s28+$0x0] =	vst.idx.add.s32.msk $0xffff, v1  }
0x106: {  	v6 =	vand.u32 $0xFFFF, v3;
	[tilespmem:v7+s28+$0x0] =	vst.idx.add.s32.msk $0xffff, v1  }
0x107: {  	v13 =	vshrl.u32 v3, $0x10;
	[tilespmem:v14+s28+$0x0] =	vst.idx.add.s32.msk $0xffff, v1  }
0x108: {  	v9 =	vand.u32 $0xFFFF, v12;
	[tilespmem:v2+s28+$0x0] =	vst.idx.add.s32.msk $0xffff, v1  }
0x109: {  	v3 =	vshrl.u32 v8, $0x10;
	[tilespmem:v5+s28+$0x0] =	vst.idx.add.s32.msk $0xffff, v1;
	v2 =	vshrl.u32 v12, $0x10  }
0x10a: {  	v4 =	vshrl.u32 v10, $0x10;
	v10 =	vand.u32 $0xFFFF, v10;
	v7 =	vand.u32 $0xFFFF, v17;
	[tilespmem:v15+s28+$0x0] =	vst.idx.add.s32.msk $0xffff, v1  }
0x10b: {  	v5 =	vand.u32 $0xFFFF, v11;
	v12 =	vshrl.u32 v11, $0x10;
	v11 =	vshrl.u32 v16, $0x10;
	[tilespmem:v6+s28+$0x0] =	vst.idx.add.s32.msk $0xffff, v1  }
0x10c: {  	s2 =	simm.s32 $0x0;
	v6 =	vand.u32 $0xFFFF, v8;
	v8 =	vand.u32 $0xFFFF, v16;
	[tilespmem:v13+s28+$0x0] =	vst.idx.add.s32.msk $0xffff, v1;
	v13 =	vshrl.u32 v17, $0x10  }
.LBB2_8:
0x10d: {  	s2 =	sadd.s32 $0x10, s2;
	[tilespmem:v9+s28+$0x0] =	vst.idx.add.s32.msk $0xffff, v1;
	s0 =	sadd.s32 $0x100, s0  }
0x10e: {  	p0 =	slt.u32 s2, $0x3F0;
	[tilespmem:v2+s28+$0x0] =	vst.idx.add.s32.msk $0xffff, v1  }
0x10f: {  	[tilespmem:v10+s28+$0x0] =	vst.idx.add.s32.msk $0xffff, v1  }
0x110: {  	[tilespmem:v4+s28+$0x0] =	vst.idx.add.s32.msk $0xffff, v1  }
0x111: {  	[tilespmem:v5+s28+$0x0] =	vst.idx.add.s32.msk $0xffff, v1  }
0x112: {  	[tilespmem:v12+s28+$0x0] =	vst.idx.add.s32.msk $0xffff, v1  }
0x113: {  	[tilespmem:v6+s28+$0x0] =	vst.idx.add.s32.msk $0xffff, v1  }
0x114: {  	[tilespmem:v3+s28+$0x0] =	vst.idx.add.s32.msk $0xffff, v1  }
0x115: {  	[tilespmem:v7+s28+$0x0] =	vst.idx.add.s32.msk $0xffff, v1  }
0x116: {  	[tilespmem:v13+s28+$0x0] =	vst.idx.add.s32.msk $0xffff, v1  }
0x117: {  	[tilespmem:v8+s28+$0x0] =	vst.idx.add.s32.msk $0xffff, v1  }
0x118: {  	[tilespmem:v11+s28+$0x0] =	vst.idx.add.s32.msk $0xffff, v1  }
0x119: {  	v2 =	vld [tilespmem:s0+$0x10]  }
0x11a: {  	v3 =	vld [tilespmem:s0+$0x30]  }
0x11b: {  	v4 =	vld [tilespmem:s0+$0x20]  }
0x11c: {  	v5 =	vld [tilespmem:s0+$0x40]  }
0x11d: {  	v6 =	vld [tilespmem:s0+$0xFFFFFF80]  }
0x11e: {  	v7 =	vld [tilespmem:s0+$0x70]  }
0x11f: {  	v8 =	vld [tilespmem:s0+$0xFFFFFFB0]  }
0x120: {  	v11 =	vld [tilespmem:s0+$0xFFFFFFC0]  }
0x121: {  	v10 =	vld [tilespmem:s0+$0xFFFFFFD0]  }
0x122: {  	v9 =	vand.u32 $0xFFFF, v6;
	v12 =	vld [tilespmem:s0+$0xFFFFFFE0]  }
0x123: {  	v6 =	vshrl.u32 v6, $0x10;
	v13 =	vld [tilespmem:s0+$0x60];
	v14 =	vand.u32 $0xFFFF, v7  }
0x124: {  	v15 =	vld [tilespmem:s0+$0x50]  }
0x125: {  	v7 =	vshrl.u32 v7, $0x10;
	v16 =	vld [tilespmem:s0+$0xFFFFFF90]  }
0x126: {  	v17 =	vld [tilespmem:s0+$0xFFFFFFA0]  }
0x127: {  	[tilespmem:v9+s28+$0x0] =	vst.idx.add.s32.msk $0xffff, v1  }
0x128: {  	[tilespmem:v6+s28+$0x0] =	vst.idx.add.s32.msk $0xffff, v1;
	v6 =	vand.u32 $0xFFFF, v13  }
0x129: {  	v13 =	vshrl.u32 v13, $0x10;
	v9 =	vand.u32 $0xFFFF, v15;
	[tilespmem:v14+s28+$0x0] =	vst.idx.add.s32.msk $0xffff, v1  }
0x12a: {  	v14 =	vshrl.u32 v15, $0x10;
	[tilespmem:v7+s28+$0x0] =	vst.idx.add.s32.msk $0xffff, v1  }
0x12b: {  	v7 =	vld [tilespmem:s0+$0x0]  }
0x12c: {  	v18 =	vand.u32 $0xFFFF, v5;
	v15 =	vld [tilespmem:s0+$0xFFFFFFF0]  }
0x12d: {  	v5 =	vshrl.u32 v5, $0x10;
	[tilespmem:v6+s28+$0x0] =	vst.idx.add.s32.msk $0xffff, v1  }
0x12e: {  	v6 =	vand.u32 $0xFFFF, v4;
	[tilespmem:v13+s28+$0x0] =	vst.idx.add.s32.msk $0xffff, v1  }
0x12f: {  	v19 =	vshrl.u32 v4, $0x10;
	v13 =	vand.u32 $0xFFFF, v2;
	[tilespmem:v9+s28+$0x0] =	vst.idx.add.s32.msk $0xffff, v1  }
0x130: {  	v22 =	vshrl.u32 v2, $0x10;
	v20 =	vshrl.u32 v7, $0x10;
	v21 =	vand.u32 $0xFFFF, v7;
	[tilespmem:v14+s28+$0x0] =	vst.idx.add.s32.msk $0xffff, v1  }
0x131: {  	v23 =	vand.u32 $0xFFFF, v3;
	v14 =	vshrl.u32 v15, $0x10;
	v15 =	vand.u32 $0xFFFF, v15;
	[tilespmem:v18+s28+$0x0] =	vst.idx.add.s32.msk $0xffff, v1  }
0x132: {  	v2 =	vshrl.u32 v12, $0x10;
	v9 =	vand.u32 $0xFFFF, v12;
	v18 =	vshrl.u32 v3, $0x10;
	[tilespmem:v5+s28+$0x0] =	vst.idx.add.s32.msk $0xffff, v1  }
0x133: {  	v4 =	vshrl.u32 v10, $0x10;
	v10 =	vand.u32 $0xFFFF, v10;
	[tilespmem:v6+s28+$0x0] =	vst.idx.add.s32.msk $0xffff, v1  }
0x134: {  	v5 =	vand.u32 $0xFFFF, v11;
	[tilespmem:v19+s28+$0x0] =	vst.idx.add.s32.msk $0xffff, v1  }
0x135: {  	v12 =	vshrl.u32 v11, $0x10;
	v3 =	vshrl.u32 v8, $0x10;
	v6 =	vand.u32 $0xFFFF, v8;
	[tilespmem:v13+s28+$0x0] =	vst.idx.add.s32.msk $0xffff, v1  }
0x136: {  	v7 =	vand.u32 $0xFFFF, v17;
	[tilespmem:v21+s28+$0x0] =	vst.idx.add.s32.msk $0xffff, v1  }
0x137: {  	v8 =	vand.u32 $0xFFFF, v16;
	v13 =	vshrl.u32 v17, $0x10;
	[tilespmem:v22+s28+$0x0] =	vst.idx.add.s32.msk $0xffff, v1  }
.Ltmp3:
0x138: {  	v11 =	vshrl.u32 v16, $0x10;
	[tilespmem:v20+s28+$0x0] =	vst.idx.add.s32.msk $0xffff, v1;
	(pc) =	sbr.rel @p0 .LBB2_8-.Ltmp3, $4  }
0x139: {  	[tilespmem:v23+s28+$0x0] =	vst.idx.add.s32.msk $0xffff, v1  }
0x13a: {  	[tilespmem:v18+s28+$0x0] =	vst.idx.add.s32.msk $0xffff, v1  }
0x13b: {  	[tilespmem:v15+s28+$0x0] =	vst.idx.add.s32.msk $0xffff, v1  }
0x13c: {  	[tilespmem:v14+s28+$0x0] =	vst.idx.add.s32.msk $0xffff, v1  }
0x13d: {  	_ =	sdelay $0x3  }
0x13e: {  	[tilespmem:v9+s28+$0x0] =	vst.idx.add.s32.msk $0xffff, v1  }
0x13f: {  	[tilespmem:v10+s28+$0x0] =	vst.idx.add.s32.msk $0xffff, v1  }
0x140: {  	[tilespmem:v5+s28+$0x0] =	vst.idx.add.s32.msk $0xffff, v1  }
0x141: {  	[tilespmem:v6+s28+$0x0] =	vst.idx.add.s32.msk $0xffff, v1  }
0x142: {  	[tilespmem:v7+s28+$0x0] =	vst.idx.add.s32.msk $0xffff, v1  }
0x143: {  	[tilespmem:v8+s28+$0x0] =	vst.idx.add.s32.msk $0xffff, v1  }
0x144: {  	[tilespmem:v2+s28+$0x0] =	vst.idx.add.s32.msk $0xffff, v1  }
0x145: {  	[tilespmem:v4+s28+$0x0] =	vst.idx.add.s32.msk $0xffff, v1  }
0x146: {  	[tilespmem:v12+s28+$0x0] =	vst.idx.add.s32.msk $0xffff, v1  }
0x147: {  	[tilespmem:v3+s28+$0x0] =	vst.idx.add.s32.msk $0xffff, v1  }
0x148: {  	[tilespmem:v13+s28+$0x0] =	vst.idx.add.s32.msk $0xffff, v1  }
0x149: {  	[tilespmem:v11+s28+$0x0] =	vst.idx.add.s32.msk $0xffff, v1  }
0x14a: {  	[tilespmem:s1], [sflag:$0x1] =	stream.linear.gather [hbm4b:s7+s1], $0x4000, $0x38;
	[tilespmem:$0x1B000] =	vst v63  }
0x14b: {  	_ =	swait.ge [sflag:s29], $0x4000  }
0x14c: {  	[sflag:s29] =	ssyncset.done $0x0  }
0x14d: {  	s0 =	simm.s32 $0x4080;
	[sflag:s29] =	ssyncadd.s32 $0xFFFFC000  }
0x14e: {  	v2 =	vld [tilespmem:s0+$0x10]  }
0x14f: {  	v3 =	vld [tilespmem:s0+$0x30]  }
0x150: {  	v4 =	vld [tilespmem:s0+$0x20]  }
0x151: {  	v5 =	vld [tilespmem:s0+$0x40]  }
0x152: {  	v6 =	vld [tilespmem:s0+$0xFFFFFF80]  }
0x153: {  	v7 =	vld [tilespmem:s0+$0x70]  }
0x154: {  	v8 =	vld [tilespmem:s0+$0xFFFFFFB0]  }
0x155: {  	v11 =	vld [tilespmem:s0+$0xFFFFFFC0]  }
0x156: {  	v10 =	vld [tilespmem:s0+$0xFFFFFFD0]  }
0x157: {  	v12 =	vld [tilespmem:s0+$0xFFFFFFE0];
	v9 =	vand.u32 $0xFFFF, v6  }
0x158: {  	v13 =	vld [tilespmem:s0+$0x60];
	v14 =	vand.u32 $0xFFFF, v7  }
0x159: {  	v15 =	vld [tilespmem:s0+$0x50];
	v6 =	vshrl.u32 v6, $0x10  }
0x15a: {  	v16 =	vld [tilespmem:s0+$0xFFFFFF90]  }
0x15b: {  	v17 =	vld [tilespmem:s0+$0xFFFFFFA0];
	v18 =	vand.u32 $0xFFFF, v5  }
0x15c: {  	v7 =	vshrl.u32 v7, $0x10;
	[tilespmem:v9+s28+$0x0] =	vst.idx.add.s32.msk $0xffff, v1  }
0x15d: {  	[tilespmem:v14+s28+$0x0] =	vst.idx.add.s32.msk $0xffff, v1  }
0x15e: {  	[tilespmem:v6+s28+$0x0] =	vst.idx.add.s32.msk $0xffff, v1;
	v6 =	vand.u32 $0xFFFF, v13  }
0x15f: {  	v9 =	vshrl.u32 v13, $0x10;
	v14 =	vld [tilespmem:s0+$0x0];
	v13 =	vand.u32 $0xFFFF, v15  }
0x160: {  	[tilespmem:v18+s28+$0x0] =	vst.idx.add.s32.msk $0xffff, v1  }
0x161: {  	[tilespmem:v7+s28+$0x0] =	vst.idx.add.s32.msk $0xffff, v1;
	v7 =	vshrl.u32 v15, $0x10  }
0x162: {  	v5 =	vshrl.u32 v5, $0x10;
	v15 =	vld [tilespmem:s0+$0xFFFFFFF0]  }
0x163: {  	[tilespmem:v6+s28+$0x0] =	vst.idx.add.s32.msk $0xffff, v1;
	v6 =	vand.u32 $0xFFFF, v4  }
0x164: {  	v4 =	vshrl.u32 v4, $0x10;
	[tilespmem:v13+s28+$0x0] =	vst.idx.add.s32.msk $0xffff, v1  }
0x165: {  	[tilespmem:v9+s28+$0x0] =	vst.idx.add.s32.msk $0xffff, v1;
	v9 =	vand.u32 $0xFFFF, v2  }
0x166: {  	[tilespmem:v7+s28+$0x0] =	vst.idx.add.s32.msk $0xffff, v1;
	v7 =	vand.u32 $0xFFFF, v14  }
0x167: {  	[tilespmem:v5+s28+$0x0] =	vst.idx.add.s32.msk $0xffff, v1;
	v5 =	vshrl.u32 v14, $0x10;
	v14 =	vand.u32 $0xFFFF, v15  }
0x168: {  	v2 =	vshrl.u32 v2, $0x10;
	[tilespmem:v6+s28+$0x0] =	vst.idx.add.s32.msk $0xffff, v1  }
0x169: {  	[tilespmem:v4+s28+$0x0] =	vst.idx.add.s32.msk $0xffff, v1  }
0x16a: {  	v15 =	vshrl.u32 v15, $0x10;
	[tilespmem:v9+s28+$0x0] =	vst.idx.add.s32.msk $0xffff, v1  }
0x16b: {  	v6 =	vand.u32 $0xFFFF, v3;
	[tilespmem:v7+s28+$0x0] =	vst.idx.add.s32.msk $0xffff, v1  }
0x16c: {  	v13 =	vshrl.u32 v3, $0x10;
	[tilespmem:v14+s28+$0x0] =	vst.idx.add.s32.msk $0xffff, v1  }
0x16d: {  	v9 =	vand.u32 $0xFFFF, v12;
	[tilespmem:v2+s28+$0x0] =	vst.idx.add.s32.msk $0xffff, v1  }
0x16e: {  	v3 =	vshrl.u32 v8, $0x10;
	[tilespmem:v5+s28+$0x0] =	vst.idx.add.s32.msk $0xffff, v1;
	v2 =	vshrl.u32 v12, $0x10  }
0x16f: {  	v4 =	vshrl.u32 v10, $0x10;
	v10 =	vand.u32 $0xFFFF, v10;
	v7 =	vand.u32 $0xFFFF, v17;
	[tilespmem:v15+s28+$0x0] =	vst.idx.add.s32.msk $0xffff, v1  }
0x170: {  	v5 =	vand.u32 $0xFFFF, v11;
	v12 =	vshrl.u32 v11, $0x10;
	v11 =	vshrl.u32 v16, $0x10;
	[tilespmem:v6+s28+$0x0] =	vst.idx.add.s32.msk $0xffff, v1  }
0x171: {  	s2 =	simm.s32 $0x0;
	v6 =	vand.u32 $0xFFFF, v8;
	v8 =	vand.u32 $0xFFFF, v16;
	[tilespmem:v13+s28+$0x0] =	vst.idx.add.s32.msk $0xffff, v1;
	v13 =	vshrl.u32 v17, $0x10  }
.LBB2_10:
0x172: {  	s2 =	sadd.s32 $0x10, s2;
	[tilespmem:v9+s28+$0x0] =	vst.idx.add.s32.msk $0xffff, v1;
	s0 =	sadd.s32 $0x100, s0  }
0x173: {  	p0 =	slt.u32 s2, $0x3F0;
	[tilespmem:v2+s28+$0x0] =	vst.idx.add.s32.msk $0xffff, v1  }
0x174: {  	[tilespmem:v10+s28+$0x0] =	vst.idx.add.s32.msk $0xffff, v1  }
0x175: {  	[tilespmem:v4+s28+$0x0] =	vst.idx.add.s32.msk $0xffff, v1  }
0x176: {  	[tilespmem:v5+s28+$0x0] =	vst.idx.add.s32.msk $0xffff, v1  }
0x177: {  	[tilespmem:v12+s28+$0x0] =	vst.idx.add.s32.msk $0xffff, v1  }
0x178: {  	[tilespmem:v6+s28+$0x0] =	vst.idx.add.s32.msk $0xffff, v1  }
0x179: {  	[tilespmem:v3+s28+$0x0] =	vst.idx.add.s32.msk $0xffff, v1  }
0x17a: {  	[tilespmem:v7+s28+$0x0] =	vst.idx.add.s32.msk $0xffff, v1  }
0x17b: {  	[tilespmem:v13+s28+$0x0] =	vst.idx.add.s32.msk $0xffff, v1  }
0x17c: {  	[tilespmem:v8+s28+$0x0] =	vst.idx.add.s32.msk $0xffff, v1  }
0x17d: {  	[tilespmem:v11+s28+$0x0] =	vst.idx.add.s32.msk $0xffff, v1  }
0x17e: {  	v2 =	vld [tilespmem:s0+$0x10]  }
0x17f: {  	v3 =	vld [tilespmem:s0+$0x30]  }
0x180: {  	v4 =	vld [tilespmem:s0+$0x20]  }
0x181: {  	v5 =	vld [tilespmem:s0+$0x40]  }
0x182: {  	v6 =	vld [tilespmem:s0+$0xFFFFFF80]  }
0x183: {  	v7 =	vld [tilespmem:s0+$0x70]  }
0x184: {  	v8 =	vld [tilespmem:s0+$0xFFFFFFB0]  }
0x185: {  	v11 =	vld [tilespmem:s0+$0xFFFFFFC0]  }
0x186: {  	v10 =	vld [tilespmem:s0+$0xFFFFFFD0]  }
0x187: {  	v9 =	vand.u32 $0xFFFF, v6;
	v12 =	vld [tilespmem:s0+$0xFFFFFFE0]  }
0x188: {  	v6 =	vshrl.u32 v6, $0x10;
	v13 =	vld [tilespmem:s0+$0x60];
	v14 =	vand.u32 $0xFFFF, v7  }
0x189: {  	v15 =	vld [tilespmem:s0+$0x50]  }
0x18a: {  	v7 =	vshrl.u32 v7, $0x10;
	v16 =	vld [tilespmem:s0+$0xFFFFFF90]  }
0x18b: {  	v17 =	vld [tilespmem:s0+$0xFFFFFFA0]  }
0x18c: {  	[tilespmem:v9+s28+$0x0] =	vst.idx.add.s32.msk $0xffff, v1  }
0x18d: {  	[tilespmem:v6+s28+$0x0] =	vst.idx.add.s32.msk $0xffff, v1;
	v6 =	vand.u32 $0xFFFF, v13  }
0x18e: {  	v13 =	vshrl.u32 v13, $0x10;
	v9 =	vand.u32 $0xFFFF, v15;
	[tilespmem:v14+s28+$0x0] =	vst.idx.add.s32.msk $0xffff, v1  }
0x18f: {  	v14 =	vshrl.u32 v15, $0x10;
	[tilespmem:v7+s28+$0x0] =	vst.idx.add.s32.msk $0xffff, v1  }
0x190: {  	v7 =	vld [tilespmem:s0+$0x0]  }
0x191: {  	v18 =	vand.u32 $0xFFFF, v5;
	v15 =	vld [tilespmem:s0+$0xFFFFFFF0]  }
0x192: {  	v5 =	vshrl.u32 v5, $0x10;
	[tilespmem:v6+s28+$0x0] =	vst.idx.add.s32.msk $0xffff, v1  }
0x193: {  	v6 =	vand.u32 $0xFFFF, v4;
	[tilespmem:v13+s28+$0x0] =	vst.idx.add.s32.msk $0xffff, v1  }
0x194: {  	v19 =	vshrl.u32 v4, $0x10;
	v13 =	vand.u32 $0xFFFF, v2;
	[tilespmem:v9+s28+$0x0] =	vst.idx.add.s32.msk $0xffff, v1  }
0x195: {  	v22 =	vshrl.u32 v2, $0x10;
	v20 =	vshrl.u32 v7, $0x10;
	v21 =	vand.u32 $0xFFFF, v7;
	[tilespmem:v14+s28+$0x0] =	vst.idx.add.s32.msk $0xffff, v1  }
0x196: {  	v23 =	vand.u32 $0xFFFF, v3;
	v14 =	vshrl.u32 v15, $0x10;
	v15 =	vand.u32 $0xFFFF, v15;
	[tilespmem:v18+s28+$0x0] =	vst.idx.add.s32.msk $0xffff, v1  }
0x197: {  	v2 =	vshrl.u32 v12, $0x10;
	v9 =	vand.u32 $0xFFFF, v12;
	v18 =	vshrl.u32 v3, $0x10;
	[tilespmem:v5+s28+$0x0] =	vst.idx.add.s32.msk $0xffff, v1  }
0x198: {  	v4 =	vshrl.u32 v10, $0x10;
	v10 =	vand.u32 $0xFFFF, v10;
	[tilespmem:v6+s28+$0x0] =	vst.idx.add.s32.msk $0xffff, v1  }
0x199: {  	v5 =	vand.u32 $0xFFFF, v11;
	[tilespmem:v19+s28+$0x0] =	vst.idx.add.s32.msk $0xffff, v1  }
0x19a: {  	v12 =	vshrl.u32 v11, $0x10;
	v3 =	vshrl.u32 v8, $0x10;
	v6 =	vand.u32 $0xFFFF, v8;
	[tilespmem:v13+s28+$0x0] =	vst.idx.add.s32.msk $0xffff, v1  }
0x19b: {  	v7 =	vand.u32 $0xFFFF, v17;
	[tilespmem:v21+s28+$0x0] =	vst.idx.add.s32.msk $0xffff, v1  }
0x19c: {  	v8 =	vand.u32 $0xFFFF, v16;
	v13 =	vshrl.u32 v17, $0x10;
	[tilespmem:v22+s28+$0x0] =	vst.idx.add.s32.msk $0xffff, v1  }
.Ltmp4:
0x19d: {  	v11 =	vshrl.u32 v16, $0x10;
	[tilespmem:v20+s28+$0x0] =	vst.idx.add.s32.msk $0xffff, v1;
	(pc) =	sbr.rel @p0 .LBB2_10-.Ltmp4, $4  }
0x19e: {  	[tilespmem:v23+s28+$0x0] =	vst.idx.add.s32.msk $0xffff, v1  }
0x19f: {  	[tilespmem:v18+s28+$0x0] =	vst.idx.add.s32.msk $0xffff, v1  }
0x1a0: {  	[tilespmem:v15+s28+$0x0] =	vst.idx.add.s32.msk $0xffff, v1  }
0x1a1: {  	[tilespmem:v14+s28+$0x0] =	vst.idx.add.s32.msk $0xffff, v1  }
0x1a2: {  	_ =	sdelay $0x3  }
0x1a3: {  	[tilespmem:v9+s28+$0x0] =	vst.idx.add.s32.msk $0xffff, v1  }
0x1a4: {  	[tilespmem:v10+s28+$0x0] =	vst.idx.add.s32.msk $0xffff, v1  }
0x1a5: {  	[tilespmem:v5+s28+$0x0] =	vst.idx.add.s32.msk $0xffff, v1  }
0x1a6: {  	[tilespmem:v6+s28+$0x0] =	vst.idx.add.s32.msk $0xffff, v1  }
0x1a7: {  	[tilespmem:v7+s28+$0x0] =	vst.idx.add.s32.msk $0xffff, v1  }
0x1a8: {  	[tilespmem:v8+s28+$0x0] =	vst.idx.add.s32.msk $0xffff, v1  }
0x1a9: {  	[tilespmem:v2+s28+$0x0] =	vst.idx.add.s32.msk $0xffff, v1  }
0x1aa: {  	[tilespmem:v4+s28+$0x0] =	vst.idx.add.s32.msk $0xffff, v1  }
0x1ab: {  	[tilespmem:v12+s28+$0x0] =	vst.idx.add.s32.msk $0xffff, v1  }
0x1ac: {  	[tilespmem:v3+s28+$0x0] =	vst.idx.add.s32.msk $0xffff, v1  }
0x1ad: {  	[tilespmem:v13+s28+$0x0] =	vst.idx.add.s32.msk $0xffff, v1  }
0x1ae: {  	[tilespmem:v11+s28+$0x0] =	vst.idx.add.s32.msk $0xffff, v1  }
0x1af: {  	[tilespmem:s25], [sflag:$0x2] =	stream.linear.gather [hbm4b:s8+s1], $0x4000, $0x38;
	[tilespmem:$0x1B000] =	vst v63  }
0x1b0: {  	_ =	swait.ge [sflag:s26], $0x4000  }
0x1b1: {  	[sflag:s26] =	ssyncset.done $0x0  }
0x1b2: {  	s0 =	simm.s32 $0x80;
	[sflag:s26] =	ssyncadd.s32 $0xFFFFC000  }
0x1b3: {  	v2 =	vld [tilespmem:s0+$0x10]  }
0x1b4: {  	v3 =	vld [tilespmem:s0+$0x30]  }
0x1b5: {  	v4 =	vld [tilespmem:s0+$0x20]  }
0x1b6: {  	v5 =	vld [tilespmem:s0+$0x40]  }
0x1b7: {  	v6 =	vld [tilespmem:s0+$0xFFFFFF80]  }
0x1b8: {  	v7 =	vld [tilespmem:s0+$0x70]  }
0x1b9: {  	v8 =	vld [tilespmem:s0+$0xFFFFFFB0]  }
0x1ba: {  	v11 =	vld [tilespmem:s0+$0xFFFFFFC0]  }
0x1bb: {  	v10 =	vld [tilespmem:s0+$0xFFFFFFD0]  }
0x1bc: {  	v12 =	vld [tilespmem:s0+$0xFFFFFFE0];
	v9 =	vand.u32 $0xFFFF, v6  }
0x1bd: {  	v13 =	vld [tilespmem:s0+$0x60];
	v14 =	vand.u32 $0xFFFF, v7  }
0x1be: {  	v15 =	vld [tilespmem:s0+$0x50];
	v6 =	vshrl.u32 v6, $0x10  }
0x1bf: {  	v16 =	vld [tilespmem:s0+$0xFFFFFF90]  }
0x1c0: {  	v17 =	vld [tilespmem:s0+$0xFFFFFFA0];
	v18 =	vand.u32 $0xFFFF, v5  }
0x1c1: {  	v7 =	vshrl.u32 v7, $0x10;
	[tilespmem:v9+s28+$0x0] =	vst.idx.add.s32.msk $0xffff, v1  }
0x1c2: {  	[tilespmem:v14+s28+$0x0] =	vst.idx.add.s32.msk $0xffff, v1  }
0x1c3: {  	[tilespmem:v6+s28+$0x0] =	vst.idx.add.s32.msk $0xffff, v1;
	v6 =	vand.u32 $0xFFFF, v13  }
0x1c4: {  	v9 =	vshrl.u32 v13, $0x10;
	v14 =	vld [tilespmem:s0+$0x0];
	v13 =	vand.u32 $0xFFFF, v15  }
0x1c5: {  	[tilespmem:v18+s28+$0x0] =	vst.idx.add.s32.msk $0xffff, v1  }
0x1c6: {  	[tilespmem:v7+s28+$0x0] =	vst.idx.add.s32.msk $0xffff, v1;
	v7 =	vshrl.u32 v15, $0x10  }
0x1c7: {  	v5 =	vshrl.u32 v5, $0x10;
	v15 =	vld [tilespmem:s0+$0xFFFFFFF0]  }
0x1c8: {  	[tilespmem:v6+s28+$0x0] =	vst.idx.add.s32.msk $0xffff, v1;
	v6 =	vand.u32 $0xFFFF, v4  }
0x1c9: {  	v4 =	vshrl.u32 v4, $0x10;
	[tilespmem:v13+s28+$0x0] =	vst.idx.add.s32.msk $0xffff, v1  }
0x1ca: {  	[tilespmem:v9+s28+$0x0] =	vst.idx.add.s32.msk $0xffff, v1;
	v9 =	vand.u32 $0xFFFF, v2  }
0x1cb: {  	[tilespmem:v7+s28+$0x0] =	vst.idx.add.s32.msk $0xffff, v1;
	v7 =	vand.u32 $0xFFFF, v14  }
0x1cc: {  	[tilespmem:v5+s28+$0x0] =	vst.idx.add.s32.msk $0xffff, v1;
	v5 =	vshrl.u32 v14, $0x10;
	v14 =	vand.u32 $0xFFFF, v15  }
0x1cd: {  	v2 =	vshrl.u32 v2, $0x10;
	[tilespmem:v6+s28+$0x0] =	vst.idx.add.s32.msk $0xffff, v1  }
0x1ce: {  	[tilespmem:v4+s28+$0x0] =	vst.idx.add.s32.msk $0xffff, v1  }
0x1cf: {  	v15 =	vshrl.u32 v15, $0x10;
	[tilespmem:v9+s28+$0x0] =	vst.idx.add.s32.msk $0xffff, v1  }
0x1d0: {  	v6 =	vand.u32 $0xFFFF, v3;
	[tilespmem:v7+s28+$0x0] =	vst.idx.add.s32.msk $0xffff, v1  }
0x1d1: {  	v13 =	vshrl.u32 v3, $0x10;
	[tilespmem:v14+s28+$0x0] =	vst.idx.add.s32.msk $0xffff, v1  }
0x1d2: {  	v9 =	vand.u32 $0xFFFF, v12;
	[tilespmem:v2+s28+$0x0] =	vst.idx.add.s32.msk $0xffff, v1  }
0x1d3: {  	v3 =	vshrl.u32 v8, $0x10;
	[tilespmem:v5+s28+$0x0] =	vst.idx.add.s32.msk $0xffff, v1;
	v2 =	vshrl.u32 v12, $0x10  }
0x1d4: {  	v4 =	vshrl.u32 v10, $0x10;
	v10 =	vand.u32 $0xFFFF, v10;
	v7 =	vand.u32 $0xFFFF, v17;
	[tilespmem:v15+s28+$0x0] =	vst.idx.add.s32.msk $0xffff, v1  }
0x1d5: {  	v5 =	vand.u32 $0xFFFF, v11;
	v12 =	vshrl.u32 v11, $0x10;
	v11 =	vshrl.u32 v16, $0x10;
	[tilespmem:v6+s28+$0x0] =	vst.idx.add.s32.msk $0xffff, v1  }
0x1d6: {  	s2 =	simm.s32 $0x0;
	v6 =	vand.u32 $0xFFFF, v8;
	v8 =	vand.u32 $0xFFFF, v16;
	[tilespmem:v13+s28+$0x0] =	vst.idx.add.s32.msk $0xffff, v1;
	v13 =	vshrl.u32 v17, $0x10  }
.LBB2_12:
0x1d7: {  	s2 =	sadd.s32 $0x10, s2;
	[tilespmem:v9+s28+$0x0] =	vst.idx.add.s32.msk $0xffff, v1;
	s0 =	sadd.s32 $0x100, s0  }
0x1d8: {  	p0 =	slt.u32 s2, $0x3F0;
	[tilespmem:v2+s28+$0x0] =	vst.idx.add.s32.msk $0xffff, v1  }
0x1d9: {  	[tilespmem:v10+s28+$0x0] =	vst.idx.add.s32.msk $0xffff, v1  }
0x1da: {  	[tilespmem:v4+s28+$0x0] =	vst.idx.add.s32.msk $0xffff, v1  }
0x1db: {  	[tilespmem:v5+s28+$0x0] =	vst.idx.add.s32.msk $0xffff, v1  }
0x1dc: {  	[tilespmem:v12+s28+$0x0] =	vst.idx.add.s32.msk $0xffff, v1  }
0x1dd: {  	[tilespmem:v6+s28+$0x0] =	vst.idx.add.s32.msk $0xffff, v1  }
0x1de: {  	[tilespmem:v3+s28+$0x0] =	vst.idx.add.s32.msk $0xffff, v1  }
0x1df: {  	[tilespmem:v7+s28+$0x0] =	vst.idx.add.s32.msk $0xffff, v1  }
0x1e0: {  	[tilespmem:v13+s28+$0x0] =	vst.idx.add.s32.msk $0xffff, v1  }
0x1e1: {  	[tilespmem:v8+s28+$0x0] =	vst.idx.add.s32.msk $0xffff, v1  }
0x1e2: {  	[tilespmem:v11+s28+$0x0] =	vst.idx.add.s32.msk $0xffff, v1  }
0x1e3: {  	v2 =	vld [tilespmem:s0+$0x10]  }
0x1e4: {  	v3 =	vld [tilespmem:s0+$0x30]  }
0x1e5: {  	v4 =	vld [tilespmem:s0+$0x20]  }
0x1e6: {  	v5 =	vld [tilespmem:s0+$0x40]  }
0x1e7: {  	v6 =	vld [tilespmem:s0+$0xFFFFFF80]  }
0x1e8: {  	v7 =	vld [tilespmem:s0+$0x70]  }
0x1e9: {  	v8 =	vld [tilespmem:s0+$0xFFFFFFB0]  }
0x1ea: {  	v11 =	vld [tilespmem:s0+$0xFFFFFFC0]  }
0x1eb: {  	v10 =	vld [tilespmem:s0+$0xFFFFFFD0]  }
0x1ec: {  	v9 =	vand.u32 $0xFFFF, v6;
	v12 =	vld [tilespmem:s0+$0xFFFFFFE0]  }
0x1ed: {  	v6 =	vshrl.u32 v6, $0x10;
	v13 =	vld [tilespmem:s0+$0x60];
	v14 =	vand.u32 $0xFFFF, v7  }
0x1ee: {  	v15 =	vld [tilespmem:s0+$0x50]  }
0x1ef: {  	v7 =	vshrl.u32 v7, $0x10;
	v16 =	vld [tilespmem:s0+$0xFFFFFF90]  }
0x1f0: {  	v17 =	vld [tilespmem:s0+$0xFFFFFFA0]  }
0x1f1: {  	[tilespmem:v9+s28+$0x0] =	vst.idx.add.s32.msk $0xffff, v1  }
0x1f2: {  	[tilespmem:v6+s28+$0x0] =	vst.idx.add.s32.msk $0xffff, v1;
	v6 =	vand.u32 $0xFFFF, v13  }
0x1f3: {  	v13 =	vshrl.u32 v13, $0x10;
	v9 =	vand.u32 $0xFFFF, v15;
	[tilespmem:v14+s28+$0x0] =	vst.idx.add.s32.msk $0xffff, v1  }
0x1f4: {  	v14 =	vshrl.u32 v15, $0x10;
	[tilespmem:v7+s28+$0x0] =	vst.idx.add.s32.msk $0xffff, v1  }
0x1f5: {  	v7 =	vld [tilespmem:s0+$0x0]  }
0x1f6: {  	v18 =	vand.u32 $0xFFFF, v5;
	v15 =	vld [tilespmem:s0+$0xFFFFFFF0]  }
0x1f7: {  	v5 =	vshrl.u32 v5, $0x10;
	[tilespmem:v6+s28+$0x0] =	vst.idx.add.s32.msk $0xffff, v1  }
0x1f8: {  	v6 =	vand.u32 $0xFFFF, v4;
	[tilespmem:v13+s28+$0x0] =	vst.idx.add.s32.msk $0xffff, v1  }
0x1f9: {  	v19 =	vshrl.u32 v4, $0x10;
	v13 =	vand.u32 $0xFFFF, v2;
	[tilespmem:v9+s28+$0x0] =	vst.idx.add.s32.msk $0xffff, v1  }
0x1fa: {  	v22 =	vshrl.u32 v2, $0x10;
	v20 =	vshrl.u32 v7, $0x10;
	v21 =	vand.u32 $0xFFFF, v7;
	[tilespmem:v14+s28+$0x0] =	vst.idx.add.s32.msk $0xffff, v1  }
0x1fb: {  	v23 =	vand.u32 $0xFFFF, v3;
	v14 =	vshrl.u32 v15, $0x10;
	v15 =	vand.u32 $0xFFFF, v15;
	[tilespmem:v18+s28+$0x0] =	vst.idx.add.s32.msk $0xffff, v1  }
0x1fc: {  	v2 =	vshrl.u32 v12, $0x10;
	v9 =	vand.u32 $0xFFFF, v12;
	v18 =	vshrl.u32 v3, $0x10;
	[tilespmem:v5+s28+$0x0] =	vst.idx.add.s32.msk $0xffff, v1  }
0x1fd: {  	v4 =	vshrl.u32 v10, $0x10;
	v10 =	vand.u32 $0xFFFF, v10;
	[tilespmem:v6+s28+$0x0] =	vst.idx.add.s32.msk $0xffff, v1  }
0x1fe: {  	v5 =	vand.u32 $0xFFFF, v11;
	[tilespmem:v19+s28+$0x0] =	vst.idx.add.s32.msk $0xffff, v1  }
0x1ff: {  	v12 =	vshrl.u32 v11, $0x10;
	v3 =	vshrl.u32 v8, $0x10;
	v6 =	vand.u32 $0xFFFF, v8;
	[tilespmem:v13+s28+$0x0] =	vst.idx.add.s32.msk $0xffff, v1  }
0x200: {  	v7 =	vand.u32 $0xFFFF, v17;
	[tilespmem:v21+s28+$0x0] =	vst.idx.add.s32.msk $0xffff, v1  }
0x201: {  	v8 =	vand.u32 $0xFFFF, v16;
	v13 =	vshrl.u32 v17, $0x10;
	[tilespmem:v22+s28+$0x0] =	vst.idx.add.s32.msk $0xffff, v1  }
.Ltmp5:
0x202: {  	v11 =	vshrl.u32 v16, $0x10;
	[tilespmem:v20+s28+$0x0] =	vst.idx.add.s32.msk $0xffff, v1;
	(pc) =	sbr.rel @p0 .LBB2_12-.Ltmp5, $4  }
0x203: {  	[tilespmem:v23+s28+$0x0] =	vst.idx.add.s32.msk $0xffff, v1  }
0x204: {  	[tilespmem:v18+s28+$0x0] =	vst.idx.add.s32.msk $0xffff, v1  }
0x205: {  	[tilespmem:v15+s28+$0x0] =	vst.idx.add.s32.msk $0xffff, v1  }
0x206: {  	[tilespmem:v14+s28+$0x0] =	vst.idx.add.s32.msk $0xffff, v1  }
0x207: {  	_ =	sdelay $0x3  }
0x208: {  	[tilespmem:v9+s28+$0x0] =	vst.idx.add.s32.msk $0xffff, v1  }
0x209: {  	[tilespmem:v10+s28+$0x0] =	vst.idx.add.s32.msk $0xffff, v1  }
0x20a: {  	[tilespmem:v5+s28+$0x0] =	vst.idx.add.s32.msk $0xffff, v1  }
0x20b: {  	[tilespmem:v6+s28+$0x0] =	vst.idx.add.s32.msk $0xffff, v1  }
0x20c: {  	[tilespmem:v7+s28+$0x0] =	vst.idx.add.s32.msk $0xffff, v1  }
0x20d: {  	[tilespmem:v8+s28+$0x0] =	vst.idx.add.s32.msk $0xffff, v1  }
0x20e: {  	[tilespmem:v2+s28+$0x0] =	vst.idx.add.s32.msk $0xffff, v1  }
0x20f: {  	[tilespmem:v4+s28+$0x0] =	vst.idx.add.s32.msk $0xffff, v1  }
0x210: {  	[tilespmem:v12+s28+$0x0] =	vst.idx.add.s32.msk $0xffff, v1  }
0x211: {  	[tilespmem:v3+s28+$0x0] =	vst.idx.add.s32.msk $0xffff, v1  }
0x212: {  	[tilespmem:v13+s28+$0x0] =	vst.idx.add.s32.msk $0xffff, v1  }
0x213: {  	[tilespmem:v11+s28+$0x0] =	vst.idx.add.s32.msk $0xffff, v1  }
0x214: {  	[tilespmem:s1], [sflag:$0x1] =	stream.linear.gather [hbm4b:s9+s1], $0x4000, $0x38;
	[tilespmem:$0x1B000] =	vst v63  }
0x215: {  	_ =	swait.ge [sflag:s29], $0x4000  }
0x216: {  	[sflag:s29] =	ssyncset.done $0x0  }
0x217: {  	s0 =	simm.s32 $0x4080;
	[sflag:s29] =	ssyncadd.s32 $0xFFFFC000  }
0x218: {  	v2 =	vld [tilespmem:s0+$0x10]  }
0x219: {  	v3 =	vld [tilespmem:s0+$0x30]  }
0x21a: {  	v4 =	vld [tilespmem:s0+$0x20]  }
0x21b: {  	v5 =	vld [tilespmem:s0+$0x40]  }
0x21c: {  	v6 =	vld [tilespmem:s0+$0xFFFFFF80]  }
0x21d: {  	v7 =	vld [tilespmem:s0+$0x70]  }
0x21e: {  	v8 =	vld [tilespmem:s0+$0xFFFFFFB0]  }
0x21f: {  	v11 =	vld [tilespmem:s0+$0xFFFFFFC0]  }
0x220: {  	v10 =	vld [tilespmem:s0+$0xFFFFFFD0]  }
0x221: {  	v12 =	vld [tilespmem:s0+$0xFFFFFFE0];
	v9 =	vand.u32 $0xFFFF, v6  }
0x222: {  	v13 =	vld [tilespmem:s0+$0x60];
	v14 =	vand.u32 $0xFFFF, v7  }
0x223: {  	v15 =	vld [tilespmem:s0+$0x50];
	v6 =	vshrl.u32 v6, $0x10  }
0x224: {  	v16 =	vld [tilespmem:s0+$0xFFFFFF90]  }
0x225: {  	v17 =	vld [tilespmem:s0+$0xFFFFFFA0];
	v18 =	vand.u32 $0xFFFF, v5  }
0x226: {  	v7 =	vshrl.u32 v7, $0x10;
	[tilespmem:v9+s28+$0x0] =	vst.idx.add.s32.msk $0xffff, v1  }
0x227: {  	[tilespmem:v14+s28+$0x0] =	vst.idx.add.s32.msk $0xffff, v1  }
0x228: {  	[tilespmem:v6+s28+$0x0] =	vst.idx.add.s32.msk $0xffff, v1;
	v6 =	vand.u32 $0xFFFF, v13  }
0x229: {  	v9 =	vshrl.u32 v13, $0x10;
	v14 =	vld [tilespmem:s0+$0x0];
	v13 =	vand.u32 $0xFFFF, v15  }
0x22a: {  	[tilespmem:v18+s28+$0x0] =	vst.idx.add.s32.msk $0xffff, v1  }
0x22b: {  	[tilespmem:v7+s28+$0x0] =	vst.idx.add.s32.msk $0xffff, v1;
	v7 =	vshrl.u32 v15, $0x10  }
0x22c: {  	v5 =	vshrl.u32 v5, $0x10;
	v15 =	vld [tilespmem:s0+$0xFFFFFFF0]  }
0x22d: {  	[tilespmem:v6+s28+$0x0] =	vst.idx.add.s32.msk $0xffff, v1;
	v6 =	vand.u32 $0xFFFF, v4  }
0x22e: {  	v4 =	vshrl.u32 v4, $0x10;
	[tilespmem:v13+s28+$0x0] =	vst.idx.add.s32.msk $0xffff, v1  }
0x22f: {  	[tilespmem:v9+s28+$0x0] =	vst.idx.add.s32.msk $0xffff, v1;
	v9 =	vand.u32 $0xFFFF, v2  }
0x230: {  	[tilespmem:v7+s28+$0x0] =	vst.idx.add.s32.msk $0xffff, v1;
	v7 =	vand.u32 $0xFFFF, v14  }
0x231: {  	[tilespmem:v5+s28+$0x0] =	vst.idx.add.s32.msk $0xffff, v1;
	v5 =	vshrl.u32 v14, $0x10;
	v14 =	vand.u32 $0xFFFF, v15  }
0x232: {  	v2 =	vshrl.u32 v2, $0x10;
	[tilespmem:v6+s28+$0x0] =	vst.idx.add.s32.msk $0xffff, v1  }
0x233: {  	[tilespmem:v4+s28+$0x0] =	vst.idx.add.s32.msk $0xffff, v1  }
0x234: {  	v15 =	vshrl.u32 v15, $0x10;
	[tilespmem:v9+s28+$0x0] =	vst.idx.add.s32.msk $0xffff, v1  }
0x235: {  	v6 =	vand.u32 $0xFFFF, v3;
	[tilespmem:v7+s28+$0x0] =	vst.idx.add.s32.msk $0xffff, v1  }
0x236: {  	v13 =	vshrl.u32 v3, $0x10;
	[tilespmem:v14+s28+$0x0] =	vst.idx.add.s32.msk $0xffff, v1  }
0x237: {  	v9 =	vand.u32 $0xFFFF, v12;
	[tilespmem:v2+s28+$0x0] =	vst.idx.add.s32.msk $0xffff, v1  }
0x238: {  	v3 =	vshrl.u32 v8, $0x10;
	[tilespmem:v5+s28+$0x0] =	vst.idx.add.s32.msk $0xffff, v1;
	v2 =	vshrl.u32 v12, $0x10  }
0x239: {  	v4 =	vshrl.u32 v10, $0x10;
	v10 =	vand.u32 $0xFFFF, v10;
	v7 =	vand.u32 $0xFFFF, v17;
	[tilespmem:v15+s28+$0x0] =	vst.idx.add.s32.msk $0xffff, v1  }
0x23a: {  	v5 =	vand.u32 $0xFFFF, v11;
	v12 =	vshrl.u32 v11, $0x10;
	v11 =	vshrl.u32 v16, $0x10;
	[tilespmem:v6+s28+$0x0] =	vst.idx.add.s32.msk $0xffff, v1  }
0x23b: {  	s2 =	simm.s32 $0x0;
	v6 =	vand.u32 $0xFFFF, v8;
	v8 =	vand.u32 $0xFFFF, v16;
	[tilespmem:v13+s28+$0x0] =	vst.idx.add.s32.msk $0xffff, v1;
	v13 =	vshrl.u32 v17, $0x10  }
.LBB2_14:
0x23c: {  	s2 =	sadd.s32 $0x10, s2;
	[tilespmem:v9+s28+$0x0] =	vst.idx.add.s32.msk $0xffff, v1;
	s0 =	sadd.s32 $0x100, s0  }
0x23d: {  	p0 =	slt.u32 s2, $0x3F0;
	[tilespmem:v2+s28+$0x0] =	vst.idx.add.s32.msk $0xffff, v1  }
0x23e: {  	[tilespmem:v10+s28+$0x0] =	vst.idx.add.s32.msk $0xffff, v1  }
0x23f: {  	[tilespmem:v4+s28+$0x0] =	vst.idx.add.s32.msk $0xffff, v1  }
0x240: {  	[tilespmem:v5+s28+$0x0] =	vst.idx.add.s32.msk $0xffff, v1  }
0x241: {  	[tilespmem:v12+s28+$0x0] =	vst.idx.add.s32.msk $0xffff, v1  }
0x242: {  	[tilespmem:v6+s28+$0x0] =	vst.idx.add.s32.msk $0xffff, v1  }
0x243: {  	[tilespmem:v3+s28+$0x0] =	vst.idx.add.s32.msk $0xffff, v1  }
0x244: {  	[tilespmem:v7+s28+$0x0] =	vst.idx.add.s32.msk $0xffff, v1  }
0x245: {  	[tilespmem:v13+s28+$0x0] =	vst.idx.add.s32.msk $0xffff, v1  }
0x246: {  	[tilespmem:v8+s28+$0x0] =	vst.idx.add.s32.msk $0xffff, v1  }
0x247: {  	[tilespmem:v11+s28+$0x0] =	vst.idx.add.s32.msk $0xffff, v1  }
0x248: {  	v2 =	vld [tilespmem:s0+$0x10]  }
0x249: {  	v3 =	vld [tilespmem:s0+$0x30]  }
0x24a: {  	v4 =	vld [tilespmem:s0+$0x20]  }
0x24b: {  	v5 =	vld [tilespmem:s0+$0x40]  }
0x24c: {  	v6 =	vld [tilespmem:s0+$0xFFFFFF80]  }
0x24d: {  	v7 =	vld [tilespmem:s0+$0x70]  }
0x24e: {  	v8 =	vld [tilespmem:s0+$0xFFFFFFB0]  }
0x24f: {  	v11 =	vld [tilespmem:s0+$0xFFFFFFC0]  }
0x250: {  	v10 =	vld [tilespmem:s0+$0xFFFFFFD0]  }
0x251: {  	v9 =	vand.u32 $0xFFFF, v6;
	v12 =	vld [tilespmem:s0+$0xFFFFFFE0]  }
0x252: {  	v6 =	vshrl.u32 v6, $0x10;
	v13 =	vld [tilespmem:s0+$0x60];
	v14 =	vand.u32 $0xFFFF, v7  }
0x253: {  	v15 =	vld [tilespmem:s0+$0x50]  }
0x254: {  	v7 =	vshrl.u32 v7, $0x10;
	v16 =	vld [tilespmem:s0+$0xFFFFFF90]  }
0x255: {  	v17 =	vld [tilespmem:s0+$0xFFFFFFA0]  }
0x256: {  	[tilespmem:v9+s28+$0x0] =	vst.idx.add.s32.msk $0xffff, v1  }
0x257: {  	[tilespmem:v6+s28+$0x0] =	vst.idx.add.s32.msk $0xffff, v1;
	v6 =	vand.u32 $0xFFFF, v13  }
0x258: {  	v13 =	vshrl.u32 v13, $0x10;
	v9 =	vand.u32 $0xFFFF, v15;
	[tilespmem:v14+s28+$0x0] =	vst.idx.add.s32.msk $0xffff, v1  }
0x259: {  	v14 =	vshrl.u32 v15, $0x10;
	[tilespmem:v7+s28+$0x0] =	vst.idx.add.s32.msk $0xffff, v1  }
0x25a: {  	v7 =	vld [tilespmem:s0+$0x0]  }
0x25b: {  	v18 =	vand.u32 $0xFFFF, v5;
	v15 =	vld [tilespmem:s0+$0xFFFFFFF0]  }
0x25c: {  	v5 =	vshrl.u32 v5, $0x10;
	[tilespmem:v6+s28+$0x0] =	vst.idx.add.s32.msk $0xffff, v1  }
0x25d: {  	v6 =	vand.u32 $0xFFFF, v4;
	[tilespmem:v13+s28+$0x0] =	vst.idx.add.s32.msk $0xffff, v1  }
0x25e: {  	v19 =	vshrl.u32 v4, $0x10;
	v13 =	vand.u32 $0xFFFF, v2;
	[tilespmem:v9+s28+$0x0] =	vst.idx.add.s32.msk $0xffff, v1  }
0x25f: {  	v22 =	vshrl.u32 v2, $0x10;
	v20 =	vshrl.u32 v7, $0x10;
	v21 =	vand.u32 $0xFFFF, v7;
	[tilespmem:v14+s28+$0x0] =	vst.idx.add.s32.msk $0xffff, v1  }
0x260: {  	v23 =	vand.u32 $0xFFFF, v3;
	v14 =	vshrl.u32 v15, $0x10;
	v15 =	vand.u32 $0xFFFF, v15;
	[tilespmem:v18+s28+$0x0] =	vst.idx.add.s32.msk $0xffff, v1  }
0x261: {  	v2 =	vshrl.u32 v12, $0x10;
	v9 =	vand.u32 $0xFFFF, v12;
	v18 =	vshrl.u32 v3, $0x10;
	[tilespmem:v5+s28+$0x0] =	vst.idx.add.s32.msk $0xffff, v1  }
0x262: {  	v4 =	vshrl.u32 v10, $0x10;
	v10 =	vand.u32 $0xFFFF, v10;
	[tilespmem:v6+s28+$0x0] =	vst.idx.add.s32.msk $0xffff, v1  }
0x263: {  	v5 =	vand.u32 $0xFFFF, v11;
	[tilespmem:v19+s28+$0x0] =	vst.idx.add.s32.msk $0xffff, v1  }
0x264: {  	v12 =	vshrl.u32 v11, $0x10;
	v3 =	vshrl.u32 v8, $0x10;
	v6 =	vand.u32 $0xFFFF, v8;
	[tilespmem:v13+s28+$0x0] =	vst.idx.add.s32.msk $0xffff, v1  }
0x265: {  	v7 =	vand.u32 $0xFFFF, v17;
	[tilespmem:v21+s28+$0x0] =	vst.idx.add.s32.msk $0xffff, v1  }
0x266: {  	v8 =	vand.u32 $0xFFFF, v16;
	v13 =	vshrl.u32 v17, $0x10;
	[tilespmem:v22+s28+$0x0] =	vst.idx.add.s32.msk $0xffff, v1  }
.Ltmp6:
0x267: {  	v11 =	vshrl.u32 v16, $0x10;
	[tilespmem:v20+s28+$0x0] =	vst.idx.add.s32.msk $0xffff, v1;
	(pc) =	sbr.rel @p0 .LBB2_14-.Ltmp6, $4  }
0x268: {  	[tilespmem:v23+s28+$0x0] =	vst.idx.add.s32.msk $0xffff, v1  }
0x269: {  	[tilespmem:v18+s28+$0x0] =	vst.idx.add.s32.msk $0xffff, v1  }
0x26a: {  	[tilespmem:v15+s28+$0x0] =	vst.idx.add.s32.msk $0xffff, v1  }
0x26b: {  	[tilespmem:v14+s28+$0x0] =	vst.idx.add.s32.msk $0xffff, v1  }
0x26c: {  	_ =	sdelay $0x3  }
0x26d: {  	[tilespmem:v9+s28+$0x0] =	vst.idx.add.s32.msk $0xffff, v1  }
0x26e: {  	[tilespmem:v10+s28+$0x0] =	vst.idx.add.s32.msk $0xffff, v1  }
0x26f: {  	[tilespmem:v5+s28+$0x0] =	vst.idx.add.s32.msk $0xffff, v1  }
0x270: {  	[tilespmem:v6+s28+$0x0] =	vst.idx.add.s32.msk $0xffff, v1  }
0x271: {  	[tilespmem:v7+s28+$0x0] =	vst.idx.add.s32.msk $0xffff, v1  }
0x272: {  	[tilespmem:v8+s28+$0x0] =	vst.idx.add.s32.msk $0xffff, v1  }
0x273: {  	[tilespmem:v2+s28+$0x0] =	vst.idx.add.s32.msk $0xffff, v1  }
0x274: {  	[tilespmem:v4+s28+$0x0] =	vst.idx.add.s32.msk $0xffff, v1  }
0x275: {  	[tilespmem:v12+s28+$0x0] =	vst.idx.add.s32.msk $0xffff, v1  }
0x276: {  	[tilespmem:v3+s28+$0x0] =	vst.idx.add.s32.msk $0xffff, v1  }
0x277: {  	[tilespmem:v13+s28+$0x0] =	vst.idx.add.s32.msk $0xffff, v1  }
0x278: {  	[tilespmem:v11+s28+$0x0] =	vst.idx.add.s32.msk $0xffff, v1  }
0x279: {  	[tilespmem:s25], [sflag:$0x2] =	stream.linear.gather [hbm4b:s10+s1], $0x4000, $0x38;
	[tilespmem:$0x1B000] =	vst v63  }
0x27a: {  	_ =	swait.ge [sflag:s26], $0x4000  }
0x27b: {  	[sflag:s26] =	ssyncset.done $0x0  }
0x27c: {  	s0 =	simm.s32 $0x80;
	[sflag:s26] =	ssyncadd.s32 $0xFFFFC000  }
0x27d: {  	v2 =	vld [tilespmem:s0+$0x10]  }
0x27e: {  	v3 =	vld [tilespmem:s0+$0x30]  }
0x27f: {  	v4 =	vld [tilespmem:s0+$0x20]  }
0x280: {  	v5 =	vld [tilespmem:s0+$0x40]  }
0x281: {  	v6 =	vld [tilespmem:s0+$0xFFFFFF80]  }
0x282: {  	v7 =	vld [tilespmem:s0+$0x70]  }
0x283: {  	v8 =	vld [tilespmem:s0+$0xFFFFFFB0]  }
0x284: {  	v11 =	vld [tilespmem:s0+$0xFFFFFFC0]  }
0x285: {  	v10 =	vld [tilespmem:s0+$0xFFFFFFD0]  }
0x286: {  	v12 =	vld [tilespmem:s0+$0xFFFFFFE0];
	v9 =	vand.u32 $0xFFFF, v6  }
0x287: {  	v13 =	vld [tilespmem:s0+$0x60];
	v14 =	vand.u32 $0xFFFF, v7  }
0x288: {  	v15 =	vld [tilespmem:s0+$0x50];
	v6 =	vshrl.u32 v6, $0x10  }
0x289: {  	v16 =	vld [tilespmem:s0+$0xFFFFFF90]  }
0x28a: {  	v17 =	vld [tilespmem:s0+$0xFFFFFFA0];
	v18 =	vand.u32 $0xFFFF, v5  }
0x28b: {  	v7 =	vshrl.u32 v7, $0x10;
	[tilespmem:v9+s28+$0x0] =	vst.idx.add.s32.msk $0xffff, v1  }
0x28c: {  	[tilespmem:v14+s28+$0x0] =	vst.idx.add.s32.msk $0xffff, v1  }
0x28d: {  	[tilespmem:v6+s28+$0x0] =	vst.idx.add.s32.msk $0xffff, v1;
	v6 =	vand.u32 $0xFFFF, v13  }
0x28e: {  	v9 =	vshrl.u32 v13, $0x10;
	v14 =	vld [tilespmem:s0+$0x0];
	v13 =	vand.u32 $0xFFFF, v15  }
0x28f: {  	[tilespmem:v18+s28+$0x0] =	vst.idx.add.s32.msk $0xffff, v1  }
0x290: {  	[tilespmem:v7+s28+$0x0] =	vst.idx.add.s32.msk $0xffff, v1;
	v7 =	vshrl.u32 v15, $0x10  }
0x291: {  	v5 =	vshrl.u32 v5, $0x10;
	v15 =	vld [tilespmem:s0+$0xFFFFFFF0]  }
0x292: {  	[tilespmem:v6+s28+$0x0] =	vst.idx.add.s32.msk $0xffff, v1;
	v6 =	vand.u32 $0xFFFF, v4  }
0x293: {  	v4 =	vshrl.u32 v4, $0x10;
	[tilespmem:v13+s28+$0x0] =	vst.idx.add.s32.msk $0xffff, v1  }
0x294: {  	[tilespmem:v9+s28+$0x0] =	vst.idx.add.s32.msk $0xffff, v1;
	v9 =	vand.u32 $0xFFFF, v2  }
0x295: {  	[tilespmem:v7+s28+$0x0] =	vst.idx.add.s32.msk $0xffff, v1;
	v7 =	vand.u32 $0xFFFF, v14  }
0x296: {  	[tilespmem:v5+s28+$0x0] =	vst.idx.add.s32.msk $0xffff, v1;
	v5 =	vshrl.u32 v14, $0x10;
	v14 =	vand.u32 $0xFFFF, v15  }
0x297: {  	v2 =	vshrl.u32 v2, $0x10;
	[tilespmem:v6+s28+$0x0] =	vst.idx.add.s32.msk $0xffff, v1  }
0x298: {  	[tilespmem:v4+s28+$0x0] =	vst.idx.add.s32.msk $0xffff, v1  }
0x299: {  	v15 =	vshrl.u32 v15, $0x10;
	[tilespmem:v9+s28+$0x0] =	vst.idx.add.s32.msk $0xffff, v1  }
0x29a: {  	v6 =	vand.u32 $0xFFFF, v3;
	[tilespmem:v7+s28+$0x0] =	vst.idx.add.s32.msk $0xffff, v1  }
0x29b: {  	v13 =	vshrl.u32 v3, $0x10;
	[tilespmem:v14+s28+$0x0] =	vst.idx.add.s32.msk $0xffff, v1  }
0x29c: {  	v9 =	vand.u32 $0xFFFF, v12;
	[tilespmem:v2+s28+$0x0] =	vst.idx.add.s32.msk $0xffff, v1  }
0x29d: {  	v3 =	vshrl.u32 v8, $0x10;
	[tilespmem:v5+s28+$0x0] =	vst.idx.add.s32.msk $0xffff, v1;
	v2 =	vshrl.u32 v12, $0x10  }
0x29e: {  	v4 =	vshrl.u32 v10, $0x10;
	v10 =	vand.u32 $0xFFFF, v10;
	v7 =	vand.u32 $0xFFFF, v17;
	[tilespmem:v15+s28+$0x0] =	vst.idx.add.s32.msk $0xffff, v1  }
0x29f: {  	v5 =	vand.u32 $0xFFFF, v11;
	v12 =	vshrl.u32 v11, $0x10;
	v11 =	vshrl.u32 v16, $0x10;
	[tilespmem:v6+s28+$0x0] =	vst.idx.add.s32.msk $0xffff, v1  }
0x2a0: {  	s2 =	simm.s32 $0x0;
	v6 =	vand.u32 $0xFFFF, v8;
	v8 =	vand.u32 $0xFFFF, v16;
	[tilespmem:v13+s28+$0x0] =	vst.idx.add.s32.msk $0xffff, v1;
	v13 =	vshrl.u32 v17, $0x10  }
.LBB2_16:
0x2a1: {  	s2 =	sadd.s32 $0x10, s2;
	[tilespmem:v9+s28+$0x0] =	vst.idx.add.s32.msk $0xffff, v1;
	s0 =	sadd.s32 $0x100, s0  }
0x2a2: {  	p0 =	slt.u32 s2, $0x3F0;
	[tilespmem:v2+s28+$0x0] =	vst.idx.add.s32.msk $0xffff, v1  }
0x2a3: {  	[tilespmem:v10+s28+$0x0] =	vst.idx.add.s32.msk $0xffff, v1  }
0x2a4: {  	[tilespmem:v4+s28+$0x0] =	vst.idx.add.s32.msk $0xffff, v1  }
0x2a5: {  	[tilespmem:v5+s28+$0x0] =	vst.idx.add.s32.msk $0xffff, v1  }
0x2a6: {  	[tilespmem:v12+s28+$0x0] =	vst.idx.add.s32.msk $0xffff, v1  }
0x2a7: {  	[tilespmem:v6+s28+$0x0] =	vst.idx.add.s32.msk $0xffff, v1  }
0x2a8: {  	[tilespmem:v3+s28+$0x0] =	vst.idx.add.s32.msk $0xffff, v1  }
0x2a9: {  	[tilespmem:v7+s28+$0x0] =	vst.idx.add.s32.msk $0xffff, v1  }
0x2aa: {  	[tilespmem:v13+s28+$0x0] =	vst.idx.add.s32.msk $0xffff, v1  }
0x2ab: {  	[tilespmem:v8+s28+$0x0] =	vst.idx.add.s32.msk $0xffff, v1  }
0x2ac: {  	[tilespmem:v11+s28+$0x0] =	vst.idx.add.s32.msk $0xffff, v1  }
0x2ad: {  	v2 =	vld [tilespmem:s0+$0x10]  }
0x2ae: {  	v3 =	vld [tilespmem:s0+$0x30]  }
0x2af: {  	v4 =	vld [tilespmem:s0+$0x20]  }
0x2b0: {  	v5 =	vld [tilespmem:s0+$0x40]  }
0x2b1: {  	v6 =	vld [tilespmem:s0+$0xFFFFFF80]  }
0x2b2: {  	v7 =	vld [tilespmem:s0+$0x70]  }
0x2b3: {  	v8 =	vld [tilespmem:s0+$0xFFFFFFB0]  }
0x2b4: {  	v11 =	vld [tilespmem:s0+$0xFFFFFFC0]  }
0x2b5: {  	v10 =	vld [tilespmem:s0+$0xFFFFFFD0]  }
0x2b6: {  	v9 =	vand.u32 $0xFFFF, v6;
	v12 =	vld [tilespmem:s0+$0xFFFFFFE0]  }
0x2b7: {  	v6 =	vshrl.u32 v6, $0x10;
	v13 =	vld [tilespmem:s0+$0x60];
	v14 =	vand.u32 $0xFFFF, v7  }
0x2b8: {  	v15 =	vld [tilespmem:s0+$0x50]  }
0x2b9: {  	v7 =	vshrl.u32 v7, $0x10;
	v16 =	vld [tilespmem:s0+$0xFFFFFF90]  }
0x2ba: {  	v17 =	vld [tilespmem:s0+$0xFFFFFFA0]  }
0x2bb: {  	[tilespmem:v9+s28+$0x0] =	vst.idx.add.s32.msk $0xffff, v1  }
0x2bc: {  	[tilespmem:v6+s28+$0x0] =	vst.idx.add.s32.msk $0xffff, v1;
	v6 =	vand.u32 $0xFFFF, v13  }
0x2bd: {  	v13 =	vshrl.u32 v13, $0x10;
	v9 =	vand.u32 $0xFFFF, v15;
	[tilespmem:v14+s28+$0x0] =	vst.idx.add.s32.msk $0xffff, v1  }
0x2be: {  	v14 =	vshrl.u32 v15, $0x10;
	[tilespmem:v7+s28+$0x0] =	vst.idx.add.s32.msk $0xffff, v1  }
0x2bf: {  	v7 =	vld [tilespmem:s0+$0x0]  }
0x2c0: {  	v18 =	vand.u32 $0xFFFF, v5;
	v15 =	vld [tilespmem:s0+$0xFFFFFFF0]  }
0x2c1: {  	v5 =	vshrl.u32 v5, $0x10;
	[tilespmem:v6+s28+$0x0] =	vst.idx.add.s32.msk $0xffff, v1  }
0x2c2: {  	v6 =	vand.u32 $0xFFFF, v4;
	[tilespmem:v13+s28+$0x0] =	vst.idx.add.s32.msk $0xffff, v1  }
0x2c3: {  	v19 =	vshrl.u32 v4, $0x10;
	v13 =	vand.u32 $0xFFFF, v2;
	[tilespmem:v9+s28+$0x0] =	vst.idx.add.s32.msk $0xffff, v1  }
0x2c4: {  	v22 =	vshrl.u32 v2, $0x10;
	v20 =	vshrl.u32 v7, $0x10;
	v21 =	vand.u32 $0xFFFF, v7;
	[tilespmem:v14+s28+$0x0] =	vst.idx.add.s32.msk $0xffff, v1  }
0x2c5: {  	v23 =	vand.u32 $0xFFFF, v3;
	v14 =	vshrl.u32 v15, $0x10;
	v15 =	vand.u32 $0xFFFF, v15;
	[tilespmem:v18+s28+$0x0] =	vst.idx.add.s32.msk $0xffff, v1  }
0x2c6: {  	v2 =	vshrl.u32 v12, $0x10;
	v9 =	vand.u32 $0xFFFF, v12;
	v18 =	vshrl.u32 v3, $0x10;
	[tilespmem:v5+s28+$0x0] =	vst.idx.add.s32.msk $0xffff, v1  }
0x2c7: {  	v4 =	vshrl.u32 v10, $0x10;
	v10 =	vand.u32 $0xFFFF, v10;
	[tilespmem:v6+s28+$0x0] =	vst.idx.add.s32.msk $0xffff, v1  }
0x2c8: {  	v5 =	vand.u32 $0xFFFF, v11;
	[tilespmem:v19+s28+$0x0] =	vst.idx.add.s32.msk $0xffff, v1  }
0x2c9: {  	v12 =	vshrl.u32 v11, $0x10;
	v3 =	vshrl.u32 v8, $0x10;
	v6 =	vand.u32 $0xFFFF, v8;
	[tilespmem:v13+s28+$0x0] =	vst.idx.add.s32.msk $0xffff, v1  }
0x2ca: {  	v7 =	vand.u32 $0xFFFF, v17;
	[tilespmem:v21+s28+$0x0] =	vst.idx.add.s32.msk $0xffff, v1  }
0x2cb: {  	v8 =	vand.u32 $0xFFFF, v16;
	v13 =	vshrl.u32 v17, $0x10;
	[tilespmem:v22+s28+$0x0] =	vst.idx.add.s32.msk $0xffff, v1  }
.Ltmp7:
0x2cc: {  	v11 =	vshrl.u32 v16, $0x10;
	[tilespmem:v20+s28+$0x0] =	vst.idx.add.s32.msk $0xffff, v1;
	(pc) =	sbr.rel @p0 .LBB2_16-.Ltmp7, $4  }
0x2cd: {  	[tilespmem:v23+s28+$0x0] =	vst.idx.add.s32.msk $0xffff, v1  }
0x2ce: {  	[tilespmem:v18+s28+$0x0] =	vst.idx.add.s32.msk $0xffff, v1  }
0x2cf: {  	[tilespmem:v15+s28+$0x0] =	vst.idx.add.s32.msk $0xffff, v1  }
0x2d0: {  	[tilespmem:v14+s28+$0x0] =	vst.idx.add.s32.msk $0xffff, v1  }
0x2d1: {  	_ =	sdelay $0x3  }
0x2d2: {  	[tilespmem:v9+s28+$0x0] =	vst.idx.add.s32.msk $0xffff, v1  }
0x2d3: {  	[tilespmem:v10+s28+$0x0] =	vst.idx.add.s32.msk $0xffff, v1  }
0x2d4: {  	[tilespmem:v5+s28+$0x0] =	vst.idx.add.s32.msk $0xffff, v1  }
0x2d5: {  	[tilespmem:v6+s28+$0x0] =	vst.idx.add.s32.msk $0xffff, v1  }
0x2d6: {  	[tilespmem:v7+s28+$0x0] =	vst.idx.add.s32.msk $0xffff, v1  }
0x2d7: {  	[tilespmem:v8+s28+$0x0] =	vst.idx.add.s32.msk $0xffff, v1  }
0x2d8: {  	[tilespmem:v2+s28+$0x0] =	vst.idx.add.s32.msk $0xffff, v1  }
0x2d9: {  	[tilespmem:v4+s28+$0x0] =	vst.idx.add.s32.msk $0xffff, v1  }
0x2da: {  	[tilespmem:v12+s28+$0x0] =	vst.idx.add.s32.msk $0xffff, v1  }
0x2db: {  	[tilespmem:v3+s28+$0x0] =	vst.idx.add.s32.msk $0xffff, v1  }
0x2dc: {  	[tilespmem:v13+s28+$0x0] =	vst.idx.add.s32.msk $0xffff, v1  }
0x2dd: {  	[tilespmem:v11+s28+$0x0] =	vst.idx.add.s32.msk $0xffff, v1  }
0x2de: {  	[tilespmem:s1], [sflag:$0x1] =	stream.linear.gather [hbm4b:s11+s1], $0x4000, $0x38;
	[tilespmem:$0x1B000] =	vst v63  }
0x2df: {  	_ =	swait.ge [sflag:s29], $0x4000  }
0x2e0: {  	[sflag:s29] =	ssyncset.done $0x0  }
0x2e1: {  	s0 =	simm.s32 $0x4080;
	[sflag:s29] =	ssyncadd.s32 $0xFFFFC000  }
0x2e2: {  	v2 =	vld [tilespmem:s0+$0x10]  }
0x2e3: {  	v3 =	vld [tilespmem:s0+$0x30]  }
0x2e4: {  	v4 =	vld [tilespmem:s0+$0x20]  }
0x2e5: {  	v5 =	vld [tilespmem:s0+$0x40]  }
0x2e6: {  	v6 =	vld [tilespmem:s0+$0xFFFFFF80]  }
0x2e7: {  	v7 =	vld [tilespmem:s0+$0x70]  }
0x2e8: {  	v8 =	vld [tilespmem:s0+$0xFFFFFFB0]  }
0x2e9: {  	v11 =	vld [tilespmem:s0+$0xFFFFFFC0]  }
0x2ea: {  	v10 =	vld [tilespmem:s0+$0xFFFFFFD0]  }
0x2eb: {  	v12 =	vld [tilespmem:s0+$0xFFFFFFE0];
	v9 =	vand.u32 $0xFFFF, v6  }
0x2ec: {  	v13 =	vld [tilespmem:s0+$0x60];
	v14 =	vand.u32 $0xFFFF, v7  }
0x2ed: {  	v15 =	vld [tilespmem:s0+$0x50];
	v6 =	vshrl.u32 v6, $0x10  }
0x2ee: {  	v16 =	vld [tilespmem:s0+$0xFFFFFF90]  }
0x2ef: {  	v17 =	vld [tilespmem:s0+$0xFFFFFFA0];
	v18 =	vand.u32 $0xFFFF, v5  }
0x2f0: {  	v7 =	vshrl.u32 v7, $0x10;
	[tilespmem:v9+s28+$0x0] =	vst.idx.add.s32.msk $0xffff, v1  }
0x2f1: {  	[tilespmem:v14+s28+$0x0] =	vst.idx.add.s32.msk $0xffff, v1  }
0x2f2: {  	[tilespmem:v6+s28+$0x0] =	vst.idx.add.s32.msk $0xffff, v1;
	v6 =	vand.u32 $0xFFFF, v13  }
0x2f3: {  	v9 =	vshrl.u32 v13, $0x10;
	v14 =	vld [tilespmem:s0+$0x0];
	v13 =	vand.u32 $0xFFFF, v15  }
0x2f4: {  	[tilespmem:v18+s28+$0x0] =	vst.idx.add.s32.msk $0xffff, v1  }
0x2f5: {  	[tilespmem:v7+s28+$0x0] =	vst.idx.add.s32.msk $0xffff, v1;
	v7 =	vshrl.u32 v15, $0x10  }
0x2f6: {  	v5 =	vshrl.u32 v5, $0x10;
	v15 =	vld [tilespmem:s0+$0xFFFFFFF0]  }
0x2f7: {  	[tilespmem:v6+s28+$0x0] =	vst.idx.add.s32.msk $0xffff, v1;
	v6 =	vand.u32 $0xFFFF, v4  }
0x2f8: {  	v4 =	vshrl.u32 v4, $0x10;
	[tilespmem:v13+s28+$0x0] =	vst.idx.add.s32.msk $0xffff, v1  }
0x2f9: {  	[tilespmem:v9+s28+$0x0] =	vst.idx.add.s32.msk $0xffff, v1;
	v9 =	vand.u32 $0xFFFF, v2  }
0x2fa: {  	[tilespmem:v7+s28+$0x0] =	vst.idx.add.s32.msk $0xffff, v1;
	v7 =	vand.u32 $0xFFFF, v14  }
0x2fb: {  	[tilespmem:v5+s28+$0x0] =	vst.idx.add.s32.msk $0xffff, v1;
	v5 =	vshrl.u32 v14, $0x10;
	v14 =	vand.u32 $0xFFFF, v15  }
0x2fc: {  	v2 =	vshrl.u32 v2, $0x10;
	[tilespmem:v6+s28+$0x0] =	vst.idx.add.s32.msk $0xffff, v1  }
0x2fd: {  	[tilespmem:v4+s28+$0x0] =	vst.idx.add.s32.msk $0xffff, v1  }
0x2fe: {  	v15 =	vshrl.u32 v15, $0x10;
	[tilespmem:v9+s28+$0x0] =	vst.idx.add.s32.msk $0xffff, v1  }
0x2ff: {  	v6 =	vand.u32 $0xFFFF, v3;
	[tilespmem:v7+s28+$0x0] =	vst.idx.add.s32.msk $0xffff, v1  }
0x300: {  	v13 =	vshrl.u32 v3, $0x10;
	[tilespmem:v14+s28+$0x0] =	vst.idx.add.s32.msk $0xffff, v1  }
0x301: {  	v9 =	vand.u32 $0xFFFF, v12;
	[tilespmem:v2+s28+$0x0] =	vst.idx.add.s32.msk $0xffff, v1  }
0x302: {  	v3 =	vshrl.u32 v8, $0x10;
	[tilespmem:v5+s28+$0x0] =	vst.idx.add.s32.msk $0xffff, v1;
	v2 =	vshrl.u32 v12, $0x10  }
0x303: {  	v4 =	vshrl.u32 v10, $0x10;
	v10 =	vand.u32 $0xFFFF, v10;
	v7 =	vand.u32 $0xFFFF, v17;
	[tilespmem:v15+s28+$0x0] =	vst.idx.add.s32.msk $0xffff, v1  }
0x304: {  	v5 =	vand.u32 $0xFFFF, v11;
	v12 =	vshrl.u32 v11, $0x10;
	v11 =	vshrl.u32 v16, $0x10;
	[tilespmem:v6+s28+$0x0] =	vst.idx.add.s32.msk $0xffff, v1  }
0x305: {  	s2 =	simm.s32 $0x0;
	v6 =	vand.u32 $0xFFFF, v8;
	v8 =	vand.u32 $0xFFFF, v16;
	[tilespmem:v13+s28+$0x0] =	vst.idx.add.s32.msk $0xffff, v1;
	v13 =	vshrl.u32 v17, $0x10  }
.LBB2_18:
0x306: {  	s2 =	sadd.s32 $0x10, s2;
	[tilespmem:v9+s28+$0x0] =	vst.idx.add.s32.msk $0xffff, v1;
	s0 =	sadd.s32 $0x100, s0  }
0x307: {  	p0 =	slt.u32 s2, $0x3F0;
	[tilespmem:v2+s28+$0x0] =	vst.idx.add.s32.msk $0xffff, v1  }
0x308: {  	[tilespmem:v10+s28+$0x0] =	vst.idx.add.s32.msk $0xffff, v1  }
0x309: {  	[tilespmem:v4+s28+$0x0] =	vst.idx.add.s32.msk $0xffff, v1  }
0x30a: {  	[tilespmem:v5+s28+$0x0] =	vst.idx.add.s32.msk $0xffff, v1  }
0x30b: {  	[tilespmem:v12+s28+$0x0] =	vst.idx.add.s32.msk $0xffff, v1  }
0x30c: {  	[tilespmem:v6+s28+$0x0] =	vst.idx.add.s32.msk $0xffff, v1  }
0x30d: {  	[tilespmem:v3+s28+$0x0] =	vst.idx.add.s32.msk $0xffff, v1  }
0x30e: {  	[tilespmem:v7+s28+$0x0] =	vst.idx.add.s32.msk $0xffff, v1  }
0x30f: {  	[tilespmem:v13+s28+$0x0] =	vst.idx.add.s32.msk $0xffff, v1  }
0x310: {  	[tilespmem:v8+s28+$0x0] =	vst.idx.add.s32.msk $0xffff, v1  }
0x311: {  	[tilespmem:v11+s28+$0x0] =	vst.idx.add.s32.msk $0xffff, v1  }
0x312: {  	v2 =	vld [tilespmem:s0+$0x10]  }
0x313: {  	v3 =	vld [tilespmem:s0+$0x30]  }
0x314: {  	v4 =	vld [tilespmem:s0+$0x20]  }
0x315: {  	v5 =	vld [tilespmem:s0+$0x40]  }
0x316: {  	v6 =	vld [tilespmem:s0+$0xFFFFFF80]  }
0x317: {  	v7 =	vld [tilespmem:s0+$0x70]  }
0x318: {  	v8 =	vld [tilespmem:s0+$0xFFFFFFB0]  }
0x319: {  	v11 =	vld [tilespmem:s0+$0xFFFFFFC0]  }
0x31a: {  	v10 =	vld [tilespmem:s0+$0xFFFFFFD0]  }
0x31b: {  	v9 =	vand.u32 $0xFFFF, v6;
	v12 =	vld [tilespmem:s0+$0xFFFFFFE0]  }
0x31c: {  	v6 =	vshrl.u32 v6, $0x10;
	v13 =	vld [tilespmem:s0+$0x60];
	v14 =	vand.u32 $0xFFFF, v7  }
0x31d: {  	v15 =	vld [tilespmem:s0+$0x50]  }
0x31e: {  	v7 =	vshrl.u32 v7, $0x10;
	v16 =	vld [tilespmem:s0+$0xFFFFFF90]  }
0x31f: {  	v17 =	vld [tilespmem:s0+$0xFFFFFFA0]  }
0x320: {  	[tilespmem:v9+s28+$0x0] =	vst.idx.add.s32.msk $0xffff, v1  }
0x321: {  	[tilespmem:v6+s28+$0x0] =	vst.idx.add.s32.msk $0xffff, v1;
	v6 =	vand.u32 $0xFFFF, v13  }
0x322: {  	v13 =	vshrl.u32 v13, $0x10;
	v9 =	vand.u32 $0xFFFF, v15;
	[tilespmem:v14+s28+$0x0] =	vst.idx.add.s32.msk $0xffff, v1  }
0x323: {  	v14 =	vshrl.u32 v15, $0x10;
	[tilespmem:v7+s28+$0x0] =	vst.idx.add.s32.msk $0xffff, v1  }
0x324: {  	v7 =	vld [tilespmem:s0+$0x0]  }
0x325: {  	v18 =	vand.u32 $0xFFFF, v5;
	v15 =	vld [tilespmem:s0+$0xFFFFFFF0]  }
0x326: {  	v5 =	vshrl.u32 v5, $0x10;
	[tilespmem:v6+s28+$0x0] =	vst.idx.add.s32.msk $0xffff, v1  }
0x327: {  	v6 =	vand.u32 $0xFFFF, v4;
	[tilespmem:v13+s28+$0x0] =	vst.idx.add.s32.msk $0xffff, v1  }
0x328: {  	v19 =	vshrl.u32 v4, $0x10;
	v13 =	vand.u32 $0xFFFF, v2;
	[tilespmem:v9+s28+$0x0] =	vst.idx.add.s32.msk $0xffff, v1  }
0x329: {  	v22 =	vshrl.u32 v2, $0x10;
	v20 =	vshrl.u32 v7, $0x10;
	v21 =	vand.u32 $0xFFFF, v7;
	[tilespmem:v14+s28+$0x0] =	vst.idx.add.s32.msk $0xffff, v1  }
0x32a: {  	v23 =	vand.u32 $0xFFFF, v3;
	v14 =	vshrl.u32 v15, $0x10;
	v15 =	vand.u32 $0xFFFF, v15;
	[tilespmem:v18+s28+$0x0] =	vst.idx.add.s32.msk $0xffff, v1  }
0x32b: {  	v2 =	vshrl.u32 v12, $0x10;
	v9 =	vand.u32 $0xFFFF, v12;
	v18 =	vshrl.u32 v3, $0x10;
	[tilespmem:v5+s28+$0x0] =	vst.idx.add.s32.msk $0xffff, v1  }
0x32c: {  	v4 =	vshrl.u32 v10, $0x10;
	v10 =	vand.u32 $0xFFFF, v10;
	[tilespmem:v6+s28+$0x0] =	vst.idx.add.s32.msk $0xffff, v1  }
0x32d: {  	v5 =	vand.u32 $0xFFFF, v11;
	[tilespmem:v19+s28+$0x0] =	vst.idx.add.s32.msk $0xffff, v1  }
0x32e: {  	v12 =	vshrl.u32 v11, $0x10;
	v3 =	vshrl.u32 v8, $0x10;
	v6 =	vand.u32 $0xFFFF, v8;
	[tilespmem:v13+s28+$0x0] =	vst.idx.add.s32.msk $0xffff, v1  }
0x32f: {  	v7 =	vand.u32 $0xFFFF, v17;
	[tilespmem:v21+s28+$0x0] =	vst.idx.add.s32.msk $0xffff, v1  }
0x330: {  	v8 =	vand.u32 $0xFFFF, v16;
	v13 =	vshrl.u32 v17, $0x10;
	[tilespmem:v22+s28+$0x0] =	vst.idx.add.s32.msk $0xffff, v1  }
.Ltmp8:
0x331: {  	v11 =	vshrl.u32 v16, $0x10;
	[tilespmem:v20+s28+$0x0] =	vst.idx.add.s32.msk $0xffff, v1;
	(pc) =	sbr.rel @p0 .LBB2_18-.Ltmp8, $4  }
0x332: {  	[tilespmem:v23+s28+$0x0] =	vst.idx.add.s32.msk $0xffff, v1  }
0x333: {  	[tilespmem:v18+s28+$0x0] =	vst.idx.add.s32.msk $0xffff, v1  }
0x334: {  	[tilespmem:v15+s28+$0x0] =	vst.idx.add.s32.msk $0xffff, v1  }
0x335: {  	[tilespmem:v14+s28+$0x0] =	vst.idx.add.s32.msk $0xffff, v1  }
0x336: {  	_ =	sdelay $0x3  }
0x337: {  	[tilespmem:v9+s28+$0x0] =	vst.idx.add.s32.msk $0xffff, v1  }
0x338: {  	[tilespmem:v10+s28+$0x0] =	vst.idx.add.s32.msk $0xffff, v1  }
0x339: {  	[tilespmem:v5+s28+$0x0] =	vst.idx.add.s32.msk $0xffff, v1  }
0x33a: {  	[tilespmem:v6+s28+$0x0] =	vst.idx.add.s32.msk $0xffff, v1  }
0x33b: {  	[tilespmem:v7+s28+$0x0] =	vst.idx.add.s32.msk $0xffff, v1  }
0x33c: {  	[tilespmem:v8+s28+$0x0] =	vst.idx.add.s32.msk $0xffff, v1  }
0x33d: {  	[tilespmem:v2+s28+$0x0] =	vst.idx.add.s32.msk $0xffff, v1  }
0x33e: {  	[tilespmem:v4+s28+$0x0] =	vst.idx.add.s32.msk $0xffff, v1  }
0x33f: {  	[tilespmem:v12+s28+$0x0] =	vst.idx.add.s32.msk $0xffff, v1  }
0x340: {  	[tilespmem:v3+s28+$0x0] =	vst.idx.add.s32.msk $0xffff, v1  }
0x341: {  	[tilespmem:v13+s28+$0x0] =	vst.idx.add.s32.msk $0xffff, v1  }
0x342: {  	[tilespmem:v11+s28+$0x0] =	vst.idx.add.s32.msk $0xffff, v1  }
0x343: {  	[tilespmem:s25], [sflag:$0x2] =	stream.linear.gather [hbm4b:s12+s1], $0x4000, $0x38;
	[tilespmem:$0x1B000] =	vst v63  }
0x344: {  	_ =	swait.ge [sflag:s26], $0x4000  }
0x345: {  	[sflag:s26] =	ssyncset.done $0x0  }
0x346: {  	s0 =	simm.s32 $0x80;
	[sflag:s26] =	ssyncadd.s32 $0xFFFFC000  }
0x347: {  	v2 =	vld [tilespmem:s0+$0x10]  }
0x348: {  	v3 =	vld [tilespmem:s0+$0x30]  }
0x349: {  	v4 =	vld [tilespmem:s0+$0x20]  }
0x34a: {  	v5 =	vld [tilespmem:s0+$0x40]  }
0x34b: {  	v6 =	vld [tilespmem:s0+$0xFFFFFF80]  }
0x34c: {  	v7 =	vld [tilespmem:s0+$0x70]  }
0x34d: {  	v8 =	vld [tilespmem:s0+$0xFFFFFFB0]  }
0x34e: {  	v11 =	vld [tilespmem:s0+$0xFFFFFFC0]  }
0x34f: {  	v10 =	vld [tilespmem:s0+$0xFFFFFFD0]  }
0x350: {  	v12 =	vld [tilespmem:s0+$0xFFFFFFE0];
	v9 =	vand.u32 $0xFFFF, v6  }
0x351: {  	v13 =	vld [tilespmem:s0+$0x60];
	v14 =	vand.u32 $0xFFFF, v7  }
0x352: {  	v15 =	vld [tilespmem:s0+$0x50];
	v6 =	vshrl.u32 v6, $0x10  }
0x353: {  	v16 =	vld [tilespmem:s0+$0xFFFFFF90]  }
0x354: {  	v17 =	vld [tilespmem:s0+$0xFFFFFFA0];
	v18 =	vand.u32 $0xFFFF, v5  }
0x355: {  	v7 =	vshrl.u32 v7, $0x10;
	[tilespmem:v9+s28+$0x0] =	vst.idx.add.s32.msk $0xffff, v1  }
0x356: {  	[tilespmem:v14+s28+$0x0] =	vst.idx.add.s32.msk $0xffff, v1  }
0x357: {  	[tilespmem:v6+s28+$0x0] =	vst.idx.add.s32.msk $0xffff, v1;
	v6 =	vand.u32 $0xFFFF, v13  }
0x358: {  	v9 =	vshrl.u32 v13, $0x10;
	v14 =	vld [tilespmem:s0+$0x0];
	v13 =	vand.u32 $0xFFFF, v15  }
0x359: {  	[tilespmem:v18+s28+$0x0] =	vst.idx.add.s32.msk $0xffff, v1  }
0x35a: {  	[tilespmem:v7+s28+$0x0] =	vst.idx.add.s32.msk $0xffff, v1;
	v7 =	vshrl.u32 v15, $0x10  }
0x35b: {  	v5 =	vshrl.u32 v5, $0x10;
	v15 =	vld [tilespmem:s0+$0xFFFFFFF0]  }
0x35c: {  	[tilespmem:v6+s28+$0x0] =	vst.idx.add.s32.msk $0xffff, v1;
	v6 =	vand.u32 $0xFFFF, v4  }
0x35d: {  	v4 =	vshrl.u32 v4, $0x10;
	[tilespmem:v13+s28+$0x0] =	vst.idx.add.s32.msk $0xffff, v1  }
0x35e: {  	[tilespmem:v9+s28+$0x0] =	vst.idx.add.s32.msk $0xffff, v1;
	v9 =	vand.u32 $0xFFFF, v2  }
0x35f: {  	[tilespmem:v7+s28+$0x0] =	vst.idx.add.s32.msk $0xffff, v1;
	v7 =	vand.u32 $0xFFFF, v14  }
0x360: {  	[tilespmem:v5+s28+$0x0] =	vst.idx.add.s32.msk $0xffff, v1;
	v5 =	vshrl.u32 v14, $0x10;
	v14 =	vand.u32 $0xFFFF, v15  }
0x361: {  	v2 =	vshrl.u32 v2, $0x10;
	[tilespmem:v6+s28+$0x0] =	vst.idx.add.s32.msk $0xffff, v1  }
0x362: {  	[tilespmem:v4+s28+$0x0] =	vst.idx.add.s32.msk $0xffff, v1  }
0x363: {  	v15 =	vshrl.u32 v15, $0x10;
	[tilespmem:v9+s28+$0x0] =	vst.idx.add.s32.msk $0xffff, v1  }
0x364: {  	v6 =	vand.u32 $0xFFFF, v3;
	[tilespmem:v7+s28+$0x0] =	vst.idx.add.s32.msk $0xffff, v1  }
0x365: {  	v13 =	vshrl.u32 v3, $0x10;
	[tilespmem:v14+s28+$0x0] =	vst.idx.add.s32.msk $0xffff, v1  }
0x366: {  	v9 =	vand.u32 $0xFFFF, v12;
	[tilespmem:v2+s28+$0x0] =	vst.idx.add.s32.msk $0xffff, v1  }
0x367: {  	v3 =	vshrl.u32 v8, $0x10;
	[tilespmem:v5+s28+$0x0] =	vst.idx.add.s32.msk $0xffff, v1;
	v2 =	vshrl.u32 v12, $0x10  }
0x368: {  	v4 =	vshrl.u32 v10, $0x10;
	v10 =	vand.u32 $0xFFFF, v10;
	v7 =	vand.u32 $0xFFFF, v17;
	[tilespmem:v15+s28+$0x0] =	vst.idx.add.s32.msk $0xffff, v1  }
0x369: {  	v5 =	vand.u32 $0xFFFF, v11;
	v12 =	vshrl.u32 v11, $0x10;
	v11 =	vshrl.u32 v16, $0x10;
	[tilespmem:v6+s28+$0x0] =	vst.idx.add.s32.msk $0xffff, v1  }
0x36a: {  	s2 =	simm.s32 $0x0;
	v6 =	vand.u32 $0xFFFF, v8;
	v8 =	vand.u32 $0xFFFF, v16;
	[tilespmem:v13+s28+$0x0] =	vst.idx.add.s32.msk $0xffff, v1;
	v13 =	vshrl.u32 v17, $0x10  }
.LBB2_20:
0x36b: {  	s2 =	sadd.s32 $0x10, s2;
	[tilespmem:v9+s28+$0x0] =	vst.idx.add.s32.msk $0xffff, v1;
	s0 =	sadd.s32 $0x100, s0  }
0x36c: {  	p0 =	slt.u32 s2, $0x3F0;
	[tilespmem:v2+s28+$0x0] =	vst.idx.add.s32.msk $0xffff, v1  }
0x36d: {  	[tilespmem:v10+s28+$0x0] =	vst.idx.add.s32.msk $0xffff, v1  }
0x36e: {  	[tilespmem:v4+s28+$0x0] =	vst.idx.add.s32.msk $0xffff, v1  }
0x36f: {  	[tilespmem:v5+s28+$0x0] =	vst.idx.add.s32.msk $0xffff, v1  }
0x370: {  	[tilespmem:v12+s28+$0x0] =	vst.idx.add.s32.msk $0xffff, v1  }
0x371: {  	[tilespmem:v6+s28+$0x0] =	vst.idx.add.s32.msk $0xffff, v1  }
0x372: {  	[tilespmem:v3+s28+$0x0] =	vst.idx.add.s32.msk $0xffff, v1  }
0x373: {  	[tilespmem:v7+s28+$0x0] =	vst.idx.add.s32.msk $0xffff, v1  }
0x374: {  	[tilespmem:v13+s28+$0x0] =	vst.idx.add.s32.msk $0xffff, v1  }
0x375: {  	[tilespmem:v8+s28+$0x0] =	vst.idx.add.s32.msk $0xffff, v1  }
0x376: {  	[tilespmem:v11+s28+$0x0] =	vst.idx.add.s32.msk $0xffff, v1  }
0x377: {  	v2 =	vld [tilespmem:s0+$0x10]  }
0x378: {  	v3 =	vld [tilespmem:s0+$0x30]  }
0x379: {  	v4 =	vld [tilespmem:s0+$0x20]  }
0x37a: {  	v5 =	vld [tilespmem:s0+$0x40]  }
0x37b: {  	v6 =	vld [tilespmem:s0+$0xFFFFFF80]  }
0x37c: {  	v7 =	vld [tilespmem:s0+$0x70]  }
0x37d: {  	v8 =	vld [tilespmem:s0+$0xFFFFFFB0]  }
0x37e: {  	v11 =	vld [tilespmem:s0+$0xFFFFFFC0]  }
0x37f: {  	v10 =	vld [tilespmem:s0+$0xFFFFFFD0]  }
0x380: {  	v9 =	vand.u32 $0xFFFF, v6;
	v12 =	vld [tilespmem:s0+$0xFFFFFFE0]  }
0x381: {  	v6 =	vshrl.u32 v6, $0x10;
	v13 =	vld [tilespmem:s0+$0x60];
	v14 =	vand.u32 $0xFFFF, v7  }
0x382: {  	v15 =	vld [tilespmem:s0+$0x50]  }
0x383: {  	v7 =	vshrl.u32 v7, $0x10;
	v16 =	vld [tilespmem:s0+$0xFFFFFF90]  }
0x384: {  	v17 =	vld [tilespmem:s0+$0xFFFFFFA0]  }
0x385: {  	[tilespmem:v9+s28+$0x0] =	vst.idx.add.s32.msk $0xffff, v1  }
0x386: {  	[tilespmem:v6+s28+$0x0] =	vst.idx.add.s32.msk $0xffff, v1;
	v6 =	vand.u32 $0xFFFF, v13  }
0x387: {  	v13 =	vshrl.u32 v13, $0x10;
	v9 =	vand.u32 $0xFFFF, v15;
	[tilespmem:v14+s28+$0x0] =	vst.idx.add.s32.msk $0xffff, v1  }
0x388: {  	v14 =	vshrl.u32 v15, $0x10;
	[tilespmem:v7+s28+$0x0] =	vst.idx.add.s32.msk $0xffff, v1  }
0x389: {  	v7 =	vld [tilespmem:s0+$0x0]  }
0x38a: {  	v18 =	vand.u32 $0xFFFF, v5;
	v15 =	vld [tilespmem:s0+$0xFFFFFFF0]  }
0x38b: {  	v5 =	vshrl.u32 v5, $0x10;
	[tilespmem:v6+s28+$0x0] =	vst.idx.add.s32.msk $0xffff, v1  }
0x38c: {  	v6 =	vand.u32 $0xFFFF, v4;
	[tilespmem:v13+s28+$0x0] =	vst.idx.add.s32.msk $0xffff, v1  }
0x38d: {  	v19 =	vshrl.u32 v4, $0x10;
	v13 =	vand.u32 $0xFFFF, v2;
	[tilespmem:v9+s28+$0x0] =	vst.idx.add.s32.msk $0xffff, v1  }
0x38e: {  	v22 =	vshrl.u32 v2, $0x10;
	v20 =	vshrl.u32 v7, $0x10;
	v21 =	vand.u32 $0xFFFF, v7;
	[tilespmem:v14+s28+$0x0] =	vst.idx.add.s32.msk $0xffff, v1  }
0x38f: {  	v23 =	vand.u32 $0xFFFF, v3;
	v14 =	vshrl.u32 v15, $0x10;
	v15 =	vand.u32 $0xFFFF, v15;
	[tilespmem:v18+s28+$0x0] =	vst.idx.add.s32.msk $0xffff, v1  }
0x390: {  	v2 =	vshrl.u32 v12, $0x10;
	v9 =	vand.u32 $0xFFFF, v12;
	v18 =	vshrl.u32 v3, $0x10;
	[tilespmem:v5+s28+$0x0] =	vst.idx.add.s32.msk $0xffff, v1  }
0x391: {  	v4 =	vshrl.u32 v10, $0x10;
	v10 =	vand.u32 $0xFFFF, v10;
	[tilespmem:v6+s28+$0x0] =	vst.idx.add.s32.msk $0xffff, v1  }
0x392: {  	v5 =	vand.u32 $0xFFFF, v11;
	[tilespmem:v19+s28+$0x0] =	vst.idx.add.s32.msk $0xffff, v1  }
0x393: {  	v12 =	vshrl.u32 v11, $0x10;
	v3 =	vshrl.u32 v8, $0x10;
	v6 =	vand.u32 $0xFFFF, v8;
	[tilespmem:v13+s28+$0x0] =	vst.idx.add.s32.msk $0xffff, v1  }
0x394: {  	v7 =	vand.u32 $0xFFFF, v17;
	[tilespmem:v21+s28+$0x0] =	vst.idx.add.s32.msk $0xffff, v1  }
0x395: {  	v8 =	vand.u32 $0xFFFF, v16;
	v13 =	vshrl.u32 v17, $0x10;
	[tilespmem:v22+s28+$0x0] =	vst.idx.add.s32.msk $0xffff, v1  }
.Ltmp9:
0x396: {  	v11 =	vshrl.u32 v16, $0x10;
	[tilespmem:v20+s28+$0x0] =	vst.idx.add.s32.msk $0xffff, v1;
	(pc) =	sbr.rel @p0 .LBB2_20-.Ltmp9, $4  }
0x397: {  	[tilespmem:v23+s28+$0x0] =	vst.idx.add.s32.msk $0xffff, v1  }
0x398: {  	[tilespmem:v18+s28+$0x0] =	vst.idx.add.s32.msk $0xffff, v1  }
0x399: {  	[tilespmem:v15+s28+$0x0] =	vst.idx.add.s32.msk $0xffff, v1  }
0x39a: {  	[tilespmem:v14+s28+$0x0] =	vst.idx.add.s32.msk $0xffff, v1  }
0x39b: {  	_ =	sdelay $0x3  }
0x39c: {  	[tilespmem:v9+s28+$0x0] =	vst.idx.add.s32.msk $0xffff, v1  }
0x39d: {  	[tilespmem:v10+s28+$0x0] =	vst.idx.add.s32.msk $0xffff, v1  }
0x39e: {  	[tilespmem:v5+s28+$0x0] =	vst.idx.add.s32.msk $0xffff, v1  }
0x39f: {  	[tilespmem:v6+s28+$0x0] =	vst.idx.add.s32.msk $0xffff, v1  }
0x3a0: {  	[tilespmem:v7+s28+$0x0] =	vst.idx.add.s32.msk $0xffff, v1  }
0x3a1: {  	[tilespmem:v8+s28+$0x0] =	vst.idx.add.s32.msk $0xffff, v1  }
0x3a2: {  	[tilespmem:v2+s28+$0x0] =	vst.idx.add.s32.msk $0xffff, v1  }
0x3a3: {  	[tilespmem:v4+s28+$0x0] =	vst.idx.add.s32.msk $0xffff, v1  }
0x3a4: {  	[tilespmem:v12+s28+$0x0] =	vst.idx.add.s32.msk $0xffff, v1  }
0x3a5: {  	[tilespmem:v3+s28+$0x0] =	vst.idx.add.s32.msk $0xffff, v1  }
0x3a6: {  	[tilespmem:v13+s28+$0x0] =	vst.idx.add.s32.msk $0xffff, v1  }
0x3a7: {  	[tilespmem:v11+s28+$0x0] =	vst.idx.add.s32.msk $0xffff, v1  }
0x3a8: {  	[tilespmem:s1], [sflag:$0x1] =	stream.linear.gather [hbm4b:s13+s1], $0x4000, $0x38;
	[tilespmem:$0x1B000] =	vst v63  }
0x3a9: {  	_ =	swait.ge [sflag:s29], $0x4000  }
0x3aa: {  	[sflag:s29] =	ssyncset.done $0x0  }
0x3ab: {  	s0 =	simm.s32 $0x4080;
	[sflag:s29] =	ssyncadd.s32 $0xFFFFC000  }
0x3ac: {  	v2 =	vld [tilespmem:s0+$0x10]  }
0x3ad: {  	v3 =	vld [tilespmem:s0+$0x30]  }
0x3ae: {  	v4 =	vld [tilespmem:s0+$0x20]  }
0x3af: {  	v5 =	vld [tilespmem:s0+$0x40]  }
0x3b0: {  	v6 =	vld [tilespmem:s0+$0xFFFFFF80]  }
0x3b1: {  	v7 =	vld [tilespmem:s0+$0x70]  }
0x3b2: {  	v8 =	vld [tilespmem:s0+$0xFFFFFFB0]  }
0x3b3: {  	v11 =	vld [tilespmem:s0+$0xFFFFFFC0]  }
0x3b4: {  	v10 =	vld [tilespmem:s0+$0xFFFFFFD0]  }
0x3b5: {  	v12 =	vld [tilespmem:s0+$0xFFFFFFE0];
	v9 =	vand.u32 $0xFFFF, v6  }
0x3b6: {  	v13 =	vld [tilespmem:s0+$0x60];
	v14 =	vand.u32 $0xFFFF, v7  }
0x3b7: {  	v15 =	vld [tilespmem:s0+$0x50];
	v6 =	vshrl.u32 v6, $0x10  }
0x3b8: {  	v16 =	vld [tilespmem:s0+$0xFFFFFF90]  }
0x3b9: {  	v17 =	vld [tilespmem:s0+$0xFFFFFFA0];
	v18 =	vand.u32 $0xFFFF, v5  }
0x3ba: {  	v7 =	vshrl.u32 v7, $0x10;
	[tilespmem:v9+s28+$0x0] =	vst.idx.add.s32.msk $0xffff, v1  }
0x3bb: {  	[tilespmem:v14+s28+$0x0] =	vst.idx.add.s32.msk $0xffff, v1  }
0x3bc: {  	[tilespmem:v6+s28+$0x0] =	vst.idx.add.s32.msk $0xffff, v1;
	v6 =	vand.u32 $0xFFFF, v13  }
0x3bd: {  	v9 =	vshrl.u32 v13, $0x10;
	v14 =	vld [tilespmem:s0+$0x0];
	v13 =	vand.u32 $0xFFFF, v15  }
0x3be: {  	[tilespmem:v18+s28+$0x0] =	vst.idx.add.s32.msk $0xffff, v1  }
0x3bf: {  	[tilespmem:v7+s28+$0x0] =	vst.idx.add.s32.msk $0xffff, v1;
	v7 =	vshrl.u32 v15, $0x10  }
0x3c0: {  	v5 =	vshrl.u32 v5, $0x10;
	v15 =	vld [tilespmem:s0+$0xFFFFFFF0]  }
0x3c1: {  	[tilespmem:v6+s28+$0x0] =	vst.idx.add.s32.msk $0xffff, v1;
	v6 =	vand.u32 $0xFFFF, v4  }
0x3c2: {  	v4 =	vshrl.u32 v4, $0x10;
	[tilespmem:v13+s28+$0x0] =	vst.idx.add.s32.msk $0xffff, v1  }
0x3c3: {  	[tilespmem:v9+s28+$0x0] =	vst.idx.add.s32.msk $0xffff, v1;
	v9 =	vand.u32 $0xFFFF, v2  }
0x3c4: {  	[tilespmem:v7+s28+$0x0] =	vst.idx.add.s32.msk $0xffff, v1;
	v7 =	vand.u32 $0xFFFF, v14  }
0x3c5: {  	[tilespmem:v5+s28+$0x0] =	vst.idx.add.s32.msk $0xffff, v1;
	v5 =	vshrl.u32 v14, $0x10;
	v14 =	vand.u32 $0xFFFF, v15  }
0x3c6: {  	v2 =	vshrl.u32 v2, $0x10;
	[tilespmem:v6+s28+$0x0] =	vst.idx.add.s32.msk $0xffff, v1  }
0x3c7: {  	[tilespmem:v4+s28+$0x0] =	vst.idx.add.s32.msk $0xffff, v1  }
0x3c8: {  	v15 =	vshrl.u32 v15, $0x10;
	[tilespmem:v9+s28+$0x0] =	vst.idx.add.s32.msk $0xffff, v1  }
0x3c9: {  	v6 =	vand.u32 $0xFFFF, v3;
	[tilespmem:v7+s28+$0x0] =	vst.idx.add.s32.msk $0xffff, v1  }
0x3ca: {  	v13 =	vshrl.u32 v3, $0x10;
	[tilespmem:v14+s28+$0x0] =	vst.idx.add.s32.msk $0xffff, v1  }
0x3cb: {  	v9 =	vand.u32 $0xFFFF, v12;
	[tilespmem:v2+s28+$0x0] =	vst.idx.add.s32.msk $0xffff, v1  }
0x3cc: {  	v3 =	vshrl.u32 v8, $0x10;
	[tilespmem:v5+s28+$0x0] =	vst.idx.add.s32.msk $0xffff, v1;
	v2 =	vshrl.u32 v12, $0x10  }
0x3cd: {  	v4 =	vshrl.u32 v10, $0x10;
	v10 =	vand.u32 $0xFFFF, v10;
	v7 =	vand.u32 $0xFFFF, v17;
	[tilespmem:v15+s28+$0x0] =	vst.idx.add.s32.msk $0xffff, v1  }
0x3ce: {  	v5 =	vand.u32 $0xFFFF, v11;
	v12 =	vshrl.u32 v11, $0x10;
	v11 =	vshrl.u32 v16, $0x10;
	[tilespmem:v6+s28+$0x0] =	vst.idx.add.s32.msk $0xffff, v1  }
0x3cf: {  	s2 =	simm.s32 $0x0;
	v6 =	vand.u32 $0xFFFF, v8;
	v8 =	vand.u32 $0xFFFF, v16;
	[tilespmem:v13+s28+$0x0] =	vst.idx.add.s32.msk $0xffff, v1;
	v13 =	vshrl.u32 v17, $0x10  }
.LBB2_22:
0x3d0: {  	s2 =	sadd.s32 $0x10, s2;
	[tilespmem:v9+s28+$0x0] =	vst.idx.add.s32.msk $0xffff, v1;
	s0 =	sadd.s32 $0x100, s0  }
0x3d1: {  	p0 =	slt.u32 s2, $0x3F0;
	[tilespmem:v2+s28+$0x0] =	vst.idx.add.s32.msk $0xffff, v1  }
0x3d2: {  	[tilespmem:v10+s28+$0x0] =	vst.idx.add.s32.msk $0xffff, v1  }
0x3d3: {  	[tilespmem:v4+s28+$0x0] =	vst.idx.add.s32.msk $0xffff, v1  }
0x3d4: {  	[tilespmem:v5+s28+$0x0] =	vst.idx.add.s32.msk $0xffff, v1  }
0x3d5: {  	[tilespmem:v12+s28+$0x0] =	vst.idx.add.s32.msk $0xffff, v1  }
0x3d6: {  	[tilespmem:v6+s28+$0x0] =	vst.idx.add.s32.msk $0xffff, v1  }
0x3d7: {  	[tilespmem:v3+s28+$0x0] =	vst.idx.add.s32.msk $0xffff, v1  }
0x3d8: {  	[tilespmem:v7+s28+$0x0] =	vst.idx.add.s32.msk $0xffff, v1  }
0x3d9: {  	[tilespmem:v13+s28+$0x0] =	vst.idx.add.s32.msk $0xffff, v1  }
0x3da: {  	[tilespmem:v8+s28+$0x0] =	vst.idx.add.s32.msk $0xffff, v1  }
0x3db: {  	[tilespmem:v11+s28+$0x0] =	vst.idx.add.s32.msk $0xffff, v1  }
0x3dc: {  	v2 =	vld [tilespmem:s0+$0x10]  }
0x3dd: {  	v3 =	vld [tilespmem:s0+$0x30]  }
0x3de: {  	v4 =	vld [tilespmem:s0+$0x20]  }
0x3df: {  	v5 =	vld [tilespmem:s0+$0x40]  }
0x3e0: {  	v6 =	vld [tilespmem:s0+$0xFFFFFF80]  }
0x3e1: {  	v7 =	vld [tilespmem:s0+$0x70]  }
0x3e2: {  	v8 =	vld [tilespmem:s0+$0xFFFFFFB0]  }
0x3e3: {  	v11 =	vld [tilespmem:s0+$0xFFFFFFC0]  }
0x3e4: {  	v10 =	vld [tilespmem:s0+$0xFFFFFFD0]  }
0x3e5: {  	v9 =	vand.u32 $0xFFFF, v6;
	v12 =	vld [tilespmem:s0+$0xFFFFFFE0]  }
0x3e6: {  	v6 =	vshrl.u32 v6, $0x10;
	v13 =	vld [tilespmem:s0+$0x60];
	v14 =	vand.u32 $0xFFFF, v7  }
0x3e7: {  	v15 =	vld [tilespmem:s0+$0x50]  }
0x3e8: {  	v7 =	vshrl.u32 v7, $0x10;
	v16 =	vld [tilespmem:s0+$0xFFFFFF90]  }
0x3e9: {  	v17 =	vld [tilespmem:s0+$0xFFFFFFA0]  }
0x3ea: {  	[tilespmem:v9+s28+$0x0] =	vst.idx.add.s32.msk $0xffff, v1  }
0x3eb: {  	[tilespmem:v6+s28+$0x0] =	vst.idx.add.s32.msk $0xffff, v1;
	v6 =	vand.u32 $0xFFFF, v13  }
0x3ec: {  	v13 =	vshrl.u32 v13, $0x10;
	v9 =	vand.u32 $0xFFFF, v15;
	[tilespmem:v14+s28+$0x0] =	vst.idx.add.s32.msk $0xffff, v1  }
0x3ed: {  	v14 =	vshrl.u32 v15, $0x10;
	[tilespmem:v7+s28+$0x0] =	vst.idx.add.s32.msk $0xffff, v1  }
0x3ee: {  	v7 =	vld [tilespmem:s0+$0x0]  }
0x3ef: {  	v18 =	vand.u32 $0xFFFF, v5;
	v15 =	vld [tilespmem:s0+$0xFFFFFFF0]  }
0x3f0: {  	v5 =	vshrl.u32 v5, $0x10;
	[tilespmem:v6+s28+$0x0] =	vst.idx.add.s32.msk $0xffff, v1  }
0x3f1: {  	v6 =	vand.u32 $0xFFFF, v4;
	[tilespmem:v13+s28+$0x0] =	vst.idx.add.s32.msk $0xffff, v1  }
0x3f2: {  	v19 =	vshrl.u32 v4, $0x10;
	v13 =	vand.u32 $0xFFFF, v2;
	[tilespmem:v9+s28+$0x0] =	vst.idx.add.s32.msk $0xffff, v1  }
0x3f3: {  	v22 =	vshrl.u32 v2, $0x10;
	v20 =	vshrl.u32 v7, $0x10;
	v21 =	vand.u32 $0xFFFF, v7;
	[tilespmem:v14+s28+$0x0] =	vst.idx.add.s32.msk $0xffff, v1  }
0x3f4: {  	v23 =	vand.u32 $0xFFFF, v3;
	v14 =	vshrl.u32 v15, $0x10;
	v15 =	vand.u32 $0xFFFF, v15;
	[tilespmem:v18+s28+$0x0] =	vst.idx.add.s32.msk $0xffff, v1  }
0x3f5: {  	v2 =	vshrl.u32 v12, $0x10;
	v9 =	vand.u32 $0xFFFF, v12;
	v18 =	vshrl.u32 v3, $0x10;
	[tilespmem:v5+s28+$0x0] =	vst.idx.add.s32.msk $0xffff, v1  }
0x3f6: {  	v4 =	vshrl.u32 v10, $0x10;
	v10 =	vand.u32 $0xFFFF, v10;
	[tilespmem:v6+s28+$0x0] =	vst.idx.add.s32.msk $0xffff, v1  }
0x3f7: {  	v5 =	vand.u32 $0xFFFF, v11;
	[tilespmem:v19+s28+$0x0] =	vst.idx.add.s32.msk $0xffff, v1  }
0x3f8: {  	v12 =	vshrl.u32 v11, $0x10;
	v3 =	vshrl.u32 v8, $0x10;
	v6 =	vand.u32 $0xFFFF, v8;
	[tilespmem:v13+s28+$0x0] =	vst.idx.add.s32.msk $0xffff, v1  }
0x3f9: {  	v7 =	vand.u32 $0xFFFF, v17;
	[tilespmem:v21+s28+$0x0] =	vst.idx.add.s32.msk $0xffff, v1  }
0x3fa: {  	v8 =	vand.u32 $0xFFFF, v16;
	v13 =	vshrl.u32 v17, $0x10;
	[tilespmem:v22+s28+$0x0] =	vst.idx.add.s32.msk $0xffff, v1  }
.Ltmp10:
0x3fb: {  	v11 =	vshrl.u32 v16, $0x10;
	[tilespmem:v20+s28+$0x0] =	vst.idx.add.s32.msk $0xffff, v1;
	(pc) =	sbr.rel @p0 .LBB2_22-.Ltmp10, $4  }
0x3fc: {  	[tilespmem:v23+s28+$0x0] =	vst.idx.add.s32.msk $0xffff, v1  }
0x3fd: {  	[tilespmem:v18+s28+$0x0] =	vst.idx.add.s32.msk $0xffff, v1  }
0x3fe: {  	[tilespmem:v15+s28+$0x0] =	vst.idx.add.s32.msk $0xffff, v1  }
0x3ff: {  	[tilespmem:v14+s28+$0x0] =	vst.idx.add.s32.msk $0xffff, v1  }
0x400: {  	_ =	sdelay $0x3  }
0x401: {  	[tilespmem:v9+s28+$0x0] =	vst.idx.add.s32.msk $0xffff, v1  }
0x402: {  	[tilespmem:v10+s28+$0x0] =	vst.idx.add.s32.msk $0xffff, v1  }
0x403: {  	[tilespmem:v5+s28+$0x0] =	vst.idx.add.s32.msk $0xffff, v1  }
0x404: {  	[tilespmem:v6+s28+$0x0] =	vst.idx.add.s32.msk $0xffff, v1  }
0x405: {  	[tilespmem:v7+s28+$0x0] =	vst.idx.add.s32.msk $0xffff, v1  }
0x406: {  	[tilespmem:v8+s28+$0x0] =	vst.idx.add.s32.msk $0xffff, v1  }
0x407: {  	[tilespmem:v2+s28+$0x0] =	vst.idx.add.s32.msk $0xffff, v1  }
0x408: {  	[tilespmem:v4+s28+$0x0] =	vst.idx.add.s32.msk $0xffff, v1  }
0x409: {  	[tilespmem:v12+s28+$0x0] =	vst.idx.add.s32.msk $0xffff, v1  }
0x40a: {  	[tilespmem:v3+s28+$0x0] =	vst.idx.add.s32.msk $0xffff, v1  }
0x40b: {  	[tilespmem:v13+s28+$0x0] =	vst.idx.add.s32.msk $0xffff, v1  }
0x40c: {  	[tilespmem:v11+s28+$0x0] =	vst.idx.add.s32.msk $0xffff, v1  }
0x40d: {  	[tilespmem:s25], [sflag:$0x2] =	stream.linear.gather [hbm4b:s14+s1], $0x4000, $0x38;
	[tilespmem:$0x1B000] =	vst v63  }
0x40e: {  	_ =	swait.ge [sflag:s26], $0x4000  }
0x40f: {  	[sflag:s26] =	ssyncset.done $0x0  }
0x410: {  	s0 =	simm.s32 $0x80;
	[sflag:s26] =	ssyncadd.s32 $0xFFFFC000  }
0x411: {  	v2 =	vld [tilespmem:s0+$0x10]  }
0x412: {  	v3 =	vld [tilespmem:s0+$0x30]  }
0x413: {  	v4 =	vld [tilespmem:s0+$0x20]  }
0x414: {  	v5 =	vld [tilespmem:s0+$0x40]  }
0x415: {  	v6 =	vld [tilespmem:s0+$0xFFFFFF80]  }
0x416: {  	v7 =	vld [tilespmem:s0+$0x70]  }
0x417: {  	v8 =	vld [tilespmem:s0+$0xFFFFFFB0]  }
0x418: {  	v11 =	vld [tilespmem:s0+$0xFFFFFFC0]  }
0x419: {  	v10 =	vld [tilespmem:s0+$0xFFFFFFD0]  }
0x41a: {  	v12 =	vld [tilespmem:s0+$0xFFFFFFE0];
	v9 =	vand.u32 $0xFFFF, v6  }
0x41b: {  	v13 =	vld [tilespmem:s0+$0x60];
	v14 =	vand.u32 $0xFFFF, v7  }
0x41c: {  	v15 =	vld [tilespmem:s0+$0x50];
	v6 =	vshrl.u32 v6, $0x10  }
0x41d: {  	v16 =	vld [tilespmem:s0+$0xFFFFFF90]  }
0x41e: {  	v17 =	vld [tilespmem:s0+$0xFFFFFFA0];
	v18 =	vand.u32 $0xFFFF, v5  }
0x41f: {  	v7 =	vshrl.u32 v7, $0x10;
	[tilespmem:v9+s28+$0x0] =	vst.idx.add.s32.msk $0xffff, v1  }
0x420: {  	[tilespmem:v14+s28+$0x0] =	vst.idx.add.s32.msk $0xffff, v1  }
0x421: {  	[tilespmem:v6+s28+$0x0] =	vst.idx.add.s32.msk $0xffff, v1;
	v6 =	vand.u32 $0xFFFF, v13  }
0x422: {  	v9 =	vshrl.u32 v13, $0x10;
	v14 =	vld [tilespmem:s0+$0x0];
	v13 =	vand.u32 $0xFFFF, v15  }
0x423: {  	[tilespmem:v18+s28+$0x0] =	vst.idx.add.s32.msk $0xffff, v1  }
0x424: {  	[tilespmem:v7+s28+$0x0] =	vst.idx.add.s32.msk $0xffff, v1;
	v7 =	vshrl.u32 v15, $0x10  }
0x425: {  	v5 =	vshrl.u32 v5, $0x10;
	v15 =	vld [tilespmem:s0+$0xFFFFFFF0]  }
0x426: {  	[tilespmem:v6+s28+$0x0] =	vst.idx.add.s32.msk $0xffff, v1;
	v6 =	vand.u32 $0xFFFF, v4  }
0x427: {  	v4 =	vshrl.u32 v4, $0x10;
	[tilespmem:v13+s28+$0x0] =	vst.idx.add.s32.msk $0xffff, v1  }
0x428: {  	[tilespmem:v9+s28+$0x0] =	vst.idx.add.s32.msk $0xffff, v1;
	v9 =	vand.u32 $0xFFFF, v2  }
0x429: {  	[tilespmem:v7+s28+$0x0] =	vst.idx.add.s32.msk $0xffff, v1;
	v7 =	vand.u32 $0xFFFF, v14  }
0x42a: {  	[tilespmem:v5+s28+$0x0] =	vst.idx.add.s32.msk $0xffff, v1;
	v5 =	vshrl.u32 v14, $0x10;
	v14 =	vand.u32 $0xFFFF, v15  }
0x42b: {  	v2 =	vshrl.u32 v2, $0x10;
	[tilespmem:v6+s28+$0x0] =	vst.idx.add.s32.msk $0xffff, v1  }
0x42c: {  	[tilespmem:v4+s28+$0x0] =	vst.idx.add.s32.msk $0xffff, v1  }
0x42d: {  	v15 =	vshrl.u32 v15, $0x10;
	[tilespmem:v9+s28+$0x0] =	vst.idx.add.s32.msk $0xffff, v1  }
0x42e: {  	v6 =	vand.u32 $0xFFFF, v3;
	[tilespmem:v7+s28+$0x0] =	vst.idx.add.s32.msk $0xffff, v1  }
0x42f: {  	v13 =	vshrl.u32 v3, $0x10;
	[tilespmem:v14+s28+$0x0] =	vst.idx.add.s32.msk $0xffff, v1  }
0x430: {  	v9 =	vand.u32 $0xFFFF, v12;
	[tilespmem:v2+s28+$0x0] =	vst.idx.add.s32.msk $0xffff, v1  }
0x431: {  	v3 =	vshrl.u32 v8, $0x10;
	[tilespmem:v5+s28+$0x0] =	vst.idx.add.s32.msk $0xffff, v1;
	v2 =	vshrl.u32 v12, $0x10  }
0x432: {  	v4 =	vshrl.u32 v10, $0x10;
	v10 =	vand.u32 $0xFFFF, v10;
	v7 =	vand.u32 $0xFFFF, v17;
	[tilespmem:v15+s28+$0x0] =	vst.idx.add.s32.msk $0xffff, v1  }
0x433: {  	v5 =	vand.u32 $0xFFFF, v11;
	v12 =	vshrl.u32 v11, $0x10;
	v11 =	vshrl.u32 v16, $0x10;
	[tilespmem:v6+s28+$0x0] =	vst.idx.add.s32.msk $0xffff, v1  }
0x434: {  	s2 =	simm.s32 $0x0;
	v6 =	vand.u32 $0xFFFF, v8;
	v8 =	vand.u32 $0xFFFF, v16;
	[tilespmem:v13+s28+$0x0] =	vst.idx.add.s32.msk $0xffff, v1;
	v13 =	vshrl.u32 v17, $0x10  }
.LBB2_24:
0x435: {  	s2 =	sadd.s32 $0x10, s2;
	[tilespmem:v9+s28+$0x0] =	vst.idx.add.s32.msk $0xffff, v1;
	s0 =	sadd.s32 $0x100, s0  }
0x436: {  	p0 =	slt.u32 s2, $0x3F0;
	[tilespmem:v2+s28+$0x0] =	vst.idx.add.s32.msk $0xffff, v1  }
0x437: {  	[tilespmem:v10+s28+$0x0] =	vst.idx.add.s32.msk $0xffff, v1  }
0x438: {  	[tilespmem:v4+s28+$0x0] =	vst.idx.add.s32.msk $0xffff, v1  }
0x439: {  	[tilespmem:v5+s28+$0x0] =	vst.idx.add.s32.msk $0xffff, v1  }
0x43a: {  	[tilespmem:v12+s28+$0x0] =	vst.idx.add.s32.msk $0xffff, v1  }
0x43b: {  	[tilespmem:v6+s28+$0x0] =	vst.idx.add.s32.msk $0xffff, v1  }
0x43c: {  	[tilespmem:v3+s28+$0x0] =	vst.idx.add.s32.msk $0xffff, v1  }
0x43d: {  	[tilespmem:v7+s28+$0x0] =	vst.idx.add.s32.msk $0xffff, v1  }
0x43e: {  	[tilespmem:v13+s28+$0x0] =	vst.idx.add.s32.msk $0xffff, v1  }
0x43f: {  	[tilespmem:v8+s28+$0x0] =	vst.idx.add.s32.msk $0xffff, v1  }
0x440: {  	[tilespmem:v11+s28+$0x0] =	vst.idx.add.s32.msk $0xffff, v1  }
0x441: {  	v2 =	vld [tilespmem:s0+$0x10]  }
0x442: {  	v3 =	vld [tilespmem:s0+$0x30]  }
0x443: {  	v4 =	vld [tilespmem:s0+$0x20]  }
0x444: {  	v5 =	vld [tilespmem:s0+$0x40]  }
0x445: {  	v6 =	vld [tilespmem:s0+$0xFFFFFF80]  }
0x446: {  	v7 =	vld [tilespmem:s0+$0x70]  }
0x447: {  	v8 =	vld [tilespmem:s0+$0xFFFFFFB0]  }
0x448: {  	v11 =	vld [tilespmem:s0+$0xFFFFFFC0]  }
0x449: {  	v10 =	vld [tilespmem:s0+$0xFFFFFFD0]  }
0x44a: {  	v9 =	vand.u32 $0xFFFF, v6;
	v12 =	vld [tilespmem:s0+$0xFFFFFFE0]  }
0x44b: {  	v6 =	vshrl.u32 v6, $0x10;
	v13 =	vld [tilespmem:s0+$0x60];
	v14 =	vand.u32 $0xFFFF, v7  }
0x44c: {  	v15 =	vld [tilespmem:s0+$0x50]  }
0x44d: {  	v7 =	vshrl.u32 v7, $0x10;
	v16 =	vld [tilespmem:s0+$0xFFFFFF90]  }
0x44e: {  	v17 =	vld [tilespmem:s0+$0xFFFFFFA0]  }
0x44f: {  	[tilespmem:v9+s28+$0x0] =	vst.idx.add.s32.msk $0xffff, v1  }
0x450: {  	[tilespmem:v6+s28+$0x0] =	vst.idx.add.s32.msk $0xffff, v1;
	v6 =	vand.u32 $0xFFFF, v13  }
0x451: {  	v13 =	vshrl.u32 v13, $0x10;
	v9 =	vand.u32 $0xFFFF, v15;
	[tilespmem:v14+s28+$0x0] =	vst.idx.add.s32.msk $0xffff, v1  }
0x452: {  	v14 =	vshrl.u32 v15, $0x10;
	[tilespmem:v7+s28+$0x0] =	vst.idx.add.s32.msk $0xffff, v1  }
0x453: {  	v7 =	vld [tilespmem:s0+$0x0]  }
0x454: {  	v18 =	vand.u32 $0xFFFF, v5;
	v15 =	vld [tilespmem:s0+$0xFFFFFFF0]  }
0x455: {  	v5 =	vshrl.u32 v5, $0x10;
	[tilespmem:v6+s28+$0x0] =	vst.idx.add.s32.msk $0xffff, v1  }
0x456: {  	v6 =	vand.u32 $0xFFFF, v4;
	[tilespmem:v13+s28+$0x0] =	vst.idx.add.s32.msk $0xffff, v1  }
0x457: {  	v19 =	vshrl.u32 v4, $0x10;
	v13 =	vand.u32 $0xFFFF, v2;
	[tilespmem:v9+s28+$0x0] =	vst.idx.add.s32.msk $0xffff, v1  }
0x458: {  	v22 =	vshrl.u32 v2, $0x10;
	v20 =	vshrl.u32 v7, $0x10;
	v21 =	vand.u32 $0xFFFF, v7;
	[tilespmem:v14+s28+$0x0] =	vst.idx.add.s32.msk $0xffff, v1  }
0x459: {  	v23 =	vand.u32 $0xFFFF, v3;
	v14 =	vshrl.u32 v15, $0x10;
	v15 =	vand.u32 $0xFFFF, v15;
	[tilespmem:v18+s28+$0x0] =	vst.idx.add.s32.msk $0xffff, v1  }
0x45a: {  	v2 =	vshrl.u32 v12, $0x10;
	v9 =	vand.u32 $0xFFFF, v12;
	v18 =	vshrl.u32 v3, $0x10;
	[tilespmem:v5+s28+$0x0] =	vst.idx.add.s32.msk $0xffff, v1  }
0x45b: {  	v4 =	vshrl.u32 v10, $0x10;
	v10 =	vand.u32 $0xFFFF, v10;
	[tilespmem:v6+s28+$0x0] =	vst.idx.add.s32.msk $0xffff, v1  }
0x45c: {  	v5 =	vand.u32 $0xFFFF, v11;
	[tilespmem:v19+s28+$0x0] =	vst.idx.add.s32.msk $0xffff, v1  }
0x45d: {  	v12 =	vshrl.u32 v11, $0x10;
	v3 =	vshrl.u32 v8, $0x10;
	v6 =	vand.u32 $0xFFFF, v8;
	[tilespmem:v13+s28+$0x0] =	vst.idx.add.s32.msk $0xffff, v1  }
0x45e: {  	v7 =	vand.u32 $0xFFFF, v17;
	[tilespmem:v21+s28+$0x0] =	vst.idx.add.s32.msk $0xffff, v1  }
0x45f: {  	v8 =	vand.u32 $0xFFFF, v16;
	v13 =	vshrl.u32 v17, $0x10;
	[tilespmem:v22+s28+$0x0] =	vst.idx.add.s32.msk $0xffff, v1  }
.Ltmp11:
0x460: {  	v11 =	vshrl.u32 v16, $0x10;
	[tilespmem:v20+s28+$0x0] =	vst.idx.add.s32.msk $0xffff, v1;
	(pc) =	sbr.rel @p0 .LBB2_24-.Ltmp11, $4  }
0x461: {  	[tilespmem:v23+s28+$0x0] =	vst.idx.add.s32.msk $0xffff, v1  }
0x462: {  	[tilespmem:v18+s28+$0x0] =	vst.idx.add.s32.msk $0xffff, v1  }
0x463: {  	[tilespmem:v15+s28+$0x0] =	vst.idx.add.s32.msk $0xffff, v1  }
0x464: {  	[tilespmem:v14+s28+$0x0] =	vst.idx.add.s32.msk $0xffff, v1  }
0x465: {  	_ =	sdelay $0x3  }
0x466: {  	[tilespmem:v9+s28+$0x0] =	vst.idx.add.s32.msk $0xffff, v1  }
0x467: {  	[tilespmem:v10+s28+$0x0] =	vst.idx.add.s32.msk $0xffff, v1  }
0x468: {  	[tilespmem:v5+s28+$0x0] =	vst.idx.add.s32.msk $0xffff, v1  }
0x469: {  	[tilespmem:v6+s28+$0x0] =	vst.idx.add.s32.msk $0xffff, v1  }
0x46a: {  	[tilespmem:v7+s28+$0x0] =	vst.idx.add.s32.msk $0xffff, v1  }
0x46b: {  	[tilespmem:v8+s28+$0x0] =	vst.idx.add.s32.msk $0xffff, v1  }
0x46c: {  	[tilespmem:v2+s28+$0x0] =	vst.idx.add.s32.msk $0xffff, v1  }
0x46d: {  	[tilespmem:v4+s28+$0x0] =	vst.idx.add.s32.msk $0xffff, v1  }
0x46e: {  	[tilespmem:v12+s28+$0x0] =	vst.idx.add.s32.msk $0xffff, v1  }
0x46f: {  	[tilespmem:v3+s28+$0x0] =	vst.idx.add.s32.msk $0xffff, v1  }
0x470: {  	[tilespmem:v13+s28+$0x0] =	vst.idx.add.s32.msk $0xffff, v1  }
0x471: {  	[tilespmem:v11+s28+$0x0] =	vst.idx.add.s32.msk $0xffff, v1  }
0x472: {  	[tilespmem:s1], [sflag:$0x1] =	stream.linear.gather [hbm4b:s15+s1], $0x4000, $0x38;
	[tilespmem:$0x1B000] =	vst v63  }
0x473: {  	_ =	swait.ge [sflag:s29], $0x4000  }
0x474: {  	[sflag:s29] =	ssyncset.done $0x0  }
0x475: {  	s0 =	simm.s32 $0x4080;
	[sflag:s29] =	ssyncadd.s32 $0xFFFFC000  }
0x476: {  	v2 =	vld [tilespmem:s0+$0x10]  }
0x477: {  	v3 =	vld [tilespmem:s0+$0x30]  }
0x478: {  	v4 =	vld [tilespmem:s0+$0x20]  }
0x479: {  	v5 =	vld [tilespmem:s0+$0x40]  }
0x47a: {  	v6 =	vld [tilespmem:s0+$0xFFFFFF80]  }
0x47b: {  	v7 =	vld [tilespmem:s0+$0x70]  }
0x47c: {  	v8 =	vld [tilespmem:s0+$0xFFFFFFB0]  }
0x47d: {  	v11 =	vld [tilespmem:s0+$0xFFFFFFC0]  }
0x47e: {  	v10 =	vld [tilespmem:s0+$0xFFFFFFD0]  }
0x47f: {  	v12 =	vld [tilespmem:s0+$0xFFFFFFE0];
	v9 =	vand.u32 $0xFFFF, v6  }
0x480: {  	v13 =	vld [tilespmem:s0+$0x60];
	v14 =	vand.u32 $0xFFFF, v7  }
0x481: {  	v15 =	vld [tilespmem:s0+$0x50];
	v6 =	vshrl.u32 v6, $0x10  }
0x482: {  	v16 =	vld [tilespmem:s0+$0xFFFFFF90]  }
0x483: {  	v17 =	vld [tilespmem:s0+$0xFFFFFFA0];
	v18 =	vand.u32 $0xFFFF, v5  }
0x484: {  	v7 =	vshrl.u32 v7, $0x10;
	[tilespmem:v9+s28+$0x0] =	vst.idx.add.s32.msk $0xffff, v1  }
0x485: {  	[tilespmem:v14+s28+$0x0] =	vst.idx.add.s32.msk $0xffff, v1  }
0x486: {  	[tilespmem:v6+s28+$0x0] =	vst.idx.add.s32.msk $0xffff, v1;
	v6 =	vand.u32 $0xFFFF, v13  }
0x487: {  	v9 =	vshrl.u32 v13, $0x10;
	v14 =	vld [tilespmem:s0+$0x0];
	v13 =	vand.u32 $0xFFFF, v15  }
0x488: {  	[tilespmem:v18+s28+$0x0] =	vst.idx.add.s32.msk $0xffff, v1  }
0x489: {  	[tilespmem:v7+s28+$0x0] =	vst.idx.add.s32.msk $0xffff, v1;
	v7 =	vshrl.u32 v15, $0x10  }
0x48a: {  	v5 =	vshrl.u32 v5, $0x10;
	v15 =	vld [tilespmem:s0+$0xFFFFFFF0]  }
0x48b: {  	[tilespmem:v6+s28+$0x0] =	vst.idx.add.s32.msk $0xffff, v1;
	v6 =	vand.u32 $0xFFFF, v4  }
0x48c: {  	v4 =	vshrl.u32 v4, $0x10;
	[tilespmem:v13+s28+$0x0] =	vst.idx.add.s32.msk $0xffff, v1  }
0x48d: {  	[tilespmem:v9+s28+$0x0] =	vst.idx.add.s32.msk $0xffff, v1;
	v9 =	vand.u32 $0xFFFF, v2  }
0x48e: {  	[tilespmem:v7+s28+$0x0] =	vst.idx.add.s32.msk $0xffff, v1;
	v7 =	vand.u32 $0xFFFF, v14  }
0x48f: {  	[tilespmem:v5+s28+$0x0] =	vst.idx.add.s32.msk $0xffff, v1;
	v5 =	vshrl.u32 v14, $0x10;
	v14 =	vand.u32 $0xFFFF, v15  }
0x490: {  	v2 =	vshrl.u32 v2, $0x10;
	[tilespmem:v6+s28+$0x0] =	vst.idx.add.s32.msk $0xffff, v1  }
0x491: {  	[tilespmem:v4+s28+$0x0] =	vst.idx.add.s32.msk $0xffff, v1  }
0x492: {  	v15 =	vshrl.u32 v15, $0x10;
	[tilespmem:v9+s28+$0x0] =	vst.idx.add.s32.msk $0xffff, v1  }
0x493: {  	v6 =	vand.u32 $0xFFFF, v3;
	[tilespmem:v7+s28+$0x0] =	vst.idx.add.s32.msk $0xffff, v1  }
0x494: {  	v13 =	vshrl.u32 v3, $0x10;
	[tilespmem:v14+s28+$0x0] =	vst.idx.add.s32.msk $0xffff, v1  }
0x495: {  	v9 =	vand.u32 $0xFFFF, v12;
	[tilespmem:v2+s28+$0x0] =	vst.idx.add.s32.msk $0xffff, v1  }
0x496: {  	v3 =	vshrl.u32 v8, $0x10;
	[tilespmem:v5+s28+$0x0] =	vst.idx.add.s32.msk $0xffff, v1;
	v2 =	vshrl.u32 v12, $0x10  }
0x497: {  	v4 =	vshrl.u32 v10, $0x10;
	v10 =	vand.u32 $0xFFFF, v10;
	v7 =	vand.u32 $0xFFFF, v17;
	[tilespmem:v15+s28+$0x0] =	vst.idx.add.s32.msk $0xffff, v1  }
0x498: {  	v5 =	vand.u32 $0xFFFF, v11;
	v12 =	vshrl.u32 v11, $0x10;
	v11 =	vshrl.u32 v16, $0x10;
	[tilespmem:v6+s28+$0x0] =	vst.idx.add.s32.msk $0xffff, v1  }
0x499: {  	s2 =	simm.s32 $0x0;
	v6 =	vand.u32 $0xFFFF, v8;
	v8 =	vand.u32 $0xFFFF, v16;
	[tilespmem:v13+s28+$0x0] =	vst.idx.add.s32.msk $0xffff, v1;
	v13 =	vshrl.u32 v17, $0x10  }
.LBB2_26:
0x49a: {  	s2 =	sadd.s32 $0x10, s2;
	[tilespmem:v9+s28+$0x0] =	vst.idx.add.s32.msk $0xffff, v1;
	s0 =	sadd.s32 $0x100, s0  }
0x49b: {  	p0 =	slt.u32 s2, $0x3F0;
	[tilespmem:v2+s28+$0x0] =	vst.idx.add.s32.msk $0xffff, v1  }
0x49c: {  	[tilespmem:v10+s28+$0x0] =	vst.idx.add.s32.msk $0xffff, v1  }
0x49d: {  	[tilespmem:v4+s28+$0x0] =	vst.idx.add.s32.msk $0xffff, v1  }
0x49e: {  	[tilespmem:v5+s28+$0x0] =	vst.idx.add.s32.msk $0xffff, v1  }
0x49f: {  	[tilespmem:v12+s28+$0x0] =	vst.idx.add.s32.msk $0xffff, v1  }
0x4a0: {  	[tilespmem:v6+s28+$0x0] =	vst.idx.add.s32.msk $0xffff, v1  }
0x4a1: {  	[tilespmem:v3+s28+$0x0] =	vst.idx.add.s32.msk $0xffff, v1  }
0x4a2: {  	[tilespmem:v7+s28+$0x0] =	vst.idx.add.s32.msk $0xffff, v1  }
0x4a3: {  	[tilespmem:v13+s28+$0x0] =	vst.idx.add.s32.msk $0xffff, v1  }
0x4a4: {  	[tilespmem:v8+s28+$0x0] =	vst.idx.add.s32.msk $0xffff, v1  }
0x4a5: {  	[tilespmem:v11+s28+$0x0] =	vst.idx.add.s32.msk $0xffff, v1  }
0x4a6: {  	v2 =	vld [tilespmem:s0+$0x10]  }
0x4a7: {  	v3 =	vld [tilespmem:s0+$0x30]  }
0x4a8: {  	v4 =	vld [tilespmem:s0+$0x20]  }
0x4a9: {  	v5 =	vld [tilespmem:s0+$0x40]  }
0x4aa: {  	v6 =	vld [tilespmem:s0+$0xFFFFFF80]  }
0x4ab: {  	v7 =	vld [tilespmem:s0+$0x70]  }
0x4ac: {  	v8 =	vld [tilespmem:s0+$0xFFFFFFB0]  }
0x4ad: {  	v11 =	vld [tilespmem:s0+$0xFFFFFFC0]  }
0x4ae: {  	v10 =	vld [tilespmem:s0+$0xFFFFFFD0]  }
0x4af: {  	v9 =	vand.u32 $0xFFFF, v6;
	v12 =	vld [tilespmem:s0+$0xFFFFFFE0]  }
0x4b0: {  	v6 =	vshrl.u32 v6, $0x10;
	v13 =	vld [tilespmem:s0+$0x60];
	v14 =	vand.u32 $0xFFFF, v7  }
0x4b1: {  	v15 =	vld [tilespmem:s0+$0x50]  }
0x4b2: {  	v7 =	vshrl.u32 v7, $0x10;
	v16 =	vld [tilespmem:s0+$0xFFFFFF90]  }
0x4b3: {  	v17 =	vld [tilespmem:s0+$0xFFFFFFA0]  }
0x4b4: {  	[tilespmem:v9+s28+$0x0] =	vst.idx.add.s32.msk $0xffff, v1  }
0x4b5: {  	[tilespmem:v6+s28+$0x0] =	vst.idx.add.s32.msk $0xffff, v1;
	v6 =	vand.u32 $0xFFFF, v13  }
0x4b6: {  	v13 =	vshrl.u32 v13, $0x10;
	v9 =	vand.u32 $0xFFFF, v15;
	[tilespmem:v14+s28+$0x0] =	vst.idx.add.s32.msk $0xffff, v1  }
0x4b7: {  	v14 =	vshrl.u32 v15, $0x10;
	[tilespmem:v7+s28+$0x0] =	vst.idx.add.s32.msk $0xffff, v1  }
0x4b8: {  	v7 =	vld [tilespmem:s0+$0x0]  }
0x4b9: {  	v18 =	vand.u32 $0xFFFF, v5;
	v15 =	vld [tilespmem:s0+$0xFFFFFFF0]  }
0x4ba: {  	v5 =	vshrl.u32 v5, $0x10;
	[tilespmem:v6+s28+$0x0] =	vst.idx.add.s32.msk $0xffff, v1  }
0x4bb: {  	v6 =	vand.u32 $0xFFFF, v4;
	[tilespmem:v13+s28+$0x0] =	vst.idx.add.s32.msk $0xffff, v1  }
0x4bc: {  	v19 =	vshrl.u32 v4, $0x10;
	v13 =	vand.u32 $0xFFFF, v2;
	[tilespmem:v9+s28+$0x0] =	vst.idx.add.s32.msk $0xffff, v1  }
0x4bd: {  	v22 =	vshrl.u32 v2, $0x10;
	v20 =	vshrl.u32 v7, $0x10;
	v21 =	vand.u32 $0xFFFF, v7;
	[tilespmem:v14+s28+$0x0] =	vst.idx.add.s32.msk $0xffff, v1  }
0x4be: {  	v23 =	vand.u32 $0xFFFF, v3;
	v14 =	vshrl.u32 v15, $0x10;
	v15 =	vand.u32 $0xFFFF, v15;
	[tilespmem:v18+s28+$0x0] =	vst.idx.add.s32.msk $0xffff, v1  }
0x4bf: {  	v2 =	vshrl.u32 v12, $0x10;
	v9 =	vand.u32 $0xFFFF, v12;
	v18 =	vshrl.u32 v3, $0x10;
	[tilespmem:v5+s28+$0x0] =	vst.idx.add.s32.msk $0xffff, v1  }
0x4c0: {  	v4 =	vshrl.u32 v10, $0x10;
	v10 =	vand.u32 $0xFFFF, v10;
	[tilespmem:v6+s28+$0x0] =	vst.idx.add.s32.msk $0xffff, v1  }
0x4c1: {  	v5 =	vand.u32 $0xFFFF, v11;
	[tilespmem:v19+s28+$0x0] =	vst.idx.add.s32.msk $0xffff, v1  }
0x4c2: {  	v12 =	vshrl.u32 v11, $0x10;
	v3 =	vshrl.u32 v8, $0x10;
	v6 =	vand.u32 $0xFFFF, v8;
	[tilespmem:v13+s28+$0x0] =	vst.idx.add.s32.msk $0xffff, v1  }
0x4c3: {  	v7 =	vand.u32 $0xFFFF, v17;
	[tilespmem:v21+s28+$0x0] =	vst.idx.add.s32.msk $0xffff, v1  }
0x4c4: {  	v8 =	vand.u32 $0xFFFF, v16;
	v13 =	vshrl.u32 v17, $0x10;
	[tilespmem:v22+s28+$0x0] =	vst.idx.add.s32.msk $0xffff, v1  }
.Ltmp12:
0x4c5: {  	v11 =	vshrl.u32 v16, $0x10;
	[tilespmem:v20+s28+$0x0] =	vst.idx.add.s32.msk $0xffff, v1;
	(pc) =	sbr.rel @p0 .LBB2_26-.Ltmp12, $4  }
0x4c6: {  	[tilespmem:v23+s28+$0x0] =	vst.idx.add.s32.msk $0xffff, v1  }
0x4c7: {  	[tilespmem:v18+s28+$0x0] =	vst.idx.add.s32.msk $0xffff, v1  }
0x4c8: {  	[tilespmem:v15+s28+$0x0] =	vst.idx.add.s32.msk $0xffff, v1  }
0x4c9: {  	[tilespmem:v14+s28+$0x0] =	vst.idx.add.s32.msk $0xffff, v1  }
0x4ca: {  	_ =	sdelay $0x3  }
0x4cb: {  	[tilespmem:v9+s28+$0x0] =	vst.idx.add.s32.msk $0xffff, v1  }
0x4cc: {  	[tilespmem:v10+s28+$0x0] =	vst.idx.add.s32.msk $0xffff, v1  }
0x4cd: {  	[tilespmem:v5+s28+$0x0] =	vst.idx.add.s32.msk $0xffff, v1  }
0x4ce: {  	[tilespmem:v6+s28+$0x0] =	vst.idx.add.s32.msk $0xffff, v1  }
0x4cf: {  	[tilespmem:v7+s28+$0x0] =	vst.idx.add.s32.msk $0xffff, v1  }
0x4d0: {  	[tilespmem:v8+s28+$0x0] =	vst.idx.add.s32.msk $0xffff, v1  }
0x4d1: {  	[tilespmem:v2+s28+$0x0] =	vst.idx.add.s32.msk $0xffff, v1  }
0x4d2: {  	[tilespmem:v4+s28+$0x0] =	vst.idx.add.s32.msk $0xffff, v1  }
0x4d3: {  	[tilespmem:v12+s28+$0x0] =	vst.idx.add.s32.msk $0xffff, v1  }
0x4d4: {  	[tilespmem:v3+s28+$0x0] =	vst.idx.add.s32.msk $0xffff, v1  }
0x4d5: {  	[tilespmem:v13+s28+$0x0] =	vst.idx.add.s32.msk $0xffff, v1  }
0x4d6: {  	[tilespmem:v11+s28+$0x0] =	vst.idx.add.s32.msk $0xffff, v1  }
0x4d7: {  	[tilespmem:s25], [sflag:$0x2] =	stream.linear.gather [hbm4b:s16+s1], $0x4000, $0x38;
	[tilespmem:$0x1B000] =	vst v63  }
0x4d8: {  	_ =	swait.ge [sflag:s26], $0x4000  }
0x4d9: {  	[sflag:s26] =	ssyncset.done $0x0  }
0x4da: {  	s0 =	simm.s32 $0x80;
	[sflag:s26] =	ssyncadd.s32 $0xFFFFC000  }
0x4db: {  	v2 =	vld [tilespmem:s0+$0x10]  }
0x4dc: {  	v3 =	vld [tilespmem:s0+$0x30]  }
0x4dd: {  	v4 =	vld [tilespmem:s0+$0x20]  }
0x4de: {  	v5 =	vld [tilespmem:s0+$0x40]  }
0x4df: {  	v6 =	vld [tilespmem:s0+$0xFFFFFF80]  }
0x4e0: {  	v7 =	vld [tilespmem:s0+$0x70]  }
0x4e1: {  	v8 =	vld [tilespmem:s0+$0xFFFFFFB0]  }
0x4e2: {  	v11 =	vld [tilespmem:s0+$0xFFFFFFC0]  }
0x4e3: {  	v10 =	vld [tilespmem:s0+$0xFFFFFFD0]  }
0x4e4: {  	v12 =	vld [tilespmem:s0+$0xFFFFFFE0];
	v9 =	vand.u32 $0xFFFF, v6  }
0x4e5: {  	v13 =	vld [tilespmem:s0+$0x60];
	v14 =	vand.u32 $0xFFFF, v7  }
0x4e6: {  	v15 =	vld [tilespmem:s0+$0x50];
	v6 =	vshrl.u32 v6, $0x10  }
0x4e7: {  	v16 =	vld [tilespmem:s0+$0xFFFFFF90]  }
0x4e8: {  	v17 =	vld [tilespmem:s0+$0xFFFFFFA0];
	v18 =	vand.u32 $0xFFFF, v5  }
0x4e9: {  	v7 =	vshrl.u32 v7, $0x10;
	[tilespmem:v9+s28+$0x0] =	vst.idx.add.s32.msk $0xffff, v1  }
0x4ea: {  	[tilespmem:v14+s28+$0x0] =	vst.idx.add.s32.msk $0xffff, v1  }
0x4eb: {  	[tilespmem:v6+s28+$0x0] =	vst.idx.add.s32.msk $0xffff, v1;
	v6 =	vand.u32 $0xFFFF, v13  }
0x4ec: {  	v9 =	vshrl.u32 v13, $0x10;
	v14 =	vld [tilespmem:s0+$0x0];
	v13 =	vand.u32 $0xFFFF, v15  }
0x4ed: {  	[tilespmem:v18+s28+$0x0] =	vst.idx.add.s32.msk $0xffff, v1  }
0x4ee: {  	[tilespmem:v7+s28+$0x0] =	vst.idx.add.s32.msk $0xffff, v1;
	v7 =	vshrl.u32 v15, $0x10  }
0x4ef: {  	v5 =	vshrl.u32 v5, $0x10;
	v15 =	vld [tilespmem:s0+$0xFFFFFFF0]  }
0x4f0: {  	[tilespmem:v6+s28+$0x0] =	vst.idx.add.s32.msk $0xffff, v1;
	v6 =	vand.u32 $0xFFFF, v4  }
0x4f1: {  	v4 =	vshrl.u32 v4, $0x10;
	[tilespmem:v13+s28+$0x0] =	vst.idx.add.s32.msk $0xffff, v1  }
0x4f2: {  	[tilespmem:v9+s28+$0x0] =	vst.idx.add.s32.msk $0xffff, v1;
	v9 =	vand.u32 $0xFFFF, v2  }
0x4f3: {  	[tilespmem:v7+s28+$0x0] =	vst.idx.add.s32.msk $0xffff, v1;
	v7 =	vand.u32 $0xFFFF, v14  }
0x4f4: {  	[tilespmem:v5+s28+$0x0] =	vst.idx.add.s32.msk $0xffff, v1;
	v5 =	vshrl.u32 v14, $0x10;
	v14 =	vand.u32 $0xFFFF, v15  }
0x4f5: {  	v2 =	vshrl.u32 v2, $0x10;
	[tilespmem:v6+s28+$0x0] =	vst.idx.add.s32.msk $0xffff, v1  }
0x4f6: {  	[tilespmem:v4+s28+$0x0] =	vst.idx.add.s32.msk $0xffff, v1  }
0x4f7: {  	v15 =	vshrl.u32 v15, $0x10;
	[tilespmem:v9+s28+$0x0] =	vst.idx.add.s32.msk $0xffff, v1  }
0x4f8: {  	v6 =	vand.u32 $0xFFFF, v3;
	[tilespmem:v7+s28+$0x0] =	vst.idx.add.s32.msk $0xffff, v1  }
0x4f9: {  	v13 =	vshrl.u32 v3, $0x10;
	[tilespmem:v14+s28+$0x0] =	vst.idx.add.s32.msk $0xffff, v1  }
0x4fa: {  	v9 =	vand.u32 $0xFFFF, v12;
	[tilespmem:v2+s28+$0x0] =	vst.idx.add.s32.msk $0xffff, v1  }
0x4fb: {  	v3 =	vshrl.u32 v8, $0x10;
	[tilespmem:v5+s28+$0x0] =	vst.idx.add.s32.msk $0xffff, v1;
	v2 =	vshrl.u32 v12, $0x10  }
0x4fc: {  	v4 =	vshrl.u32 v10, $0x10;
	v10 =	vand.u32 $0xFFFF, v10;
	v7 =	vand.u32 $0xFFFF, v17;
	[tilespmem:v15+s28+$0x0] =	vst.idx.add.s32.msk $0xffff, v1  }
0x4fd: {  	v5 =	vand.u32 $0xFFFF, v11;
	v12 =	vshrl.u32 v11, $0x10;
	v11 =	vshrl.u32 v16, $0x10;
	[tilespmem:v6+s28+$0x0] =	vst.idx.add.s32.msk $0xffff, v1  }
0x4fe: {  	s2 =	simm.s32 $0x0;
	v6 =	vand.u32 $0xFFFF, v8;
	v8 =	vand.u32 $0xFFFF, v16;
	[tilespmem:v13+s28+$0x0] =	vst.idx.add.s32.msk $0xffff, v1;
	v13 =	vshrl.u32 v17, $0x10  }
.LBB2_28:
0x4ff: {  	s2 =	sadd.s32 $0x10, s2;
	[tilespmem:v9+s28+$0x0] =	vst.idx.add.s32.msk $0xffff, v1;
	s0 =	sadd.s32 $0x100, s0  }
0x500: {  	p0 =	slt.u32 s2, $0x3F0;
	[tilespmem:v2+s28+$0x0] =	vst.idx.add.s32.msk $0xffff, v1  }
0x501: {  	[tilespmem:v10+s28+$0x0] =	vst.idx.add.s32.msk $0xffff, v1  }
0x502: {  	[tilespmem:v4+s28+$0x0] =	vst.idx.add.s32.msk $0xffff, v1  }
0x503: {  	[tilespmem:v5+s28+$0x0] =	vst.idx.add.s32.msk $0xffff, v1  }
0x504: {  	[tilespmem:v12+s28+$0x0] =	vst.idx.add.s32.msk $0xffff, v1  }
0x505: {  	[tilespmem:v6+s28+$0x0] =	vst.idx.add.s32.msk $0xffff, v1  }
0x506: {  	[tilespmem:v3+s28+$0x0] =	vst.idx.add.s32.msk $0xffff, v1  }
0x507: {  	[tilespmem:v7+s28+$0x0] =	vst.idx.add.s32.msk $0xffff, v1  }
0x508: {  	[tilespmem:v13+s28+$0x0] =	vst.idx.add.s32.msk $0xffff, v1  }
0x509: {  	[tilespmem:v8+s28+$0x0] =	vst.idx.add.s32.msk $0xffff, v1  }
0x50a: {  	[tilespmem:v11+s28+$0x0] =	vst.idx.add.s32.msk $0xffff, v1  }
0x50b: {  	v2 =	vld [tilespmem:s0+$0x10]  }
0x50c: {  	v3 =	vld [tilespmem:s0+$0x30]  }
0x50d: {  	v4 =	vld [tilespmem:s0+$0x20]  }
0x50e: {  	v5 =	vld [tilespmem:s0+$0x40]  }
0x50f: {  	v6 =	vld [tilespmem:s0+$0xFFFFFF80]  }
0x510: {  	v7 =	vld [tilespmem:s0+$0x70]  }
0x511: {  	v8 =	vld [tilespmem:s0+$0xFFFFFFB0]  }
0x512: {  	v11 =	vld [tilespmem:s0+$0xFFFFFFC0]  }
0x513: {  	v10 =	vld [tilespmem:s0+$0xFFFFFFD0]  }
0x514: {  	v9 =	vand.u32 $0xFFFF, v6;
	v12 =	vld [tilespmem:s0+$0xFFFFFFE0]  }
0x515: {  	v6 =	vshrl.u32 v6, $0x10;
	v13 =	vld [tilespmem:s0+$0x60];
	v14 =	vand.u32 $0xFFFF, v7  }
0x516: {  	v15 =	vld [tilespmem:s0+$0x50]  }
0x517: {  	v7 =	vshrl.u32 v7, $0x10;
	v16 =	vld [tilespmem:s0+$0xFFFFFF90]  }
0x518: {  	v17 =	vld [tilespmem:s0+$0xFFFFFFA0]  }
0x519: {  	[tilespmem:v9+s28+$0x0] =	vst.idx.add.s32.msk $0xffff, v1  }
0x51a: {  	[tilespmem:v6+s28+$0x0] =	vst.idx.add.s32.msk $0xffff, v1;
	v6 =	vand.u32 $0xFFFF, v13  }
0x51b: {  	v13 =	vshrl.u32 v13, $0x10;
	v9 =	vand.u32 $0xFFFF, v15;
	[tilespmem:v14+s28+$0x0] =	vst.idx.add.s32.msk $0xffff, v1  }
0x51c: {  	v14 =	vshrl.u32 v15, $0x10;
	[tilespmem:v7+s28+$0x0] =	vst.idx.add.s32.msk $0xffff, v1  }
0x51d: {  	v7 =	vld [tilespmem:s0+$0x0]  }
0x51e: {  	v18 =	vand.u32 $0xFFFF, v5;
	v15 =	vld [tilespmem:s0+$0xFFFFFFF0]  }
0x51f: {  	v5 =	vshrl.u32 v5, $0x10;
	[tilespmem:v6+s28+$0x0] =	vst.idx.add.s32.msk $0xffff, v1  }
0x520: {  	v6 =	vand.u32 $0xFFFF, v4;
	[tilespmem:v13+s28+$0x0] =	vst.idx.add.s32.msk $0xffff, v1  }
0x521: {  	v19 =	vshrl.u32 v4, $0x10;
	v13 =	vand.u32 $0xFFFF, v2;
	[tilespmem:v9+s28+$0x0] =	vst.idx.add.s32.msk $0xffff, v1  }
0x522: {  	v22 =	vshrl.u32 v2, $0x10;
	v20 =	vshrl.u32 v7, $0x10;
	v21 =	vand.u32 $0xFFFF, v7;
	[tilespmem:v14+s28+$0x0] =	vst.idx.add.s32.msk $0xffff, v1  }
0x523: {  	v23 =	vand.u32 $0xFFFF, v3;
	v14 =	vshrl.u32 v15, $0x10;
	v15 =	vand.u32 $0xFFFF, v15;
	[tilespmem:v18+s28+$0x0] =	vst.idx.add.s32.msk $0xffff, v1  }
0x524: {  	v2 =	vshrl.u32 v12, $0x10;
	v9 =	vand.u32 $0xFFFF, v12;
	v18 =	vshrl.u32 v3, $0x10;
	[tilespmem:v5+s28+$0x0] =	vst.idx.add.s32.msk $0xffff, v1  }
0x525: {  	v4 =	vshrl.u32 v10, $0x10;
	v10 =	vand.u32 $0xFFFF, v10;
	[tilespmem:v6+s28+$0x0] =	vst.idx.add.s32.msk $0xffff, v1  }
0x526: {  	v5 =	vand.u32 $0xFFFF, v11;
	[tilespmem:v19+s28+$0x0] =	vst.idx.add.s32.msk $0xffff, v1  }
0x527: {  	v12 =	vshrl.u32 v11, $0x10;
	v3 =	vshrl.u32 v8, $0x10;
	v6 =	vand.u32 $0xFFFF, v8;
	[tilespmem:v13+s28+$0x0] =	vst.idx.add.s32.msk $0xffff, v1  }
0x528: {  	v7 =	vand.u32 $0xFFFF, v17;
	[tilespmem:v21+s28+$0x0] =	vst.idx.add.s32.msk $0xffff, v1  }
0x529: {  	v8 =	vand.u32 $0xFFFF, v16;
	v13 =	vshrl.u32 v17, $0x10;
	[tilespmem:v22+s28+$0x0] =	vst.idx.add.s32.msk $0xffff, v1  }
.Ltmp13:
0x52a: {  	v11 =	vshrl.u32 v16, $0x10;
	[tilespmem:v20+s28+$0x0] =	vst.idx.add.s32.msk $0xffff, v1;
	(pc) =	sbr.rel @p0 .LBB2_28-.Ltmp13, $4  }
0x52b: {  	[tilespmem:v23+s28+$0x0] =	vst.idx.add.s32.msk $0xffff, v1  }
0x52c: {  	[tilespmem:v18+s28+$0x0] =	vst.idx.add.s32.msk $0xffff, v1  }
0x52d: {  	[tilespmem:v15+s28+$0x0] =	vst.idx.add.s32.msk $0xffff, v1  }
0x52e: {  	[tilespmem:v14+s28+$0x0] =	vst.idx.add.s32.msk $0xffff, v1  }
0x52f: {  	_ =	sdelay $0x3  }
0x530: {  	[tilespmem:v9+s28+$0x0] =	vst.idx.add.s32.msk $0xffff, v1  }
0x531: {  	[tilespmem:v10+s28+$0x0] =	vst.idx.add.s32.msk $0xffff, v1  }
0x532: {  	[tilespmem:v5+s28+$0x0] =	vst.idx.add.s32.msk $0xffff, v1  }
0x533: {  	[tilespmem:v6+s28+$0x0] =	vst.idx.add.s32.msk $0xffff, v1  }
0x534: {  	[tilespmem:v7+s28+$0x0] =	vst.idx.add.s32.msk $0xffff, v1  }
0x535: {  	[tilespmem:v8+s28+$0x0] =	vst.idx.add.s32.msk $0xffff, v1  }
0x536: {  	[tilespmem:v2+s28+$0x0] =	vst.idx.add.s32.msk $0xffff, v1  }
0x537: {  	[tilespmem:v4+s28+$0x0] =	vst.idx.add.s32.msk $0xffff, v1  }
0x538: {  	[tilespmem:v12+s28+$0x0] =	vst.idx.add.s32.msk $0xffff, v1  }
0x539: {  	[tilespmem:v3+s28+$0x0] =	vst.idx.add.s32.msk $0xffff, v1  }
0x53a: {  	[tilespmem:v13+s28+$0x0] =	vst.idx.add.s32.msk $0xffff, v1  }
0x53b: {  	[tilespmem:v11+s28+$0x0] =	vst.idx.add.s32.msk $0xffff, v1  }
0x53c: {  	[tilespmem:s1], [sflag:$0x1] =	stream.linear.gather [hbm4b:s17+s1], $0x4000, $0x38;
	[tilespmem:$0x1B000] =	vst v63  }
0x53d: {  	_ =	swait.ge [sflag:s29], $0x4000  }
0x53e: {  	[sflag:s29] =	ssyncset.done $0x0  }
0x53f: {  	s0 =	simm.s32 $0x4080;
	[sflag:s29] =	ssyncadd.s32 $0xFFFFC000  }
0x540: {  	v2 =	vld [tilespmem:s0+$0x10]  }
0x541: {  	v3 =	vld [tilespmem:s0+$0x30]  }
0x542: {  	v4 =	vld [tilespmem:s0+$0x20]  }
0x543: {  	v5 =	vld [tilespmem:s0+$0x40]  }
0x544: {  	v6 =	vld [tilespmem:s0+$0xFFFFFF80]  }
0x545: {  	v7 =	vld [tilespmem:s0+$0x70]  }
0x546: {  	v8 =	vld [tilespmem:s0+$0xFFFFFFB0]  }
0x547: {  	v11 =	vld [tilespmem:s0+$0xFFFFFFC0]  }
0x548: {  	v10 =	vld [tilespmem:s0+$0xFFFFFFD0]  }
0x549: {  	v12 =	vld [tilespmem:s0+$0xFFFFFFE0];
	v9 =	vand.u32 $0xFFFF, v6  }
0x54a: {  	v13 =	vld [tilespmem:s0+$0x60];
	v14 =	vand.u32 $0xFFFF, v7  }
0x54b: {  	v15 =	vld [tilespmem:s0+$0x50];
	v6 =	vshrl.u32 v6, $0x10  }
0x54c: {  	v16 =	vld [tilespmem:s0+$0xFFFFFF90]  }
0x54d: {  	v17 =	vld [tilespmem:s0+$0xFFFFFFA0];
	v18 =	vand.u32 $0xFFFF, v5  }
0x54e: {  	v7 =	vshrl.u32 v7, $0x10;
	[tilespmem:v9+s28+$0x0] =	vst.idx.add.s32.msk $0xffff, v1  }
0x54f: {  	[tilespmem:v14+s28+$0x0] =	vst.idx.add.s32.msk $0xffff, v1  }
0x550: {  	[tilespmem:v6+s28+$0x0] =	vst.idx.add.s32.msk $0xffff, v1;
	v6 =	vand.u32 $0xFFFF, v13  }
0x551: {  	v9 =	vshrl.u32 v13, $0x10;
	v14 =	vld [tilespmem:s0+$0x0];
	v13 =	vand.u32 $0xFFFF, v15  }
0x552: {  	[tilespmem:v18+s28+$0x0] =	vst.idx.add.s32.msk $0xffff, v1  }
0x553: {  	[tilespmem:v7+s28+$0x0] =	vst.idx.add.s32.msk $0xffff, v1;
	v7 =	vshrl.u32 v15, $0x10  }
0x554: {  	v5 =	vshrl.u32 v5, $0x10;
	v15 =	vld [tilespmem:s0+$0xFFFFFFF0]  }
0x555: {  	[tilespmem:v6+s28+$0x0] =	vst.idx.add.s32.msk $0xffff, v1;
	v6 =	vand.u32 $0xFFFF, v4  }
0x556: {  	v4 =	vshrl.u32 v4, $0x10;
	[tilespmem:v13+s28+$0x0] =	vst.idx.add.s32.msk $0xffff, v1  }
0x557: {  	[tilespmem:v9+s28+$0x0] =	vst.idx.add.s32.msk $0xffff, v1;
	v9 =	vand.u32 $0xFFFF, v2  }
0x558: {  	[tilespmem:v7+s28+$0x0] =	vst.idx.add.s32.msk $0xffff, v1;
	v7 =	vand.u32 $0xFFFF, v14  }
0x559: {  	[tilespmem:v5+s28+$0x0] =	vst.idx.add.s32.msk $0xffff, v1;
	v5 =	vshrl.u32 v14, $0x10;
	v14 =	vand.u32 $0xFFFF, v15  }
0x55a: {  	v2 =	vshrl.u32 v2, $0x10;
	[tilespmem:v6+s28+$0x0] =	vst.idx.add.s32.msk $0xffff, v1  }
0x55b: {  	[tilespmem:v4+s28+$0x0] =	vst.idx.add.s32.msk $0xffff, v1  }
0x55c: {  	v15 =	vshrl.u32 v15, $0x10;
	[tilespmem:v9+s28+$0x0] =	vst.idx.add.s32.msk $0xffff, v1  }
0x55d: {  	v6 =	vand.u32 $0xFFFF, v3;
	[tilespmem:v7+s28+$0x0] =	vst.idx.add.s32.msk $0xffff, v1  }
0x55e: {  	v13 =	vshrl.u32 v3, $0x10;
	[tilespmem:v14+s28+$0x0] =	vst.idx.add.s32.msk $0xffff, v1  }
0x55f: {  	v9 =	vand.u32 $0xFFFF, v12;
	[tilespmem:v2+s28+$0x0] =	vst.idx.add.s32.msk $0xffff, v1  }
0x560: {  	v3 =	vshrl.u32 v8, $0x10;
	[tilespmem:v5+s28+$0x0] =	vst.idx.add.s32.msk $0xffff, v1;
	v2 =	vshrl.u32 v12, $0x10  }
0x561: {  	v4 =	vshrl.u32 v10, $0x10;
	v10 =	vand.u32 $0xFFFF, v10;
	v7 =	vand.u32 $0xFFFF, v17;
	[tilespmem:v15+s28+$0x0] =	vst.idx.add.s32.msk $0xffff, v1  }
0x562: {  	v5 =	vand.u32 $0xFFFF, v11;
	v12 =	vshrl.u32 v11, $0x10;
	v11 =	vshrl.u32 v16, $0x10;
	[tilespmem:v6+s28+$0x0] =	vst.idx.add.s32.msk $0xffff, v1  }
0x563: {  	s2 =	simm.s32 $0x0;
	v6 =	vand.u32 $0xFFFF, v8;
	v8 =	vand.u32 $0xFFFF, v16;
	[tilespmem:v13+s28+$0x0] =	vst.idx.add.s32.msk $0xffff, v1;
	v13 =	vshrl.u32 v17, $0x10  }
.LBB2_30:
0x564: {  	s2 =	sadd.s32 $0x10, s2;
	[tilespmem:v9+s28+$0x0] =	vst.idx.add.s32.msk $0xffff, v1;
	s0 =	sadd.s32 $0x100, s0  }
0x565: {  	p0 =	slt.u32 s2, $0x3F0;
	[tilespmem:v2+s28+$0x0] =	vst.idx.add.s32.msk $0xffff, v1  }
0x566: {  	[tilespmem:v10+s28+$0x0] =	vst.idx.add.s32.msk $0xffff, v1  }
0x567: {  	[tilespmem:v4+s28+$0x0] =	vst.idx.add.s32.msk $0xffff, v1  }
0x568: {  	[tilespmem:v5+s28+$0x0] =	vst.idx.add.s32.msk $0xffff, v1  }
0x569: {  	[tilespmem:v12+s28+$0x0] =	vst.idx.add.s32.msk $0xffff, v1  }
0x56a: {  	[tilespmem:v6+s28+$0x0] =	vst.idx.add.s32.msk $0xffff, v1  }
0x56b: {  	[tilespmem:v3+s28+$0x0] =	vst.idx.add.s32.msk $0xffff, v1  }
0x56c: {  	[tilespmem:v7+s28+$0x0] =	vst.idx.add.s32.msk $0xffff, v1  }
0x56d: {  	[tilespmem:v13+s28+$0x0] =	vst.idx.add.s32.msk $0xffff, v1  }
0x56e: {  	[tilespmem:v8+s28+$0x0] =	vst.idx.add.s32.msk $0xffff, v1  }
0x56f: {  	[tilespmem:v11+s28+$0x0] =	vst.idx.add.s32.msk $0xffff, v1  }
0x570: {  	v2 =	vld [tilespmem:s0+$0x10]  }
0x571: {  	v3 =	vld [tilespmem:s0+$0x30]  }
0x572: {  	v4 =	vld [tilespmem:s0+$0x20]  }
0x573: {  	v5 =	vld [tilespmem:s0+$0x40]  }
0x574: {  	v6 =	vld [tilespmem:s0+$0xFFFFFF80]  }
0x575: {  	v7 =	vld [tilespmem:s0+$0x70]  }
0x576: {  	v8 =	vld [tilespmem:s0+$0xFFFFFFB0]  }
0x577: {  	v11 =	vld [tilespmem:s0+$0xFFFFFFC0]  }
0x578: {  	v10 =	vld [tilespmem:s0+$0xFFFFFFD0]  }
0x579: {  	v9 =	vand.u32 $0xFFFF, v6;
	v12 =	vld [tilespmem:s0+$0xFFFFFFE0]  }
0x57a: {  	v6 =	vshrl.u32 v6, $0x10;
	v13 =	vld [tilespmem:s0+$0x60];
	v14 =	vand.u32 $0xFFFF, v7  }
0x57b: {  	v15 =	vld [tilespmem:s0+$0x50]  }
0x57c: {  	v7 =	vshrl.u32 v7, $0x10;
	v16 =	vld [tilespmem:s0+$0xFFFFFF90]  }
0x57d: {  	v17 =	vld [tilespmem:s0+$0xFFFFFFA0]  }
0x57e: {  	[tilespmem:v9+s28+$0x0] =	vst.idx.add.s32.msk $0xffff, v1  }
0x57f: {  	[tilespmem:v6+s28+$0x0] =	vst.idx.add.s32.msk $0xffff, v1;
	v6 =	vand.u32 $0xFFFF, v13  }
0x580: {  	v13 =	vshrl.u32 v13, $0x10;
	v9 =	vand.u32 $0xFFFF, v15;
	[tilespmem:v14+s28+$0x0] =	vst.idx.add.s32.msk $0xffff, v1  }
0x581: {  	v14 =	vshrl.u32 v15, $0x10;
	[tilespmem:v7+s28+$0x0] =	vst.idx.add.s32.msk $0xffff, v1  }
0x582: {  	v7 =	vld [tilespmem:s0+$0x0]  }
0x583: {  	v18 =	vand.u32 $0xFFFF, v5;
	v15 =	vld [tilespmem:s0+$0xFFFFFFF0]  }
0x584: {  	v5 =	vshrl.u32 v5, $0x10;
	[tilespmem:v6+s28+$0x0] =	vst.idx.add.s32.msk $0xffff, v1  }
0x585: {  	v6 =	vand.u32 $0xFFFF, v4;
	[tilespmem:v13+s28+$0x0] =	vst.idx.add.s32.msk $0xffff, v1  }
0x586: {  	v19 =	vshrl.u32 v4, $0x10;
	v13 =	vand.u32 $0xFFFF, v2;
	[tilespmem:v9+s28+$0x0] =	vst.idx.add.s32.msk $0xffff, v1  }
0x587: {  	v22 =	vshrl.u32 v2, $0x10;
	v20 =	vshrl.u32 v7, $0x10;
	v21 =	vand.u32 $0xFFFF, v7;
	[tilespmem:v14+s28+$0x0] =	vst.idx.add.s32.msk $0xffff, v1  }
0x588: {  	v23 =	vand.u32 $0xFFFF, v3;
	v14 =	vshrl.u32 v15, $0x10;
	v15 =	vand.u32 $0xFFFF, v15;
	[tilespmem:v18+s28+$0x0] =	vst.idx.add.s32.msk $0xffff, v1  }
0x589: {  	v2 =	vshrl.u32 v12, $0x10;
	v9 =	vand.u32 $0xFFFF, v12;
	v18 =	vshrl.u32 v3, $0x10;
	[tilespmem:v5+s28+$0x0] =	vst.idx.add.s32.msk $0xffff, v1  }
0x58a: {  	v4 =	vshrl.u32 v10, $0x10;
	v10 =	vand.u32 $0xFFFF, v10;
	[tilespmem:v6+s28+$0x0] =	vst.idx.add.s32.msk $0xffff, v1  }
0x58b: {  	v5 =	vand.u32 $0xFFFF, v11;
	[tilespmem:v19+s28+$0x0] =	vst.idx.add.s32.msk $0xffff, v1  }
0x58c: {  	v12 =	vshrl.u32 v11, $0x10;
	v3 =	vshrl.u32 v8, $0x10;
	v6 =	vand.u32 $0xFFFF, v8;
	[tilespmem:v13+s28+$0x0] =	vst.idx.add.s32.msk $0xffff, v1  }
0x58d: {  	v7 =	vand.u32 $0xFFFF, v17;
	[tilespmem:v21+s28+$0x0] =	vst.idx.add.s32.msk $0xffff, v1  }
0x58e: {  	v8 =	vand.u32 $0xFFFF, v16;
	v13 =	vshrl.u32 v17, $0x10;
	[tilespmem:v22+s28+$0x0] =	vst.idx.add.s32.msk $0xffff, v1  }
.Ltmp14:
0x58f: {  	v11 =	vshrl.u32 v16, $0x10;
	[tilespmem:v20+s28+$0x0] =	vst.idx.add.s32.msk $0xffff, v1;
	(pc) =	sbr.rel @p0 .LBB2_30-.Ltmp14, $4  }
0x590: {  	[tilespmem:v23+s28+$0x0] =	vst.idx.add.s32.msk $0xffff, v1  }
0x591: {  	[tilespmem:v18+s28+$0x0] =	vst.idx.add.s32.msk $0xffff, v1  }
0x592: {  	[tilespmem:v15+s28+$0x0] =	vst.idx.add.s32.msk $0xffff, v1  }
0x593: {  	[tilespmem:v14+s28+$0x0] =	vst.idx.add.s32.msk $0xffff, v1  }
0x594: {  	_ =	sdelay $0x3  }
0x595: {  	[tilespmem:v9+s28+$0x0] =	vst.idx.add.s32.msk $0xffff, v1  }
0x596: {  	[tilespmem:v10+s28+$0x0] =	vst.idx.add.s32.msk $0xffff, v1  }
0x597: {  	[tilespmem:v5+s28+$0x0] =	vst.idx.add.s32.msk $0xffff, v1  }
0x598: {  	[tilespmem:v6+s28+$0x0] =	vst.idx.add.s32.msk $0xffff, v1  }
0x599: {  	[tilespmem:v7+s28+$0x0] =	vst.idx.add.s32.msk $0xffff, v1  }
0x59a: {  	[tilespmem:v8+s28+$0x0] =	vst.idx.add.s32.msk $0xffff, v1  }
0x59b: {  	[tilespmem:v2+s28+$0x0] =	vst.idx.add.s32.msk $0xffff, v1  }
0x59c: {  	[tilespmem:v4+s28+$0x0] =	vst.idx.add.s32.msk $0xffff, v1  }
0x59d: {  	[tilespmem:v12+s28+$0x0] =	vst.idx.add.s32.msk $0xffff, v1  }
0x59e: {  	[tilespmem:v3+s28+$0x0] =	vst.idx.add.s32.msk $0xffff, v1  }
0x59f: {  	[tilespmem:v13+s28+$0x0] =	vst.idx.add.s32.msk $0xffff, v1  }
0x5a0: {  	[tilespmem:v11+s28+$0x0] =	vst.idx.add.s32.msk $0xffff, v1  }
0x5a1: {  	[tilespmem:s25], [sflag:$0x2] =	stream.linear.gather [hbm4b:s18+s1], $0x4000, $0x38;
	[tilespmem:$0x1B000] =	vst v63  }
0x5a2: {  	_ =	swait.ge [sflag:s26], $0x4000  }
0x5a3: {  	[sflag:s26] =	ssyncset.done $0x0  }
0x5a4: {  	s0 =	simm.s32 $0x80;
	[sflag:s26] =	ssyncadd.s32 $0xFFFFC000  }
0x5a5: {  	v2 =	vld [tilespmem:s0+$0x10]  }
0x5a6: {  	v3 =	vld [tilespmem:s0+$0x30]  }
0x5a7: {  	v4 =	vld [tilespmem:s0+$0x20]  }
0x5a8: {  	v5 =	vld [tilespmem:s0+$0x40]  }
0x5a9: {  	v6 =	vld [tilespmem:s0+$0xFFFFFF80]  }
0x5aa: {  	v7 =	vld [tilespmem:s0+$0x70]  }
0x5ab: {  	v8 =	vld [tilespmem:s0+$0xFFFFFFB0]  }
0x5ac: {  	v11 =	vld [tilespmem:s0+$0xFFFFFFC0]  }
0x5ad: {  	v10 =	vld [tilespmem:s0+$0xFFFFFFD0]  }
0x5ae: {  	v12 =	vld [tilespmem:s0+$0xFFFFFFE0];
	v9 =	vand.u32 $0xFFFF, v6  }
0x5af: {  	v13 =	vld [tilespmem:s0+$0x60];
	v14 =	vand.u32 $0xFFFF, v7  }
0x5b0: {  	v15 =	vld [tilespmem:s0+$0x50];
	v6 =	vshrl.u32 v6, $0x10  }
0x5b1: {  	v16 =	vld [tilespmem:s0+$0xFFFFFF90]  }
0x5b2: {  	v17 =	vld [tilespmem:s0+$0xFFFFFFA0];
	v18 =	vand.u32 $0xFFFF, v5  }
0x5b3: {  	v7 =	vshrl.u32 v7, $0x10;
	[tilespmem:v9+s28+$0x0] =	vst.idx.add.s32.msk $0xffff, v1  }
0x5b4: {  	[tilespmem:v14+s28+$0x0] =	vst.idx.add.s32.msk $0xffff, v1  }
0x5b5: {  	[tilespmem:v6+s28+$0x0] =	vst.idx.add.s32.msk $0xffff, v1;
	v6 =	vand.u32 $0xFFFF, v13  }
0x5b6: {  	v9 =	vshrl.u32 v13, $0x10;
	v14 =	vld [tilespmem:s0+$0x0];
	v13 =	vand.u32 $0xFFFF, v15  }
0x5b7: {  	[tilespmem:v18+s28+$0x0] =	vst.idx.add.s32.msk $0xffff, v1  }
0x5b8: {  	[tilespmem:v7+s28+$0x0] =	vst.idx.add.s32.msk $0xffff, v1;
	v7 =	vshrl.u32 v15, $0x10  }
0x5b9: {  	v5 =	vshrl.u32 v5, $0x10;
	v15 =	vld [tilespmem:s0+$0xFFFFFFF0]  }
0x5ba: {  	[tilespmem:v6+s28+$0x0] =	vst.idx.add.s32.msk $0xffff, v1;
	v6 =	vand.u32 $0xFFFF, v4  }
0x5bb: {  	v4 =	vshrl.u32 v4, $0x10;
	[tilespmem:v13+s28+$0x0] =	vst.idx.add.s32.msk $0xffff, v1  }
0x5bc: {  	[tilespmem:v9+s28+$0x0] =	vst.idx.add.s32.msk $0xffff, v1;
	v9 =	vand.u32 $0xFFFF, v2  }
0x5bd: {  	[tilespmem:v7+s28+$0x0] =	vst.idx.add.s32.msk $0xffff, v1;
	v7 =	vand.u32 $0xFFFF, v14  }
0x5be: {  	[tilespmem:v5+s28+$0x0] =	vst.idx.add.s32.msk $0xffff, v1;
	v5 =	vshrl.u32 v14, $0x10;
	v14 =	vand.u32 $0xFFFF, v15  }
0x5bf: {  	v2 =	vshrl.u32 v2, $0x10;
	[tilespmem:v6+s28+$0x0] =	vst.idx.add.s32.msk $0xffff, v1  }
0x5c0: {  	[tilespmem:v4+s28+$0x0] =	vst.idx.add.s32.msk $0xffff, v1  }
0x5c1: {  	v15 =	vshrl.u32 v15, $0x10;
	[tilespmem:v9+s28+$0x0] =	vst.idx.add.s32.msk $0xffff, v1  }
0x5c2: {  	v6 =	vand.u32 $0xFFFF, v3;
	[tilespmem:v7+s28+$0x0] =	vst.idx.add.s32.msk $0xffff, v1  }
0x5c3: {  	v13 =	vshrl.u32 v3, $0x10;
	[tilespmem:v14+s28+$0x0] =	vst.idx.add.s32.msk $0xffff, v1  }
0x5c4: {  	v9 =	vand.u32 $0xFFFF, v12;
	[tilespmem:v2+s28+$0x0] =	vst.idx.add.s32.msk $0xffff, v1  }
0x5c5: {  	v3 =	vshrl.u32 v8, $0x10;
	[tilespmem:v5+s28+$0x0] =	vst.idx.add.s32.msk $0xffff, v1;
	v2 =	vshrl.u32 v12, $0x10  }
0x5c6: {  	v4 =	vshrl.u32 v10, $0x10;
	v10 =	vand.u32 $0xFFFF, v10;
	v7 =	vand.u32 $0xFFFF, v17;
	[tilespmem:v15+s28+$0x0] =	vst.idx.add.s32.msk $0xffff, v1  }
0x5c7: {  	v5 =	vand.u32 $0xFFFF, v11;
	v12 =	vshrl.u32 v11, $0x10;
	v11 =	vshrl.u32 v16, $0x10;
	[tilespmem:v6+s28+$0x0] =	vst.idx.add.s32.msk $0xffff, v1  }
0x5c8: {  	s2 =	simm.s32 $0x0;
	v6 =	vand.u32 $0xFFFF, v8;
	v8 =	vand.u32 $0xFFFF, v16;
	[tilespmem:v13+s28+$0x0] =	vst.idx.add.s32.msk $0xffff, v1;
	v13 =	vshrl.u32 v17, $0x10  }
.LBB2_32:
0x5c9: {  	s2 =	sadd.s32 $0x10, s2;
	[tilespmem:v9+s28+$0x0] =	vst.idx.add.s32.msk $0xffff, v1;
	s0 =	sadd.s32 $0x100, s0  }
0x5ca: {  	p0 =	slt.u32 s2, $0x3F0;
	[tilespmem:v2+s28+$0x0] =	vst.idx.add.s32.msk $0xffff, v1  }
0x5cb: {  	[tilespmem:v10+s28+$0x0] =	vst.idx.add.s32.msk $0xffff, v1  }
0x5cc: {  	[tilespmem:v4+s28+$0x0] =	vst.idx.add.s32.msk $0xffff, v1  }
0x5cd: {  	[tilespmem:v5+s28+$0x0] =	vst.idx.add.s32.msk $0xffff, v1  }
0x5ce: {  	[tilespmem:v12+s28+$0x0] =	vst.idx.add.s32.msk $0xffff, v1  }
0x5cf: {  	[tilespmem:v6+s28+$0x0] =	vst.idx.add.s32.msk $0xffff, v1  }
0x5d0: {  	[tilespmem:v3+s28+$0x0] =	vst.idx.add.s32.msk $0xffff, v1  }
0x5d1: {  	[tilespmem:v7+s28+$0x0] =	vst.idx.add.s32.msk $0xffff, v1  }
0x5d2: {  	[tilespmem:v13+s28+$0x0] =	vst.idx.add.s32.msk $0xffff, v1  }
0x5d3: {  	[tilespmem:v8+s28+$0x0] =	vst.idx.add.s32.msk $0xffff, v1  }
0x5d4: {  	[tilespmem:v11+s28+$0x0] =	vst.idx.add.s32.msk $0xffff, v1  }
0x5d5: {  	v2 =	vld [tilespmem:s0+$0x10]  }
0x5d6: {  	v3 =	vld [tilespmem:s0+$0x30]  }
0x5d7: {  	v4 =	vld [tilespmem:s0+$0x20]  }
0x5d8: {  	v5 =	vld [tilespmem:s0+$0x40]  }
0x5d9: {  	v6 =	vld [tilespmem:s0+$0xFFFFFF80]  }
0x5da: {  	v7 =	vld [tilespmem:s0+$0x70]  }
0x5db: {  	v8 =	vld [tilespmem:s0+$0xFFFFFFB0]  }
0x5dc: {  	v11 =	vld [tilespmem:s0+$0xFFFFFFC0]  }
0x5dd: {  	v10 =	vld [tilespmem:s0+$0xFFFFFFD0]  }
0x5de: {  	v9 =	vand.u32 $0xFFFF, v6;
	v12 =	vld [tilespmem:s0+$0xFFFFFFE0]  }
0x5df: {  	v6 =	vshrl.u32 v6, $0x10;
	v13 =	vld [tilespmem:s0+$0x60];
	v14 =	vand.u32 $0xFFFF, v7  }
0x5e0: {  	v15 =	vld [tilespmem:s0+$0x50]  }
0x5e1: {  	v7 =	vshrl.u32 v7, $0x10;
	v16 =	vld [tilespmem:s0+$0xFFFFFF90]  }
0x5e2: {  	v17 =	vld [tilespmem:s0+$0xFFFFFFA0]  }
0x5e3: {  	[tilespmem:v9+s28+$0x0] =	vst.idx.add.s32.msk $0xffff, v1  }
0x5e4: {  	[tilespmem:v6+s28+$0x0] =	vst.idx.add.s32.msk $0xffff, v1;
	v6 =	vand.u32 $0xFFFF, v13  }
0x5e5: {  	v13 =	vshrl.u32 v13, $0x10;
	v9 =	vand.u32 $0xFFFF, v15;
	[tilespmem:v14+s28+$0x0] =	vst.idx.add.s32.msk $0xffff, v1  }
0x5e6: {  	v14 =	vshrl.u32 v15, $0x10;
	[tilespmem:v7+s28+$0x0] =	vst.idx.add.s32.msk $0xffff, v1  }
0x5e7: {  	v7 =	vld [tilespmem:s0+$0x0]  }
0x5e8: {  	v18 =	vand.u32 $0xFFFF, v5;
	v15 =	vld [tilespmem:s0+$0xFFFFFFF0]  }
0x5e9: {  	v5 =	vshrl.u32 v5, $0x10;
	[tilespmem:v6+s28+$0x0] =	vst.idx.add.s32.msk $0xffff, v1  }
0x5ea: {  	v6 =	vand.u32 $0xFFFF, v4;
	[tilespmem:v13+s28+$0x0] =	vst.idx.add.s32.msk $0xffff, v1  }
0x5eb: {  	v19 =	vshrl.u32 v4, $0x10;
	v13 =	vand.u32 $0xFFFF, v2;
	[tilespmem:v9+s28+$0x0] =	vst.idx.add.s32.msk $0xffff, v1  }
0x5ec: {  	v22 =	vshrl.u32 v2, $0x10;
	v20 =	vshrl.u32 v7, $0x10;
	v21 =	vand.u32 $0xFFFF, v7;
	[tilespmem:v14+s28+$0x0] =	vst.idx.add.s32.msk $0xffff, v1  }
0x5ed: {  	v23 =	vand.u32 $0xFFFF, v3;
	v14 =	vshrl.u32 v15, $0x10;
	v15 =	vand.u32 $0xFFFF, v15;
	[tilespmem:v18+s28+$0x0] =	vst.idx.add.s32.msk $0xffff, v1  }
0x5ee: {  	v2 =	vshrl.u32 v12, $0x10;
	v9 =	vand.u32 $0xFFFF, v12;
	v18 =	vshrl.u32 v3, $0x10;
	[tilespmem:v5+s28+$0x0] =	vst.idx.add.s32.msk $0xffff, v1  }
0x5ef: {  	v4 =	vshrl.u32 v10, $0x10;
	v10 =	vand.u32 $0xFFFF, v10;
	[tilespmem:v6+s28+$0x0] =	vst.idx.add.s32.msk $0xffff, v1  }
0x5f0: {  	v5 =	vand.u32 $0xFFFF, v11;
	[tilespmem:v19+s28+$0x0] =	vst.idx.add.s32.msk $0xffff, v1  }
0x5f1: {  	v12 =	vshrl.u32 v11, $0x10;
	v3 =	vshrl.u32 v8, $0x10;
	v6 =	vand.u32 $0xFFFF, v8;
	[tilespmem:v13+s28+$0x0] =	vst.idx.add.s32.msk $0xffff, v1  }
0x5f2: {  	v7 =	vand.u32 $0xFFFF, v17;
	[tilespmem:v21+s28+$0x0] =	vst.idx.add.s32.msk $0xffff, v1  }
0x5f3: {  	v8 =	vand.u32 $0xFFFF, v16;
	v13 =	vshrl.u32 v17, $0x10;
	[tilespmem:v22+s28+$0x0] =	vst.idx.add.s32.msk $0xffff, v1  }
.Ltmp15:
0x5f4: {  	v11 =	vshrl.u32 v16, $0x10;
	[tilespmem:v20+s28+$0x0] =	vst.idx.add.s32.msk $0xffff, v1;
	(pc) =	sbr.rel @p0 .LBB2_32-.Ltmp15, $4  }
0x5f5: {  	[tilespmem:v23+s28+$0x0] =	vst.idx.add.s32.msk $0xffff, v1  }
0x5f6: {  	[tilespmem:v18+s28+$0x0] =	vst.idx.add.s32.msk $0xffff, v1  }
0x5f7: {  	[tilespmem:v15+s28+$0x0] =	vst.idx.add.s32.msk $0xffff, v1  }
0x5f8: {  	[tilespmem:v14+s28+$0x0] =	vst.idx.add.s32.msk $0xffff, v1  }
0x5f9: {  	_ =	sdelay $0x3  }
0x5fa: {  	[tilespmem:v9+s28+$0x0] =	vst.idx.add.s32.msk $0xffff, v1  }
0x5fb: {  	[tilespmem:v10+s28+$0x0] =	vst.idx.add.s32.msk $0xffff, v1  }
0x5fc: {  	[tilespmem:v5+s28+$0x0] =	vst.idx.add.s32.msk $0xffff, v1  }
0x5fd: {  	[tilespmem:v6+s28+$0x0] =	vst.idx.add.s32.msk $0xffff, v1  }
0x5fe: {  	[tilespmem:v7+s28+$0x0] =	vst.idx.add.s32.msk $0xffff, v1  }
0x5ff: {  	[tilespmem:v8+s28+$0x0] =	vst.idx.add.s32.msk $0xffff, v1  }
0x600: {  	[tilespmem:v2+s28+$0x0] =	vst.idx.add.s32.msk $0xffff, v1  }
0x601: {  	[tilespmem:v4+s28+$0x0] =	vst.idx.add.s32.msk $0xffff, v1  }
0x602: {  	[tilespmem:v12+s28+$0x0] =	vst.idx.add.s32.msk $0xffff, v1  }
0x603: {  	[tilespmem:v3+s28+$0x0] =	vst.idx.add.s32.msk $0xffff, v1  }
0x604: {  	[tilespmem:v13+s28+$0x0] =	vst.idx.add.s32.msk $0xffff, v1  }
0x605: {  	[tilespmem:v11+s28+$0x0] =	vst.idx.add.s32.msk $0xffff, v1  }
0x606: {  	[tilespmem:s1], [sflag:$0x1] =	stream.linear.gather [hbm4b:s19+s1], $0x4000, $0x38;
	[tilespmem:$0x1B000] =	vst v63  }
0x607: {  	_ =	swait.ge [sflag:s29], $0x4000  }
0x608: {  	[sflag:s29] =	ssyncset.done $0x0  }
0x609: {  	s0 =	simm.s32 $0x4080;
	[sflag:s29] =	ssyncadd.s32 $0xFFFFC000  }
0x60a: {  	v2 =	vld [tilespmem:s0+$0x10]  }
0x60b: {  	v3 =	vld [tilespmem:s0+$0x30]  }
0x60c: {  	v4 =	vld [tilespmem:s0+$0x20]  }
0x60d: {  	v5 =	vld [tilespmem:s0+$0x40]  }
0x60e: {  	v6 =	vld [tilespmem:s0+$0xFFFFFF80]  }
0x60f: {  	v7 =	vld [tilespmem:s0+$0x70]  }
0x610: {  	v8 =	vld [tilespmem:s0+$0xFFFFFFB0]  }
0x611: {  	v11 =	vld [tilespmem:s0+$0xFFFFFFC0]  }
0x612: {  	v10 =	vld [tilespmem:s0+$0xFFFFFFD0]  }
0x613: {  	v12 =	vld [tilespmem:s0+$0xFFFFFFE0];
	v9 =	vand.u32 $0xFFFF, v6  }
0x614: {  	v13 =	vld [tilespmem:s0+$0x60];
	v14 =	vand.u32 $0xFFFF, v7  }
0x615: {  	v15 =	vld [tilespmem:s0+$0x50];
	v6 =	vshrl.u32 v6, $0x10  }
0x616: {  	v16 =	vld [tilespmem:s0+$0xFFFFFF90]  }
0x617: {  	v17 =	vld [tilespmem:s0+$0xFFFFFFA0];
	v18 =	vand.u32 $0xFFFF, v5  }
0x618: {  	v7 =	vshrl.u32 v7, $0x10;
	[tilespmem:v9+s28+$0x0] =	vst.idx.add.s32.msk $0xffff, v1  }
0x619: {  	[tilespmem:v14+s28+$0x0] =	vst.idx.add.s32.msk $0xffff, v1  }
0x61a: {  	[tilespmem:v6+s28+$0x0] =	vst.idx.add.s32.msk $0xffff, v1;
	v6 =	vand.u32 $0xFFFF, v13  }
0x61b: {  	v9 =	vshrl.u32 v13, $0x10;
	v14 =	vld [tilespmem:s0+$0x0];
	v13 =	vand.u32 $0xFFFF, v15  }
0x61c: {  	[tilespmem:v18+s28+$0x0] =	vst.idx.add.s32.msk $0xffff, v1  }
0x61d: {  	[tilespmem:v7+s28+$0x0] =	vst.idx.add.s32.msk $0xffff, v1;
	v7 =	vshrl.u32 v15, $0x10  }
0x61e: {  	v5 =	vshrl.u32 v5, $0x10;
	v15 =	vld [tilespmem:s0+$0xFFFFFFF0]  }
0x61f: {  	[tilespmem:v6+s28+$0x0] =	vst.idx.add.s32.msk $0xffff, v1;
	v6 =	vand.u32 $0xFFFF, v4  }
0x620: {  	v4 =	vshrl.u32 v4, $0x10;
	[tilespmem:v13+s28+$0x0] =	vst.idx.add.s32.msk $0xffff, v1  }
0x621: {  	[tilespmem:v9+s28+$0x0] =	vst.idx.add.s32.msk $0xffff, v1;
	v9 =	vand.u32 $0xFFFF, v2  }
0x622: {  	[tilespmem:v7+s28+$0x0] =	vst.idx.add.s32.msk $0xffff, v1;
	v7 =	vand.u32 $0xFFFF, v14  }
0x623: {  	[tilespmem:v5+s28+$0x0] =	vst.idx.add.s32.msk $0xffff, v1;
	v5 =	vshrl.u32 v14, $0x10;
	v14 =	vand.u32 $0xFFFF, v15  }
0x624: {  	v2 =	vshrl.u32 v2, $0x10;
	[tilespmem:v6+s28+$0x0] =	vst.idx.add.s32.msk $0xffff, v1  }
0x625: {  	[tilespmem:v4+s28+$0x0] =	vst.idx.add.s32.msk $0xffff, v1  }
0x626: {  	v15 =	vshrl.u32 v15, $0x10;
	[tilespmem:v9+s28+$0x0] =	vst.idx.add.s32.msk $0xffff, v1  }
0x627: {  	v6 =	vand.u32 $0xFFFF, v3;
	[tilespmem:v7+s28+$0x0] =	vst.idx.add.s32.msk $0xffff, v1  }
0x628: {  	v13 =	vshrl.u32 v3, $0x10;
	[tilespmem:v14+s28+$0x0] =	vst.idx.add.s32.msk $0xffff, v1  }
0x629: {  	v9 =	vand.u32 $0xFFFF, v12;
	[tilespmem:v2+s28+$0x0] =	vst.idx.add.s32.msk $0xffff, v1  }
0x62a: {  	v3 =	vshrl.u32 v8, $0x10;
	[tilespmem:v5+s28+$0x0] =	vst.idx.add.s32.msk $0xffff, v1;
	v2 =	vshrl.u32 v12, $0x10  }
0x62b: {  	v4 =	vshrl.u32 v10, $0x10;
	v10 =	vand.u32 $0xFFFF, v10;
	v7 =	vand.u32 $0xFFFF, v17;
	[tilespmem:v15+s28+$0x0] =	vst.idx.add.s32.msk $0xffff, v1  }
0x62c: {  	v5 =	vand.u32 $0xFFFF, v11;
	v12 =	vshrl.u32 v11, $0x10;
	v11 =	vshrl.u32 v16, $0x10;
	[tilespmem:v6+s28+$0x0] =	vst.idx.add.s32.msk $0xffff, v1  }
0x62d: {  	s2 =	simm.s32 $0x0;
	v6 =	vand.u32 $0xFFFF, v8;
	v8 =	vand.u32 $0xFFFF, v16;
	[tilespmem:v13+s28+$0x0] =	vst.idx.add.s32.msk $0xffff, v1;
	v13 =	vshrl.u32 v17, $0x10  }
.LBB2_34:
0x62e: {  	s2 =	sadd.s32 $0x10, s2;
	[tilespmem:v9+s28+$0x0] =	vst.idx.add.s32.msk $0xffff, v1;
	s0 =	sadd.s32 $0x100, s0  }
0x62f: {  	p0 =	slt.u32 s2, $0x3F0;
	[tilespmem:v2+s28+$0x0] =	vst.idx.add.s32.msk $0xffff, v1  }
0x630: {  	[tilespmem:v10+s28+$0x0] =	vst.idx.add.s32.msk $0xffff, v1  }
0x631: {  	[tilespmem:v4+s28+$0x0] =	vst.idx.add.s32.msk $0xffff, v1  }
0x632: {  	[tilespmem:v5+s28+$0x0] =	vst.idx.add.s32.msk $0xffff, v1  }
0x633: {  	[tilespmem:v12+s28+$0x0] =	vst.idx.add.s32.msk $0xffff, v1  }
0x634: {  	[tilespmem:v6+s28+$0x0] =	vst.idx.add.s32.msk $0xffff, v1  }
0x635: {  	[tilespmem:v3+s28+$0x0] =	vst.idx.add.s32.msk $0xffff, v1  }
0x636: {  	[tilespmem:v7+s28+$0x0] =	vst.idx.add.s32.msk $0xffff, v1  }
0x637: {  	[tilespmem:v13+s28+$0x0] =	vst.idx.add.s32.msk $0xffff, v1  }
0x638: {  	[tilespmem:v8+s28+$0x0] =	vst.idx.add.s32.msk $0xffff, v1  }
0x639: {  	[tilespmem:v11+s28+$0x0] =	vst.idx.add.s32.msk $0xffff, v1  }
0x63a: {  	v2 =	vld [tilespmem:s0+$0x10]  }
0x63b: {  	v3 =	vld [tilespmem:s0+$0x30]  }
0x63c: {  	v4 =	vld [tilespmem:s0+$0x20]  }
0x63d: {  	v5 =	vld [tilespmem:s0+$0x40]  }
0x63e: {  	v6 =	vld [tilespmem:s0+$0xFFFFFF80]  }
0x63f: {  	v7 =	vld [tilespmem:s0+$0x70]  }
0x640: {  	v8 =	vld [tilespmem:s0+$0xFFFFFFB0]  }
0x641: {  	v11 =	vld [tilespmem:s0+$0xFFFFFFC0]  }
0x642: {  	v10 =	vld [tilespmem:s0+$0xFFFFFFD0]  }
0x643: {  	v9 =	vand.u32 $0xFFFF, v6;
	v12 =	vld [tilespmem:s0+$0xFFFFFFE0]  }
0x644: {  	v6 =	vshrl.u32 v6, $0x10;
	v13 =	vld [tilespmem:s0+$0x60];
	v14 =	vand.u32 $0xFFFF, v7  }
0x645: {  	v15 =	vld [tilespmem:s0+$0x50]  }
0x646: {  	v7 =	vshrl.u32 v7, $0x10;
	v16 =	vld [tilespmem:s0+$0xFFFFFF90]  }
0x647: {  	v17 =	vld [tilespmem:s0+$0xFFFFFFA0]  }
0x648: {  	[tilespmem:v9+s28+$0x0] =	vst.idx.add.s32.msk $0xffff, v1  }
0x649: {  	[tilespmem:v6+s28+$0x0] =	vst.idx.add.s32.msk $0xffff, v1;
	v6 =	vand.u32 $0xFFFF, v13  }
0x64a: {  	v13 =	vshrl.u32 v13, $0x10;
	v9 =	vand.u32 $0xFFFF, v15;
	[tilespmem:v14+s28+$0x0] =	vst.idx.add.s32.msk $0xffff, v1  }
0x64b: {  	v14 =	vshrl.u32 v15, $0x10;
	[tilespmem:v7+s28+$0x0] =	vst.idx.add.s32.msk $0xffff, v1  }
0x64c: {  	v7 =	vld [tilespmem:s0+$0x0]  }
0x64d: {  	v18 =	vand.u32 $0xFFFF, v5;
	v15 =	vld [tilespmem:s0+$0xFFFFFFF0]  }
0x64e: {  	v5 =	vshrl.u32 v5, $0x10;
	[tilespmem:v6+s28+$0x0] =	vst.idx.add.s32.msk $0xffff, v1  }
0x64f: {  	v6 =	vand.u32 $0xFFFF, v4;
	[tilespmem:v13+s28+$0x0] =	vst.idx.add.s32.msk $0xffff, v1  }
0x650: {  	v19 =	vshrl.u32 v4, $0x10;
	v13 =	vand.u32 $0xFFFF, v2;
	[tilespmem:v9+s28+$0x0] =	vst.idx.add.s32.msk $0xffff, v1  }
0x651: {  	v22 =	vshrl.u32 v2, $0x10;
	v20 =	vshrl.u32 v7, $0x10;
	v21 =	vand.u32 $0xFFFF, v7;
	[tilespmem:v14+s28+$0x0] =	vst.idx.add.s32.msk $0xffff, v1  }
0x652: {  	v23 =	vand.u32 $0xFFFF, v3;
	v14 =	vshrl.u32 v15, $0x10;
	v15 =	vand.u32 $0xFFFF, v15;
	[tilespmem:v18+s28+$0x0] =	vst.idx.add.s32.msk $0xffff, v1  }
0x653: {  	v2 =	vshrl.u32 v12, $0x10;
	v9 =	vand.u32 $0xFFFF, v12;
	v18 =	vshrl.u32 v3, $0x10;
	[tilespmem:v5+s28+$0x0] =	vst.idx.add.s32.msk $0xffff, v1  }
0x654: {  	v4 =	vshrl.u32 v10, $0x10;
	v10 =	vand.u32 $0xFFFF, v10;
	[tilespmem:v6+s28+$0x0] =	vst.idx.add.s32.msk $0xffff, v1  }
0x655: {  	v5 =	vand.u32 $0xFFFF, v11;
	[tilespmem:v19+s28+$0x0] =	vst.idx.add.s32.msk $0xffff, v1  }
0x656: {  	v12 =	vshrl.u32 v11, $0x10;
	v3 =	vshrl.u32 v8, $0x10;
	v6 =	vand.u32 $0xFFFF, v8;
	[tilespmem:v13+s28+$0x0] =	vst.idx.add.s32.msk $0xffff, v1  }
0x657: {  	v7 =	vand.u32 $0xFFFF, v17;
	[tilespmem:v21+s28+$0x0] =	vst.idx.add.s32.msk $0xffff, v1  }
0x658: {  	v8 =	vand.u32 $0xFFFF, v16;
	v13 =	vshrl.u32 v17, $0x10;
	[tilespmem:v22+s28+$0x0] =	vst.idx.add.s32.msk $0xffff, v1  }
.Ltmp16:
0x659: {  	v11 =	vshrl.u32 v16, $0x10;
	[tilespmem:v20+s28+$0x0] =	vst.idx.add.s32.msk $0xffff, v1;
	(pc) =	sbr.rel @p0 .LBB2_34-.Ltmp16, $4  }
0x65a: {  	[tilespmem:v23+s28+$0x0] =	vst.idx.add.s32.msk $0xffff, v1  }
0x65b: {  	[tilespmem:v18+s28+$0x0] =	vst.idx.add.s32.msk $0xffff, v1  }
0x65c: {  	[tilespmem:v15+s28+$0x0] =	vst.idx.add.s32.msk $0xffff, v1  }
0x65d: {  	[tilespmem:v14+s28+$0x0] =	vst.idx.add.s32.msk $0xffff, v1  }
0x65e: {  	_ =	sdelay $0x3  }
0x65f: {  	[tilespmem:v9+s28+$0x0] =	vst.idx.add.s32.msk $0xffff, v1  }
0x660: {  	[tilespmem:v10+s28+$0x0] =	vst.idx.add.s32.msk $0xffff, v1  }
0x661: {  	[tilespmem:v5+s28+$0x0] =	vst.idx.add.s32.msk $0xffff, v1  }
0x662: {  	[tilespmem:v6+s28+$0x0] =	vst.idx.add.s32.msk $0xffff, v1  }
0x663: {  	[tilespmem:v7+s28+$0x0] =	vst.idx.add.s32.msk $0xffff, v1  }
0x664: {  	[tilespmem:v8+s28+$0x0] =	vst.idx.add.s32.msk $0xffff, v1  }
0x665: {  	[tilespmem:v2+s28+$0x0] =	vst.idx.add.s32.msk $0xffff, v1  }
0x666: {  	[tilespmem:v4+s28+$0x0] =	vst.idx.add.s32.msk $0xffff, v1  }
0x667: {  	[tilespmem:v12+s28+$0x0] =	vst.idx.add.s32.msk $0xffff, v1  }
0x668: {  	[tilespmem:v3+s28+$0x0] =	vst.idx.add.s32.msk $0xffff, v1  }
0x669: {  	[tilespmem:v13+s28+$0x0] =	vst.idx.add.s32.msk $0xffff, v1  }
0x66a: {  	[tilespmem:v11+s28+$0x0] =	vst.idx.add.s32.msk $0xffff, v1  }
0x66b: {  	[tilespmem:s25], [sflag:$0x2] =	stream.linear.gather [hbm4b:s20+s1], $0x4000, $0x38;
	[tilespmem:$0x1B000] =	vst v63  }
0x66c: {  	_ =	swait.ge [sflag:s26], $0x4000  }
0x66d: {  	[sflag:s26] =	ssyncset.done $0x0  }
0x66e: {  	s0 =	simm.s32 $0x80;
	[sflag:s26] =	ssyncadd.s32 $0xFFFFC000  }
0x66f: {  	v2 =	vld [tilespmem:s0+$0x10]  }
0x670: {  	v3 =	vld [tilespmem:s0+$0x30]  }
0x671: {  	v4 =	vld [tilespmem:s0+$0x20]  }
0x672: {  	v5 =	vld [tilespmem:s0+$0x40]  }
0x673: {  	v6 =	vld [tilespmem:s0+$0xFFFFFF80]  }
0x674: {  	v7 =	vld [tilespmem:s0+$0x70]  }
0x675: {  	v8 =	vld [tilespmem:s0+$0xFFFFFFB0]  }
0x676: {  	v11 =	vld [tilespmem:s0+$0xFFFFFFC0]  }
0x677: {  	v10 =	vld [tilespmem:s0+$0xFFFFFFD0]  }
0x678: {  	v12 =	vld [tilespmem:s0+$0xFFFFFFE0];
	v9 =	vand.u32 $0xFFFF, v6  }
0x679: {  	v13 =	vld [tilespmem:s0+$0x60];
	v14 =	vand.u32 $0xFFFF, v7  }
0x67a: {  	v15 =	vld [tilespmem:s0+$0x50];
	v6 =	vshrl.u32 v6, $0x10  }
0x67b: {  	v16 =	vld [tilespmem:s0+$0xFFFFFF90]  }
0x67c: {  	v17 =	vld [tilespmem:s0+$0xFFFFFFA0];
	v18 =	vand.u32 $0xFFFF, v5  }
0x67d: {  	v7 =	vshrl.u32 v7, $0x10;
	[tilespmem:v9+s28+$0x0] =	vst.idx.add.s32.msk $0xffff, v1  }
0x67e: {  	[tilespmem:v14+s28+$0x0] =	vst.idx.add.s32.msk $0xffff, v1  }
0x67f: {  	[tilespmem:v6+s28+$0x0] =	vst.idx.add.s32.msk $0xffff, v1;
	v6 =	vand.u32 $0xFFFF, v13  }
0x680: {  	v9 =	vshrl.u32 v13, $0x10;
	v14 =	vld [tilespmem:s0+$0x0];
	v13 =	vand.u32 $0xFFFF, v15  }
0x681: {  	[tilespmem:v18+s28+$0x0] =	vst.idx.add.s32.msk $0xffff, v1  }
0x682: {  	[tilespmem:v7+s28+$0x0] =	vst.idx.add.s32.msk $0xffff, v1;
	v7 =	vshrl.u32 v15, $0x10  }
0x683: {  	v5 =	vshrl.u32 v5, $0x10;
	v15 =	vld [tilespmem:s0+$0xFFFFFFF0]  }
0x684: {  	[tilespmem:v6+s28+$0x0] =	vst.idx.add.s32.msk $0xffff, v1;
	v6 =	vand.u32 $0xFFFF, v4  }
0x685: {  	v4 =	vshrl.u32 v4, $0x10;
	[tilespmem:v13+s28+$0x0] =	vst.idx.add.s32.msk $0xffff, v1  }
0x686: {  	[tilespmem:v9+s28+$0x0] =	vst.idx.add.s32.msk $0xffff, v1;
	v9 =	vand.u32 $0xFFFF, v2  }
0x687: {  	[tilespmem:v7+s28+$0x0] =	vst.idx.add.s32.msk $0xffff, v1;
	v7 =	vand.u32 $0xFFFF, v14  }
0x688: {  	[tilespmem:v5+s28+$0x0] =	vst.idx.add.s32.msk $0xffff, v1;
	v5 =	vshrl.u32 v14, $0x10;
	v14 =	vand.u32 $0xFFFF, v15  }
0x689: {  	v2 =	vshrl.u32 v2, $0x10;
	[tilespmem:v6+s28+$0x0] =	vst.idx.add.s32.msk $0xffff, v1  }
0x68a: {  	[tilespmem:v4+s28+$0x0] =	vst.idx.add.s32.msk $0xffff, v1  }
0x68b: {  	v15 =	vshrl.u32 v15, $0x10;
	[tilespmem:v9+s28+$0x0] =	vst.idx.add.s32.msk $0xffff, v1  }
0x68c: {  	v6 =	vand.u32 $0xFFFF, v3;
	[tilespmem:v7+s28+$0x0] =	vst.idx.add.s32.msk $0xffff, v1  }
0x68d: {  	v13 =	vshrl.u32 v3, $0x10;
	[tilespmem:v14+s28+$0x0] =	vst.idx.add.s32.msk $0xffff, v1  }
0x68e: {  	v9 =	vand.u32 $0xFFFF, v12;
	[tilespmem:v2+s28+$0x0] =	vst.idx.add.s32.msk $0xffff, v1  }
0x68f: {  	v3 =	vshrl.u32 v8, $0x10;
	[tilespmem:v5+s28+$0x0] =	vst.idx.add.s32.msk $0xffff, v1;
	v2 =	vshrl.u32 v12, $0x10  }
0x690: {  	v4 =	vshrl.u32 v10, $0x10;
	v10 =	vand.u32 $0xFFFF, v10;
	v7 =	vand.u32 $0xFFFF, v17;
	[tilespmem:v15+s28+$0x0] =	vst.idx.add.s32.msk $0xffff, v1  }
0x691: {  	v5 =	vand.u32 $0xFFFF, v11;
	v12 =	vshrl.u32 v11, $0x10;
	v11 =	vshrl.u32 v16, $0x10;
	[tilespmem:v6+s28+$0x0] =	vst.idx.add.s32.msk $0xffff, v1  }
0x692: {  	s2 =	simm.s32 $0x0;
	v6 =	vand.u32 $0xFFFF, v8;
	v8 =	vand.u32 $0xFFFF, v16;
	[tilespmem:v13+s28+$0x0] =	vst.idx.add.s32.msk $0xffff, v1;
	v13 =	vshrl.u32 v17, $0x10  }
.LBB2_36:
0x693: {  	s2 =	sadd.s32 $0x10, s2;
	[tilespmem:v9+s28+$0x0] =	vst.idx.add.s32.msk $0xffff, v1;
	s0 =	sadd.s32 $0x100, s0  }
0x694: {  	p0 =	slt.u32 s2, $0x3F0;
	[tilespmem:v2+s28+$0x0] =	vst.idx.add.s32.msk $0xffff, v1  }
0x695: {  	[tilespmem:v10+s28+$0x0] =	vst.idx.add.s32.msk $0xffff, v1  }
0x696: {  	[tilespmem:v4+s28+$0x0] =	vst.idx.add.s32.msk $0xffff, v1  }
0x697: {  	[tilespmem:v5+s28+$0x0] =	vst.idx.add.s32.msk $0xffff, v1  }
0x698: {  	[tilespmem:v12+s28+$0x0] =	vst.idx.add.s32.msk $0xffff, v1  }
0x699: {  	[tilespmem:v6+s28+$0x0] =	vst.idx.add.s32.msk $0xffff, v1  }
0x69a: {  	[tilespmem:v3+s28+$0x0] =	vst.idx.add.s32.msk $0xffff, v1  }
0x69b: {  	[tilespmem:v7+s28+$0x0] =	vst.idx.add.s32.msk $0xffff, v1  }
0x69c: {  	[tilespmem:v13+s28+$0x0] =	vst.idx.add.s32.msk $0xffff, v1  }
0x69d: {  	[tilespmem:v8+s28+$0x0] =	vst.idx.add.s32.msk $0xffff, v1  }
0x69e: {  	[tilespmem:v11+s28+$0x0] =	vst.idx.add.s32.msk $0xffff, v1  }
0x69f: {  	v2 =	vld [tilespmem:s0+$0x10]  }
0x6a0: {  	v3 =	vld [tilespmem:s0+$0x30]  }
0x6a1: {  	v4 =	vld [tilespmem:s0+$0x20]  }
0x6a2: {  	v5 =	vld [tilespmem:s0+$0x40]  }
0x6a3: {  	v6 =	vld [tilespmem:s0+$0xFFFFFF80]  }
0x6a4: {  	v7 =	vld [tilespmem:s0+$0x70]  }
0x6a5: {  	v8 =	vld [tilespmem:s0+$0xFFFFFFB0]  }
0x6a6: {  	v11 =	vld [tilespmem:s0+$0xFFFFFFC0]  }
0x6a7: {  	v10 =	vld [tilespmem:s0+$0xFFFFFFD0]  }
0x6a8: {  	v9 =	vand.u32 $0xFFFF, v6;
	v12 =	vld [tilespmem:s0+$0xFFFFFFE0]  }
0x6a9: {  	v6 =	vshrl.u32 v6, $0x10;
	v13 =	vld [tilespmem:s0+$0x60];
	v14 =	vand.u32 $0xFFFF, v7  }
0x6aa: {  	v15 =	vld [tilespmem:s0+$0x50]  }
0x6ab: {  	v7 =	vshrl.u32 v7, $0x10;
	v16 =	vld [tilespmem:s0+$0xFFFFFF90]  }
0x6ac: {  	v17 =	vld [tilespmem:s0+$0xFFFFFFA0]  }
0x6ad: {  	[tilespmem:v9+s28+$0x0] =	vst.idx.add.s32.msk $0xffff, v1  }
0x6ae: {  	[tilespmem:v6+s28+$0x0] =	vst.idx.add.s32.msk $0xffff, v1;
	v6 =	vand.u32 $0xFFFF, v13  }
0x6af: {  	v13 =	vshrl.u32 v13, $0x10;
	v9 =	vand.u32 $0xFFFF, v15;
	[tilespmem:v14+s28+$0x0] =	vst.idx.add.s32.msk $0xffff, v1  }
0x6b0: {  	v14 =	vshrl.u32 v15, $0x10;
	[tilespmem:v7+s28+$0x0] =	vst.idx.add.s32.msk $0xffff, v1  }
0x6b1: {  	v7 =	vld [tilespmem:s0+$0x0]  }
0x6b2: {  	v18 =	vand.u32 $0xFFFF, v5;
	v15 =	vld [tilespmem:s0+$0xFFFFFFF0]  }
0x6b3: {  	v5 =	vshrl.u32 v5, $0x10;
	[tilespmem:v6+s28+$0x0] =	vst.idx.add.s32.msk $0xffff, v1  }
0x6b4: {  	v6 =	vand.u32 $0xFFFF, v4;
	[tilespmem:v13+s28+$0x0] =	vst.idx.add.s32.msk $0xffff, v1  }
0x6b5: {  	v19 =	vshrl.u32 v4, $0x10;
	v13 =	vand.u32 $0xFFFF, v2;
	[tilespmem:v9+s28+$0x0] =	vst.idx.add.s32.msk $0xffff, v1  }
0x6b6: {  	v22 =	vshrl.u32 v2, $0x10;
	v20 =	vshrl.u32 v7, $0x10;
	v21 =	vand.u32 $0xFFFF, v7;
	[tilespmem:v14+s28+$0x0] =	vst.idx.add.s32.msk $0xffff, v1  }
0x6b7: {  	v23 =	vand.u32 $0xFFFF, v3;
	v14 =	vshrl.u32 v15, $0x10;
	v15 =	vand.u32 $0xFFFF, v15;
	[tilespmem:v18+s28+$0x0] =	vst.idx.add.s32.msk $0xffff, v1  }
0x6b8: {  	v2 =	vshrl.u32 v12, $0x10;
	v9 =	vand.u32 $0xFFFF, v12;
	v18 =	vshrl.u32 v3, $0x10;
	[tilespmem:v5+s28+$0x0] =	vst.idx.add.s32.msk $0xffff, v1  }
0x6b9: {  	v4 =	vshrl.u32 v10, $0x10;
	v10 =	vand.u32 $0xFFFF, v10;
	[tilespmem:v6+s28+$0x0] =	vst.idx.add.s32.msk $0xffff, v1  }
0x6ba: {  	v5 =	vand.u32 $0xFFFF, v11;
	[tilespmem:v19+s28+$0x0] =	vst.idx.add.s32.msk $0xffff, v1  }
0x6bb: {  	v12 =	vshrl.u32 v11, $0x10;
	v3 =	vshrl.u32 v8, $0x10;
	v6 =	vand.u32 $0xFFFF, v8;
	[tilespmem:v13+s28+$0x0] =	vst.idx.add.s32.msk $0xffff, v1  }
0x6bc: {  	v7 =	vand.u32 $0xFFFF, v17;
	[tilespmem:v21+s28+$0x0] =	vst.idx.add.s32.msk $0xffff, v1  }
0x6bd: {  	v8 =	vand.u32 $0xFFFF, v16;
	v13 =	vshrl.u32 v17, $0x10;
	[tilespmem:v22+s28+$0x0] =	vst.idx.add.s32.msk $0xffff, v1  }
.Ltmp17:
0x6be: {  	v11 =	vshrl.u32 v16, $0x10;
	[tilespmem:v20+s28+$0x0] =	vst.idx.add.s32.msk $0xffff, v1;
	(pc) =	sbr.rel @p0 .LBB2_36-.Ltmp17, $4  }
0x6bf: {  	[tilespmem:v23+s28+$0x0] =	vst.idx.add.s32.msk $0xffff, v1  }
0x6c0: {  	[tilespmem:v18+s28+$0x0] =	vst.idx.add.s32.msk $0xffff, v1  }
0x6c1: {  	[tilespmem:v15+s28+$0x0] =	vst.idx.add.s32.msk $0xffff, v1  }
0x6c2: {  	[tilespmem:v14+s28+$0x0] =	vst.idx.add.s32.msk $0xffff, v1  }
0x6c3: {  	_ =	sdelay $0x3  }
0x6c4: {  	[tilespmem:v9+s28+$0x0] =	vst.idx.add.s32.msk $0xffff, v1  }
0x6c5: {  	[tilespmem:v10+s28+$0x0] =	vst.idx.add.s32.msk $0xffff, v1  }
0x6c6: {  	[tilespmem:v5+s28+$0x0] =	vst.idx.add.s32.msk $0xffff, v1  }
0x6c7: {  	[tilespmem:v6+s28+$0x0] =	vst.idx.add.s32.msk $0xffff, v1  }
0x6c8: {  	[tilespmem:v7+s28+$0x0] =	vst.idx.add.s32.msk $0xffff, v1  }
0x6c9: {  	[tilespmem:v8+s28+$0x0] =	vst.idx.add.s32.msk $0xffff, v1  }
0x6ca: {  	[tilespmem:v2+s28+$0x0] =	vst.idx.add.s32.msk $0xffff, v1  }
0x6cb: {  	[tilespmem:v4+s28+$0x0] =	vst.idx.add.s32.msk $0xffff, v1  }
0x6cc: {  	[tilespmem:v12+s28+$0x0] =	vst.idx.add.s32.msk $0xffff, v1  }
0x6cd: {  	[tilespmem:v3+s28+$0x0] =	vst.idx.add.s32.msk $0xffff, v1  }
0x6ce: {  	[tilespmem:v13+s28+$0x0] =	vst.idx.add.s32.msk $0xffff, v1  }
0x6cf: {  	[tilespmem:v11+s28+$0x0] =	vst.idx.add.s32.msk $0xffff, v1  }
0x6d0: {  	[tilespmem:s1], [sflag:$0x1] =	stream.linear.gather [hbm4b:s21+s1], $0x4000, $0x38;
	[tilespmem:$0x1B000] =	vst v63  }
0x6d1: {  	_ =	swait.ge [sflag:s29], $0x4000  }
0x6d2: {  	[sflag:s29] =	ssyncset.done $0x0  }
0x6d3: {  	s0 =	simm.s32 $0x4080;
	[sflag:s29] =	ssyncadd.s32 $0xFFFFC000  }
0x6d4: {  	v2 =	vld [tilespmem:s0+$0x10]  }
0x6d5: {  	v3 =	vld [tilespmem:s0+$0x30]  }
0x6d6: {  	v4 =	vld [tilespmem:s0+$0x20]  }
0x6d7: {  	v5 =	vld [tilespmem:s0+$0x40]  }
0x6d8: {  	v6 =	vld [tilespmem:s0+$0xFFFFFF80]  }
0x6d9: {  	v7 =	vld [tilespmem:s0+$0x70]  }
0x6da: {  	v8 =	vld [tilespmem:s0+$0xFFFFFFB0]  }
0x6db: {  	v11 =	vld [tilespmem:s0+$0xFFFFFFC0]  }
0x6dc: {  	v10 =	vld [tilespmem:s0+$0xFFFFFFD0]  }
0x6dd: {  	v12 =	vld [tilespmem:s0+$0xFFFFFFE0];
	v9 =	vand.u32 $0xFFFF, v6  }
0x6de: {  	v13 =	vld [tilespmem:s0+$0x60];
	v14 =	vand.u32 $0xFFFF, v7  }
0x6df: {  	v15 =	vld [tilespmem:s0+$0x50];
	v6 =	vshrl.u32 v6, $0x10  }
0x6e0: {  	v16 =	vld [tilespmem:s0+$0xFFFFFF90]  }
0x6e1: {  	v17 =	vld [tilespmem:s0+$0xFFFFFFA0];
	v18 =	vand.u32 $0xFFFF, v5  }
0x6e2: {  	v7 =	vshrl.u32 v7, $0x10;
	[tilespmem:v9+s28+$0x0] =	vst.idx.add.s32.msk $0xffff, v1  }
0x6e3: {  	[tilespmem:v14+s28+$0x0] =	vst.idx.add.s32.msk $0xffff, v1  }
0x6e4: {  	[tilespmem:v6+s28+$0x0] =	vst.idx.add.s32.msk $0xffff, v1;
	v6 =	vand.u32 $0xFFFF, v13  }
0x6e5: {  	v9 =	vshrl.u32 v13, $0x10;
	v14 =	vld [tilespmem:s0+$0x0];
	v13 =	vand.u32 $0xFFFF, v15  }
0x6e6: {  	[tilespmem:v18+s28+$0x0] =	vst.idx.add.s32.msk $0xffff, v1  }
0x6e7: {  	[tilespmem:v7+s28+$0x0] =	vst.idx.add.s32.msk $0xffff, v1;
	v7 =	vshrl.u32 v15, $0x10  }
0x6e8: {  	v5 =	vshrl.u32 v5, $0x10;
	v15 =	vld [tilespmem:s0+$0xFFFFFFF0]  }
0x6e9: {  	[tilespmem:v6+s28+$0x0] =	vst.idx.add.s32.msk $0xffff, v1;
	v6 =	vand.u32 $0xFFFF, v4  }
0x6ea: {  	v4 =	vshrl.u32 v4, $0x10;
	[tilespmem:v13+s28+$0x0] =	vst.idx.add.s32.msk $0xffff, v1  }
0x6eb: {  	[tilespmem:v9+s28+$0x0] =	vst.idx.add.s32.msk $0xffff, v1;
	v9 =	vand.u32 $0xFFFF, v2  }
0x6ec: {  	[tilespmem:v7+s28+$0x0] =	vst.idx.add.s32.msk $0xffff, v1;
	v7 =	vand.u32 $0xFFFF, v14  }
0x6ed: {  	[tilespmem:v5+s28+$0x0] =	vst.idx.add.s32.msk $0xffff, v1;
	v5 =	vshrl.u32 v14, $0x10;
	v14 =	vand.u32 $0xFFFF, v15  }
0x6ee: {  	v2 =	vshrl.u32 v2, $0x10;
	[tilespmem:v6+s28+$0x0] =	vst.idx.add.s32.msk $0xffff, v1  }
0x6ef: {  	[tilespmem:v4+s28+$0x0] =	vst.idx.add.s32.msk $0xffff, v1  }
0x6f0: {  	v15 =	vshrl.u32 v15, $0x10;
	[tilespmem:v9+s28+$0x0] =	vst.idx.add.s32.msk $0xffff, v1  }
0x6f1: {  	v6 =	vand.u32 $0xFFFF, v3;
	[tilespmem:v7+s28+$0x0] =	vst.idx.add.s32.msk $0xffff, v1  }
0x6f2: {  	v13 =	vshrl.u32 v3, $0x10;
	[tilespmem:v14+s28+$0x0] =	vst.idx.add.s32.msk $0xffff, v1  }
0x6f3: {  	v9 =	vand.u32 $0xFFFF, v12;
	[tilespmem:v2+s28+$0x0] =	vst.idx.add.s32.msk $0xffff, v1  }
0x6f4: {  	v3 =	vshrl.u32 v8, $0x10;
	[tilespmem:v5+s28+$0x0] =	vst.idx.add.s32.msk $0xffff, v1;
	v2 =	vshrl.u32 v12, $0x10  }
0x6f5: {  	v4 =	vshrl.u32 v10, $0x10;
	v10 =	vand.u32 $0xFFFF, v10;
	v7 =	vand.u32 $0xFFFF, v17;
	[tilespmem:v15+s28+$0x0] =	vst.idx.add.s32.msk $0xffff, v1  }
0x6f6: {  	v5 =	vand.u32 $0xFFFF, v11;
	v12 =	vshrl.u32 v11, $0x10;
	v11 =	vshrl.u32 v16, $0x10;
	[tilespmem:v6+s28+$0x0] =	vst.idx.add.s32.msk $0xffff, v1  }
0x6f7: {  	s2 =	simm.s32 $0x0;
	v6 =	vand.u32 $0xFFFF, v8;
	v8 =	vand.u32 $0xFFFF, v16;
	[tilespmem:v13+s28+$0x0] =	vst.idx.add.s32.msk $0xffff, v1;
	v13 =	vshrl.u32 v17, $0x10  }
.LBB2_38:
0x6f8: {  	s2 =	sadd.s32 $0x10, s2;
	[tilespmem:v9+s28+$0x0] =	vst.idx.add.s32.msk $0xffff, v1;
	s0 =	sadd.s32 $0x100, s0  }
0x6f9: {  	p0 =	slt.u32 s2, $0x3F0;
	[tilespmem:v2+s28+$0x0] =	vst.idx.add.s32.msk $0xffff, v1  }
0x6fa: {  	[tilespmem:v10+s28+$0x0] =	vst.idx.add.s32.msk $0xffff, v1  }
0x6fb: {  	[tilespmem:v4+s28+$0x0] =	vst.idx.add.s32.msk $0xffff, v1  }
0x6fc: {  	[tilespmem:v5+s28+$0x0] =	vst.idx.add.s32.msk $0xffff, v1  }
0x6fd: {  	[tilespmem:v12+s28+$0x0] =	vst.idx.add.s32.msk $0xffff, v1  }
0x6fe: {  	[tilespmem:v6+s28+$0x0] =	vst.idx.add.s32.msk $0xffff, v1  }
0x6ff: {  	[tilespmem:v3+s28+$0x0] =	vst.idx.add.s32.msk $0xffff, v1  }
0x700: {  	[tilespmem:v7+s28+$0x0] =	vst.idx.add.s32.msk $0xffff, v1  }
0x701: {  	[tilespmem:v13+s28+$0x0] =	vst.idx.add.s32.msk $0xffff, v1  }
0x702: {  	[tilespmem:v8+s28+$0x0] =	vst.idx.add.s32.msk $0xffff, v1  }
0x703: {  	[tilespmem:v11+s28+$0x0] =	vst.idx.add.s32.msk $0xffff, v1  }
0x704: {  	v2 =	vld [tilespmem:s0+$0x10]  }
0x705: {  	v3 =	vld [tilespmem:s0+$0x30]  }
0x706: {  	v4 =	vld [tilespmem:s0+$0x20]  }
0x707: {  	v5 =	vld [tilespmem:s0+$0x40]  }
0x708: {  	v6 =	vld [tilespmem:s0+$0xFFFFFF80]  }
0x709: {  	v7 =	vld [tilespmem:s0+$0x70]  }
0x70a: {  	v8 =	vld [tilespmem:s0+$0xFFFFFFB0]  }
0x70b: {  	v11 =	vld [tilespmem:s0+$0xFFFFFFC0]  }
0x70c: {  	v10 =	vld [tilespmem:s0+$0xFFFFFFD0]  }
0x70d: {  	v9 =	vand.u32 $0xFFFF, v6;
	v12 =	vld [tilespmem:s0+$0xFFFFFFE0]  }
0x70e: {  	v6 =	vshrl.u32 v6, $0x10;
	v13 =	vld [tilespmem:s0+$0x60];
	v14 =	vand.u32 $0xFFFF, v7  }
0x70f: {  	v15 =	vld [tilespmem:s0+$0x50]  }
0x710: {  	v7 =	vshrl.u32 v7, $0x10;
	v16 =	vld [tilespmem:s0+$0xFFFFFF90]  }
0x711: {  	v17 =	vld [tilespmem:s0+$0xFFFFFFA0]  }
0x712: {  	[tilespmem:v9+s28+$0x0] =	vst.idx.add.s32.msk $0xffff, v1  }
0x713: {  	[tilespmem:v6+s28+$0x0] =	vst.idx.add.s32.msk $0xffff, v1;
	v6 =	vand.u32 $0xFFFF, v13  }
0x714: {  	v13 =	vshrl.u32 v13, $0x10;
	v9 =	vand.u32 $0xFFFF, v15;
	[tilespmem:v14+s28+$0x0] =	vst.idx.add.s32.msk $0xffff, v1  }
0x715: {  	v14 =	vshrl.u32 v15, $0x10;
	[tilespmem:v7+s28+$0x0] =	vst.idx.add.s32.msk $0xffff, v1  }
0x716: {  	v7 =	vld [tilespmem:s0+$0x0]  }
0x717: {  	v18 =	vand.u32 $0xFFFF, v5;
	v15 =	vld [tilespmem:s0+$0xFFFFFFF0]  }
0x718: {  	v5 =	vshrl.u32 v5, $0x10;
	[tilespmem:v6+s28+$0x0] =	vst.idx.add.s32.msk $0xffff, v1  }
0x719: {  	v6 =	vand.u32 $0xFFFF, v4;
	[tilespmem:v13+s28+$0x0] =	vst.idx.add.s32.msk $0xffff, v1  }
0x71a: {  	v19 =	vshrl.u32 v4, $0x10;
	v13 =	vand.u32 $0xFFFF, v2;
	[tilespmem:v9+s28+$0x0] =	vst.idx.add.s32.msk $0xffff, v1  }
0x71b: {  	v22 =	vshrl.u32 v2, $0x10;
	v20 =	vshrl.u32 v7, $0x10;
	v21 =	vand.u32 $0xFFFF, v7;
	[tilespmem:v14+s28+$0x0] =	vst.idx.add.s32.msk $0xffff, v1  }
0x71c: {  	v23 =	vand.u32 $0xFFFF, v3;
	v14 =	vshrl.u32 v15, $0x10;
	v15 =	vand.u32 $0xFFFF, v15;
	[tilespmem:v18+s28+$0x0] =	vst.idx.add.s32.msk $0xffff, v1  }
0x71d: {  	v2 =	vshrl.u32 v12, $0x10;
	v9 =	vand.u32 $0xFFFF, v12;
	v18 =	vshrl.u32 v3, $0x10;
	[tilespmem:v5+s28+$0x0] =	vst.idx.add.s32.msk $0xffff, v1  }
0x71e: {  	v4 =	vshrl.u32 v10, $0x10;
	v10 =	vand.u32 $0xFFFF, v10;
	[tilespmem:v6+s28+$0x0] =	vst.idx.add.s32.msk $0xffff, v1  }
0x71f: {  	v5 =	vand.u32 $0xFFFF, v11;
	[tilespmem:v19+s28+$0x0] =	vst.idx.add.s32.msk $0xffff, v1  }
0x720: {  	v12 =	vshrl.u32 v11, $0x10;
	v3 =	vshrl.u32 v8, $0x10;
	v6 =	vand.u32 $0xFFFF, v8;
	[tilespmem:v13+s28+$0x0] =	vst.idx.add.s32.msk $0xffff, v1  }
0x721: {  	v7 =	vand.u32 $0xFFFF, v17;
	[tilespmem:v21+s28+$0x0] =	vst.idx.add.s32.msk $0xffff, v1  }
0x722: {  	v8 =	vand.u32 $0xFFFF, v16;
	v13 =	vshrl.u32 v17, $0x10;
	[tilespmem:v22+s28+$0x0] =	vst.idx.add.s32.msk $0xffff, v1  }
.Ltmp18:
0x723: {  	v11 =	vshrl.u32 v16, $0x10;
	[tilespmem:v20+s28+$0x0] =	vst.idx.add.s32.msk $0xffff, v1;
	(pc) =	sbr.rel @p0 .LBB2_38-.Ltmp18, $4  }
0x724: {  	[tilespmem:v23+s28+$0x0] =	vst.idx.add.s32.msk $0xffff, v1  }
0x725: {  	[tilespmem:v18+s28+$0x0] =	vst.idx.add.s32.msk $0xffff, v1  }
0x726: {  	[tilespmem:v15+s28+$0x0] =	vst.idx.add.s32.msk $0xffff, v1  }
0x727: {  	[tilespmem:v14+s28+$0x0] =	vst.idx.add.s32.msk $0xffff, v1  }
0x728: {  	_ =	sdelay $0x3  }
0x729: {  	[tilespmem:v9+s28+$0x0] =	vst.idx.add.s32.msk $0xffff, v1  }
0x72a: {  	[tilespmem:v10+s28+$0x0] =	vst.idx.add.s32.msk $0xffff, v1  }
0x72b: {  	[tilespmem:v5+s28+$0x0] =	vst.idx.add.s32.msk $0xffff, v1  }
0x72c: {  	[tilespmem:v6+s28+$0x0] =	vst.idx.add.s32.msk $0xffff, v1  }
0x72d: {  	[tilespmem:v7+s28+$0x0] =	vst.idx.add.s32.msk $0xffff, v1  }
0x72e: {  	[tilespmem:v8+s28+$0x0] =	vst.idx.add.s32.msk $0xffff, v1  }
0x72f: {  	[tilespmem:v2+s28+$0x0] =	vst.idx.add.s32.msk $0xffff, v1  }
0x730: {  	[tilespmem:v4+s28+$0x0] =	vst.idx.add.s32.msk $0xffff, v1  }
0x731: {  	[tilespmem:v12+s28+$0x0] =	vst.idx.add.s32.msk $0xffff, v1  }
0x732: {  	[tilespmem:v3+s28+$0x0] =	vst.idx.add.s32.msk $0xffff, v1  }
0x733: {  	[tilespmem:v13+s28+$0x0] =	vst.idx.add.s32.msk $0xffff, v1  }
0x734: {  	[tilespmem:v11+s28+$0x0] =	vst.idx.add.s32.msk $0xffff, v1  }
0x735: {  	[tilespmem:s25], [sflag:$0x2] =	stream.linear.gather [hbm4b:s22+s1], $0x4000, $0x38;
	[tilespmem:$0x1B000] =	vst v63  }
0x736: {  	_ =	swait.ge [sflag:s26], $0x4000  }
0x737: {  	[sflag:s26] =	ssyncset.done $0x0  }
0x738: {  	s0 =	simm.s32 $0x80;
	[sflag:s26] =	ssyncadd.s32 $0xFFFFC000  }
0x739: {  	v8 =	vld [tilespmem:s0+$0xFFFFFFE0]  }
0x73a: {  	v5 =	vld [tilespmem:s0+$0x0]  }
0x73b: {  	v3 =	vld [tilespmem:s0+$0xFFFFFF80]  }
0x73c: {  	v6 =	vld [tilespmem:s0+$0x70]  }
0x73d: {  	v9 =	vld [tilespmem:s0+$0x60]  }
0x73e: {  	v10 =	vld [tilespmem:s0+$0x50]  }
0x73f: {  	v16 =	vld [tilespmem:s0+$0x30]  }
0x740: {  	v23 =	vld [tilespmem:s0+$0x10]  }
0x741: {  	v2 =	vld [tilespmem:s0+$0xFFFFFF90]  }
0x742: {  	v7 =	vld [tilespmem:s0+$0xFFFFFFD0];
	v11 =	vshrl.u32 v3, $0x10;
	v3 =	vand.u32 $0xFFFF, v3;
	v13 =	vand.u32 $0xFFFF, v5  }
0x743: {  	v4 =	vld [tilespmem:s0+$0xFFFFFFF0];
	v15 =	vshrl.u32 v6, $0x10;
	v6 =	vand.u32 $0xFFFF, v6;
	v17 =	vshrl.u32 v9, $0x10  }
0x744: {  	v14 =	vld [tilespmem:s0+$0x40];
	v9 =	vand.u32 $0xFFFF, v9;
	v20 =	vand.u32 $0xFFFF, v10;
	v10 =	vshrl.u32 v10, $0x10  }
0x745: {  	v18 =	vld [tilespmem:s0+$0xFFFFFFA0];
	v25 =	vshrl.u32 v16, $0x10;
	v16 =	vand.u32 $0xFFFF, v16;
	v26 =	vshrl.u32 v23, $0x10  }
0x746: {  	v19 =	vld [tilespmem:s0+$0x20];
	v27 =	vand.u32 $0xFFFF, v8;
	v28 =	vshrl.u32 v2, $0x10;
	v12 =	vadd.s32 $0x9800, v11  }
0x747: {  	v11 =	vand.u32 $0x7, v11;
	v21 =	vadd.s32 $0x9800, v17;
	v12 =	vand.u32 $0x1FFF8, v12;
	[tilespmem:v3+s28+$0x0] =	vst.idx.add.s32.msk $0xffff, v1  }
0x748: {  	v22 =	vand.u32 $0x7, v15;
	v21 =	vand.u32 $0x1FFF8, v21;
	v24 =	vor.u32 v11, v12;
	[tilespmem:v6+s28+$0x0] =	vst.idx.add.s32.msk $0xffff, v1  }
0x749: {  	v11 =	vadd.s32 $0x9800, v15;
	v12 =	vshrl.u32 v14, $0x10;
	v14 =	vand.u32 $0xFFFF, v14;
	[tilespmem:v9+s28+$0x0] =	vst.idx.add.s32.msk $0xffff, v1  }
0x74a: {  	v15 =	vadd.s32 $0x9800, v10;
	v10 =	vand.u32 $0x7, v10;
	v3 =	vand.u32 $0x7, v17;
	[tilespmem:v20+s28+$0x0] =	vst.idx.add.s32.msk $0xffff, v1  }
0x74b: {  	v17 =	vshrl.u32 v19, $0x10;
	v19 =	vand.u32 $0xFFFF, v19;
	v6 =	vand.u32 $0x1FFF8, v11;
	v20 =	vld [tilespmem:s0+$0xFFFFFFB0]  }
0x74c: {  	v11 =	vand.u32 $0xFFFF, v23;
	v23 =	vand.u32 $0xFFFF, v4;
	[tilespmem:v16+s28+$0x0] =	vst.idx.add.s32.msk $0xffff, v1;
	v16 =	vand.u32 $0x7, v12  }
0x74d: {  	[tilespmem:v13+s28+$0x0] =	vst.idx.add.s32.msk $0xffff, v1;
	v13 =	vadd.s32 $0x9800, v28;
	v9 =	vor.u32 v3, v21;
	v21 =	vor.u32 v22, v6  }
0x74e: {  	v3 =	vld [tilespmem:s0+$0xFFFFFFC0];
	v22 =	vshrl.u32 v5, $0x10;
	v5 =	vadd.s32 $0x9800, v26;
	v6 =	vshrl.u32 v4, $0x10  }
0x74f: {  	v13 =	vand.u32 $0x1FFF8, v13;
	v5 =	vand.u32 $0x1FFF8, v5;
	[tilespmem:v14+s28+$0x0] =	vst.idx.add.s32.msk $0xffff, v1;
	v14 =	vand.u32 $0x1FFF8, v15  }
0x750: {  	[tilespmem:v27+s28+$0x0] =	vst.idx.add.s32.msk $0xffff, v1;
	v14 =	vor.u32 v10, v14;
	v10 =	vshrl.u32 v7, $0x10;
	v7 =	vand.u32 $0xFFFF, v7  }
0x751: {  	v4 =	vand.u32 $0x7, v22;
	v15 =	vadd.s32 $0x9800, v12;
	v12 =	vand.u32 $0x7, v17;
	[tilespmem:v19+s28+$0x0] =	vst.idx.add.s32.msk $0xffff, v1  }
0x752: {  	v17 =	vadd.s32 $0x9800, v17;
	v19 =	vand.u32 $0xFFFF, v20;
	v20 =	vshrl.u32 v20, $0x10;
	[tilespmem:v23+s28+$0x0] =	vst.idx.add.s32.msk $0xffff, v1  }
0x753: {  	v23 =	vand.u32 $0x1FFF8, v15;
	v15 =	vand.u32 $0x7, v25;
	[tilespmem:v9+s28+$0x0] =	vst.idx.add.s32.msk $0xffff, v1;
	v9 =	vshrl.u32 v8, $0x10  }
0x754: {  	[tilespmem:v11+s28+$0x0] =	vst.idx.add.s32.msk $0xffff, v1;
	v8 =	vadd.s32 $0x9800, v22;
	v11 =	vshrl.u32 v3, $0x10;
	v22 =	vshrl.u32 v18, $0x10  }
0x755: {  	v29 =	vadd.s32 $0x9800, v20;
	v20 =	vand.u32 $0x7, v20;
	[tilespmem:v7+s28+$0x0] =	vst.idx.add.s32.msk $0xffff, v1;
	v7 =	vor.u32 v16, v23  }
0x756: {  	[tilespmem:v21+s28+$0x0] =	vst.idx.add.s32.msk $0xffff, v1;
	v21 =	vand.u32 $0xFFFF, v18;
	v30 =	vadd.s32 $0x9800, v22;
	v63 =	vadd.s32 $0x9800, v11  }
0x757: {  	[tilespmem:v24+s28+$0x0] =	vst.idx.add.s32.msk $0xffff, v1;
	v22 =	vand.u32 $0x7, v22;
	v62 =	vand.u32 $0x1FFF8, v30;
	v18 =	vand.u32 $0x1FFF8, v63  }
0x758: {  	[tilespmem:v14+s28+$0x0] =	vst.idx.add.s32.msk $0xffff, v1;
	v14 =	vand.u32 $0x7, v28;
	v16 =	vand.u32 $0x1FFF8, v29;
	v23 =	vadd.s32 $0x9800, v25  }
0x759: {  	v13 =	vor.u32 v14, v13;
	[tilespmem:v19+s28+$0x0] =	vst.idx.add.s32.msk $0xffff, v1;
	v14 =	vand.u32 $0x7, v6;
	v19 =	vor.u32 v22, v62  }
0x75a: {  	s2 =	simm.s32 $0x180;
	s0 =	simm.s32 $0x0;
	v20 =	vor.u32 v20, v16;
	v16 =	vand.u32 $0x7, v10;
	v22 =	vand.u32 $0x7, v26;
	[tilespmem:v7+s28+$0x0] =	vst.idx.add.s32.msk $0xffff, v1  }
.LBB2_40:
0x75b: {  	v7 =	vld [tilespmem:s2+$0xFFFFFFD0];
	s0 =	sadd.s32 $0x10, s0;
	v2 =	vand.u32 $0xFFFF, v2;
	v10 =	vadd.s32 $0x9800, v10;
	v6 =	vadd.s32 $0x9800, v6  }
0x75c: {  	v11 =	vand.u32 $0x7, v11;
	v25 =	vadd.s32 $0x9800, v9;
	v23 =	vand.u32 $0x1FFF8, v23;
	v24 =	vld [tilespmem:s2+$0xFFFFFFF0];
	p0 =	slt.u32 s0, $0x3F0  }
0x75d: {  	v9 =	vand.u32 $0x7, v9;
	v25 =	vand.u32 $0x1FFF8, v25;
	v6 =	vand.u32 $0x1FFF8, v6;
	v26 =	vld [tilespmem:s2+$0xFFFFFFE0]  }
0x75e: {  	v8 =	vand.u32 $0x1FFF8, v8;
	v15 =	vor.u32 v15, v23;
	v9 =	vor.u32 v9, v25;
	v27 =	vld [tilespmem:s2+$0x0]  }
0x75f: {  	v10 =	vand.u32 $0x1FFF8, v10;
	v6 =	vor.u32 v14, v6;
	v14 =	vand.u32 $0x1FFF8, v17;
	v23 =	vld [tilespmem:s2+$0xFFFFFF80]  }
0x760: {  	v3 =	vand.u32 $0xFFFF, v3;
	v5 =	vor.u32 v22, v5;
	v12 =	vor.u32 v12, v14;
	[tilespmem:v20+s28+$0x0] =	vst.idx.add.s32.msk $0xffff, v1  }
0x761: {  	v11 =	vor.u32 v11, v18;
	v4 =	vor.u32 v4, v8;
	[tilespmem:v21+s28+$0x0] =	vst.idx.add.s32.msk $0xffff, v1  }
0x762: {  	v8 =	vor.u32 v16, v10;
	[tilespmem:v19+s28+$0x0] =	vst.idx.add.s32.msk $0xffff, v1  }
0x763: {  	[tilespmem:v15+s28+$0x0] =	vst.idx.add.s32.msk $0xffff, v1  }
0x764: {  	[tilespmem:v2+s28+$0x0] =	vst.idx.add.s32.msk $0xffff, v1  }
0x765: {  	[tilespmem:v5+s28+$0x0] =	vst.idx.add.s32.msk $0xffff, v1  }
0x766: {  	[tilespmem:v3+s28+$0x0] =	vst.idx.add.s32.msk $0xffff, v1  }
0x767: {  	[tilespmem:v13+s28+$0x0] =	vst.idx.add.s32.msk $0xffff, v1  }
0x768: {  	[tilespmem:v12+s28+$0x0] =	vst.idx.add.s32.msk $0xffff, v1  }
0x769: {  	[tilespmem:v9+s28+$0x0] =	vst.idx.add.s32.msk $0xffff, v1  }
0x76a: {  	[tilespmem:v4+s28+$0x0] =	vst.idx.add.s32.msk $0xffff, v1  }
0x76b: {  	[tilespmem:v8+s28+$0x0] =	vst.idx.add.s32.msk $0xffff, v1  }
0x76c: {  	[tilespmem:v6+s28+$0x0] =	vst.idx.add.s32.msk $0xffff, v1  }
0x76d: {  	[tilespmem:v11+s28+$0x0] =	vst.idx.add.s32.msk $0xffff, v1  }
0x76e: {  	v3 =	vld [tilespmem:s2+$0x70]  }
0x76f: {  	v4 =	vld [tilespmem:s2+$0x60]  }
0x770: {  	v5 =	vld [tilespmem:s2+$0x50]  }
0x771: {  	v2 =	vld [tilespmem:s2+$0xFFFFFF90]  }
0x772: {  	v13 =	vand.u32 $0xFFFF, v27;
	v8 =	vand.u32 $0xFFFF, v23;
	v6 =	vshrl.u32 v23, $0x10;
	v18 =	vld [tilespmem:s2+$0xFFFFFFA0]  }
0x773: {  	v9 =	vadd.s32 $0x9800, v6;
	v10 =	vld [tilespmem:s2+$0x40];
	v11 =	vshrl.u32 v3, $0x10;
	v3 =	vand.u32 $0xFFFF, v3  }
0x774: {  	v6 =	vand.u32 $0x7, v6;
	v12 =	vld [tilespmem:s2+$0x30];
	v14 =	vshrl.u32 v4, $0x10;
	v4 =	vand.u32 $0xFFFF, v4  }
0x775: {  	v19 =	vand.u32 $0x7, v11;
	v15 =	vld [tilespmem:s2+$0x20];
	v16 =	vand.u32 $0xFFFF, v5;
	v17 =	vadd.s32 $0x9800, v14  }
0x776: {  	v9 =	vand.u32 $0x1FFF8, v9;
	v5 =	vshrl.u32 v5, $0x10;
	v20 =	vld [tilespmem:s2+$0x10];
	v17 =	vand.u32 $0x1FFF8, v17  }
0x777: {  	v21 =	vor.u32 v6, v9;
	v6 =	vand.u32 $0x7, v14;
	[tilespmem:v8+s28+$0x0] =	vst.idx.add.s32.msk $0xffff, v1;
	v8 =	vadd.s32 $0x9800, v11  }
0x778: {  	v14 =	vshrl.u32 v10, $0x10;
	v9 =	vand.u32 $0xFFFF, v10;
	v10 =	vadd.s32 $0x9800, v5;
	[tilespmem:v3+s28+$0x0] =	vst.idx.add.s32.msk $0xffff, v1  }
0x779: {  	v22 =	vshrl.u32 v12, $0x10;
	v12 =	vand.u32 $0xFFFF, v12;
	[tilespmem:v4+s28+$0x0] =	vst.idx.add.s32.msk $0xffff, v1;
	v4 =	vor.u32 v6, v17  }
0x77a: {  	v6 =	vand.u32 $0x1FFF8, v8;
	v17 =	vshrl.u32 v15, $0x10;
	v11 =	vand.u32 $0xFFFF, v15;
	[tilespmem:v16+s28+$0x0] =	vst.idx.add.s32.msk $0xffff, v1  }
0x77b: {  	v28 =	vor.u32 v19, v6;
	v3 =	vld [tilespmem:s2+$0xFFFFFFC0];
	v25 =	vshrl.u32 v20, $0x10;
	v15 =	vand.u32 $0xFFFF, v20  }
0x77c: {  	v8 =	vshrl.u32 v27, $0x10;
	v19 =	vand.u32 $0x7, v5;
	v16 =	vld [tilespmem:s2+$0xFFFFFFB0];
	v6 =	vadd.s32 $0x9800, v25  }
0x77d: {  	v20 =	vand.u32 $0xFFFF, v24;
	v5 =	vand.u32 $0x1FFF8, v6;
	[tilespmem:v9+s28+$0x0] =	vst.idx.add.s32.msk $0xffff, v1;
	v9 =	vand.u32 $0x1FFF8, v10  }
0x77e: {  	v23 =	vand.u32 $0xFFFF, v26;
	v6 =	vshrl.u32 v24, $0x10;
	v19 =	vor.u32 v19, v9;
	[tilespmem:v4+s28+$0x0] =	vst.idx.add.s32.msk $0xffff, v1  }
0x77f: {  	v10 =	vshrl.u32 v7, $0x10;
	v9 =	vshrl.u32 v26, $0x10;
	v4 =	vand.u32 $0x7, v8;
	[tilespmem:v11+s28+$0x0] =	vst.idx.add.s32.msk $0xffff, v1  }
0x780: {  	v7 =	vand.u32 $0xFFFF, v7;
	v8 =	vadd.s32 $0x9800, v8;
	[tilespmem:v15+s28+$0x0] =	vst.idx.add.s32.msk $0xffff, v1;
	v15 =	vadd.s32 $0x9800, v14  }
0x781: {  	v11 =	vshrl.u32 v3, $0x10;
	v14 =	vand.u32 $0x7, v14;
	v24 =	vand.u32 $0xFFFF, v16;
	[tilespmem:v12+s28+$0x0] =	vst.idx.add.s32.msk $0xffff, v1  }
0x782: {  	v26 =	vshrl.u32 v18, $0x10;
	v16 =	vshrl.u32 v16, $0x10;
	[tilespmem:v20+s28+$0x0] =	vst.idx.add.s32.msk $0xffff, v1;
	v20 =	vand.u32 $0x1FFF8, v15  }
0x783: {  	v27 =	vshrl.u32 v2, $0x10;
	v12 =	vand.u32 $0x7, v17;
	v29 =	vadd.s32 $0x9800, v16;
	[tilespmem:v19+s28+$0x0] =	vst.idx.add.s32.msk $0xffff, v1  }
0x784: {  	v30 =	vadd.s32 $0x9800, v26;
	v15 =	vand.u32 $0x7, v22;
	v19 =	vand.u32 $0x7, v27;
	[tilespmem:v13+s28+$0x0] =	vst.idx.add.s32.msk $0xffff, v1  }
0x785: {  	v13 =	vadd.s32 $0x9800, v27;
	v27 =	vand.u32 $0x1FFF8, v30;
	[tilespmem:v7+s28+$0x0] =	vst.idx.add.s32.msk $0xffff, v1;
	v7 =	vor.u32 v14, v20  }
.Ltmp19:
0x786: {  	v17 =	vadd.s32 $0x9800, v17;
	v13 =	vand.u32 $0x1FFF8, v13;
	v20 =	vand.u32 $0x1FFF8, v29;
	[tilespmem:v23+s28+$0x0] =	vst.idx.add.s32.msk $0xffff, v1;
	(pc) =	sbr.rel @p0 .LBB2_40-.Ltmp19, $4  }
0x787: {  	v14 =	vand.u32 $0x7, v6;
	v13 =	vor.u32 v19, v13;
	v19 =	vand.u32 $0x7, v26;
	[tilespmem:v24+s28+$0x0] =	vst.idx.add.s32.msk $0xffff, v1  }
0x788: {  	v16 =	vand.u32 $0x7, v16;
	v23 =	vadd.s32 $0x9800, v22;
	v24 =	vadd.s32 $0x9800, v11;
	[tilespmem:v21+s28+$0x0] =	vst.idx.add.s32.msk $0xffff, v1  }
0x789: {  	v20 =	vor.u32 v16, v20;
	v16 =	vand.u32 $0x7, v10;
	v19 =	vor.u32 v19, v27;
	[tilespmem:v28+s28+$0x0] =	vst.idx.add.s32.msk $0xffff, v1  }
0x78a: {  	s2 =	sadd.s32 $0x100, s2;
	v22 =	vand.u32 $0x7, v25;
	v21 =	vand.u32 $0xFFFF, v18;
	v18 =	vand.u32 $0x1FFF8, v24;
	[tilespmem:v7+s28+$0x0] =	vst.idx.add.s32.msk $0xffff, v1  }
0x78b: {  	_ =	sdelay $0x1  }
0x78c: {  	v2 =	vand.u32 $0xFFFF, v2  }
0x78d: {  	v5 =	vor.u32 v22, v5  }
0x78e: {  	v7 =	vand.u32 $0x1FFF8, v23;
	[tilespmem:v20+s28+$0x0] =	vst.idx.add.s32.msk $0xffff, v1;
	v3 =	vand.u32 $0xFFFF, v3  }
0x78f: {  	[tilespmem:v21+s28+$0x0] =	vst.idx.add.s32.msk $0xffff, v1;
	v7 =	vor.u32 v15, v7  }
0x790: {  	v17 =	vand.u32 $0x1FFF8, v17;
	[tilespmem:v19+s28+$0x0] =	vst.idx.add.s32.msk $0xffff, v1  }
0x791: {  	v8 =	vand.u32 $0x1FFF8, v8;
	v15 =	vadd.s32 $0x9800, v9;
	v12 =	vor.u32 v12, v17;
	[tilespmem:v2+s28+$0x0] =	vst.idx.add.s32.msk $0xffff, v1  }
0x792: {  	v9 =	vand.u32 $0x7, v9;
	v4 =	vor.u32 v4, v8;
	v15 =	vand.u32 $0x1FFF8, v15;
	[tilespmem:v5+s28+$0x0] =	vst.idx.add.s32.msk $0xffff, v1  }
0x793: {  	v9 =	vor.u32 v9, v15;
	v2 =	vadd.s32 $0x9800, v6;
	[tilespmem:v3+s28+$0x0] =	vst.idx.add.s32.msk $0xffff, v1;
	v3 =	vand.u32 $0x7, v11  }
0x794: {  	[tilespmem:v7+s28+$0x0] =	vst.idx.add.s32.msk $0xffff, v1;
	v7 =	vadd.s32 $0x9800, v10;
	v2 =	vand.u32 $0x1FFF8, v2;
	v3 =	vor.u32 v3, v18  }
0x795: {  	[tilespmem:v13+s28+$0x0] =	vst.idx.add.s32.msk $0xffff, v1;
	v6 =	vand.u32 $0x1FFF8, v7;
	v2 =	vor.u32 v14, v2  }
0x796: {  	[tilespmem:v12+s28+$0x0] =	vst.idx.add.s32.msk $0xffff, v1;
	v5 =	vor.u32 v16, v6  }
0x797: {  	[tilespmem:v4+s28+$0x0] =	vst.idx.add.s32.msk $0xffff, v1  }
0x798: {  	[tilespmem:v9+s28+$0x0] =	vst.idx.add.s32.msk $0xffff, v1  }
0x799: {  	[tilespmem:v3+s28+$0x0] =	vst.idx.add.s32.msk $0xffff, v1  }
0x79a: {  	[tilespmem:v2+s28+$0x0] =	vst.idx.add.s32.msk $0xffff, v1  }
0x79b: {  	[tilespmem:v5+s28+$0x0] =	vst.idx.add.s32.msk $0xffff, v1  }
0x79c: {  	_ =	swait.ge [sflag:s29], $0x4000  }
0x79d: {  	[sflag:s29] =	ssyncset.done $0x0  }
0x79e: {  	s0 =	simm.s32 $0x4080;
	[sflag:s29] =	ssyncadd.s32 $0xFFFFC000  }
0x79f: {  	v8 =	vld [tilespmem:s0+$0xFFFFFFE0]  }
0x7a0: {  	v5 =	vld [tilespmem:s0+$0x0]  }
0x7a1: {  	v3 =	vld [tilespmem:s0+$0xFFFFFF80]  }
0x7a2: {  	v6 =	vld [tilespmem:s0+$0x70]  }
0x7a3: {  	v9 =	vld [tilespmem:s0+$0x60]  }
0x7a4: {  	v10 =	vld [tilespmem:s0+$0x50]  }
0x7a5: {  	v16 =	vld [tilespmem:s0+$0x30]  }
0x7a6: {  	v23 =	vld [tilespmem:s0+$0x10]  }
0x7a7: {  	v2 =	vld [tilespmem:s0+$0xFFFFFF90]  }
0x7a8: {  	v7 =	vld [tilespmem:s0+$0xFFFFFFD0];
	v11 =	vshrl.u32 v3, $0x10;
	v3 =	vand.u32 $0xFFFF, v3;
	v13 =	vand.u32 $0xFFFF, v5  }
0x7a9: {  	v4 =	vld [tilespmem:s0+$0xFFFFFFF0];
	v15 =	vshrl.u32 v6, $0x10;
	v6 =	vand.u32 $0xFFFF, v6;
	v17 =	vshrl.u32 v9, $0x10  }
0x7aa: {  	v14 =	vld [tilespmem:s0+$0x40];
	v9 =	vand.u32 $0xFFFF, v9;
	v20 =	vand.u32 $0xFFFF, v10;
	v10 =	vshrl.u32 v10, $0x10  }
0x7ab: {  	v18 =	vld [tilespmem:s0+$0xFFFFFFA0];
	v25 =	vshrl.u32 v16, $0x10;
	v16 =	vand.u32 $0xFFFF, v16;
	v26 =	vshrl.u32 v23, $0x10  }
0x7ac: {  	v19 =	vld [tilespmem:s0+$0x20];
	v27 =	vand.u32 $0xFFFF, v8;
	v28 =	vshrl.u32 v2, $0x10;
	v12 =	vadd.s32 $0x9800, v11  }
0x7ad: {  	v11 =	vand.u32 $0x7, v11;
	v21 =	vadd.s32 $0x9800, v17;
	v12 =	vand.u32 $0x1FFF8, v12;
	[tilespmem:v3+s28+$0x0] =	vst.idx.add.s32.msk $0xffff, v1  }
0x7ae: {  	v22 =	vand.u32 $0x7, v15;
	v21 =	vand.u32 $0x1FFF8, v21;
	v24 =	vor.u32 v11, v12;
	[tilespmem:v6+s28+$0x0] =	vst.idx.add.s32.msk $0xffff, v1  }
0x7af: {  	v11 =	vadd.s32 $0x9800, v15;
	v12 =	vshrl.u32 v14, $0x10;
	v14 =	vand.u32 $0xFFFF, v14;
	[tilespmem:v9+s28+$0x0] =	vst.idx.add.s32.msk $0xffff, v1  }
0x7b0: {  	v15 =	vadd.s32 $0x9800, v10;
	v10 =	vand.u32 $0x7, v10;
	v3 =	vand.u32 $0x7, v17;
	[tilespmem:v20+s28+$0x0] =	vst.idx.add.s32.msk $0xffff, v1  }
0x7b1: {  	v17 =	vshrl.u32 v19, $0x10;
	v19 =	vand.u32 $0xFFFF, v19;
	v6 =	vand.u32 $0x1FFF8, v11;
	v20 =	vld [tilespmem:s0+$0xFFFFFFB0]  }
0x7b2: {  	v11 =	vand.u32 $0xFFFF, v23;
	v23 =	vand.u32 $0xFFFF, v4;
	[tilespmem:v16+s28+$0x0] =	vst.idx.add.s32.msk $0xffff, v1;
	v16 =	vand.u32 $0x7, v12  }
0x7b3: {  	[tilespmem:v13+s28+$0x0] =	vst.idx.add.s32.msk $0xffff, v1;
	v13 =	vadd.s32 $0x9800, v28;
	v9 =	vor.u32 v3, v21;
	v21 =	vor.u32 v22, v6  }
0x7b4: {  	v3 =	vld [tilespmem:s0+$0xFFFFFFC0];
	v22 =	vshrl.u32 v5, $0x10;
	v5 =	vadd.s32 $0x9800, v26;
	v6 =	vshrl.u32 v4, $0x10  }
0x7b5: {  	v13 =	vand.u32 $0x1FFF8, v13;
	v5 =	vand.u32 $0x1FFF8, v5;
	[tilespmem:v14+s28+$0x0] =	vst.idx.add.s32.msk $0xffff, v1;
	v14 =	vand.u32 $0x1FFF8, v15  }
0x7b6: {  	[tilespmem:v27+s28+$0x0] =	vst.idx.add.s32.msk $0xffff, v1;
	v14 =	vor.u32 v10, v14;
	v10 =	vshrl.u32 v7, $0x10;
	v7 =	vand.u32 $0xFFFF, v7  }
0x7b7: {  	v4 =	vand.u32 $0x7, v22;
	v15 =	vadd.s32 $0x9800, v12;
	v12 =	vand.u32 $0x7, v17;
	[tilespmem:v19+s28+$0x0] =	vst.idx.add.s32.msk $0xffff, v1  }
0x7b8: {  	v17 =	vadd.s32 $0x9800, v17;
	v19 =	vand.u32 $0xFFFF, v20;
	v20 =	vshrl.u32 v20, $0x10;
	[tilespmem:v23+s28+$0x0] =	vst.idx.add.s32.msk $0xffff, v1  }
0x7b9: {  	v23 =	vand.u32 $0x1FFF8, v15;
	v15 =	vand.u32 $0x7, v25;
	[tilespmem:v9+s28+$0x0] =	vst.idx.add.s32.msk $0xffff, v1;
	v9 =	vshrl.u32 v8, $0x10  }
0x7ba: {  	[tilespmem:v11+s28+$0x0] =	vst.idx.add.s32.msk $0xffff, v1;
	v8 =	vadd.s32 $0x9800, v22;
	v11 =	vshrl.u32 v3, $0x10;
	v22 =	vshrl.u32 v18, $0x10  }
0x7bb: {  	v29 =	vadd.s32 $0x9800, v20;
	v20 =	vand.u32 $0x7, v20;
	[tilespmem:v7+s28+$0x0] =	vst.idx.add.s32.msk $0xffff, v1;
	v7 =	vor.u32 v16, v23  }
0x7bc: {  	[tilespmem:v21+s28+$0x0] =	vst.idx.add.s32.msk $0xffff, v1;
	v21 =	vand.u32 $0xFFFF, v18;
	v30 =	vadd.s32 $0x9800, v22;
	v63 =	vadd.s32 $0x9800, v11  }
0x7bd: {  	[tilespmem:v24+s28+$0x0] =	vst.idx.add.s32.msk $0xffff, v1;
	v22 =	vand.u32 $0x7, v22;
	v62 =	vand.u32 $0x1FFF8, v30;
	v18 =	vand.u32 $0x1FFF8, v63  }
0x7be: {  	[tilespmem:v14+s28+$0x0] =	vst.idx.add.s32.msk $0xffff, v1;
	v14 =	vand.u32 $0x7, v28;
	v16 =	vand.u32 $0x1FFF8, v29;
	v23 =	vadd.s32 $0x9800, v25  }
0x7bf: {  	v13 =	vor.u32 v14, v13;
	[tilespmem:v19+s28+$0x0] =	vst.idx.add.s32.msk $0xffff, v1;
	v14 =	vand.u32 $0x7, v6;
	v19 =	vor.u32 v22, v62  }
0x7c0: {  	s2 =	simm.s32 $0x4180;
	s0 =	simm.s32 $0x0;
	v20 =	vor.u32 v20, v16;
	v16 =	vand.u32 $0x7, v10;
	v22 =	vand.u32 $0x7, v26;
	[tilespmem:v7+s28+$0x0] =	vst.idx.add.s32.msk $0xffff, v1  }
.LBB2_42:
0x7c1: {  	v7 =	vld [tilespmem:s2+$0xFFFFFFD0];
	s0 =	sadd.s32 $0x10, s0;
	v2 =	vand.u32 $0xFFFF, v2;
	v10 =	vadd.s32 $0x9800, v10;
	v6 =	vadd.s32 $0x9800, v6  }
0x7c2: {  	v11 =	vand.u32 $0x7, v11;
	v25 =	vadd.s32 $0x9800, v9;
	v23 =	vand.u32 $0x1FFF8, v23;
	v24 =	vld [tilespmem:s2+$0xFFFFFFF0];
	p0 =	slt.u32 s0, $0x3F0  }
0x7c3: {  	v9 =	vand.u32 $0x7, v9;
	v25 =	vand.u32 $0x1FFF8, v25;
	v6 =	vand.u32 $0x1FFF8, v6;
	v26 =	vld [tilespmem:s2+$0xFFFFFFE0]  }
0x7c4: {  	v8 =	vand.u32 $0x1FFF8, v8;
	v15 =	vor.u32 v15, v23;
	v9 =	vor.u32 v9, v25;
	v27 =	vld [tilespmem:s2+$0x0]  }
0x7c5: {  	v10 =	vand.u32 $0x1FFF8, v10;
	v6 =	vor.u32 v14, v6;
	v14 =	vand.u32 $0x1FFF8, v17;
	v23 =	vld [tilespmem:s2+$0xFFFFFF80]  }
0x7c6: {  	v3 =	vand.u32 $0xFFFF, v3;
	v5 =	vor.u32 v22, v5;
	v12 =	vor.u32 v12, v14;
	[tilespmem:v20+s28+$0x0] =	vst.idx.add.s32.msk $0xffff, v1  }
0x7c7: {  	v11 =	vor.u32 v11, v18;
	v4 =	vor.u32 v4, v8;
	[tilespmem:v21+s28+$0x0] =	vst.idx.add.s32.msk $0xffff, v1  }
0x7c8: {  	v8 =	vor.u32 v16, v10;
	[tilespmem:v19+s28+$0x0] =	vst.idx.add.s32.msk $0xffff, v1  }
0x7c9: {  	[tilespmem:v15+s28+$0x0] =	vst.idx.add.s32.msk $0xffff, v1  }
0x7ca: {  	[tilespmem:v2+s28+$0x0] =	vst.idx.add.s32.msk $0xffff, v1  }
0x7cb: {  	[tilespmem:v5+s28+$0x0] =	vst.idx.add.s32.msk $0xffff, v1  }
0x7cc: {  	[tilespmem:v3+s28+$0x0] =	vst.idx.add.s32.msk $0xffff, v1  }
0x7cd: {  	[tilespmem:v13+s28+$0x0] =	vst.idx.add.s32.msk $0xffff, v1  }
0x7ce: {  	[tilespmem:v12+s28+$0x0] =	vst.idx.add.s32.msk $0xffff, v1  }
0x7cf: {  	[tilespmem:v9+s28+$0x0] =	vst.idx.add.s32.msk $0xffff, v1  }
0x7d0: {  	[tilespmem:v4+s28+$0x0] =	vst.idx.add.s32.msk $0xffff, v1  }
0x7d1: {  	[tilespmem:v8+s28+$0x0] =	vst.idx.add.s32.msk $0xffff, v1  }
0x7d2: {  	[tilespmem:v6+s28+$0x0] =	vst.idx.add.s32.msk $0xffff, v1  }
0x7d3: {  	[tilespmem:v11+s28+$0x0] =	vst.idx.add.s32.msk $0xffff, v1  }
0x7d4: {  	v3 =	vld [tilespmem:s2+$0x70]  }
0x7d5: {  	v4 =	vld [tilespmem:s2+$0x60]  }
0x7d6: {  	v5 =	vld [tilespmem:s2+$0x50]  }
0x7d7: {  	v2 =	vld [tilespmem:s2+$0xFFFFFF90]  }
0x7d8: {  	v13 =	vand.u32 $0xFFFF, v27;
	v8 =	vand.u32 $0xFFFF, v23;
	v6 =	vshrl.u32 v23, $0x10;
	v18 =	vld [tilespmem:s2+$0xFFFFFFA0]  }
0x7d9: {  	v9 =	vadd.s32 $0x9800, v6;
	v10 =	vld [tilespmem:s2+$0x40];
	v11 =	vshrl.u32 v3, $0x10;
	v3 =	vand.u32 $0xFFFF, v3  }
0x7da: {  	v6 =	vand.u32 $0x7, v6;
	v12 =	vld [tilespmem:s2+$0x30];
	v14 =	vshrl.u32 v4, $0x10;
	v4 =	vand.u32 $0xFFFF, v4  }
0x7db: {  	v19 =	vand.u32 $0x7, v11;
	v15 =	vld [tilespmem:s2+$0x20];
	v16 =	vand.u32 $0xFFFF, v5;
	v17 =	vadd.s32 $0x9800, v14  }
0x7dc: {  	v9 =	vand.u32 $0x1FFF8, v9;
	v5 =	vshrl.u32 v5, $0x10;
	v20 =	vld [tilespmem:s2+$0x10];
	v17 =	vand.u32 $0x1FFF8, v17  }
0x7dd: {  	v21 =	vor.u32 v6, v9;
	v6 =	vand.u32 $0x7, v14;
	[tilespmem:v8+s28+$0x0] =	vst.idx.add.s32.msk $0xffff, v1;
	v8 =	vadd.s32 $0x9800, v11  }
0x7de: {  	v14 =	vshrl.u32 v10, $0x10;
	v9 =	vand.u32 $0xFFFF, v10;
	v10 =	vadd.s32 $0x9800, v5;
	[tilespmem:v3+s28+$0x0] =	vst.idx.add.s32.msk $0xffff, v1  }
0x7df: {  	v22 =	vshrl.u32 v12, $0x10;
	v12 =	vand.u32 $0xFFFF, v12;
	[tilespmem:v4+s28+$0x0] =	vst.idx.add.s32.msk $0xffff, v1;
	v4 =	vor.u32 v6, v17  }
0x7e0: {  	v6 =	vand.u32 $0x1FFF8, v8;
	v17 =	vshrl.u32 v15, $0x10;
	v11 =	vand.u32 $0xFFFF, v15;
	[tilespmem:v16+s28+$0x0] =	vst.idx.add.s32.msk $0xffff, v1  }
0x7e1: {  	v28 =	vor.u32 v19, v6;
	v3 =	vld [tilespmem:s2+$0xFFFFFFC0];
	v25 =	vshrl.u32 v20, $0x10;
	v15 =	vand.u32 $0xFFFF, v20  }
0x7e2: {  	v8 =	vshrl.u32 v27, $0x10;
	v19 =	vand.u32 $0x7, v5;
	v16 =	vld [tilespmem:s2+$0xFFFFFFB0];
	v6 =	vadd.s32 $0x9800, v25  }
0x7e3: {  	v20 =	vand.u32 $0xFFFF, v24;
	v5 =	vand.u32 $0x1FFF8, v6;
	[tilespmem:v9+s28+$0x0] =	vst.idx.add.s32.msk $0xffff, v1;
	v9 =	vand.u32 $0x1FFF8, v10  }
0x7e4: {  	v23 =	vand.u32 $0xFFFF, v26;
	v6 =	vshrl.u32 v24, $0x10;
	v19 =	vor.u32 v19, v9;
	[tilespmem:v4+s28+$0x0] =	vst.idx.add.s32.msk $0xffff, v1  }
0x7e5: {  	v10 =	vshrl.u32 v7, $0x10;
	v9 =	vshrl.u32 v26, $0x10;
	v4 =	vand.u32 $0x7, v8;
	[tilespmem:v11+s28+$0x0] =	vst.idx.add.s32.msk $0xffff, v1  }
0x7e6: {  	v7 =	vand.u32 $0xFFFF, v7;
	v8 =	vadd.s32 $0x9800, v8;
	[tilespmem:v15+s28+$0x0] =	vst.idx.add.s32.msk $0xffff, v1;
	v15 =	vadd.s32 $0x9800, v14  }
0x7e7: {  	v11 =	vshrl.u32 v3, $0x10;
	v14 =	vand.u32 $0x7, v14;
	v24 =	vand.u32 $0xFFFF, v16;
	[tilespmem:v12+s28+$0x0] =	vst.idx.add.s32.msk $0xffff, v1  }
0x7e8: {  	v26 =	vshrl.u32 v18, $0x10;
	v16 =	vshrl.u32 v16, $0x10;
	[tilespmem:v20+s28+$0x0] =	vst.idx.add.s32.msk $0xffff, v1;
	v20 =	vand.u32 $0x1FFF8, v15  }
0x7e9: {  	v27 =	vshrl.u32 v2, $0x10;
	v12 =	vand.u32 $0x7, v17;
	v29 =	vadd.s32 $0x9800, v16;
	[tilespmem:v19+s28+$0x0] =	vst.idx.add.s32.msk $0xffff, v1  }
0x7ea: {  	v30 =	vadd.s32 $0x9800, v26;
	v15 =	vand.u32 $0x7, v22;
	v19 =	vand.u32 $0x7, v27;
	[tilespmem:v13+s28+$0x0] =	vst.idx.add.s32.msk $0xffff, v1  }
0x7eb: {  	v13 =	vadd.s32 $0x9800, v27;
	v27 =	vand.u32 $0x1FFF8, v30;
	[tilespmem:v7+s28+$0x0] =	vst.idx.add.s32.msk $0xffff, v1;
	v7 =	vor.u32 v14, v20  }
.Ltmp20:
0x7ec: {  	v17 =	vadd.s32 $0x9800, v17;
	v13 =	vand.u32 $0x1FFF8, v13;
	v20 =	vand.u32 $0x1FFF8, v29;
	[tilespmem:v23+s28+$0x0] =	vst.idx.add.s32.msk $0xffff, v1;
	(pc) =	sbr.rel @p0 .LBB2_42-.Ltmp20, $4  }
0x7ed: {  	v14 =	vand.u32 $0x7, v6;
	v13 =	vor.u32 v19, v13;
	v19 =	vand.u32 $0x7, v26;
	[tilespmem:v24+s28+$0x0] =	vst.idx.add.s32.msk $0xffff, v1  }
0x7ee: {  	v16 =	vand.u32 $0x7, v16;
	v23 =	vadd.s32 $0x9800, v22;
	v24 =	vadd.s32 $0x9800, v11;
	[tilespmem:v21+s28+$0x0] =	vst.idx.add.s32.msk $0xffff, v1  }
0x7ef: {  	v20 =	vor.u32 v16, v20;
	v16 =	vand.u32 $0x7, v10;
	v19 =	vor.u32 v19, v27;
	[tilespmem:v28+s28+$0x0] =	vst.idx.add.s32.msk $0xffff, v1  }
0x7f0: {  	s2 =	sadd.s32 $0x100, s2;
	v22 =	vand.u32 $0x7, v25;
	v21 =	vand.u32 $0xFFFF, v18;
	v18 =	vand.u32 $0x1FFF8, v24;
	[tilespmem:v7+s28+$0x0] =	vst.idx.add.s32.msk $0xffff, v1  }
0x7f1: {  	_ =	sdelay $0x1  }
0x7f2: {  	v2 =	vand.u32 $0xFFFF, v2  }
0x7f3: {  	v5 =	vor.u32 v22, v5  }
0x7f4: {  	v7 =	vand.u32 $0x1FFF8, v23;
	[tilespmem:v20+s28+$0x0] =	vst.idx.add.s32.msk $0xffff, v1;
	v3 =	vand.u32 $0xFFFF, v3  }
0x7f5: {  	[tilespmem:v21+s28+$0x0] =	vst.idx.add.s32.msk $0xffff, v1;
	v7 =	vor.u32 v15, v7  }
0x7f6: {  	v59 =	vadd.s32 $0x9800, v9;
	v17 =	vand.u32 $0x1FFF8, v17;
	[tilespmem:v19+s28+$0x0] =	vst.idx.add.s32.msk $0xffff, v1  }
0x7f7: {  	v60 =	vand.u32 $0x7, v9;
	v8 =	vand.u32 $0x1FFF8, v8;
	v12 =	vor.u32 v12, v17;
	[tilespmem:v2+s28+$0x0] =	vst.idx.add.s32.msk $0xffff, v1  }
0x7f8: {  	v61 =	vadd.s32 $0x9800, v10;
	v15 =	vand.u32 $0x1FFF8, v59;
	v4 =	vor.u32 v4, v8;
	[tilespmem:v5+s28+$0x0] =	vst.idx.add.s32.msk $0xffff, v1  }
0x7f9: {  	v62 =	vand.u32 $0x1FFF8, v61;
	v9 =	vor.u32 v60, v15;
	[tilespmem:v3+s28+$0x0] =	vst.idx.add.s32.msk $0xffff, v1  }
0x7fa: {  	v63 =	vor.u32 v16, v62;
	v2 =	vadd.s32 $0x9800, v6;
	v3 =	vand.u32 $0x7, v11;
	[tilespmem:v7+s28+$0x0] =	vst.idx.add.s32.msk $0xffff, v1  }
0x7fb: {  	v2 =	vand.u32 $0x1FFF8, v2;
	[tilespmem:v13+s28+$0x0] =	vst.idx.add.s32.msk $0xffff, v1;
	v3 =	vor.u32 v3, v18  }
0x7fc: {  	[tilespmem:v12+s28+$0x0] =	vst.idx.add.s32.msk $0xffff, v1;
	v2 =	vor.u32 v14, v2  }
0x7fd: {  	[tilespmem:v4+s28+$0x0] =	vst.idx.add.s32.msk $0xffff, v1  }
0x7fe: {  	[tilespmem:v9+s28+$0x0] =	vst.idx.add.s32.msk $0xffff, v1  }
0x7ff: {  	s31 =	sadd.s32 $0x1, s31;
	[tilespmem:v63+s28+$0x0] =	vst.idx.add.s32.msk $0xffff, v1  }
0x800: {  	p0 =	sne.s32 s31, s24;
	[tilespmem:v3+s28+$0x0] =	vst.idx.add.s32.msk $0xffff, v1  }
.Ltmp21:
0x801: {  	[tilespmem:v2+s28+$0x0] =	vst.idx.add.s32.msk $0xffff, v1;
	(pc) =	sbr.rel @p0 .LBB2_1-.Ltmp21, $4  }
0x802: {  	[hbm4b:s23+s1] =	stream.linear.scatter [tilespmem:s28], [sflag:$0x3], $0x13000, $0x38;
	[tilespmem:$0x1B000] =	vst v63  }
0x803: {  	_ =	swait.ge [sflag:s30], $0x13000  }
0x804: {  	[sflag:s30] =	ssyncset.done $0x0  }
0x805: {  	[sflag:s30] =	ssyncadd.s32 $0xFFFED000  }
0x806: {  	_ =	sfence.sel $0x180000  }
0x807: {  	[bflag:$0x0] =	sbarrier.arrive $0xFFFF  }
0x808: {  	_ =	strace $0x90000047  }
0x809: {  	s0 =	stileid.u32;
	[bflag:$0x2] =	sbarrier.arrive $0xFFFF  }
0x80a: {  	p0 =	sne.s32 s0, $0x0;
	s0 =	rddreg [dreg:$0x1]  }
0x80b: {  	s0 =	sadd.s32 @!p0 $0x100000, s0  }
0x80c: {  	[sflag:s0] =	ssyncadd.tile.s32 @!p0 $0x1;
	_ =	shalt  }
.Lfunc_end2:
_tile_overlayer_lowered:
.L_overlay_start_2:
0x80d: {  	(tag) =	ssettag $0x2  }
0x80e: {  	s0 =	rddreg [dreg:$0x0];
	s2 =	stileid.u32  }
0x80f: {  	s1 =	rddreg [dreg:$0x1];
	p0 =	sne.s32 s2, $0x0  }
0x810: {  	s3 =	rddreg [dreg:$0x2];
	[bflag:$0x3] =	sbarrier.arrive $0xFFFF;
	s2 =	simm.s32 @!p0 $0x1C03  }
0x811: {  	[timem:s3], [sflag:s2] =	dma.local @!p0 [hbm:s0], s1  }
0x812: {  	s0 =	simm.s32 @!p0 $0x3  }
0x813: {  	_ =	swait.ge @!p0 [sflag:s0], s1  }
0x814: {  	s1 =	ssub.s32 @!p0 $0x0, s1;
	[sflag:s0] =	ssyncset.done @!p0 $0x0  }
0x815: {  	[sflag:s0] =	ssyncadd.s32 @!p0 s1  }
0x816: {  	[bflag:$0x3] =	sbarrier.arrive $0xFFFF  }
0x817: {  	_ =	shalt  }

</sc_bundles>
